<compile_context>
chip_gen: v7x
topology: tpu7x:2x2x1
jax: 0.10.2.dev20260603
libtpu: 0.0.44.dev20260713+nightly
codegen_flags: <defaults>
</compile_context>

<pallas_src>
import functools

import jax
import jax.numpy as jnp
from jax import lax
from jax.experimental import pallas as pl
from jax.experimental.pallas import tpu as pltpu
from jax.experimental.pallas import tpu_sc as plsc

NC = 2
NS = 16
L = 16

NWIN = 16
CHUNK = 64
NB = 4
BURST = NB * CHUNK
BLK = 1280
CAP = 1792


def _matmul(x, W, b, mb=640):
    m, d_in = x.shape
    d_out = W.shape[1]

    def body(x_ref, w_ref, b_ref, o_ref):
        o_ref[...] = (
            jnp.dot(x_ref[...], w_ref[...], preferred_element_type=jnp.float32)
            + b_ref[...]
        )

    return pl.pallas_call(
        body,
        grid=(m // mb,),
        in_specs=[
            pl.BlockSpec((mb, d_in), lambda i: (i, 0)),
            pl.BlockSpec((d_in, d_out), lambda i: (0, 0)),
            pl.BlockSpec((d_out,), lambda i: (0,)),
        ],
        out_specs=pl.BlockSpec((mb, d_out), lambda i: (i, 0)),
        out_shape=jax.ShapeDtypeStruct((m, d_out), jnp.float32),
    )(x, W, b)


def _make_msg_pass(m, e, d):
    assert m % NWIN == 0
    win = m // NWIN
    cpr = 40
    assert win % cpr == 0 and cpr % 8 == 0
    nch = win // cpr
    kmax = (nch + NS - 1) // NS
    assert e % NS == 0
    eps = e // NS
    assert eps % BLK == 0
    nblk = eps // BLK

    mesh = plsc.VectorSubcoreMesh(core_axis_name="c", subcore_axis_name="s")

    @functools.partial(
        pl.kernel,
        out_type=jax.ShapeDtypeStruct((m, d), jnp.float32),
        mesh=mesh,
        scratch_types=[
            pltpu.VMEM((2, BLK), jnp.int32),
            pltpu.VMEM((2, BLK), jnp.int32),
            pltpu.VMEM((CAP,), jnp.int32),
            pltpu.VMEM((CAP,), jnp.int32),
            pltpu.VMEM((NB, CHUNK), jnp.int32),
            pltpu.VMEM((NB, CHUNK, d), jnp.float32),
            pltpu.VMEM((cpr, d), jnp.float32),
            pltpu.VMEM_SHARED((win + 1, d), jnp.float32),
            pltpu.SemaphoreType.DMA,
            pltpu.SemaphoreType.DMA,
            pltpu.SemaphoreType.DMA,
        ],
        compiler_params=pltpu.CompilerParams(needs_layout_passes=False),
    )
    def msg_pass(tx_hbm, src_hbm, dst_hbm, out_hbm,
                 src_v, dst_v, gidx, lidx, schunk, rows_v, zero_v,
                 acc, esem, gsem, ssem):
        c = lax.axis_index("c")
        s = lax.axis_index("s")
        zvec = jnp.zeros((L,), jnp.float32)

        def zrow(i, carry):
            for j in range(d // L):
                zero_v[i, pl.ds(j * L, L)] = zvec
            return carry

        lax.fori_loop(0, cpr, zrow, 0)

        edge_base = s * eps

        def start_block(bi, buf):
            off = edge_base + bi * BLK
            pltpu.async_copy(src_hbm.at[pl.ds(off, BLK)], src_v.at[buf],
                             esem)
            pltpu.async_copy(dst_hbm.at[pl.ds(off, BLK)], dst_v.at[buf],
                             esem)

        def wait_block(buf):
            pltpu.make_async_copy(src_hbm.at[pl.ds(0, BLK)], src_v.at[buf],
                                  esem).wait()
            pltpu.make_async_copy(dst_hbm.at[pl.ds(0, BLK)], dst_v.at[buf],
                                  esem).wait()

        def stage_sidx(q, o):
            for j in range(CHUNK // L):
                schunk[q, pl.ds(j * L, L)] = lidx[pl.ds(o + j * L, L)]

        def burst_body(t, carry):
            o = t * BURST
            for q in range(NB):
                stage_sidx(q, o + q * CHUNK)
                pltpu.async_copy(
                    tx_hbm.at[gidx.at[pl.ds(o + q * CHUNK, CHUNK)]],
                    rows_v.at[q], gsem)
            sdescs = []
            for q in range(NB):
                pltpu.make_async_copy(
                    tx_hbm.at[gidx.at[pl.ds(o + q * CHUNK, CHUNK)]],
                    rows_v.at[q], gsem).wait()
                sdescs.append(
                    pltpu.async_copy(rows_v.at[q], acc.at[schunk.at[q]],
                                     ssem, add=True))
            for sd in sdescs:
                sd.wait()
            return carry

        def drain_one(i, carry):
            o = i * CHUNK
            stage_sidx(0, o)
            pltpu.async_copy(tx_hbm.at[gidx.at[pl.ds(o, CHUNK)]],
                             rows_v.at[0], gsem).wait()
            pltpu.sync_copy(rows_v.at[0], acc.at[schunk.at[0]], add=True)
            return carry

        def window_body(wi, carry):
            w = wi * NC + c
            base = w * win
            basev = jnp.full((L,), base, jnp.int32)
            winu = jnp.full((L,), win, jnp.uint32)

            for k in range(kmax):
                idx = s + k * NS

                @pl.when(idx < nch)
                def _zero_chunk():
                    pltpu.async_copy(zero_v, acc.at[pl.ds(idx * cpr, cpr)],
                                     esem)
            for k in range(kmax):
                idx = s + k * NS

                @pl.when(idx < nch)
                def _zero_wait():
                    pltpu.make_async_copy(
                        zero_v, acc.at[pl.ds(idx * cpr, cpr)], esem).wait()
            plsc.subcore_barrier()

            start_block(0, 0)

            def block_body(bi, cnt):
                par = lax.rem(bi, 2)
                wait_block(par)

                @pl.when(bi + 1 < nblk)
                def _prefetch():
                    start_block(bi + 1, 1 - par)

                def vec_body(j, cnt):
                    U = 8
                    dv = [dst_v[par, pl.ds(j * U * L + u * L, L)]
                          for u in range(U)]
                    sv = [src_v[par, pl.ds(j * U * L + u * L, L)]
                          for u in range(U)]
                    lo = [dv[u] - basev for u in range(U)]
                    mk = [lo[u].astype(jnp.uint32) < winu for u in range(U)]
                    cs = [plsc.cumsum(mk[u].astype(jnp.int32))
                          for u in range(U)]
                    off = cnt - 1
                    for u in range(U):
                        pos = cs[u] + jnp.full((L,), off, jnp.int32)
                        plsc.store_scatter(gidx, [pos], sv[u], mask=mk[u])
                        plsc.store_scatter(lidx, [pos], lo[u], mask=mk[u])
                        off = off + cs[u][L - 1]
                    return off + 1

                cnt = lax.fori_loop(0, BLK // (8 * L), vec_body, cnt)

                nburst = cnt // BURST
                lax.fori_loop(0, nburst, burst_body, 0)

                @pl.when(nburst > 0)
                def _move_leftover():
                    rem = nburst * BURST
                    for j in range(BURST // L):
                        gv = gidx[pl.ds(rem + j * L, L)]
                        lv = lidx[pl.ds(rem + j * L, L)]
                        gidx[pl.ds(j * L, L)] = gv
                        lidx[pl.ds(j * L, L)] = lv

                return cnt - nburst * BURST

            cnt = lax.fori_loop(0, nblk, block_body, 0)

            @pl.when(cnt > 0)
            def _final_drain():
                for j in range(CHUNK // L):
                    gidx[pl.ds(cnt + j * L, L)] = jnp.zeros((L,), jnp.int32)
                    lidx[pl.ds(cnt + j * L, L)] = jnp.full((L,), win,
                                                           jnp.int32)
                nfin = (cnt + CHUNK - 1) // CHUNK
                lax.fori_loop(0, nfin, drain_one, 0)

            plsc.subcore_barrier()

            for k in range(kmax):
                idx = s + k * NS

                @pl.when(idx < nch)
                def _copy_chunk():
                    r = idx * cpr
                    pltpu.async_copy(
                        acc.at[pl.ds(r, cpr)],
                        out_hbm.at[pl.ds(base + r, cpr)], esem)
            for k in range(kmax):
                idx = s + k * NS

                @pl.when(idx < nch)
                def _copy_wait():
                    r = idx * cpr
                    pltpu.make_async_copy(
                        acc.at[pl.ds(r, cpr)],
                        out_hbm.at[pl.ds(base + r, cpr)], esem).wait()
            return carry

        lax.fori_loop(0, NWIN // NC, window_body, 0)

    return msg_pass


def kernel(x_vals, msg_src, msg_dst, W, b):
    m, d = x_vals.shape[0], W.shape[1]
    tx = _matmul(x_vals, W, b)
    msg_pass = _make_msg_pass(m, msg_src.shape[0], d)
    return msg_pass(tx, msg_src, msg_dst)

# --- scband reference (transcript-rebuilt; emitter-appended) ---
"""Pipeline reference for scband-ngnnconv-23184233463958 (READ-ONLY COPY).

The authoritative reference and input builder live on the scoring server;
editing this copy changes nothing except your own understanding.
"""

import jax, jax.numpy as jnp
import numpy as np

M = 160000      # number of (root, node) tuples in the nested-subgraph sparse tensor X
E2 = 2560000    # tuple-level message edges: (i,k) -> (i,j) for (j,k) in E
D_IN = 128
D_OUT = 128


def setup_inputs(seed: int = 0) -> dict:
    key = jax.random.key(seed)
    k1, k2, k3, k4, k5 = jax.random.split(key, 5)
    x_vals = jax.random.normal(k1, (M, D_IN), dtype=jnp.float32)
    msg_src = jax.random.randint(k2, (E2,), 0, M, dtype=jnp.int32)
    msg_dst = jax.random.randint(k3, (E2,), 0, M, dtype=jnp.int32)
    # Learned parameters of the MLP (single linear layer, mlp={} defaults)
    W = jax.random.normal(k4, (D_IN, D_OUT), dtype=jnp.float32) * (1.0 / np.sqrt(D_IN))
    b = jax.random.normal(k5, (D_OUT,), dtype=jnp.float32) * 0.01
    return {"x_vals": x_vals, "msg_src": msg_src, "msg_dst": msg_dst, "W": W, "b": b}


def reference(x_vals, msg_src, msg_dst, W, b):
    # tX = X.tuplewiseapply(self.lin): apply MLP to every tuple's feature vector
    tX = x_vals @ W + b
    # OpMessagePassingOnSubg2D with aggr='sum':
    # out[(i,j)] = sum over message edges (i,k)->(i,j) of tX[(i,k)]
    # (sparse tuple indices flattened; tuple-level message edges precomputed in datadict)
    out = jnp.zeros((x_vals.shape[0], tX.shape[1]), dtype=tX.dtype)
    out = out.at[msg_dst].add(jnp.take(tX, msg_src, axis=0))
    return out

if __name__ == "__main__":
    import jax
    _d = setup_inputs()
    print(jax.jit(kernel)(*tuple(_d.values())))

</pallas_src>

<mosaic_0001>
#map = affine_map<(d0, d1) -> (0, 0)>
#map1 = affine_map<(d0, d1) -> (0)>
module attributes {stable_mosaic.version = 14 : i64} {
  func.func @msg_pass(%arg0: i32, %arg1: i32, %arg2: memref<160000x128xf32, #tpu.memory_space<hbm>>, %arg3: memref<2560000xi32, #tpu.memory_space<hbm>>, %arg4: memref<2560000xi32, #tpu.memory_space<hbm>>, %arg5: memref<160000x128xf32, #tpu.memory_space<hbm>>, %arg6: memref<2x1280xi32, #tpu.memory_space<vmem>>, %arg7: memref<2x1280xi32, #tpu.memory_space<vmem>>, %arg8: memref<1792xi32, #tpu.memory_space<vmem>>, %arg9: memref<1792xi32, #tpu.memory_space<vmem>>, %arg10: memref<4x64xi32, #tpu.memory_space<vmem>>, %arg11: memref<4x64x128xf32, #tpu.memory_space<vmem>>, %arg12: memref<40x128xf32, #tpu.memory_space<vmem>>, %arg13: memref<10001x128xf32, #tpu.memory_space<vmem_shared>>, %arg14: memref<!tpu.dma_semaphore, #tpu.memory_space<semaphore_mem>>, %arg15: memref<!tpu.dma_semaphore, #tpu.memory_space<semaphore_mem>>, %arg16: memref<!tpu.dma_semaphore, #tpu.memory_space<semaphore_mem>>) attributes {dimension_semantics = [#tpu.dimension_semantics<core_parallel>, #tpu.dimension_semantics<subcore_parallel>], iteration_bounds = array<i64: 2, 16>, scalar_prefetch = 0 : i64, scratch_operands = 11 : i64, tpu.core_type = #tpu.core_type<sc_vector_subcore>, window_params = [{transform_indices = #map}, {transform_indices = #map1}, {transform_indices = #map1}, {transform_indices = #map}]} {
    %broadcast_in_dim3A = arith.constant 0.000000e+00 : f32
    %broadcast_in_dim3A_0 = vector.broadcast %broadcast_in_dim3A : f32 to vector<16xf32>
    %scan3A = arith.constant 0 : i32
    %scan3A_1 = arith.constant 0 : i32
    %scan3A_2 = arith.constant 40 : i32
    %scan3A_3 = arith.addi %scan3A_1, %scan3A_2 : i32
    %scan3A_4 = arith.constant 1 : i32
    scf.for %scan3A_13 = %scan3A_1 to %scan3A_3 step %scan3A_4  : i32 {
      %swap3A = arith.index_cast %scan3A_13 : i32 to index
      %swap3A_14 = arith.constant 0 : index
      %swap3A_15 = tpu.vector_load %arg12[%swap3A, %swap3A_14] {strides = array<i32>} : memref<40x128xf32, #tpu.memory_space<vmem>>, vector<16xf32>,
      tpu.vector_store %arg12[%swap3A, %swap3A_14], %broadcast_in_dim3A_0 {strides = array<i32>} : memref<40x128xf32, #tpu.memory_space<vmem>>, vector<16xf32>,
      %swap3A_16 = arith.index_cast %scan3A_13 : i32 to index
      %swap3A_17 = arith.constant 16 : index
      %swap3A_18 = tpu.vector_load %arg12[%swap3A_16, %swap3A_17] {strides = array<i32>} : memref<40x128xf32, #tpu.memory_space<vmem>>, vector<16xf32>,
      tpu.vector_store %arg12[%swap3A_16, %swap3A_17], %broadcast_in_dim3A_0 {strides = array<i32>} : memref<40x128xf32, #tpu.memory_space<vmem>>, vector<16xf32>,
      %swap3A_19 = arith.index_cast %scan3A_13 : i32 to index
      %swap3A_20 = arith.constant 32 : index
      %swap3A_21 = tpu.vector_load %arg12[%swap3A_19, %swap3A_20] {strides = array<i32>} : memref<40x128xf32, #tpu.memory_space<vmem>>, vector<16xf32>,
      tpu.vector_store %arg12[%swap3A_19, %swap3A_20], %broadcast_in_dim3A_0 {strides = array<i32>} : memref<40x128xf32, #tpu.memory_space<vmem>>, vector<16xf32>,
      %swap3A_22 = arith.index_cast %scan3A_13 : i32 to index
      %swap3A_23 = arith.constant 48 : index
      %swap3A_24 = tpu.vector_load %arg12[%swap3A_22, %swap3A_23] {strides = array<i32>} : memref<40x128xf32, #tpu.memory_space<vmem>>, vector<16xf32>,
      tpu.vector_store %arg12[%swap3A_22, %swap3A_23], %broadcast_in_dim3A_0 {strides = array<i32>} : memref<40x128xf32, #tpu.memory_space<vmem>>, vector<16xf32>,
      %swap3A_25 = arith.index_cast %scan3A_13 : i32 to index
      %swap3A_26 = arith.constant 64 : index
      %swap3A_27 = tpu.vector_load %arg12[%swap3A_25, %swap3A_26] {strides = array<i32>} : memref<40x128xf32, #tpu.memory_space<vmem>>, vector<16xf32>,
      tpu.vector_store %arg12[%swap3A_25, %swap3A_26], %broadcast_in_dim3A_0 {strides = array<i32>} : memref<40x128xf32, #tpu.memory_space<vmem>>, vector<16xf32>,
      %swap3A_28 = arith.index_cast %scan3A_13 : i32 to index
      %swap3A_29 = arith.constant 80 : index
      %swap3A_30 = tpu.vector_load %arg12[%swap3A_28, %swap3A_29] {strides = array<i32>} : memref<40x128xf32, #tpu.memory_space<vmem>>, vector<16xf32>,
      tpu.vector_store %arg12[%swap3A_28, %swap3A_29], %broadcast_in_dim3A_0 {strides = array<i32>} : memref<40x128xf32, #tpu.memory_space<vmem>>, vector<16xf32>,
      %swap3A_31 = arith.index_cast %scan3A_13 : i32 to index
      %swap3A_32 = arith.constant 96 : index
      %swap3A_33 = tpu.vector_load %arg12[%swap3A_31, %swap3A_32] {strides = array<i32>} : memref<40x128xf32, #tpu.memory_space<vmem>>, vector<16xf32>,
      tpu.vector_store %arg12[%swap3A_31, %swap3A_32], %broadcast_in_dim3A_0 {strides = array<i32>} : memref<40x128xf32, #tpu.memory_space<vmem>>, vector<16xf32>,
      %swap3A_34 = arith.index_cast %scan3A_13 : i32 to index
      %swap3A_35 = arith.constant 112 : index
      %swap3A_36 = tpu.vector_load %arg12[%swap3A_34, %swap3A_35] {strides = array<i32>} : memref<40x128xf32, #tpu.memory_space<vmem>>, vector<16xf32>,
      tpu.vector_store %arg12[%swap3A_34, %swap3A_35], %broadcast_in_dim3A_0 {strides = array<i32>} : memref<40x128xf32, #tpu.memory_space<vmem>>, vector<16xf32>,
    }
    %scan3A_5 = arith.constant 40 : i32
    %mul3A = arith.constant 160000 : i32
    %mul3A_6 = arith.muli %arg1, %mul3A : i32
    %scan3A_7 = arith.constant 0 : i32
    %scan3A_8 = arith.constant 0 : i32
    %scan3A_9 = arith.constant 8 : i32
    %scan3A_10 = arith.addi %scan3A_8, %scan3A_9 : i32
    %scan3A_11 = arith.constant 1 : i32
    scf.for %scan3A_13 = %scan3A_8 to %scan3A_10 step %scan3A_11  : i32 {
      %mul3A_14 = arith.constant 2 : i32
      %mul3A_15 = arith.muli %scan3A_13, %mul3A_14 : i32
      %add3A = arith.addi %mul3A_15, %arg0 : i32
      %mul3A_16 = arith.constant 10000 : i32
      %mul3A_17 = arith.muli %add3A, %mul3A_16 : i32
      %broadcast_in_dim3A_18 = vector.broadcast %mul3A_17 : i32 to vector<16xi32>
      %broadcast_in_dim3A_19 = arith.constant 10000 : i32
      %broadcast_in_dim3A_20 = vector.broadcast %broadcast_in_dim3A_19 : i32 to vector<16xi32>
      %add3A_21 = arith.constant 0 : i32
      %add3A_22 = arith.addi %arg1, %add3A_21 : i32
      %lt3A = arith.constant 250 : i32
      %lt3A_23 = arith.cmpi slt, %add3A_22, %lt3A : i32
      %convert_element_type3A = arith.extui %lt3A_23 : i1 to i32
      %cond3A = arith.constant 0 : i32
      %cond3A_24 = arith.cmpi ne, %convert_element_type3A, %cond3A : i32
      scf.if %cond3A_24 {
        %mul3A_497 = arith.constant 40 : i32
        %mul3A_498 = arith.muli %add3A_22, %mul3A_497 : i32
        %dma_start3A_499 = arith.constant 0 : i32
        %dma_start3A_500 = tpu.memref_slice %arg13[%mul3A_498, %dma_start3A_499] : memref<10001x128xf32, #tpu.memory_space<vmem_shared>> -> memref<40x128xf32, #tpu.memory_space<vmem_shared>>
        %dma_start3A_501 = arith.constant 0 : i32
        %dma_start3A_502 = tpu.memref_slice %arg13[%mul3A_498, %dma_start3A_501] : memref<10001x128xf32, #tpu.memory_space<vmem_shared>> -> memref<40x128xf32, #tpu.memory_space<vmem_shared>>
        tpu.enqueue_dma source(%arg12 : memref<40x128xf32, #tpu.memory_space<vmem>>) target(%dma_start3A_502 : memref<40x128xf32, #tpu.memory_space<vmem_shared>>) target_semaphore(%arg14 : memref<!tpu.dma_semaphore, #tpu.memory_space<semaphore_mem>>)
      } else {
      }
      %add3A_25 = arith.constant 16 : i32
      %add3A_26 = arith.addi %arg1, %add3A_25 : i32
      %lt3A_27 = arith.constant 250 : i32
      %lt3A_28 = arith.cmpi slt, %add3A_26, %lt3A_27 : i32
      %convert_element_type3A_29 = arith.extui %lt3A_28 : i1 to i32
      %cond3A_30 = arith.constant 0 : i32
      %cond3A_31 = arith.cmpi ne, %convert_element_type3A_29, %cond3A_30 : i32
      scf.if %cond3A_31 {
        %mul3A_497 = arith.constant 40 : i32
        %mul3A_498 = arith.muli %add3A_26, %mul3A_497 : i32
        %dma_start3A_499 = arith.constant 0 : i32
        %dma_start3A_500 = tpu.memref_slice %arg13[%mul3A_498, %dma_start3A_499] : memref<10001x128xf32, #tpu.memory_space<vmem_shared>> -> memref<40x128xf32, #tpu.memory_space<vmem_shared>>
        %dma_start3A_501 = arith.constant 0 : i32
        %dma_start3A_502 = tpu.memref_slice %arg13[%mul3A_498, %dma_start3A_501] : memref<10001x128xf32, #tpu.memory_space<vmem_shared>> -> memref<40x128xf32, #tpu.memory_space<vmem_shared>>
        tpu.enqueue_dma source(%arg12 : memref<40x128xf32, #tpu.memory_space<vmem>>) target(%dma_start3A_502 : memref<40x128xf32, #tpu.memory_space<vmem_shared>>) target_semaphore(%arg14 : memref<!tpu.dma_semaphore, #tpu.memory_space<semaphore_mem>>)
      } else {
      }
      %add3A_32 = arith.constant 32 : i32
      %add3A_33 = arith.addi %arg1, %add3A_32 : i32
      %lt3A_34 = arith.constant 250 : i32
      %lt3A_35 = arith.cmpi slt, %add3A_33, %lt3A_34 : i32
      %convert_element_type3A_36 = arith.extui %lt3A_35 : i1 to i32
      %cond3A_37 = arith.constant 0 : i32
      %cond3A_38 = arith.cmpi ne, %convert_element_type3A_36, %cond3A_37 : i32
      scf.if %cond3A_38 {
        %mul3A_497 = arith.constant 40 : i32
        %mul3A_498 = arith.muli %add3A_33, %mul3A_497 : i32
        %dma_start3A_499 = arith.constant 0 : i32
        %dma_start3A_500 = tpu.memref_slice %arg13[%mul3A_498, %dma_start3A_499] : memref<10001x128xf32, #tpu.memory_space<vmem_shared>> -> memref<40x128xf32, #tpu.memory_space<vmem_shared>>
        %dma_start3A_501 = arith.constant 0 : i32
        %dma_start3A_502 = tpu.memref_slice %arg13[%mul3A_498, %dma_start3A_501] : memref<10001x128xf32, #tpu.memory_space<vmem_shared>> -> memref<40x128xf32, #tpu.memory_space<vmem_shared>>
        tpu.enqueue_dma source(%arg12 : memref<40x128xf32, #tpu.memory_space<vmem>>) target(%dma_start3A_502 : memref<40x128xf32, #tpu.memory_space<vmem_shared>>) target_semaphore(%arg14 : memref<!tpu.dma_semaphore, #tpu.memory_space<semaphore_mem>>)
      } else {
      }
      %add3A_39 = arith.constant 48 : i32
      %add3A_40 = arith.addi %arg1, %add3A_39 : i32
      %lt3A_41 = arith.constant 250 : i32
      %lt3A_42 = arith.cmpi slt, %add3A_40, %lt3A_41 : i32
      %convert_element_type3A_43 = arith.extui %lt3A_42 : i1 to i32
      %cond3A_44 = arith.constant 0 : i32
      %cond3A_45 = arith.cmpi ne, %convert_element_type3A_43, %cond3A_44 : i32
      scf.if %cond3A_45 {
        %mul3A_497 = arith.constant 40 : i32
        %mul3A_498 = arith.muli %add3A_40, %mul3A_497 : i32
        %dma_start3A_499 = arith.constant 0 : i32
        %dma_start3A_500 = tpu.memref_slice %arg13[%mul3A_498, %dma_start3A_499] : memref<10001x128xf32, #tpu.memory_space<vmem_shared>> -> memref<40x128xf32, #tpu.memory_space<vmem_shared>>
        %dma_start3A_501 = arith.constant 0 : i32
        %dma_start3A_502 = tpu.memref_slice %arg13[%mul3A_498, %dma_start3A_501] : memref<10001x128xf32, #tpu.memory_space<vmem_shared>> -> memref<40x128xf32, #tpu.memory_space<vmem_shared>>
        tpu.enqueue_dma source(%arg12 : memref<40x128xf32, #tpu.memory_space<vmem>>) target(%dma_start3A_502 : memref<40x128xf32, #tpu.memory_space<vmem_shared>>) target_semaphore(%arg14 : memref<!tpu.dma_semaphore, #tpu.memory_space<semaphore_mem>>)
      } else {
      }
      %add3A_46 = arith.constant 64 : i32
      %add3A_47 = arith.addi %arg1, %add3A_46 : i32
      %lt3A_48 = arith.constant 250 : i32
      %lt3A_49 = arith.cmpi slt, %add3A_47, %lt3A_48 : i32
      %convert_element_type3A_50 = arith.extui %lt3A_49 : i1 to i32
      %cond3A_51 = arith.constant 0 : i32
      %cond3A_52 = arith.cmpi ne, %convert_element_type3A_50, %cond3A_51 : i32
      scf.if %cond3A_52 {
        %mul3A_497 = arith.constant 40 : i32
        %mul3A_498 = arith.muli %add3A_47, %mul3A_497 : i32
        %dma_start3A_499 = arith.constant 0 : i32
        %dma_start3A_500 = tpu.memref_slice %arg13[%mul3A_498, %dma_start3A_499] : memref<10001x128xf32, #tpu.memory_space<vmem_shared>> -> memref<40x128xf32, #tpu.memory_space<vmem_shared>>
        %dma_start3A_501 = arith.constant 0 : i32
        %dma_start3A_502 = tpu.memref_slice %arg13[%mul3A_498, %dma_start3A_501] : memref<10001x128xf32, #tpu.memory_space<vmem_shared>> -> memref<40x128xf32, #tpu.memory_space<vmem_shared>>
        tpu.enqueue_dma source(%arg12 : memref<40x128xf32, #tpu.memory_space<vmem>>) target(%dma_start3A_502 : memref<40x128xf32, #tpu.memory_space<vmem_shared>>) target_semaphore(%arg14 : memref<!tpu.dma_semaphore, #tpu.memory_space<semaphore_mem>>)
      } else {
      }
      %add3A_53 = arith.constant 80 : i32
      %add3A_54 = arith.addi %arg1, %add3A_53 : i32
      %lt3A_55 = arith.constant 250 : i32
      %lt3A_56 = arith.cmpi slt, %add3A_54, %lt3A_55 : i32
      %convert_element_type3A_57 = arith.extui %lt3A_56 : i1 to i32
      %cond3A_58 = arith.constant 0 : i32
      %cond3A_59 = arith.cmpi ne, %convert_element_type3A_57, %cond3A_58 : i32
      scf.if %cond3A_59 {
        %mul3A_497 = arith.constant 40 : i32
        %mul3A_498 = arith.muli %add3A_54, %mul3A_497 : i32
        %dma_start3A_499 = arith.constant 0 : i32
        %dma_start3A_500 = tpu.memref_slice %arg13[%mul3A_498, %dma_start3A_499] : memref<10001x128xf32, #tpu.memory_space<vmem_shared>> -> memref<40x128xf32, #tpu.memory_space<vmem_shared>>
        %dma_start3A_501 = arith.constant 0 : i32
        %dma_start3A_502 = tpu.memref_slice %arg13[%mul3A_498, %dma_start3A_501] : memref<10001x128xf32, #tpu.memory_space<vmem_shared>> -> memref<40x128xf32, #tpu.memory_space<vmem_shared>>
        tpu.enqueue_dma source(%arg12 : memref<40x128xf32, #tpu.memory_space<vmem>>) target(%dma_start3A_502 : memref<40x128xf32, #tpu.memory_space<vmem_shared>>) target_semaphore(%arg14 : memref<!tpu.dma_semaphore, #tpu.memory_space<semaphore_mem>>)
      } else {
      }
      %add3A_60 = arith.constant 96 : i32
      %add3A_61 = arith.addi %arg1, %add3A_60 : i32
      %lt3A_62 = arith.constant 250 : i32
      %lt3A_63 = arith.cmpi slt, %add3A_61, %lt3A_62 : i32
      %convert_element_type3A_64 = arith.extui %lt3A_63 : i1 to i32
      %cond3A_65 = arith.constant 0 : i32
      %cond3A_66 = arith.cmpi ne, %convert_element_type3A_64, %cond3A_65 : i32
      scf.if %cond3A_66 {
        %mul3A_497 = arith.constant 40 : i32
        %mul3A_498 = arith.muli %add3A_61, %mul3A_497 : i32
        %dma_start3A_499 = arith.constant 0 : i32
        %dma_start3A_500 = tpu.memref_slice %arg13[%mul3A_498, %dma_start3A_499] : memref<10001x128xf32, #tpu.memory_space<vmem_shared>> -> memref<40x128xf32, #tpu.memory_space<vmem_shared>>
        %dma_start3A_501 = arith.constant 0 : i32
        %dma_start3A_502 = tpu.memref_slice %arg13[%mul3A_498, %dma_start3A_501] : memref<10001x128xf32, #tpu.memory_space<vmem_shared>> -> memref<40x128xf32, #tpu.memory_space<vmem_shared>>
        tpu.enqueue_dma source(%arg12 : memref<40x128xf32, #tpu.memory_space<vmem>>) target(%dma_start3A_502 : memref<40x128xf32, #tpu.memory_space<vmem_shared>>) target_semaphore(%arg14 : memref<!tpu.dma_semaphore, #tpu.memory_space<semaphore_mem>>)
      } else {
      }
      %add3A_67 = arith.constant 112 : i32
      %add3A_68 = arith.addi %arg1, %add3A_67 : i32
      %lt3A_69 = arith.constant 250 : i32
      %lt3A_70 = arith.cmpi slt, %add3A_68, %lt3A_69 : i32
      %convert_element_type3A_71 = arith.extui %lt3A_70 : i1 to i32
      %cond3A_72 = arith.constant 0 : i32
      %cond3A_73 = arith.cmpi ne, %convert_element_type3A_71, %cond3A_72 : i32
      scf.if %cond3A_73 {
        %mul3A_497 = arith.constant 40 : i32
        %mul3A_498 = arith.muli %add3A_68, %mul3A_497 : i32
        %dma_start3A_499 = arith.constant 0 : i32
        %dma_start3A_500 = tpu.memref_slice %arg13[%mul3A_498, %dma_start3A_499] : memref<10001x128xf32, #tpu.memory_space<vmem_shared>> -> memref<40x128xf32, #tpu.memory_space<vmem_shared>>
        %dma_start3A_501 = arith.constant 0 : i32
        %dma_start3A_502 = tpu.memref_slice %arg13[%mul3A_498, %dma_start3A_501] : memref<10001x128xf32, #tpu.memory_space<vmem_shared>> -> memref<40x128xf32, #tpu.memory_space<vmem_shared>>
        tpu.enqueue_dma source(%arg12 : memref<40x128xf32, #tpu.memory_space<vmem>>) target(%dma_start3A_502 : memref<40x128xf32, #tpu.memory_space<vmem_shared>>) target_semaphore(%arg14 : memref<!tpu.dma_semaphore, #tpu.memory_space<semaphore_mem>>)
      } else {
      }
      %add3A_74 = arith.constant 128 : i32
      %add3A_75 = arith.addi %arg1, %add3A_74 : i32
      %lt3A_76 = arith.constant 250 : i32
      %lt3A_77 = arith.cmpi slt, %add3A_75, %lt3A_76 : i32
      %convert_element_type3A_78 = arith.extui %lt3A_77 : i1 to i32
      %cond3A_79 = arith.constant 0 : i32
      %cond3A_80 = arith.cmpi ne, %convert_element_type3A_78, %cond3A_79 : i32
      scf.if %cond3A_80 {
        %mul3A_497 = arith.constant 40 : i32
        %mul3A_498 = arith.muli %add3A_75, %mul3A_497 : i32
        %dma_start3A_499 = arith.constant 0 : i32
        %dma_start3A_500 = tpu.memref_slice %arg13[%mul3A_498, %dma_start3A_499] : memref<10001x128xf32, #tpu.memory_space<vmem_shared>> -> memref<40x128xf32, #tpu.memory_space<vmem_shared>>
        %dma_start3A_501 = arith.constant 0 : i32
        %dma_start3A_502 = tpu.memref_slice %arg13[%mul3A_498, %dma_start3A_501] : memref<10001x128xf32, #tpu.memory_space<vmem_shared>> -> memref<40x128xf32, #tpu.memory_space<vmem_shared>>
        tpu.enqueue_dma source(%arg12 : memref<40x128xf32, #tpu.memory_space<vmem>>) target(%dma_start3A_502 : memref<40x128xf32, #tpu.memory_space<vmem_shared>>) target_semaphore(%arg14 : memref<!tpu.dma_semaphore, #tpu.memory_space<semaphore_mem>>)
      } else {
      }
      %add3A_81 = arith.constant 144 : i32
      %add3A_82 = arith.addi %arg1, %add3A_81 : i32
      %lt3A_83 = arith.constant 250 : i32
      %lt3A_84 = arith.cmpi slt, %add3A_82, %lt3A_83 : i32
      %convert_element_type3A_85 = arith.extui %lt3A_84 : i1 to i32
      %cond3A_86 = arith.constant 0 : i32
      %cond3A_87 = arith.cmpi ne, %convert_element_type3A_85, %cond3A_86 : i32
      scf.if %cond3A_87 {
        %mul3A_497 = arith.constant 40 : i32
        %mul3A_498 = arith.muli %add3A_82, %mul3A_497 : i32
        %dma_start3A_499 = arith.constant 0 : i32
        %dma_start3A_500 = tpu.memref_slice %arg13[%mul3A_498, %dma_start3A_499] : memref<10001x128xf32, #tpu.memory_space<vmem_shared>> -> memref<40x128xf32, #tpu.memory_space<vmem_shared>>
        %dma_start3A_501 = arith.constant 0 : i32
        %dma_start3A_502 = tpu.memref_slice %arg13[%mul3A_498, %dma_start3A_501] : memref<10001x128xf32, #tpu.memory_space<vmem_shared>> -> memref<40x128xf32, #tpu.memory_space<vmem_shared>>
        tpu.enqueue_dma source(%arg12 : memref<40x128xf32, #tpu.memory_space<vmem>>) target(%dma_start3A_502 : memref<40x128xf32, #tpu.memory_space<vmem_shared>>) target_semaphore(%arg14 : memref<!tpu.dma_semaphore, #tpu.memory_space<semaphore_mem>>)
      } else {
      }
      %add3A_88 = arith.constant 160 : i32
      %add3A_89 = arith.addi %arg1, %add3A_88 : i32
      %lt3A_90 = arith.constant 250 : i32
      %lt3A_91 = arith.cmpi slt, %add3A_89, %lt3A_90 : i32
      %convert_element_type3A_92 = arith.extui %lt3A_91 : i1 to i32
      %cond3A_93 = arith.constant 0 : i32
      %cond3A_94 = arith.cmpi ne, %convert_element_type3A_92, %cond3A_93 : i32
      scf.if %cond3A_94 {
        %mul3A_497 = arith.constant 40 : i32
        %mul3A_498 = arith.muli %add3A_89, %mul3A_497 : i32
        %dma_start3A_499 = arith.constant 0 : i32
        %dma_start3A_500 = tpu.memref_slice %arg13[%mul3A_498, %dma_start3A_499] : memref<10001x128xf32, #tpu.memory_space<vmem_shared>> -> memref<40x128xf32, #tpu.memory_space<vmem_shared>>
        %dma_start3A_501 = arith.constant 0 : i32
        %dma_start3A_502 = tpu.memref_slice %arg13[%mul3A_498, %dma_start3A_501] : memref<10001x128xf32, #tpu.memory_space<vmem_shared>> -> memref<40x128xf32, #tpu.memory_space<vmem_shared>>
        tpu.enqueue_dma source(%arg12 : memref<40x128xf32, #tpu.memory_space<vmem>>) target(%dma_start3A_502 : memref<40x128xf32, #tpu.memory_space<vmem_shared>>) target_semaphore(%arg14 : memref<!tpu.dma_semaphore, #tpu.memory_space<semaphore_mem>>)
      } else {
      }
      %add3A_95 = arith.constant 176 : i32
      %add3A_96 = arith.addi %arg1, %add3A_95 : i32
      %lt3A_97 = arith.constant 250 : i32
      %lt3A_98 = arith.cmpi slt, %add3A_96, %lt3A_97 : i32
      %convert_element_type3A_99 = arith.extui %lt3A_98 : i1 to i32
      %cond3A_100 = arith.constant 0 : i32
      %cond3A_101 = arith.cmpi ne, %convert_element_type3A_99, %cond3A_100 : i32
      scf.if %cond3A_101 {
        %mul3A_497 = arith.constant 40 : i32
        %mul3A_498 = arith.muli %add3A_96, %mul3A_497 : i32
        %dma_start3A_499 = arith.constant 0 : i32
        %dma_start3A_500 = tpu.memref_slice %arg13[%mul3A_498, %dma_start3A_499] : memref<10001x128xf32, #tpu.memory_space<vmem_shared>> -> memref<40x128xf32, #tpu.memory_space<vmem_shared>>
        %dma_start3A_501 = arith.constant 0 : i32
        %dma_start3A_502 = tpu.memref_slice %arg13[%mul3A_498, %dma_start3A_501] : memref<10001x128xf32, #tpu.memory_space<vmem_shared>> -> memref<40x128xf32, #tpu.memory_space<vmem_shared>>
        tpu.enqueue_dma source(%arg12 : memref<40x128xf32, #tpu.memory_space<vmem>>) target(%dma_start3A_502 : memref<40x128xf32, #tpu.memory_space<vmem_shared>>) target_semaphore(%arg14 : memref<!tpu.dma_semaphore, #tpu.memory_space<semaphore_mem>>)
      } else {
      }
      %add3A_102 = arith.constant 192 : i32
      %add3A_103 = arith.addi %arg1, %add3A_102 : i32
      %lt3A_104 = arith.constant 250 : i32
      %lt3A_105 = arith.cmpi slt, %add3A_103, %lt3A_104 : i32
      %convert_element_type3A_106 = arith.extui %lt3A_105 : i1 to i32
      %cond3A_107 = arith.constant 0 : i32
      %cond3A_108 = arith.cmpi ne, %convert_element_type3A_106, %cond3A_107 : i32
      scf.if %cond3A_108 {
        %mul3A_497 = arith.constant 40 : i32
        %mul3A_498 = arith.muli %add3A_103, %mul3A_497 : i32
        %dma_start3A_499 = arith.constant 0 : i32
        %dma_start3A_500 = tpu.memref_slice %arg13[%mul3A_498, %dma_start3A_499] : memref<10001x128xf32, #tpu.memory_space<vmem_shared>> -> memref<40x128xf32, #tpu.memory_space<vmem_shared>>
        %dma_start3A_501 = arith.constant 0 : i32
        %dma_start3A_502 = tpu.memref_slice %arg13[%mul3A_498, %dma_start3A_501] : memref<10001x128xf32, #tpu.memory_space<vmem_shared>> -> memref<40x128xf32, #tpu.memory_space<vmem_shared>>
        tpu.enqueue_dma source(%arg12 : memref<40x128xf32, #tpu.memory_space<vmem>>) target(%dma_start3A_502 : memref<40x128xf32, #tpu.memory_space<vmem_shared>>) target_semaphore(%arg14 : memref<!tpu.dma_semaphore, #tpu.memory_space<semaphore_mem>>)
      } else {
      }
      %add3A_109 = arith.constant 208 : i32
      %add3A_110 = arith.addi %arg1, %add3A_109 : i32
      %lt3A_111 = arith.constant 250 : i32
      %lt3A_112 = arith.cmpi slt, %add3A_110, %lt3A_111 : i32
      %convert_element_type3A_113 = arith.extui %lt3A_112 : i1 to i32
      %cond3A_114 = arith.constant 0 : i32
      %cond3A_115 = arith.cmpi ne, %convert_element_type3A_113, %cond3A_114 : i32
      scf.if %cond3A_115 {
        %mul3A_497 = arith.constant 40 : i32
        %mul3A_498 = arith.muli %add3A_110, %mul3A_497 : i32
        %dma_start3A_499 = arith.constant 0 : i32
        %dma_start3A_500 = tpu.memref_slice %arg13[%mul3A_498, %dma_start3A_499] : memref<10001x128xf32, #tpu.memory_space<vmem_shared>> -> memref<40x128xf32, #tpu.memory_space<vmem_shared>>
        %dma_start3A_501 = arith.constant 0 : i32
        %dma_start3A_502 = tpu.memref_slice %arg13[%mul3A_498, %dma_start3A_501] : memref<10001x128xf32, #tpu.memory_space<vmem_shared>> -> memref<40x128xf32, #tpu.memory_space<vmem_shared>>
        tpu.enqueue_dma source(%arg12 : memref<40x128xf32, #tpu.memory_space<vmem>>) target(%dma_start3A_502 : memref<40x128xf32, #tpu.memory_space<vmem_shared>>) target_semaphore(%arg14 : memref<!tpu.dma_semaphore, #tpu.memory_space<semaphore_mem>>)
      } else {
      }
      %add3A_116 = arith.constant 224 : i32
      %add3A_117 = arith.addi %arg1, %add3A_116 : i32
      %lt3A_118 = arith.constant 250 : i32
      %lt3A_119 = arith.cmpi slt, %add3A_117, %lt3A_118 : i32
      %convert_element_type3A_120 = arith.extui %lt3A_119 : i1 to i32
      %cond3A_121 = arith.constant 0 : i32
      %cond3A_122 = arith.cmpi ne, %convert_element_type3A_120, %cond3A_121 : i32
      scf.if %cond3A_122 {
        %mul3A_497 = arith.constant 40 : i32
        %mul3A_498 = arith.muli %add3A_117, %mul3A_497 : i32
        %dma_start3A_499 = arith.constant 0 : i32
        %dma_start3A_500 = tpu.memref_slice %arg13[%mul3A_498, %dma_start3A_499] : memref<10001x128xf32, #tpu.memory_space<vmem_shared>> -> memref<40x128xf32, #tpu.memory_space<vmem_shared>>
        %dma_start3A_501 = arith.constant 0 : i32
        %dma_start3A_502 = tpu.memref_slice %arg13[%mul3A_498, %dma_start3A_501] : memref<10001x128xf32, #tpu.memory_space<vmem_shared>> -> memref<40x128xf32, #tpu.memory_space<vmem_shared>>
        tpu.enqueue_dma source(%arg12 : memref<40x128xf32, #tpu.memory_space<vmem>>) target(%dma_start3A_502 : memref<40x128xf32, #tpu.memory_space<vmem_shared>>) target_semaphore(%arg14 : memref<!tpu.dma_semaphore, #tpu.memory_space<semaphore_mem>>)
      } else {
      }
      %add3A_123 = arith.constant 240 : i32
      %add3A_124 = arith.addi %arg1, %add3A_123 : i32
      %lt3A_125 = arith.constant 250 : i32
      %lt3A_126 = arith.cmpi slt, %add3A_124, %lt3A_125 : i32
      %convert_element_type3A_127 = arith.extui %lt3A_126 : i1 to i32
      %cond3A_128 = arith.constant 0 : i32
      %cond3A_129 = arith.cmpi ne, %convert_element_type3A_127, %cond3A_128 : i32
      scf.if %cond3A_129 {
        %mul3A_497 = arith.constant 40 : i32
        %mul3A_498 = arith.muli %add3A_124, %mul3A_497 : i32
        %dma_start3A_499 = arith.constant 0 : i32
        %dma_start3A_500 = tpu.memref_slice %arg13[%mul3A_498, %dma_start3A_499] : memref<10001x128xf32, #tpu.memory_space<vmem_shared>> -> memref<40x128xf32, #tpu.memory_space<vmem_shared>>
        %dma_start3A_501 = arith.constant 0 : i32
        %dma_start3A_502 = tpu.memref_slice %arg13[%mul3A_498, %dma_start3A_501] : memref<10001x128xf32, #tpu.memory_space<vmem_shared>> -> memref<40x128xf32, #tpu.memory_space<vmem_shared>>
        tpu.enqueue_dma source(%arg12 : memref<40x128xf32, #tpu.memory_space<vmem>>) target(%dma_start3A_502 : memref<40x128xf32, #tpu.memory_space<vmem_shared>>) target_semaphore(%arg14 : memref<!tpu.dma_semaphore, #tpu.memory_space<semaphore_mem>>)
      } else {
      }
      %add3A_130 = arith.constant 0 : i32
      %add3A_131 = arith.addi %arg1, %add3A_130 : i32
      %lt3A_132 = arith.constant 250 : i32
      %lt3A_133 = arith.cmpi slt, %add3A_131, %lt3A_132 : i32
      %convert_element_type3A_134 = arith.extui %lt3A_133 : i1 to i32
      %cond3A_135 = arith.constant 0 : i32
      %cond3A_136 = arith.cmpi ne, %convert_element_type3A_134, %cond3A_135 : i32
      scf.if %cond3A_136 {
        %mul3A_497 = arith.constant 40 : i32
        %mul3A_498 = arith.muli %add3A_131, %mul3A_497 : i32
        %dma_wait3A = arith.constant 0 : i32
        %dma_wait3A_499 = tpu.memref_slice %arg13[%mul3A_498, %dma_wait3A] : memref<10001x128xf32, #tpu.memory_space<vmem_shared>> -> memref<40x128xf32, #tpu.memory_space<vmem_shared>>
        %dma_wait3A_500 = arith.constant 0 : i32
        %dma_wait3A_501 = tpu.memref_slice %arg13[%mul3A_498, %dma_wait3A_500] : memref<10001x128xf32, #tpu.memory_space<vmem_shared>> -> memref<40x128xf32, #tpu.memory_space<vmem_shared>>
        tpu.wait_dma2 semaphore(%arg14 : memref<!tpu.dma_semaphore, #tpu.memory_space<semaphore_mem>>) src(%arg12 : memref<40x128xf32, #tpu.memory_space<vmem>>) dst(%dma_wait3A_501 : memref<40x128xf32, #tpu.memory_space<vmem_shared>>)
      } else {
      }
      %add3A_137 = arith.constant 16 : i32
      %add3A_138 = arith.addi %arg1, %add3A_137 : i32
      %lt3A_139 = arith.constant 250 : i32
      %lt3A_140 = arith.cmpi slt, %add3A_138, %lt3A_139 : i32
      %convert_element_type3A_141 = arith.extui %lt3A_140 : i1 to i32
      %cond3A_142 = arith.constant 0 : i32
      %cond3A_143 = arith.cmpi ne, %convert_element_type3A_141, %cond3A_142 : i32
      scf.if %cond3A_143 {
        %mul3A_497 = arith.constant 40 : i32
        %mul3A_498 = arith.muli %add3A_138, %mul3A_497 : i32
        %dma_wait3A = arith.constant 0 : i32
        %dma_wait3A_499 = tpu.memref_slice %arg13[%mul3A_498, %dma_wait3A] : memref<10001x128xf32, #tpu.memory_space<vmem_shared>> -> memref<40x128xf32, #tpu.memory_space<vmem_shared>>
        %dma_wait3A_500 = arith.constant 0 : i32
        %dma_wait3A_501 = tpu.memref_slice %arg13[%mul3A_498, %dma_wait3A_500] : memref<10001x128xf32, #tpu.memory_space<vmem_shared>> -> memref<40x128xf32, #tpu.memory_space<vmem_shared>>
        tpu.wait_dma2 semaphore(%arg14 : memref<!tpu.dma_semaphore, #tpu.memory_space<semaphore_mem>>) src(%arg12 : memref<40x128xf32, #tpu.memory_space<vmem>>) dst(%dma_wait3A_501 : memref<40x128xf32, #tpu.memory_space<vmem_shared>>)
      } else {
      }
      %add3A_144 = arith.constant 32 : i32
      %add3A_145 = arith.addi %arg1, %add3A_144 : i32
      %lt3A_146 = arith.constant 250 : i32
      %lt3A_147 = arith.cmpi slt, %add3A_145, %lt3A_146 : i32
      %convert_element_type3A_148 = arith.extui %lt3A_147 : i1 to i32
      %cond3A_149 = arith.constant 0 : i32
      %cond3A_150 = arith.cmpi ne, %convert_element_type3A_148, %cond3A_149 : i32
      scf.if %cond3A_150 {
        %mul3A_497 = arith.constant 40 : i32
        %mul3A_498 = arith.muli %add3A_145, %mul3A_497 : i32
        %dma_wait3A = arith.constant 0 : i32
        %dma_wait3A_499 = tpu.memref_slice %arg13[%mul3A_498, %dma_wait3A] : memref<10001x128xf32, #tpu.memory_space<vmem_shared>> -> memref<40x128xf32, #tpu.memory_space<vmem_shared>>
        %dma_wait3A_500 = arith.constant 0 : i32
        %dma_wait3A_501 = tpu.memref_slice %arg13[%mul3A_498, %dma_wait3A_500] : memref<10001x128xf32, #tpu.memory_space<vmem_shared>> -> memref<40x128xf32, #tpu.memory_space<vmem_shared>>
        tpu.wait_dma2 semaphore(%arg14 : memref<!tpu.dma_semaphore, #tpu.memory_space<semaphore_mem>>) src(%arg12 : memref<40x128xf32, #tpu.memory_space<vmem>>) dst(%dma_wait3A_501 : memref<40x128xf32, #tpu.memory_space<vmem_shared>>)
      } else {
      }
      %add3A_151 = arith.constant 48 : i32
      %add3A_152 = arith.addi %arg1, %add3A_151 : i32
      %lt3A_153 = arith.constant 250 : i32
      %lt3A_154 = arith.cmpi slt, %add3A_152, %lt3A_153 : i32
      %convert_element_type3A_155 = arith.extui %lt3A_154 : i1 to i32
      %cond3A_156 = arith.constant 0 : i32
      %cond3A_157 = arith.cmpi ne, %convert_element_type3A_155, %cond3A_156 : i32
      scf.if %cond3A_157 {
        %mul3A_497 = arith.constant 40 : i32
        %mul3A_498 = arith.muli %add3A_152, %mul3A_497 : i32
        %dma_wait3A = arith.constant 0 : i32
        %dma_wait3A_499 = tpu.memref_slice %arg13[%mul3A_498, %dma_wait3A] : memref<10001x128xf32, #tpu.memory_space<vmem_shared>> -> memref<40x128xf32, #tpu.memory_space<vmem_shared>>
        %dma_wait3A_500 = arith.constant 0 : i32
        %dma_wait3A_501 = tpu.memref_slice %arg13[%mul3A_498, %dma_wait3A_500] : memref<10001x128xf32, #tpu.memory_space<vmem_shared>> -> memref<40x128xf32, #tpu.memory_space<vmem_shared>>
        tpu.wait_dma2 semaphore(%arg14 : memref<!tpu.dma_semaphore, #tpu.memory_space<semaphore_mem>>) src(%arg12 : memref<40x128xf32, #tpu.memory_space<vmem>>) dst(%dma_wait3A_501 : memref<40x128xf32, #tpu.memory_space<vmem_shared>>)
      } else {
      }
      %add3A_158 = arith.constant 64 : i32
      %add3A_159 = arith.addi %arg1, %add3A_158 : i32
      %lt3A_160 = arith.constant 250 : i32
      %lt3A_161 = arith.cmpi slt, %add3A_159, %lt3A_160 : i32
      %convert_element_type3A_162 = arith.extui %lt3A_161 : i1 to i32
      %cond3A_163 = arith.constant 0 : i32
      %cond3A_164 = arith.cmpi ne, %convert_element_type3A_162, %cond3A_163 : i32
      scf.if %cond3A_164 {
        %mul3A_497 = arith.constant 40 : i32
        %mul3A_498 = arith.muli %add3A_159, %mul3A_497 : i32
        %dma_wait3A = arith.constant 0 : i32
        %dma_wait3A_499 = tpu.memref_slice %arg13[%mul3A_498, %dma_wait3A] : memref<10001x128xf32, #tpu.memory_space<vmem_shared>> -> memref<40x128xf32, #tpu.memory_space<vmem_shared>>
        %dma_wait3A_500 = arith.constant 0 : i32
        %dma_wait3A_501 = tpu.memref_slice %arg13[%mul3A_498, %dma_wait3A_500] : memref<10001x128xf32, #tpu.memory_space<vmem_shared>> -> memref<40x128xf32, #tpu.memory_space<vmem_shared>>
        tpu.wait_dma2 semaphore(%arg14 : memref<!tpu.dma_semaphore, #tpu.memory_space<semaphore_mem>>) src(%arg12 : memref<40x128xf32, #tpu.memory_space<vmem>>) dst(%dma_wait3A_501 : memref<40x128xf32, #tpu.memory_space<vmem_shared>>)
      } else {
      }
      %add3A_165 = arith.constant 80 : i32
      %add3A_166 = arith.addi %arg1, %add3A_165 : i32
      %lt3A_167 = arith.constant 250 : i32
      %lt3A_168 = arith.cmpi slt, %add3A_166, %lt3A_167 : i32
      %convert_element_type3A_169 = arith.extui %lt3A_168 : i1 to i32
      %cond3A_170 = arith.constant 0 : i32
      %cond3A_171 = arith.cmpi ne, %convert_element_type3A_169, %cond3A_170 : i32
      scf.if %cond3A_171 {
        %mul3A_497 = arith.constant 40 : i32
        %mul3A_498 = arith.muli %add3A_166, %mul3A_497 : i32
        %dma_wait3A = arith.constant 0 : i32
        %dma_wait3A_499 = tpu.memref_slice %arg13[%mul3A_498, %dma_wait3A] : memref<10001x128xf32, #tpu.memory_space<vmem_shared>> -> memref<40x128xf32, #tpu.memory_space<vmem_shared>>
        %dma_wait3A_500 = arith.constant 0 : i32
        %dma_wait3A_501 = tpu.memref_slice %arg13[%mul3A_498, %dma_wait3A_500] : memref<10001x128xf32, #tpu.memory_space<vmem_shared>> -> memref<40x128xf32, #tpu.memory_space<vmem_shared>>
        tpu.wait_dma2 semaphore(%arg14 : memref<!tpu.dma_semaphore, #tpu.memory_space<semaphore_mem>>) src(%arg12 : memref<40x128xf32, #tpu.memory_space<vmem>>) dst(%dma_wait3A_501 : memref<40x128xf32, #tpu.memory_space<vmem_shared>>)
      } else {
      }
      %add3A_172 = arith.constant 96 : i32
      %add3A_173 = arith.addi %arg1, %add3A_172 : i32
      %lt3A_174 = arith.constant 250 : i32
      %lt3A_175 = arith.cmpi slt, %add3A_173, %lt3A_174 : i32
      %convert_element_type3A_176 = arith.extui %lt3A_175 : i1 to i32
      %cond3A_177 = arith.constant 0 : i32
      %cond3A_178 = arith.cmpi ne, %convert_element_type3A_176, %cond3A_177 : i32
      scf.if %cond3A_178 {
        %mul3A_497 = arith.constant 40 : i32
        %mul3A_498 = arith.muli %add3A_173, %mul3A_497 : i32
        %dma_wait3A = arith.constant 0 : i32
        %dma_wait3A_499 = tpu.memref_slice %arg13[%mul3A_498, %dma_wait3A] : memref<10001x128xf32, #tpu.memory_space<vmem_shared>> -> memref<40x128xf32, #tpu.memory_space<vmem_shared>>
        %dma_wait3A_500 = arith.constant 0 : i32
        %dma_wait3A_501 = tpu.memref_slice %arg13[%mul3A_498, %dma_wait3A_500] : memref<10001x128xf32, #tpu.memory_space<vmem_shared>> -> memref<40x128xf32, #tpu.memory_space<vmem_shared>>
        tpu.wait_dma2 semaphore(%arg14 : memref<!tpu.dma_semaphore, #tpu.memory_space<semaphore_mem>>) src(%arg12 : memref<40x128xf32, #tpu.memory_space<vmem>>) dst(%dma_wait3A_501 : memref<40x128xf32, #tpu.memory_space<vmem_shared>>)
      } else {
      }
      %add3A_179 = arith.constant 112 : i32
      %add3A_180 = arith.addi %arg1, %add3A_179 : i32
      %lt3A_181 = arith.constant 250 : i32
      %lt3A_182 = arith.cmpi slt, %add3A_180, %lt3A_181 : i32
      %convert_element_type3A_183 = arith.extui %lt3A_182 : i1 to i32
      %cond3A_184 = arith.constant 0 : i32
      %cond3A_185 = arith.cmpi ne, %convert_element_type3A_183, %cond3A_184 : i32
      scf.if %cond3A_185 {
        %mul3A_497 = arith.constant 40 : i32
        %mul3A_498 = arith.muli %add3A_180, %mul3A_497 : i32
        %dma_wait3A = arith.constant 0 : i32
        %dma_wait3A_499 = tpu.memref_slice %arg13[%mul3A_498, %dma_wait3A] : memref<10001x128xf32, #tpu.memory_space<vmem_shared>> -> memref<40x128xf32, #tpu.memory_space<vmem_shared>>
        %dma_wait3A_500 = arith.constant 0 : i32
        %dma_wait3A_501 = tpu.memref_slice %arg13[%mul3A_498, %dma_wait3A_500] : memref<10001x128xf32, #tpu.memory_space<vmem_shared>> -> memref<40x128xf32, #tpu.memory_space<vmem_shared>>
        tpu.wait_dma2 semaphore(%arg14 : memref<!tpu.dma_semaphore, #tpu.memory_space<semaphore_mem>>) src(%arg12 : memref<40x128xf32, #tpu.memory_space<vmem>>) dst(%dma_wait3A_501 : memref<40x128xf32, #tpu.memory_space<vmem_shared>>)
      } else {
      }
      %add3A_186 = arith.constant 128 : i32
      %add3A_187 = arith.addi %arg1, %add3A_186 : i32
      %lt3A_188 = arith.constant 250 : i32
      %lt3A_189 = arith.cmpi slt, %add3A_187, %lt3A_188 : i32
      %convert_element_type3A_190 = arith.extui %lt3A_189 : i1 to i32
      %cond3A_191 = arith.constant 0 : i32
      %cond3A_192 = arith.cmpi ne, %convert_element_type3A_190, %cond3A_191 : i32
      scf.if %cond3A_192 {
        %mul3A_497 = arith.constant 40 : i32
        %mul3A_498 = arith.muli %add3A_187, %mul3A_497 : i32
        %dma_wait3A = arith.constant 0 : i32
        %dma_wait3A_499 = tpu.memref_slice %arg13[%mul3A_498, %dma_wait3A] : memref<10001x128xf32, #tpu.memory_space<vmem_shared>> -> memref<40x128xf32, #tpu.memory_space<vmem_shared>>
        %dma_wait3A_500 = arith.constant 0 : i32
        %dma_wait3A_501 = tpu.memref_slice %arg13[%mul3A_498, %dma_wait3A_500] : memref<10001x128xf32, #tpu.memory_space<vmem_shared>> -> memref<40x128xf32, #tpu.memory_space<vmem_shared>>
        tpu.wait_dma2 semaphore(%arg14 : memref<!tpu.dma_semaphore, #tpu.memory_space<semaphore_mem>>) src(%arg12 : memref<40x128xf32, #tpu.memory_space<vmem>>) dst(%dma_wait3A_501 : memref<40x128xf32, #tpu.memory_space<vmem_shared>>)
      } else {
      }
      %add3A_193 = arith.constant 144 : i32
      %add3A_194 = arith.addi %arg1, %add3A_193 : i32
      %lt3A_195 = arith.constant 250 : i32
      %lt3A_196 = arith.cmpi slt, %add3A_194, %lt3A_195 : i32
      %convert_element_type3A_197 = arith.extui %lt3A_196 : i1 to i32
      %cond3A_198 = arith.constant 0 : i32
      %cond3A_199 = arith.cmpi ne, %convert_element_type3A_197, %cond3A_198 : i32
      scf.if %cond3A_199 {
        %mul3A_497 = arith.constant 40 : i32
        %mul3A_498 = arith.muli %add3A_194, %mul3A_497 : i32
        %dma_wait3A = arith.constant 0 : i32
        %dma_wait3A_499 = tpu.memref_slice %arg13[%mul3A_498, %dma_wait3A] : memref<10001x128xf32, #tpu.memory_space<vmem_shared>> -> memref<40x128xf32, #tpu.memory_space<vmem_shared>>
        %dma_wait3A_500 = arith.constant 0 : i32
        %dma_wait3A_501 = tpu.memref_slice %arg13[%mul3A_498, %dma_wait3A_500] : memref<10001x128xf32, #tpu.memory_space<vmem_shared>> -> memref<40x128xf32, #tpu.memory_space<vmem_shared>>
        tpu.wait_dma2 semaphore(%arg14 : memref<!tpu.dma_semaphore, #tpu.memory_space<semaphore_mem>>) src(%arg12 : memref<40x128xf32, #tpu.memory_space<vmem>>) dst(%dma_wait3A_501 : memref<40x128xf32, #tpu.memory_space<vmem_shared>>)
      } else {
      }
      %add3A_200 = arith.constant 160 : i32
      %add3A_201 = arith.addi %arg1, %add3A_200 : i32
      %lt3A_202 = arith.constant 250 : i32
      %lt3A_203 = arith.cmpi slt, %add3A_201, %lt3A_202 : i32
      %convert_element_type3A_204 = arith.extui %lt3A_203 : i1 to i32
      %cond3A_205 = arith.constant 0 : i32
      %cond3A_206 = arith.cmpi ne, %convert_element_type3A_204, %cond3A_205 : i32
      scf.if %cond3A_206 {
        %mul3A_497 = arith.constant 40 : i32
        %mul3A_498 = arith.muli %add3A_201, %mul3A_497 : i32
        %dma_wait3A = arith.constant 0 : i32
        %dma_wait3A_499 = tpu.memref_slice %arg13[%mul3A_498, %dma_wait3A] : memref<10001x128xf32, #tpu.memory_space<vmem_shared>> -> memref<40x128xf32, #tpu.memory_space<vmem_shared>>
        %dma_wait3A_500 = arith.constant 0 : i32
        %dma_wait3A_501 = tpu.memref_slice %arg13[%mul3A_498, %dma_wait3A_500] : memref<10001x128xf32, #tpu.memory_space<vmem_shared>> -> memref<40x128xf32, #tpu.memory_space<vmem_shared>>
        tpu.wait_dma2 semaphore(%arg14 : memref<!tpu.dma_semaphore, #tpu.memory_space<semaphore_mem>>) src(%arg12 : memref<40x128xf32, #tpu.memory_space<vmem>>) dst(%dma_wait3A_501 : memref<40x128xf32, #tpu.memory_space<vmem_shared>>)
      } else {
      }
      %add3A_207 = arith.constant 176 : i32
      %add3A_208 = arith.addi %arg1, %add3A_207 : i32
      %lt3A_209 = arith.constant 250 : i32
      %lt3A_210 = arith.cmpi slt, %add3A_208, %lt3A_209 : i32
      %convert_element_type3A_211 = arith.extui %lt3A_210 : i1 to i32
      %cond3A_212 = arith.constant 0 : i32
      %cond3A_213 = arith.cmpi ne, %convert_element_type3A_211, %cond3A_212 : i32
      scf.if %cond3A_213 {
        %mul3A_497 = arith.constant 40 : i32
        %mul3A_498 = arith.muli %add3A_208, %mul3A_497 : i32
        %dma_wait3A = arith.constant 0 : i32
        %dma_wait3A_499 = tpu.memref_slice %arg13[%mul3A_498, %dma_wait3A] : memref<10001x128xf32, #tpu.memory_space<vmem_shared>> -> memref<40x128xf32, #tpu.memory_space<vmem_shared>>
        %dma_wait3A_500 = arith.constant 0 : i32
        %dma_wait3A_501 = tpu.memref_slice %arg13[%mul3A_498, %dma_wait3A_500] : memref<10001x128xf32, #tpu.memory_space<vmem_shared>> -> memref<40x128xf32, #tpu.memory_space<vmem_shared>>
        tpu.wait_dma2 semaphore(%arg14 : memref<!tpu.dma_semaphore, #tpu.memory_space<semaphore_mem>>) src(%arg12 : memref<40x128xf32, #tpu.memory_space<vmem>>) dst(%dma_wait3A_501 : memref<40x128xf32, #tpu.memory_space<vmem_shared>>)
      } else {
      }
      %add3A_214 = arith.constant 192 : i32
      %add3A_215 = arith.addi %arg1, %add3A_214 : i32
      %lt3A_216 = arith.constant 250 : i32
      %lt3A_217 = arith.cmpi slt, %add3A_215, %lt3A_216 : i32
      %convert_element_type3A_218 = arith.extui %lt3A_217 : i1 to i32
      %cond3A_219 = arith.constant 0 : i32
      %cond3A_220 = arith.cmpi ne, %convert_element_type3A_218, %cond3A_219 : i32
      scf.if %cond3A_220 {
        %mul3A_497 = arith.constant 40 : i32
        %mul3A_498 = arith.muli %add3A_215, %mul3A_497 : i32
        %dma_wait3A = arith.constant 0 : i32
        %dma_wait3A_499 = tpu.memref_slice %arg13[%mul3A_498, %dma_wait3A] : memref<10001x128xf32, #tpu.memory_space<vmem_shared>> -> memref<40x128xf32, #tpu.memory_space<vmem_shared>>
        %dma_wait3A_500 = arith.constant 0 : i32
        %dma_wait3A_501 = tpu.memref_slice %arg13[%mul3A_498, %dma_wait3A_500] : memref<10001x128xf32, #tpu.memory_space<vmem_shared>> -> memref<40x128xf32, #tpu.memory_space<vmem_shared>>
        tpu.wait_dma2 semaphore(%arg14 : memref<!tpu.dma_semaphore, #tpu.memory_space<semaphore_mem>>) src(%arg12 : memref<40x128xf32, #tpu.memory_space<vmem>>) dst(%dma_wait3A_501 : memref<40x128xf32, #tpu.memory_space<vmem_shared>>)
      } else {
      }
      %add3A_221 = arith.constant 208 : i32
      %add3A_222 = arith.addi %arg1, %add3A_221 : i32
      %lt3A_223 = arith.constant 250 : i32
      %lt3A_224 = arith.cmpi slt, %add3A_222, %lt3A_223 : i32
      %convert_element_type3A_225 = arith.extui %lt3A_224 : i1 to i32
      %cond3A_226 = arith.constant 0 : i32
      %cond3A_227 = arith.cmpi ne, %convert_element_type3A_225, %cond3A_226 : i32
      scf.if %cond3A_227 {
        %mul3A_497 = arith.constant 40 : i32
        %mul3A_498 = arith.muli %add3A_222, %mul3A_497 : i32
        %dma_wait3A = arith.constant 0 : i32
        %dma_wait3A_499 = tpu.memref_slice %arg13[%mul3A_498, %dma_wait3A] : memref<10001x128xf32, #tpu.memory_space<vmem_shared>> -> memref<40x128xf32, #tpu.memory_space<vmem_shared>>
        %dma_wait3A_500 = arith.constant 0 : i32
        %dma_wait3A_501 = tpu.memref_slice %arg13[%mul3A_498, %dma_wait3A_500] : memref<10001x128xf32, #tpu.memory_space<vmem_shared>> -> memref<40x128xf32, #tpu.memory_space<vmem_shared>>
        tpu.wait_dma2 semaphore(%arg14 : memref<!tpu.dma_semaphore, #tpu.memory_space<semaphore_mem>>) src(%arg12 : memref<40x128xf32, #tpu.memory_space<vmem>>) dst(%dma_wait3A_501 : memref<40x128xf32, #tpu.memory_space<vmem_shared>>)
      } else {
      }
      %add3A_228 = arith.constant 224 : i32
      %add3A_229 = arith.addi %arg1, %add3A_228 : i32
      %lt3A_230 = arith.constant 250 : i32
      %lt3A_231 = arith.cmpi slt, %add3A_229, %lt3A_230 : i32
      %convert_element_type3A_232 = arith.extui %lt3A_231 : i1 to i32
      %cond3A_233 = arith.constant 0 : i32
      %cond3A_234 = arith.cmpi ne, %convert_element_type3A_232, %cond3A_233 : i32
      scf.if %cond3A_234 {
        %mul3A_497 = arith.constant 40 : i32
        %mul3A_498 = arith.muli %add3A_229, %mul3A_497 : i32
        %dma_wait3A = arith.constant 0 : i32
        %dma_wait3A_499 = tpu.memref_slice %arg13[%mul3A_498, %dma_wait3A] : memref<10001x128xf32, #tpu.memory_space<vmem_shared>> -> memref<40x128xf32, #tpu.memory_space<vmem_shared>>
        %dma_wait3A_500 = arith.constant 0 : i32
        %dma_wait3A_501 = tpu.memref_slice %arg13[%mul3A_498, %dma_wait3A_500] : memref<10001x128xf32, #tpu.memory_space<vmem_shared>> -> memref<40x128xf32, #tpu.memory_space<vmem_shared>>
        tpu.wait_dma2 semaphore(%arg14 : memref<!tpu.dma_semaphore, #tpu.memory_space<semaphore_mem>>) src(%arg12 : memref<40x128xf32, #tpu.memory_space<vmem>>) dst(%dma_wait3A_501 : memref<40x128xf32, #tpu.memory_space<vmem_shared>>)
      } else {
      }
      %add3A_235 = arith.constant 240 : i32
      %add3A_236 = arith.addi %arg1, %add3A_235 : i32
      %lt3A_237 = arith.constant 250 : i32
      %lt3A_238 = arith.cmpi slt, %add3A_236, %lt3A_237 : i32
      %convert_element_type3A_239 = arith.extui %lt3A_238 : i1 to i32
      %cond3A_240 = arith.constant 0 : i32
      %cond3A_241 = arith.cmpi ne, %convert_element_type3A_239, %cond3A_240 : i32
      scf.if %cond3A_241 {
        %mul3A_497 = arith.constant 40 : i32
        %mul3A_498 = arith.muli %add3A_236, %mul3A_497 : i32
        %dma_wait3A = arith.constant 0 : i32
        %dma_wait3A_499 = tpu.memref_slice %arg13[%mul3A_498, %dma_wait3A] : memref<10001x128xf32, #tpu.memory_space<vmem_shared>> -> memref<40x128xf32, #tpu.memory_space<vmem_shared>>
        %dma_wait3A_500 = arith.constant 0 : i32
        %dma_wait3A_501 = tpu.memref_slice %arg13[%mul3A_498, %dma_wait3A_500] : memref<10001x128xf32, #tpu.memory_space<vmem_shared>> -> memref<40x128xf32, #tpu.memory_space<vmem_shared>>
        tpu.wait_dma2 semaphore(%arg14 : memref<!tpu.dma_semaphore, #tpu.memory_space<semaphore_mem>>) src(%arg12 : memref<40x128xf32, #tpu.memory_space<vmem>>) dst(%dma_wait3A_501 : memref<40x128xf32, #tpu.memory_space<vmem_shared>>)
      } else {
      }
      %barrier3A = arith.constant 0 : index
      tpu.barrier barrier_id(%barrier3A)
      %add3A_242 = arith.constant 0 : i32
      %add3A_243 = arith.addi %mul3A_6, %add3A_242 : i32
      %dma_start3A = arith.constant 0 : i32
      %dma_start3A_244 = arith.constant 0 : i32
      %dma_start3A_245 = tpu.memref_slice %arg6[%dma_start3A, %dma_start3A_244] : memref<2x1280xi32, #tpu.memory_space<vmem>> -> memref<1x1280xi32, #tpu.memory_space<vmem>>
      %dma_start3A_246 = tpu.memref_squeeze %dma_start3A_245 : memref<1x1280xi32, #tpu.memory_space<vmem>> -> memref<1280xi32, #tpu.memory_space<vmem>>
      %dma_start3A_247 = tpu.memref_slice %arg3[%add3A_243] : memref<2560000xi32, #tpu.memory_space<hbm>> -> memref<1280xi32, #tpu.memory_space<hbm>>
      %dma_start3A_248 = arith.constant 0 : i32
      %dma_start3A_249 = tpu.memref_slice %arg6[%dma_start3A, %dma_start3A_248] : memref<2x1280xi32, #tpu.memory_space<vmem>> -> memref<1x1280xi32, #tpu.memory_space<vmem>>
      %dma_start3A_250 = tpu.memref_squeeze %dma_start3A_249 : memref<1x1280xi32, #tpu.memory_space<vmem>> -> memref<1280xi32, #tpu.memory_space<vmem>>
      %dma_start3A_251 = tpu.memref_slice %arg3[%add3A_243] : memref<2560000xi32, #tpu.memory_space<hbm>> -> memref<1280xi32, #tpu.memory_space<hbm>>
      tpu.enqueue_dma source(%dma_start3A_251 : memref<1280xi32, #tpu.memory_space<hbm>>) target(%dma_start3A_250 : memref<1280xi32, #tpu.memory_space<vmem>>) target_semaphore(%arg14 : memref<!tpu.dma_semaphore, #tpu.memory_space<semaphore_mem>>)
      %dma_start3A_252 = arith.constant 0 : i32
      %dma_start3A_253 = arith.constant 0 : i32
      %dma_start3A_254 = tpu.memref_slice %arg7[%dma_start3A_252, %dma_start3A_253] : memref<2x1280xi32, #tpu.memory_space<vmem>> -> memref<1x1280xi32, #tpu.memory_space<vmem>>
      %dma_start3A_255 = tpu.memref_squeeze %dma_start3A_254 : memref<1x1280xi32, #tpu.memory_space<vmem>> -> memref<1280xi32, #tpu.memory_space<vmem>>
      %dma_start3A_256 = tpu.memref_slice %arg4[%add3A_243] : memref<2560000xi32, #tpu.memory_space<hbm>> -> memref<1280xi32, #tpu.memory_space<hbm>>
      %dma_start3A_257 = arith.constant 0 : i32
      %dma_start3A_258 = tpu.memref_slice %arg7[%dma_start3A_252, %dma_start3A_257] : memref<2x1280xi32, #tpu.memory_space<vmem>> -> memref<1x1280xi32, #tpu.memory_space<vmem>>
      %dma_start3A_259 = tpu.memref_squeeze %dma_start3A_258 : memref<1x1280xi32, #tpu.memory_space<vmem>> -> memref<1280xi32, #tpu.memory_space<vmem>>
      %dma_start3A_260 = tpu.memref_slice %arg4[%add3A_243] : memref<2560000xi32, #tpu.memory_space<hbm>> -> memref<1280xi32, #tpu.memory_space<hbm>>
      tpu.enqueue_dma source(%dma_start3A_260 : memref<1280xi32, #tpu.memory_space<hbm>>) target(%dma_start3A_259 : memref<1280xi32, #tpu.memory_space<vmem>>) target_semaphore(%arg14 : memref<!tpu.dma_semaphore, #tpu.memory_space<semaphore_mem>>)
      %scan3A_261 = arith.constant 0 : i32
      %scan3A_262 = arith.constant 0 : i32
      %scan3A_263 = arith.constant 125 : i32
      %scan3A_264 = arith.addi %scan3A_262, %scan3A_263 : i32
      %scan3A_265 = arith.constant 1 : i32
      %scan3A_266 = scf.for %scan3A_497 = %scan3A_262 to %scan3A_264 step %scan3A_265 iter_args(%scan3A_498 = %scan3A_261) -> (i32)  : i32 {
        %rem3A = arith.constant 2 : i32
        %rem3A_499 = arith.remsi %scan3A_497, %rem3A : i32
        %dma_wait3A = arith.constant 0 : i32
        %dma_wait3A_500 = tpu.memref_slice %arg6[%rem3A_499, %dma_wait3A] : memref<2x1280xi32, #tpu.memory_space<vmem>> -> memref<1x1280xi32, #tpu.memory_space<vmem>>
        %dma_wait3A_501 = tpu.memref_squeeze %dma_wait3A_500 : memref<1x1280xi32, #tpu.memory_space<vmem>> -> memref<1280xi32, #tpu.memory_space<vmem>>
        %dma_wait3A_502 = arith.constant 0 : i32
        %dma_wait3A_503 = tpu.memref_slice %arg3[%dma_wait3A_502] : memref<2560000xi32, #tpu.memory_space<hbm>> -> memref<1280xi32, #tpu.memory_space<hbm>>
        %dma_wait3A_504 = arith.constant 0 : i32
        %dma_wait3A_505 = tpu.memref_slice %arg6[%rem3A_499, %dma_wait3A_504] : memref<2x1280xi32, #tpu.memory_space<vmem>> -> memref<1x1280xi32, #tpu.memory_space<vmem>>
        %dma_wait3A_506 = tpu.memref_squeeze %dma_wait3A_505 : memref<1x1280xi32, #tpu.memory_space<vmem>> -> memref<1280xi32, #tpu.memory_space<vmem>>
        %dma_wait3A_507 = arith.constant 0 : i32
        %dma_wait3A_508 = tpu.memref_slice %arg3[%dma_wait3A_507] : memref<2560000xi32, #tpu.memory_space<hbm>> -> memref<1280xi32, #tpu.memory_space<hbm>>
        tpu.wait_dma2 semaphore(%arg14 : memref<!tpu.dma_semaphore, #tpu.memory_space<semaphore_mem>>) src(%dma_wait3A_508 : memref<1280xi32, #tpu.memory_space<hbm>>) dst(%dma_wait3A_506 : memref<1280xi32, #tpu.memory_space<vmem>>)
        %dma_wait3A_509 = arith.constant 0 : i32
        %dma_wait3A_510 = tpu.memref_slice %arg7[%rem3A_499, %dma_wait3A_509] : memref<2x1280xi32, #tpu.memory_space<vmem>> -> memref<1x1280xi32, #tpu.memory_space<vmem>>
        %dma_wait3A_511 = tpu.memref_squeeze %dma_wait3A_510 : memref<1x1280xi32, #tpu.memory_space<vmem>> -> memref<1280xi32, #tpu.memory_space<vmem>>
        %dma_wait3A_512 = arith.constant 0 : i32
        %dma_wait3A_513 = tpu.memref_slice %arg4[%dma_wait3A_512] : memref<2560000xi32, #tpu.memory_space<hbm>> -> memref<1280xi32, #tpu.memory_space<hbm>>
        %dma_wait3A_514 = arith.constant 0 : i32
        %dma_wait3A_515 = tpu.memref_slice %arg7[%rem3A_499, %dma_wait3A_514] : memref<2x1280xi32, #tpu.memory_space<vmem>> -> memref<1x1280xi32, #tpu.memory_space<vmem>>
        %dma_wait3A_516 = tpu.memref_squeeze %dma_wait3A_515 : memref<1x1280xi32, #tpu.memory_space<vmem>> -> memref<1280xi32, #tpu.memory_space<vmem>>
        %dma_wait3A_517 = arith.constant 0 : i32
        %dma_wait3A_518 = tpu.memref_slice %arg4[%dma_wait3A_517] : memref<2560000xi32, #tpu.memory_space<hbm>> -> memref<1280xi32, #tpu.memory_space<hbm>>
        tpu.wait_dma2 semaphore(%arg14 : memref<!tpu.dma_semaphore, #tpu.memory_space<semaphore_mem>>) src(%dma_wait3A_518 : memref<1280xi32, #tpu.memory_space<hbm>>) dst(%dma_wait3A_516 : memref<1280xi32, #tpu.memory_space<vmem>>)
        %add3A_519 = arith.constant 1 : i32
        %add3A_520 = arith.addi %scan3A_497, %add3A_519 : i32
        %lt3A_521 = arith.constant 125 : i32
        %lt3A_522 = arith.cmpi slt, %add3A_520, %lt3A_521 : i32
        %convert_element_type3A_523 = arith.extui %lt3A_522 : i1 to i32
        %cond3A_524 = arith.constant 0 : i32
        %cond3A_525 = arith.cmpi ne, %convert_element_type3A_523, %cond3A_524 : i32
        scf.if %cond3A_525 {
          %add3A_566 = arith.constant 1 : i32
          %add3A_567 = arith.addi %scan3A_497, %add3A_566 : i32
          %sub3A_568 = arith.constant 1 : i32
          %sub3A_569 = arith.subi %sub3A_568, %rem3A_499 : i32
          %mul3A_570 = arith.constant 1280 : i32
          %mul3A_571 = arith.muli %add3A_567, %mul3A_570 : i32
          %add3A_572 = arith.addi %mul3A_6, %mul3A_571 : i32
          %dma_start3A_573 = arith.constant 0 : i32
          %dma_start3A_574 = tpu.memref_slice %arg6[%sub3A_569, %dma_start3A_573] : memref<2x1280xi32, #tpu.memory_space<vmem>> -> memref<1x1280xi32, #tpu.memory_space<vmem>>
          %dma_start3A_575 = tpu.memref_squeeze %dma_start3A_574 : memref<1x1280xi32, #tpu.memory_space<vmem>> -> memref<1280xi32, #tpu.memory_space<vmem>>
          %dma_start3A_576 = tpu.memref_slice %arg3[%add3A_572] : memref<2560000xi32, #tpu.memory_space<hbm>> -> memref<1280xi32, #tpu.memory_space<hbm>>
          %dma_start3A_577 = arith.constant 0 : i32
          %dma_start3A_578 = tpu.memref_slice %arg6[%sub3A_569, %dma_start3A_577] : memref<2x1280xi32, #tpu.memory_space<vmem>> -> memref<1x1280xi32, #tpu.memory_space<vmem>>
          %dma_start3A_579 = tpu.memref_squeeze %dma_start3A_578 : memref<1x1280xi32, #tpu.memory_space<vmem>> -> memref<1280xi32, #tpu.memory_space<vmem>>
          %dma_start3A_580 = tpu.memref_slice %arg3[%add3A_572] : memref<2560000xi32, #tpu.memory_space<hbm>> -> memref<1280xi32, #tpu.memory_space<hbm>>
          tpu.enqueue_dma source(%dma_start3A_580 : memref<1280xi32, #tpu.memory_space<hbm>>) target(%dma_start3A_579 : memref<1280xi32, #tpu.memory_space<vmem>>) target_semaphore(%arg14 : memref<!tpu.dma_semaphore, #tpu.memory_space<semaphore_mem>>)
          %dma_start3A_581 = arith.constant 0 : i32
          %dma_start3A_582 = tpu.memref_slice %arg7[%sub3A_569, %dma_start3A_581] : memref<2x1280xi32, #tpu.memory_space<vmem>> -> memref<1x1280xi32, #tpu.memory_space<vmem>>
          %dma_start3A_583 = tpu.memref_squeeze %dma_start3A_582 : memref<1x1280xi32, #tpu.memory_space<vmem>> -> memref<1280xi32, #tpu.memory_space<vmem>>
          %dma_start3A_584 = tpu.memref_slice %arg4[%add3A_572] : memref<2560000xi32, #tpu.memory_space<hbm>> -> memref<1280xi32, #tpu.memory_space<hbm>>
          %dma_start3A_585 = arith.constant 0 : i32
          %dma_start3A_586 = tpu.memref_slice %arg7[%sub3A_569, %dma_start3A_585] : memref<2x1280xi32, #tpu.memory_space<vmem>> -> memref<1x1280xi32, #tpu.memory_space<vmem>>
          %dma_start3A_587 = tpu.memref_squeeze %dma_start3A_586 : memref<1x1280xi32, #tpu.memory_space<vmem>> -> memref<1280xi32, #tpu.memory_space<vmem>>
          %dma_start3A_588 = tpu.memref_slice %arg4[%add3A_572] : memref<2560000xi32, #tpu.memory_space<hbm>> -> memref<1280xi32, #tpu.memory_space<hbm>>
          tpu.enqueue_dma source(%dma_start3A_588 : memref<1280xi32, #tpu.memory_space<hbm>>) target(%dma_start3A_587 : memref<1280xi32, #tpu.memory_space<vmem>>) target_semaphore(%arg14 : memref<!tpu.dma_semaphore, #tpu.memory_space<semaphore_mem>>)
        } else {
        }
        %scan3A_526 = arith.constant 0 : i32
        %scan3A_527 = arith.constant 10 : i32
        %scan3A_528 = arith.addi %scan3A_526, %scan3A_527 : i32
        %scan3A_529 = arith.constant 1 : i32
        %scan3A_530 = scf.for %scan3A_566 = %scan3A_526 to %scan3A_528 step %scan3A_529 iter_args(%scan3A_567 = %scan3A_498) -> (i32)  : i32 {
          %mul3A_568 = arith.constant 8 : i32
          %mul3A_569 = arith.muli %scan3A_566, %mul3A_568 : i32
          %mul3A_570 = arith.constant 16 : i32
          %mul3A_571 = arith.muli %mul3A_569, %mul3A_570 : i32
          %add3A_572 = arith.constant 0 : i32
          %add3A_573 = arith.addi %mul3A_571, %add3A_572 : i32
          %get3A = arith.index_cast %rem3A_499 : i32 to index
          %get3A_574 = arith.index_cast %add3A_573 : i32 to index
          %get3A_575 = tpu.vector_load %arg7[%get3A, %get3A_574] {strides = array<i32>} : memref<2x1280xi32, #tpu.memory_space<vmem>>, vector<16xi32>,
          %mul3A_576 = arith.constant 8 : i32
          %mul3A_577 = arith.muli %scan3A_566, %mul3A_576 : i32
          %mul3A_578 = arith.constant 16 : i32
          %mul3A_579 = arith.muli %mul3A_577, %mul3A_578 : i32
          %add3A_580 = arith.constant 16 : i32
          %add3A_581 = arith.addi %mul3A_579, %add3A_580 : i32
          %get3A_582 = arith.index_cast %rem3A_499 : i32 to index
          %get3A_583 = arith.index_cast %add3A_581 : i32 to index
          %get3A_584 = tpu.vector_load %arg7[%get3A_582, %get3A_583] {strides = array<i32>} : memref<2x1280xi32, #tpu.memory_space<vmem>>, vector<16xi32>,
          %mul3A_585 = arith.constant 8 : i32
          %mul3A_586 = arith.muli %scan3A_566, %mul3A_585 : i32
          %mul3A_587 = arith.constant 16 : i32
          %mul3A_588 = arith.muli %mul3A_586, %mul3A_587 : i32
          %add3A_589 = arith.constant 32 : i32
          %add3A_590 = arith.addi %mul3A_588, %add3A_589 : i32
          %get3A_591 = arith.index_cast %rem3A_499 : i32 to index
          %get3A_592 = arith.index_cast %add3A_590 : i32 to index
          %get3A_593 = tpu.vector_load %arg7[%get3A_591, %get3A_592] {strides = array<i32>} : memref<2x1280xi32, #tpu.memory_space<vmem>>, vector<16xi32>,
          %mul3A_594 = arith.constant 8 : i32
          %mul3A_595 = arith.muli %scan3A_566, %mul3A_594 : i32
          %mul3A_596 = arith.constant 16 : i32
          %mul3A_597 = arith.muli %mul3A_595, %mul3A_596 : i32
          %add3A_598 = arith.constant 48 : i32
          %add3A_599 = arith.addi %mul3A_597, %add3A_598 : i32
          %get3A_600 = arith.index_cast %rem3A_499 : i32 to index
          %get3A_601 = arith.index_cast %add3A_599 : i32 to index
          %get3A_602 = tpu.vector_load %arg7[%get3A_600, %get3A_601] {strides = array<i32>} : memref<2x1280xi32, #tpu.memory_space<vmem>>, vector<16xi32>,
          %mul3A_603 = arith.constant 8 : i32
          %mul3A_604 = arith.muli %scan3A_566, %mul3A_603 : i32
          %mul3A_605 = arith.constant 16 : i32
          %mul3A_606 = arith.muli %mul3A_604, %mul3A_605 : i32
          %add3A_607 = arith.constant 64 : i32
          %add3A_608 = arith.addi %mul3A_606, %add3A_607 : i32
          %get3A_609 = arith.index_cast %rem3A_499 : i32 to index
          %get3A_610 = arith.index_cast %add3A_608 : i32 to index
          %get3A_611 = tpu.vector_load %arg7[%get3A_609, %get3A_610] {strides = array<i32>} : memref<2x1280xi32, #tpu.memory_space<vmem>>, vector<16xi32>,
          %mul3A_612 = arith.constant 8 : i32
          %mul3A_613 = arith.muli %scan3A_566, %mul3A_612 : i32
          %mul3A_614 = arith.constant 16 : i32
          %mul3A_615 = arith.muli %mul3A_613, %mul3A_614 : i32
          %add3A_616 = arith.constant 80 : i32
          %add3A_617 = arith.addi %mul3A_615, %add3A_616 : i32
          %get3A_618 = arith.index_cast %rem3A_499 : i32 to index
          %get3A_619 = arith.index_cast %add3A_617 : i32 to index
          %get3A_620 = tpu.vector_load %arg7[%get3A_618, %get3A_619] {strides = array<i32>} : memref<2x1280xi32, #tpu.memory_space<vmem>>, vector<16xi32>,
          %mul3A_621 = arith.constant 8 : i32
          %mul3A_622 = arith.muli %scan3A_566, %mul3A_621 : i32
          %mul3A_623 = arith.constant 16 : i32
          %mul3A_624 = arith.muli %mul3A_622, %mul3A_623 : i32
          %add3A_625 = arith.constant 96 : i32
          %add3A_626 = arith.addi %mul3A_624, %add3A_625 : i32
          %get3A_627 = arith.index_cast %rem3A_499 : i32 to index
          %get3A_628 = arith.index_cast %add3A_626 : i32 to index
          %get3A_629 = tpu.vector_load %arg7[%get3A_627, %get3A_628] {strides = array<i32>} : memref<2x1280xi32, #tpu.memory_space<vmem>>, vector<16xi32>,
          %mul3A_630 = arith.constant 8 : i32
          %mul3A_631 = arith.muli %scan3A_566, %mul3A_630 : i32
          %mul3A_632 = arith.constant 16 : i32
          %mul3A_633 = arith.muli %mul3A_631, %mul3A_632 : i32
          %add3A_634 = arith.constant 112 : i32
          %add3A_635 = arith.addi %mul3A_633, %add3A_634 : i32
          %get3A_636 = arith.index_cast %rem3A_499 : i32 to index
          %get3A_637 = arith.index_cast %add3A_635 : i32 to index
          %get3A_638 = tpu.vector_load %arg7[%get3A_636, %get3A_637] {strides = array<i32>} : memref<2x1280xi32, #tpu.memory_space<vmem>>, vector<16xi32>,
          %mul3A_639 = arith.constant 8 : i32
          %mul3A_640 = arith.muli %scan3A_566, %mul3A_639 : i32
          %mul3A_641 = arith.constant 16 : i32
          %mul3A_642 = arith.muli %mul3A_640, %mul3A_641 : i32
          %add3A_643 = arith.constant 0 : i32
          %add3A_644 = arith.addi %mul3A_642, %add3A_643 : i32
          %get3A_645 = arith.index_cast %rem3A_499 : i32 to index
          %get3A_646 = arith.index_cast %add3A_644 : i32 to index
          %get3A_647 = tpu.vector_load %arg6[%get3A_645, %get3A_646] {strides = array<i32>} : memref<2x1280xi32, #tpu.memory_space<vmem>>, vector<16xi32>,
          %mul3A_648 = arith.constant 8 : i32
          %mul3A_649 = arith.muli %scan3A_566, %mul3A_648 : i32
          %mul3A_650 = arith.constant 16 : i32
          %mul3A_651 = arith.muli %mul3A_649, %mul3A_650 : i32
          %add3A_652 = arith.constant 16 : i32
          %add3A_653 = arith.addi %mul3A_651, %add3A_652 : i32
          %get3A_654 = arith.index_cast %rem3A_499 : i32 to index
          %get3A_655 = arith.index_cast %add3A_653 : i32 to index
          %get3A_656 = tpu.vector_load %arg6[%get3A_654, %get3A_655] {strides = array<i32>} : memref<2x1280xi32, #tpu.memory_space<vmem>>, vector<16xi32>,
          %mul3A_657 = arith.constant 8 : i32
          %mul3A_658 = arith.muli %scan3A_566, %mul3A_657 : i32
          %mul3A_659 = arith.constant 16 : i32
          %mul3A_660 = arith.muli %mul3A_658, %mul3A_659 : i32
          %add3A_661 = arith.constant 32 : i32
          %add3A_662 = arith.addi %mul3A_660, %add3A_661 : i32
          %get3A_663 = arith.index_cast %rem3A_499 : i32 to index
          %get3A_664 = arith.index_cast %add3A_662 : i32 to index
          %get3A_665 = tpu.vector_load %arg6[%get3A_663, %get3A_664] {strides = array<i32>} : memref<2x1280xi32, #tpu.memory_space<vmem>>, vector<16xi32>,
          %mul3A_666 = arith.constant 8 : i32
          %mul3A_667 = arith.muli %scan3A_566, %mul3A_666 : i32
          %mul3A_668 = arith.constant 16 : i32
          %mul3A_669 = arith.muli %mul3A_667, %mul3A_668 : i32
          %add3A_670 = arith.constant 48 : i32
          %add3A_671 = arith.addi %mul3A_669, %add3A_670 : i32
          %get3A_672 = arith.index_cast %rem3A_499 : i32 to index
          %get3A_673 = arith.index_cast %add3A_671 : i32 to index
          %get3A_674 = tpu.vector_load %arg6[%get3A_672, %get3A_673] {strides = array<i32>} : memref<2x1280xi32, #tpu.memory_space<vmem>>, vector<16xi32>,
          %mul3A_675 = arith.constant 8 : i32
          %mul3A_676 = arith.muli %scan3A_566, %mul3A_675 : i32
          %mul3A_677 = arith.constant 16 : i32
          %mul3A_678 = arith.muli %mul3A_676, %mul3A_677 : i32
          %add3A_679 = arith.constant 64 : i32
          %add3A_680 = arith.addi %mul3A_678, %add3A_679 : i32
          %get3A_681 = arith.index_cast %rem3A_499 : i32 to index
          %get3A_682 = arith.index_cast %add3A_680 : i32 to index
          %get3A_683 = tpu.vector_load %arg6[%get3A_681, %get3A_682] {strides = array<i32>} : memref<2x1280xi32, #tpu.memory_space<vmem>>, vector<16xi32>,
          %mul3A_684 = arith.constant 8 : i32
          %mul3A_685 = arith.muli %scan3A_566, %mul3A_684 : i32
          %mul3A_686 = arith.constant 16 : i32
          %mul3A_687 = arith.muli %mul3A_685, %mul3A_686 : i32
          %add3A_688 = arith.constant 80 : i32
          %add3A_689 = arith.addi %mul3A_687, %add3A_688 : i32
          %get3A_690 = arith.index_cast %rem3A_499 : i32 to index
          %get3A_691 = arith.index_cast %add3A_689 : i32 to index
          %get3A_692 = tpu.vector_load %arg6[%get3A_690, %get3A_691] {strides = array<i32>} : memref<2x1280xi32, #tpu.memory_space<vmem>>, vector<16xi32>,
          %mul3A_693 = arith.constant 8 : i32
          %mul3A_694 = arith.muli %scan3A_566, %mul3A_693 : i32
          %mul3A_695 = arith.constant 16 : i32
          %mul3A_696 = arith.muli %mul3A_694, %mul3A_695 : i32
          %add3A_697 = arith.constant 96 : i32
          %add3A_698 = arith.addi %mul3A_696, %add3A_697 : i32
          %get3A_699 = arith.index_cast %rem3A_499 : i32 to index
          %get3A_700 = arith.index_cast %add3A_698 : i32 to index
          %get3A_701 = tpu.vector_load %arg6[%get3A_699, %get3A_700] {strides = array<i32>} : memref<2x1280xi32, #tpu.memory_space<vmem>>, vector<16xi32>,
          %mul3A_702 = arith.constant 8 : i32
          %mul3A_703 = arith.muli %scan3A_566, %mul3A_702 : i32
          %mul3A_704 = arith.constant 16 : i32
          %mul3A_705 = arith.muli %mul3A_703, %mul3A_704 : i32
          %add3A_706 = arith.constant 112 : i32
          %add3A_707 = arith.addi %mul3A_705, %add3A_706 : i32
          %get3A_708 = arith.index_cast %rem3A_499 : i32 to index
          %get3A_709 = arith.index_cast %add3A_707 : i32 to index
          %get3A_710 = tpu.vector_load %arg6[%get3A_708, %get3A_709] {strides = array<i32>} : memref<2x1280xi32, #tpu.memory_space<vmem>>, vector<16xi32>,
          %sub3A_711 = arith.subi %get3A_575, %broadcast_in_dim3A_18 : vector<16xi32>
          %sub3A_712 = arith.subi %get3A_584, %broadcast_in_dim3A_18 : vector<16xi32>
          %sub3A_713 = arith.subi %get3A_593, %broadcast_in_dim3A_18 : vector<16xi32>
          %sub3A_714 = arith.subi %get3A_602, %broadcast_in_dim3A_18 : vector<16xi32>
          %sub3A_715 = arith.subi %get3A_611, %broadcast_in_dim3A_18 : vector<16xi32>
          %sub3A_716 = arith.subi %get3A_620, %broadcast_in_dim3A_18 : vector<16xi32>
          %sub3A_717 = arith.subi %get3A_629, %broadcast_in_dim3A_18 : vector<16xi32>
          %sub3A_718 = arith.subi %get3A_638, %broadcast_in_dim3A_18 : vector<16xi32>
          %lt3A_719 = arith.cmpi ult, %sub3A_711, %broadcast_in_dim3A_20 : vector<16xi32>
          %lt3A_720 = arith.cmpi ult, %sub3A_712, %broadcast_in_dim3A_20 : vector<16xi32>
          %lt3A_721 = arith.cmpi ult, %sub3A_713, %broadcast_in_dim3A_20 : vector<16xi32>
          %lt3A_722 = arith.cmpi ult, %sub3A_714, %broadcast_in_dim3A_20 : vector<16xi32>
          %lt3A_723 = arith.cmpi ult, %sub3A_715, %broadcast_in_dim3A_20 : vector<16xi32>
          %lt3A_724 = arith.cmpi ult, %sub3A_716, %broadcast_in_dim3A_20 : vector<16xi32>
          %lt3A_725 = arith.cmpi ult, %sub3A_717, %broadcast_in_dim3A_20 : vector<16xi32>
          %lt3A_726 = arith.cmpi ult, %sub3A_718, %broadcast_in_dim3A_20 : vector<16xi32>
          %convert_element_type3A_727 = arith.extui %lt3A_719 : vector<16xi1> to vector<16xi32>
          %broadcast_in_dim3A_728 = arith.constant true
          %broadcast_in_dim3A_729 = vector.broadcast %broadcast_in_dim3A_728 : i1 to vector<16xi1>
          %masked_cumsum3A = tpu.scan <sum>, %convert_element_type3A_727 masked %broadcast_in_dim3A_729 : vector<16xi32>, vector<16xi1> -> vector<16xi32>
          %convert_element_type3A_730 = arith.extui %lt3A_720 : vector<16xi1> to vector<16xi32>
          %broadcast_in_dim3A_731 = arith.constant true
          %broadcast_in_dim3A_732 = vector.broadcast %broadcast_in_dim3A_731 : i1 to vector<16xi1>
          %masked_cumsum3A_733 = tpu.scan <sum>, %convert_element_type3A_730 masked %broadcast_in_dim3A_732 : vector<16xi32>, vector<16xi1> -> vector<16xi32>
          %convert_element_type3A_734 = arith.extui %lt3A_721 : vector<16xi1> to vector<16xi32>
          %broadcast_in_dim3A_735 = arith.constant true
          %broadcast_in_dim3A_736 = vector.broadcast %broadcast_in_dim3A_735 : i1 to vector<16xi1>
          %masked_cumsum3A_737 = tpu.scan <sum>, %convert_element_type3A_734 masked %broadcast_in_dim3A_736 : vector<16xi32>, vector<16xi1> -> vector<16xi32>
          %convert_element_type3A_738 = arith.extui %lt3A_722 : vector<16xi1> to vector<16xi32>
          %broadcast_in_dim3A_739 = arith.constant true
          %broadcast_in_dim3A_740 = vector.broadcast %broadcast_in_dim3A_739 : i1 to vector<16xi1>
          %masked_cumsum3A_741 = tpu.scan <sum>, %convert_element_type3A_738 masked %broadcast_in_dim3A_740 : vector<16xi32>, vector<16xi1> -> vector<16xi32>
          %convert_element_type3A_742 = arith.extui %lt3A_723 : vector<16xi1> to vector<16xi32>
          %broadcast_in_dim3A_743 = arith.constant true
          %broadcast_in_dim3A_744 = vector.broadcast %broadcast_in_dim3A_743 : i1 to vector<16xi1>
          %masked_cumsum3A_745 = tpu.scan <sum>, %convert_element_type3A_742 masked %broadcast_in_dim3A_744 : vector<16xi32>, vector<16xi1> -> vector<16xi32>
          %convert_element_type3A_746 = arith.extui %lt3A_724 : vector<16xi1> to vector<16xi32>
          %broadcast_in_dim3A_747 = arith.constant true
          %broadcast_in_dim3A_748 = vector.broadcast %broadcast_in_dim3A_747 : i1 to vector<16xi1>
          %masked_cumsum3A_749 = tpu.scan <sum>, %convert_element_type3A_746 masked %broadcast_in_dim3A_748 : vector<16xi32>, vector<16xi1> -> vector<16xi32>
          %convert_element_type3A_750 = arith.extui %lt3A_725 : vector<16xi1> to vector<16xi32>
          %broadcast_in_dim3A_751 = arith.constant true
          %broadcast_in_dim3A_752 = vector.broadcast %broadcast_in_dim3A_751 : i1 to vector<16xi1>
          %masked_cumsum3A_753 = tpu.scan <sum>, %convert_element_type3A_750 masked %broadcast_in_dim3A_752 : vector<16xi32>, vector<16xi1> -> vector<16xi32>
          %convert_element_type3A_754 = arith.extui %lt3A_726 : vector<16xi1> to vector<16xi32>
          %broadcast_in_dim3A_755 = arith.constant true
          %broadcast_in_dim3A_756 = vector.broadcast %broadcast_in_dim3A_755 : i1 to vector<16xi1>
          %masked_cumsum3A_757 = tpu.scan <sum>, %convert_element_type3A_754 masked %broadcast_in_dim3A_756 : vector<16xi32>, vector<16xi1> -> vector<16xi32>
          %sub3A_758 = arith.constant 1 : i32
          %sub3A_759 = arith.subi %scan3A_567, %sub3A_758 : i32
          %broadcast_in_dim3A_760 = vector.broadcast %sub3A_759 : i32 to vector<16xi32>
          %add3A_761 = arith.addi %masked_cumsum3A, %broadcast_in_dim3A_760 : vector<16xi32>
          tpu.vector_store_idx %arg8[%add3A_761], %get3A_647 masked %lt3A_719 : memref<1792xi32, #tpu.memory_space<vmem>>[vector<16xi32>], vector<16xi32>, vector<16xi1>
          tpu.vector_store_idx %arg9[%add3A_761], %sub3A_711 masked %lt3A_719 : memref<1792xi32, #tpu.memory_space<vmem>>[vector<16xi32>], vector<16xi32>, vector<16xi1>
          %slice3A = vector.extract_strided_slice %masked_cumsum3A {offsets = [15], sizes = [1], strides = [1]} : vector<16xi32> to vector<1xi32>
          %squeeze3A = vector.extract %slice3A[0] : i32 from vector<1xi32>
          %add3A_762 = arith.addi %sub3A_759, %squeeze3A : i32
          %broadcast_in_dim3A_763 = vector.broadcast %add3A_762 : i32 to vector<16xi32>
          %add3A_764 = arith.addi %masked_cumsum3A_733, %broadcast_in_dim3A_763 : vector<16xi32>
          tpu.vector_store_idx %arg8[%add3A_764], %get3A_656 masked %lt3A_720 : memref<1792xi32, #tpu.memory_space<vmem>>[vector<16xi32>], vector<16xi32>, vector<16xi1>
          tpu.vector_store_idx %arg9[%add3A_764], %sub3A_712 masked %lt3A_720 : memref<1792xi32, #tpu.memory_space<vmem>>[vector<16xi32>], vector<16xi32>, vector<16xi1>
          %slice3A_765 = vector.extract_strided_slice %masked_cumsum3A_733 {offsets = [15], sizes = [1], strides = [1]} : vector<16xi32> to vector<1xi32>
          %squeeze3A_766 = vector.extract %slice3A_765[0] : i32 from vector<1xi32>
          %add3A_767 = arith.addi %add3A_762, %squeeze3A_766 : i32
          %broadcast_in_dim3A_768 = vector.broadcast %add3A_767 : i32 to vector<16xi32>
          %add3A_769 = arith.addi %masked_cumsum3A_737, %broadcast_in_dim3A_768 : vector<16xi32>
          tpu.vector_store_idx %arg8[%add3A_769], %get3A_665 masked %lt3A_721 : memref<1792xi32, #tpu.memory_space<vmem>>[vector<16xi32>], vector<16xi32>, vector<16xi1>
          tpu.vector_store_idx %arg9[%add3A_769], %sub3A_713 masked %lt3A_721 : memref<1792xi32, #tpu.memory_space<vmem>>[vector<16xi32>], vector<16xi32>, vector<16xi1>
          %slice3A_770 = vector.extract_strided_slice %masked_cumsum3A_737 {offsets = [15], sizes = [1], strides = [1]} : vector<16xi32> to vector<1xi32>
          %squeeze3A_771 = vector.extract %slice3A_770[0] : i32 from vector<1xi32>
          %add3A_772 = arith.addi %add3A_767, %squeeze3A_771 : i32
          %broadcast_in_dim3A_773 = vector.broadcast %add3A_772 : i32 to vector<16xi32>
          %add3A_774 = arith.addi %masked_cumsum3A_741, %broadcast_in_dim3A_773 : vector<16xi32>
          tpu.vector_store_idx %arg8[%add3A_774], %get3A_674 masked %lt3A_722 : memref<1792xi32, #tpu.memory_space<vmem>>[vector<16xi32>], vector<16xi32>, vector<16xi1>
          tpu.vector_store_idx %arg9[%add3A_774], %sub3A_714 masked %lt3A_722 : memref<1792xi32, #tpu.memory_space<vmem>>[vector<16xi32>], vector<16xi32>, vector<16xi1>
          %slice3A_775 = vector.extract_strided_slice %masked_cumsum3A_741 {offsets = [15], sizes = [1], strides = [1]} : vector<16xi32> to vector<1xi32>
          %squeeze3A_776 = vector.extract %slice3A_775[0] : i32 from vector<1xi32>
          %add3A_777 = arith.addi %add3A_772, %squeeze3A_776 : i32
          %broadcast_in_dim3A_778 = vector.broadcast %add3A_777 : i32 to vector<16xi32>
          %add3A_779 = arith.addi %masked_cumsum3A_745, %broadcast_in_dim3A_778 : vector<16xi32>
          tpu.vector_store_idx %arg8[%add3A_779], %get3A_683 masked %lt3A_723 : memref<1792xi32, #tpu.memory_space<vmem>>[vector<16xi32>], vector<16xi32>, vector<16xi1>
          tpu.vector_store_idx %arg9[%add3A_779], %sub3A_715 masked %lt3A_723 : memref<1792xi32, #tpu.memory_space<vmem>>[vector<16xi32>], vector<16xi32>, vector<16xi1>
          %slice3A_780 = vector.extract_strided_slice %masked_cumsum3A_745 {offsets = [15], sizes = [1], strides = [1]} : vector<16xi32> to vector<1xi32>
          %squeeze3A_781 = vector.extract %slice3A_780[0] : i32 from vector<1xi32>
          %add3A_782 = arith.addi %add3A_777, %squeeze3A_781 : i32
          %broadcast_in_dim3A_783 = vector.broadcast %add3A_782 : i32 to vector<16xi32>
          %add3A_784 = arith.addi %masked_cumsum3A_749, %broadcast_in_dim3A_783 : vector<16xi32>
          tpu.vector_store_idx %arg8[%add3A_784], %get3A_692 masked %lt3A_724 : memref<1792xi32, #tpu.memory_space<vmem>>[vector<16xi32>], vector<16xi32>, vector<16xi1>
          tpu.vector_store_idx %arg9[%add3A_784], %sub3A_716 masked %lt3A_724 : memref<1792xi32, #tpu.memory_space<vmem>>[vector<16xi32>], vector<16xi32>, vector<16xi1>
          %slice3A_785 = vector.extract_strided_slice %masked_cumsum3A_749 {offsets = [15], sizes = [1], strides = [1]} : vector<16xi32> to vector<1xi32>
          %squeeze3A_786 = vector.extract %slice3A_785[0] : i32 from vector<1xi32>
          %add3A_787 = arith.addi %add3A_782, %squeeze3A_786 : i32
          %broadcast_in_dim3A_788 = vector.broadcast %add3A_787 : i32 to vector<16xi32>
          %add3A_789 = arith.addi %masked_cumsum3A_753, %broadcast_in_dim3A_788 : vector<16xi32>
          tpu.vector_store_idx %arg8[%add3A_789], %get3A_701 masked %lt3A_725 : memref<1792xi32, #tpu.memory_space<vmem>>[vector<16xi32>], vector<16xi32>, vector<16xi1>
          tpu.vector_store_idx %arg9[%add3A_789], %sub3A_717 masked %lt3A_725 : memref<1792xi32, #tpu.memory_space<vmem>>[vector<16xi32>], vector<16xi32>, vector<16xi1>
          %slice3A_790 = vector.extract_strided_slice %masked_cumsum3A_753 {offsets = [15], sizes = [1], strides = [1]} : vector<16xi32> to vector<1xi32>
          %squeeze3A_791 = vector.extract %slice3A_790[0] : i32 from vector<1xi32>
          %add3A_792 = arith.addi %add3A_787, %squeeze3A_791 : i32
          %broadcast_in_dim3A_793 = vector.broadcast %add3A_792 : i32 to vector<16xi32>
          %add3A_794 = arith.addi %masked_cumsum3A_757, %broadcast_in_dim3A_793 : vector<16xi32>
          tpu.vector_store_idx %arg8[%add3A_794], %get3A_710 masked %lt3A_726 : memref<1792xi32, #tpu.memory_space<vmem>>[vector<16xi32>], vector<16xi32>, vector<16xi1>
          tpu.vector_store_idx %arg9[%add3A_794], %sub3A_718 masked %lt3A_726 : memref<1792xi32, #tpu.memory_space<vmem>>[vector<16xi32>], vector<16xi32>, vector<16xi1>
          %slice3A_795 = vector.extract_strided_slice %masked_cumsum3A_757 {offsets = [15], sizes = [1], strides = [1]} : vector<16xi32> to vector<1xi32>
          %squeeze3A_796 = vector.extract %slice3A_795[0] : i32 from vector<1xi32>
          %add3A_797 = arith.addi %add3A_792, %squeeze3A_796 : i32
          %add3A_798 = arith.constant 1 : i32
          %add3A_799 = arith.addi %add3A_797, %add3A_798 : i32
          scf.yield %add3A_799 : i32
        }
        %scan3A_531 = arith.constant 10 : i32
        %jit3A = arith.constant 256 : i32
        %div3A = arith.divsi %scan3A_530, %jit3A : i32
        %sign3A = arith.constant 0 : i32
        %sign3A_532 = arith.cmpi sgt, %scan3A_530, %sign3A : i32
        %sign3A_533 = arith.extui %sign3A_532 : i1 to i32
        %sign3A_534 = arith.constant 0 : i32
        %sign3A_535 = arith.cmpi slt, %scan3A_530, %sign3A_534 : i32
        %sign3A_536 = arith.extui %sign3A_535 : i1 to i32
        %sign3A_537 = arith.subi %sign3A_533, %sign3A_536 : i32
        %sign3A_538 = arith.constant 0 : i32
        %sign3A_539 = arith.cmpi sgt, %jit3A, %sign3A_538 : i32
        %sign3A_540 = arith.extui %sign3A_539 : i1 to i32
        %sign3A_541 = arith.constant 0 : i32
        %sign3A_542 = arith.cmpi slt, %jit3A, %sign3A_541 : i32
        %sign3A_543 = arith.extui %sign3A_542 : i1 to i32
        %sign3A_544 = arith.subi %sign3A_540, %sign3A_543 : i32
        %ne3A = arith.cmpi ne, %sign3A_537, %sign3A_544 : i32
        %rem3A_545 = arith.remsi %scan3A_530, %jit3A : i32
        %ne3A_546 = arith.constant 0 : i32
        %ne3A_547 = arith.cmpi ne, %rem3A_545, %ne3A_546 : i32
        %and3A = arith.andi %ne3A, %ne3A_547 : i1
        %sub3A = arith.constant 1 : i32
        %sub3A_548 = arith.subi %div3A, %sub3A : i32
        %select_n3A = arith.select %and3A, %sub3A_548, %div3A : i32
        %while3A = arith.constant 0 : i32
        %while3A_549 = arith.constant 0 : i32
        %while3A_550 = arith.subi %select_n3A, %while3A_549 : i32
        %while3A_551 = arith.addi %while3A_549, %while3A_550 : i32
        %while3A_552 = arith.constant 1 : i32
        %while3A_553 = arith.divsi %while3A_550, %while3A_552 : i32
        %while3A_554 = arith.muli %while3A_553, %while3A_552 : i32
        %while3A_555 = arith.addi %while3A_549, %while3A_554 : i32
        %while3A_556 = arith.constant 1 : i32
        scf.for %while3A_566 = %while3A_549 to %while3A_555 step %while3A_556  : i32 {
          %mul3A_567 = arith.constant 256 : i32
          %mul3A_568 = arith.muli %while3A_566, %mul3A_567 : i32
          %add3A_569 = arith.constant 0 : i32
          %add3A_570 = arith.addi %mul3A_568, %add3A_569 : i32
          %add3A_571 = arith.constant 0 : i32
          %add3A_572 = arith.addi %add3A_570, %add3A_571 : i32
          %get3A = arith.index_cast %add3A_572 : i32 to index
          %get3A_573 = tpu.vector_load %arg9[%get3A] {strides = array<i32>} : memref<1792xi32, #tpu.memory_space<vmem>>, vector<16xi32>,
          %swap3A = arith.constant 0 : i32
          %swap3A_574 = arith.index_cast %swap3A : i32 to index
          %swap3A_575 = arith.constant 0 : index
          %swap3A_576 = tpu.vector_load %arg10[%swap3A_574, %swap3A_575] {strides = array<i32>} : memref<4x64xi32, #tpu.memory_space<vmem>>, vector<16xi32>,
          tpu.vector_store %arg10[%swap3A_574, %swap3A_575], %get3A_573 {strides = array<i32>} : memref<4x64xi32, #tpu.memory_space<vmem>>, vector<16xi32>,
          %add3A_577 = arith.constant 16 : i32
          %add3A_578 = arith.addi %add3A_570, %add3A_577 : i32
          %get3A_579 = arith.index_cast %add3A_578 : i32 to index
          %get3A_580 = tpu.vector_load %arg9[%get3A_579] {strides = array<i32>} : memref<1792xi32, #tpu.memory_space<vmem>>, vector<16xi32>,
          %swap3A_581 = arith.constant 0 : i32
          %swap3A_582 = arith.index_cast %swap3A_581 : i32 to index
          %swap3A_583 = arith.constant 16 : index
          %swap3A_584 = tpu.vector_load %arg10[%swap3A_582, %swap3A_583] {strides = array<i32>} : memref<4x64xi32, #tpu.memory_space<vmem>>, vector<16xi32>,
          tpu.vector_store %arg10[%swap3A_582, %swap3A_583], %get3A_580 {strides = array<i32>} : memref<4x64xi32, #tpu.memory_space<vmem>>, vector<16xi32>,
          %add3A_585 = arith.constant 32 : i32
          %add3A_586 = arith.addi %add3A_570, %add3A_585 : i32
          %get3A_587 = arith.index_cast %add3A_586 : i32 to index
          %get3A_588 = tpu.vector_load %arg9[%get3A_587] {strides = array<i32>} : memref<1792xi32, #tpu.memory_space<vmem>>, vector<16xi32>,
          %swap3A_589 = arith.constant 0 : i32
          %swap3A_590 = arith.index_cast %swap3A_589 : i32 to index
          %swap3A_591 = arith.constant 32 : index
          %swap3A_592 = tpu.vector_load %arg10[%swap3A_590, %swap3A_591] {strides = array<i32>} : memref<4x64xi32, #tpu.memory_space<vmem>>, vector<16xi32>,
          tpu.vector_store %arg10[%swap3A_590, %swap3A_591], %get3A_588 {strides = array<i32>} : memref<4x64xi32, #tpu.memory_space<vmem>>, vector<16xi32>,
          %add3A_593 = arith.constant 48 : i32
          %add3A_594 = arith.addi %add3A_570, %add3A_593 : i32
          %get3A_595 = arith.index_cast %add3A_594 : i32 to index
          %get3A_596 = tpu.vector_load %arg9[%get3A_595] {strides = array<i32>} : memref<1792xi32, #tpu.memory_space<vmem>>, vector<16xi32>,
          %swap3A_597 = arith.constant 0 : i32
          %swap3A_598 = arith.index_cast %swap3A_597 : i32 to index
          %swap3A_599 = arith.constant 48 : index
          %swap3A_600 = tpu.vector_load %arg10[%swap3A_598, %swap3A_599] {strides = array<i32>} : memref<4x64xi32, #tpu.memory_space<vmem>>, vector<16xi32>,
          tpu.vector_store %arg10[%swap3A_598, %swap3A_599], %get3A_596 {strides = array<i32>} : memref<4x64xi32, #tpu.memory_space<vmem>>, vector<16xi32>,
          %add3A_601 = arith.constant 0 : i32
          %add3A_602 = arith.addi %mul3A_568, %add3A_601 : i32
          %dma_start3A_603 = arith.constant 0 : i32
          %dma_start3A_604 = arith.constant 0 : i32
          %dma_start3A_605 = arith.constant 0 : i32
          %dma_start3A_606 = tpu.memref_slice %arg11[%dma_start3A_603, %dma_start3A_604, %dma_start3A_605] : memref<4x64x128xf32, #tpu.memory_space<vmem>> -> memref<1x64x128xf32, #tpu.memory_space<vmem>>
          %dma_start3A_607 = tpu.memref_squeeze %dma_start3A_606 : memref<1x64x128xf32, #tpu.memory_space<vmem>> -> memref<64x128xf32, #tpu.memory_space<vmem>>
          %dma_start3A_608 = tpu.memref_slice %arg8[%add3A_602] : memref<1792xi32, #tpu.memory_space<vmem>> -> memref<64xi32, #tpu.memory_space<vmem>>
          %dma_start3A_609 = arith.constant 0 : i32
          %dma_start3A_610 = arith.constant 0 : i32
          %dma_start3A_611 = tpu.memref_slice %arg2[%dma_start3A_609, %dma_start3A_610] : memref<160000x128xf32, #tpu.memory_space<hbm>> -> memref<160000x128xf32, #tpu.memory_space<hbm>>
          tpu.enqueue_indirect_dma source(%dma_start3A_611 : memref<160000x128xf32, #tpu.memory_space<hbm>>) target(%dma_start3A_607 : memref<64x128xf32, #tpu.memory_space<vmem>>) offsets(%dma_start3A_608 : memref<64xi32, #tpu.memory_space<vmem>>) semaphore(%arg15 : memref<!tpu.dma_semaphore, #tpu.memory_space<semaphore_mem>>)
          %add3A_612 = arith.constant 64 : i32
          %add3A_613 = arith.addi %mul3A_568, %add3A_612 : i32
          %add3A_614 = arith.constant 0 : i32
          %add3A_615 = arith.addi %add3A_613, %add3A_614 : i32
          %get3A_616 = arith.index_cast %add3A_615 : i32 to index
          %get3A_617 = tpu.vector_load %arg9[%get3A_616] {strides = array<i32>} : memref<1792xi32, #tpu.memory_space<vmem>>, vector<16xi32>,
          %swap3A_618 = arith.constant 1 : i32
          %swap3A_619 = arith.index_cast %swap3A_618 : i32 to index
          %swap3A_620 = arith.constant 0 : index
          %swap3A_621 = tpu.vector_load %arg10[%swap3A_619, %swap3A_620] {strides = array<i32>} : memref<4x64xi32, #tpu.memory_space<vmem>>, vector<16xi32>,
          tpu.vector_store %arg10[%swap3A_619, %swap3A_620], %get3A_617 {strides = array<i32>} : memref<4x64xi32, #tpu.memory_space<vmem>>, vector<16xi32>,
          %add3A_622 = arith.constant 16 : i32
          %add3A_623 = arith.addi %add3A_613, %add3A_622 : i32
          %get3A_624 = arith.index_cast %add3A_623 : i32 to index
          %get3A_625 = tpu.vector_load %arg9[%get3A_624] {strides = array<i32>} : memref<1792xi32, #tpu.memory_space<vmem>>, vector<16xi32>,
          %swap3A_626 = arith.constant 1 : i32
          %swap3A_627 = arith.index_cast %swap3A_626 : i32 to index
          %swap3A_628 = arith.constant 16 : index
          %swap3A_629 = tpu.vector_load %arg10[%swap3A_627, %swap3A_628] {strides = array<i32>} : memref<4x64xi32, #tpu.memory_space<vmem>>, vector<16xi32>,
          tpu.vector_store %arg10[%swap3A_627, %swap3A_628], %get3A_625 {strides = array<i32>} : memref<4x64xi32, #tpu.memory_space<vmem>>, vector<16xi32>,
          %add3A_630 = arith.constant 32 : i32
          %add3A_631 = arith.addi %add3A_613, %add3A_630 : i32
          %get3A_632 = arith.index_cast %add3A_631 : i32 to index
          %get3A_633 = tpu.vector_load %arg9[%get3A_632] {strides = array<i32>} : memref<1792xi32, #tpu.memory_space<vmem>>, vector<16xi32>,
          %swap3A_634 = arith.constant 1 : i32
          %swap3A_635 = arith.index_cast %swap3A_634 : i32 to index
          %swap3A_636 = arith.constant 32 : index
          %swap3A_637 = tpu.vector_load %arg10[%swap3A_635, %swap3A_636] {strides = array<i32>} : memref<4x64xi32, #tpu.memory_space<vmem>>, vector<16xi32>,
          tpu.vector_store %arg10[%swap3A_635, %swap3A_636], %get3A_633 {strides = array<i32>} : memref<4x64xi32, #tpu.memory_space<vmem>>, vector<16xi32>,
          %add3A_638 = arith.constant 48 : i32
          %add3A_639 = arith.addi %add3A_613, %add3A_638 : i32
          %get3A_640 = arith.index_cast %add3A_639 : i32 to index
          %get3A_641 = tpu.vector_load %arg9[%get3A_640] {strides = array<i32>} : memref<1792xi32, #tpu.memory_space<vmem>>, vector<16xi32>,
          %swap3A_642 = arith.constant 1 : i32
          %swap3A_643 = arith.index_cast %swap3A_642 : i32 to index
          %swap3A_644 = arith.constant 48 : index
          %swap3A_645 = tpu.vector_load %arg10[%swap3A_643, %swap3A_644] {strides = array<i32>} : memref<4x64xi32, #tpu.memory_space<vmem>>, vector<16xi32>,
          tpu.vector_store %arg10[%swap3A_643, %swap3A_644], %get3A_641 {strides = array<i32>} : memref<4x64xi32, #tpu.memory_space<vmem>>, vector<16xi32>,
          %add3A_646 = arith.constant 64 : i32
          %add3A_647 = arith.addi %mul3A_568, %add3A_646 : i32
          %dma_start3A_648 = arith.constant 1 : i32
          %dma_start3A_649 = arith.constant 0 : i32
          %dma_start3A_650 = arith.constant 0 : i32
          %dma_start3A_651 = tpu.memref_slice %arg11[%dma_start3A_648, %dma_start3A_649, %dma_start3A_650] : memref<4x64x128xf32, #tpu.memory_space<vmem>> -> memref<1x64x128xf32, #tpu.memory_space<vmem>>
          %dma_start3A_652 = tpu.memref_squeeze %dma_start3A_651 : memref<1x64x128xf32, #tpu.memory_space<vmem>> -> memref<64x128xf32, #tpu.memory_space<vmem>>
          %dma_start3A_653 = tpu.memref_slice %arg8[%add3A_647] : memref<1792xi32, #tpu.memory_space<vmem>> -> memref<64xi32, #tpu.memory_space<vmem>>
          %dma_start3A_654 = arith.constant 0 : i32
          %dma_start3A_655 = arith.constant 0 : i32
          %dma_start3A_656 = tpu.memref_slice %arg2[%dma_start3A_654, %dma_start3A_655] : memref<160000x128xf32, #tpu.memory_space<hbm>> -> memref<160000x128xf32, #tpu.memory_space<hbm>>
          tpu.enqueue_indirect_dma source(%dma_start3A_656 : memref<160000x128xf32, #tpu.memory_space<hbm>>) target(%dma_start3A_652 : memref<64x128xf32, #tpu.memory_space<vmem>>) offsets(%dma_start3A_653 : memref<64xi32, #tpu.memory_space<vmem>>) semaphore(%arg15 : memref<!tpu.dma_semaphore, #tpu.memory_space<semaphore_mem>>)
          %add3A_657 = arith.constant 128 : i32
          %add3A_658 = arith.addi %mul3A_568, %add3A_657 : i32
          %add3A_659 = arith.constant 0 : i32
          %add3A_660 = arith.addi %add3A_658, %add3A_659 : i32
          %get3A_661 = arith.index_cast %add3A_660 : i32 to index
          %get3A_662 = tpu.vector_load %arg9[%get3A_661] {strides = array<i32>} : memref<1792xi32, #tpu.memory_space<vmem>>, vector<16xi32>,
          %swap3A_663 = arith.constant 2 : i32
          %swap3A_664 = arith.index_cast %swap3A_663 : i32 to index
          %swap3A_665 = arith.constant 0 : index
          %swap3A_666 = tpu.vector_load %arg10[%swap3A_664, %swap3A_665] {strides = array<i32>} : memref<4x64xi32, #tpu.memory_space<vmem>>, vector<16xi32>,
          tpu.vector_store %arg10[%swap3A_664, %swap3A_665], %get3A_662 {strides = array<i32>} : memref<4x64xi32, #tpu.memory_space<vmem>>, vector<16xi32>,
          %add3A_667 = arith.constant 16 : i32
          %add3A_668 = arith.addi %add3A_658, %add3A_667 : i32
          %get3A_669 = arith.index_cast %add3A_668 : i32 to index
          %get3A_670 = tpu.vector_load %arg9[%get3A_669] {strides = array<i32>} : memref<1792xi32, #tpu.memory_space<vmem>>, vector<16xi32>,
          %swap3A_671 = arith.constant 2 : i32
          %swap3A_672 = arith.index_cast %swap3A_671 : i32 to index
          %swap3A_673 = arith.constant 16 : index
          %swap3A_674 = tpu.vector_load %arg10[%swap3A_672, %swap3A_673] {strides = array<i32>} : memref<4x64xi32, #tpu.memory_space<vmem>>, vector<16xi32>,
          tpu.vector_store %arg10[%swap3A_672, %swap3A_673], %get3A_670 {strides = array<i32>} : memref<4x64xi32, #tpu.memory_space<vmem>>, vector<16xi32>,
          %add3A_675 = arith.constant 32 : i32
          %add3A_676 = arith.addi %add3A_658, %add3A_675 : i32
          %get3A_677 = arith.index_cast %add3A_676 : i32 to index
          %get3A_678 = tpu.vector_load %arg9[%get3A_677] {strides = array<i32>} : memref<1792xi32, #tpu.memory_space<vmem>>, vector<16xi32>,
          %swap3A_679 = arith.constant 2 : i32
          %swap3A_680 = arith.index_cast %swap3A_679 : i32 to index
          %swap3A_681 = arith.constant 32 : index
          %swap3A_682 = tpu.vector_load %arg10[%swap3A_680, %swap3A_681] {strides = array<i32>} : memref<4x64xi32, #tpu.memory_space<vmem>>, vector<16xi32>,
          tpu.vector_store %arg10[%swap3A_680, %swap3A_681], %get3A_678 {strides = array<i32>} : memref<4x64xi32, #tpu.memory_space<vmem>>, vector<16xi32>,
          %add3A_683 = arith.constant 48 : i32
          %add3A_684 = arith.addi %add3A_658, %add3A_683 : i32
          %get3A_685 = arith.index_cast %add3A_684 : i32 to index
          %get3A_686 = tpu.vector_load %arg9[%get3A_685] {strides = array<i32>} : memref<1792xi32, #tpu.memory_space<vmem>>, vector<16xi32>,
          %swap3A_687 = arith.constant 2 : i32
          %swap3A_688 = arith.index_cast %swap3A_687 : i32 to index
          %swap3A_689 = arith.constant 48 : index
          %swap3A_690 = tpu.vector_load %arg10[%swap3A_688, %swap3A_689] {strides = array<i32>} : memref<4x64xi32, #tpu.memory_space<vmem>>, vector<16xi32>,
          tpu.vector_store %arg10[%swap3A_688, %swap3A_689], %get3A_686 {strides = array<i32>} : memref<4x64xi32, #tpu.memory_space<vmem>>, vector<16xi32>,
          %add3A_691 = arith.constant 128 : i32
          %add3A_692 = arith.addi %mul3A_568, %add3A_691 : i32
          %dma_start3A_693 = arith.constant 2 : i32
          %dma_start3A_694 = arith.constant 0 : i32
          %dma_start3A_695 = arith.constant 0 : i32
          %dma_start3A_696 = tpu.memref_slice %arg11[%dma_start3A_693, %dma_start3A_694, %dma_start3A_695] : memref<4x64x128xf32, #tpu.memory_space<vmem>> -> memref<1x64x128xf32, #tpu.memory_space<vmem>>
          %dma_start3A_697 = tpu.memref_squeeze %dma_start3A_696 : memref<1x64x128xf32, #tpu.memory_space<vmem>> -> memref<64x128xf32, #tpu.memory_space<vmem>>
          %dma_start3A_698 = tpu.memref_slice %arg8[%add3A_692] : memref<1792xi32, #tpu.memory_space<vmem>> -> memref<64xi32, #tpu.memory_space<vmem>>
          %dma_start3A_699 = arith.constant 0 : i32
          %dma_start3A_700 = arith.constant 0 : i32
          %dma_start3A_701 = tpu.memref_slice %arg2[%dma_start3A_699, %dma_start3A_700] : memref<160000x128xf32, #tpu.memory_space<hbm>> -> memref<160000x128xf32, #tpu.memory_space<hbm>>
          tpu.enqueue_indirect_dma source(%dma_start3A_701 : memref<160000x128xf32, #tpu.memory_space<hbm>>) target(%dma_start3A_697 : memref<64x128xf32, #tpu.memory_space<vmem>>) offsets(%dma_start3A_698 : memref<64xi32, #tpu.memory_space<vmem>>) semaphore(%arg15 : memref<!tpu.dma_semaphore, #tpu.memory_space<semaphore_mem>>)
          %add3A_702 = arith.constant 192 : i32
          %add3A_703 = arith.addi %mul3A_568, %add3A_702 : i32
          %add3A_704 = arith.constant 0 : i32
          %add3A_705 = arith.addi %add3A_703, %add3A_704 : i32
          %get3A_706 = arith.index_cast %add3A_705 : i32 to index
          %get3A_707 = tpu.vector_load %arg9[%get3A_706] {strides = array<i32>} : memref<1792xi32, #tpu.memory_space<vmem>>, vector<16xi32>,
          %swap3A_708 = arith.constant 3 : i32
          %swap3A_709 = arith.index_cast %swap3A_708 : i32 to index
          %swap3A_710 = arith.constant 0 : index
          %swap3A_711 = tpu.vector_load %arg10[%swap3A_709, %swap3A_710] {strides = array<i32>} : memref<4x64xi32, #tpu.memory_space<vmem>>, vector<16xi32>,
          tpu.vector_store %arg10[%swap3A_709, %swap3A_710], %get3A_707 {strides = array<i32>} : memref<4x64xi32, #tpu.memory_space<vmem>>, vector<16xi32>,
          %add3A_712 = arith.constant 16 : i32
          %add3A_713 = arith.addi %add3A_703, %add3A_712 : i32
          %get3A_714 = arith.index_cast %add3A_713 : i32 to index
          %get3A_715 = tpu.vector_load %arg9[%get3A_714] {strides = array<i32>} : memref<1792xi32, #tpu.memory_space<vmem>>, vector<16xi32>,
          %swap3A_716 = arith.constant 3 : i32
          %swap3A_717 = arith.index_cast %swap3A_716 : i32 to index
          %swap3A_718 = arith.constant 16 : index
          %swap3A_719 = tpu.vector_load %arg10[%swap3A_717, %swap3A_718] {strides = array<i32>} : memref<4x64xi32, #tpu.memory_space<vmem>>, vector<16xi32>,
          tpu.vector_store %arg10[%swap3A_717, %swap3A_718], %get3A_715 {strides = array<i32>} : memref<4x64xi32, #tpu.memory_space<vmem>>, vector<16xi32>,
          %add3A_720 = arith.constant 32 : i32
          %add3A_721 = arith.addi %add3A_703, %add3A_720 : i32
          %get3A_722 = arith.index_cast %add3A_721 : i32 to index
          %get3A_723 = tpu.vector_load %arg9[%get3A_722] {strides = array<i32>} : memref<1792xi32, #tpu.memory_space<vmem>>, vector<16xi32>,
          %swap3A_724 = arith.constant 3 : i32
          %swap3A_725 = arith.index_cast %swap3A_724 : i32 to index
          %swap3A_726 = arith.constant 32 : index
          %swap3A_727 = tpu.vector_load %arg10[%swap3A_725, %swap3A_726] {strides = array<i32>} : memref<4x64xi32, #tpu.memory_space<vmem>>, vector<16xi32>,
          tpu.vector_store %arg10[%swap3A_725, %swap3A_726], %get3A_723 {strides = array<i32>} : memref<4x64xi32, #tpu.memory_space<vmem>>, vector<16xi32>,
          %add3A_728 = arith.constant 48 : i32
          %add3A_729 = arith.addi %add3A_703, %add3A_728 : i32
          %get3A_730 = arith.index_cast %add3A_729 : i32 to index
          %get3A_731 = tpu.vector_load %arg9[%get3A_730] {strides = array<i32>} : memref<1792xi32, #tpu.memory_space<vmem>>, vector<16xi32>,
          %swap3A_732 = arith.constant 3 : i32
          %swap3A_733 = arith.index_cast %swap3A_732 : i32 to index
          %swap3A_734 = arith.constant 48 : index
          %swap3A_735 = tpu.vector_load %arg10[%swap3A_733, %swap3A_734] {strides = array<i32>} : memref<4x64xi32, #tpu.memory_space<vmem>>, vector<16xi32>,
          tpu.vector_store %arg10[%swap3A_733, %swap3A_734], %get3A_731 {strides = array<i32>} : memref<4x64xi32, #tpu.memory_space<vmem>>, vector<16xi32>,
          %add3A_736 = arith.constant 192 : i32
          %add3A_737 = arith.addi %mul3A_568, %add3A_736 : i32
          %dma_start3A_738 = arith.constant 3 : i32
          %dma_start3A_739 = arith.constant 0 : i32
          %dma_start3A_740 = arith.constant 0 : i32
          %dma_start3A_741 = tpu.memref_slice %arg11[%dma_start3A_738, %dma_start3A_739, %dma_start3A_740] : memref<4x64x128xf32, #tpu.memory_space<vmem>> -> memref<1x64x128xf32, #tpu.memory_space<vmem>>
          %dma_start3A_742 = tpu.memref_squeeze %dma_start3A_741 : memref<1x64x128xf32, #tpu.memory_space<vmem>> -> memref<64x128xf32, #tpu.memory_space<vmem>>
          %dma_start3A_743 = tpu.memref_slice %arg8[%add3A_737] : memref<1792xi32, #tpu.memory_space<vmem>> -> memref<64xi32, #tpu.memory_space<vmem>>
          %dma_start3A_744 = arith.constant 0 : i32
          %dma_start3A_745 = arith.constant 0 : i32
          %dma_start3A_746 = tpu.memref_slice %arg2[%dma_start3A_744, %dma_start3A_745] : memref<160000x128xf32, #tpu.memory_space<hbm>> -> memref<160000x128xf32, #tpu.memory_space<hbm>>
          tpu.enqueue_indirect_dma source(%dma_start3A_746 : memref<160000x128xf32, #tpu.memory_space<hbm>>) target(%dma_start3A_742 : memref<64x128xf32, #tpu.memory_space<vmem>>) offsets(%dma_start3A_743 : memref<64xi32, #tpu.memory_space<vmem>>) semaphore(%arg15 : memref<!tpu.dma_semaphore, #tpu.memory_space<semaphore_mem>>)
          %add3A_747 = arith.constant 0 : i32
          %add3A_748 = arith.addi %mul3A_568, %add3A_747 : i32
          %dma_wait3A_749 = arith.constant 0 : i32
          %dma_wait3A_750 = arith.constant 0 : i32
          %dma_wait3A_751 = arith.constant 0 : i32
          %dma_wait3A_752 = tpu.memref_slice %arg11[%dma_wait3A_749, %dma_wait3A_750, %dma_wait3A_751] : memref<4x64x128xf32, #tpu.memory_space<vmem>> -> memref<1x64x128xf32, #tpu.memory_space<vmem>>
          %dma_wait3A_753 = tpu.memref_squeeze %dma_wait3A_752 : memref<1x64x128xf32, #tpu.memory_space<vmem>> -> memref<64x128xf32, #tpu.memory_space<vmem>>
          %dma_wait3A_754 = tpu.memref_slice %arg8[%add3A_748] : memref<1792xi32, #tpu.memory_space<vmem>> -> memref<64xi32, #tpu.memory_space<vmem>>
          %dma_wait3A_755 = arith.constant 0 : i32
          %dma_wait3A_756 = arith.constant 0 : i32
          %dma_wait3A_757 = tpu.memref_slice %arg2[%dma_wait3A_755, %dma_wait3A_756] : memref<160000x128xf32, #tpu.memory_space<hbm>> -> memref<160000x128xf32, #tpu.memory_space<hbm>>
          tpu.wait_indirect_dma semaphore(%arg15 : memref<!tpu.dma_semaphore, #tpu.memory_space<semaphore_mem>>) src(%dma_wait3A_757 : memref<160000x128xf32, #tpu.memory_space<hbm>>) dst(%dma_wait3A_753 : memref<64x128xf32, #tpu.memory_space<vmem>>)
          %dma_start3A_758 = arith.constant 0 : i32
          %dma_start3A_759 = arith.constant 0 : i32
          %dma_start3A_760 = arith.constant 0 : i32
          %dma_start3A_761 = arith.constant 0 : i32
          %dma_start3A_762 = tpu.memref_slice %arg11[%dma_start3A_758, %dma_start3A_760, %dma_start3A_761] : memref<4x64x128xf32, #tpu.memory_space<vmem>> -> memref<1x64x128xf32, #tpu.memory_space<vmem>>
          %dma_start3A_763 = tpu.memref_squeeze %dma_start3A_762 : memref<1x64x128xf32, #tpu.memory_space<vmem>> -> memref<64x128xf32, #tpu.memory_space<vmem>>
          %dma_start3A_764 = arith.constant 0 : i32
          %dma_start3A_765 = tpu.memref_slice %arg10[%dma_start3A_759, %dma_start3A_764] : memref<4x64xi32, #tpu.memory_space<vmem>> -> memref<1x64xi32, #tpu.memory_space<vmem>>
          %dma_start3A_766 = tpu.memref_squeeze %dma_start3A_765 : memref<1x64xi32, #tpu.memory_space<vmem>> -> memref<64xi32, #tpu.memory_space<vmem>>
          %dma_start3A_767 = arith.constant 0 : i32
          %dma_start3A_768 = arith.constant 0 : i32
          %dma_start3A_769 = tpu.memref_slice %arg13[%dma_start3A_767, %dma_start3A_768] : memref<10001x128xf32, #tpu.memory_space<vmem_shared>> -> memref<10001x128xf32, #tpu.memory_space<vmem_shared>>
          tpu.enqueue_indirect_dma source(%dma_start3A_763 : memref<64x128xf32, #tpu.memory_space<vmem>>) target(%dma_start3A_769 : memref<10001x128xf32, #tpu.memory_space<vmem_shared>>) offsets(%dma_start3A_766 : memref<64xi32, #tpu.memory_space<vmem>>) semaphore(%arg16 : memref<!tpu.dma_semaphore, #tpu.memory_space<semaphore_mem>>) {add = true}
          %add3A_770 = arith.constant 64 : i32
          %add3A_771 = arith.addi %mul3A_568, %add3A_770 : i32
          %dma_wait3A_772 = arith.constant 1 : i32
          %dma_wait3A_773 = arith.constant 0 : i32
          %dma_wait3A_774 = arith.constant 0 : i32
          %dma_wait3A_775 = tpu.memref_slice %arg11[%dma_wait3A_772, %dma_wait3A_773, %dma_wait3A_774] : memref<4x64x128xf32, #tpu.memory_space<vmem>> -> memref<1x64x128xf32, #tpu.memory_space<vmem>>
          %dma_wait3A_776 = tpu.memref_squeeze %dma_wait3A_775 : memref<1x64x128xf32, #tpu.memory_space<vmem>> -> memref<64x128xf32, #tpu.memory_space<vmem>>
          %dma_wait3A_777 = tpu.memref_slice %arg8[%add3A_771] : memref<1792xi32, #tpu.memory_space<vmem>> -> memref<64xi32, #tpu.memory_space<vmem>>
          %dma_wait3A_778 = arith.constant 0 : i32
          %dma_wait3A_779 = arith.constant 0 : i32
          %dma_wait3A_780 = tpu.memref_slice %arg2[%dma_wait3A_778, %dma_wait3A_779] : memref<160000x128xf32, #tpu.memory_space<hbm>> -> memref<160000x128xf32, #tpu.memory_space<hbm>>
          tpu.wait_indirect_dma semaphore(%arg15 : memref<!tpu.dma_semaphore, #tpu.memory_space<semaphore_mem>>) src(%dma_wait3A_780 : memref<160000x128xf32, #tpu.memory_space<hbm>>) dst(%dma_wait3A_776 : memref<64x128xf32, #tpu.memory_space<vmem>>)
          %dma_start3A_781 = arith.constant 1 : i32
          %dma_start3A_782 = arith.constant 1 : i32
          %dma_start3A_783 = arith.constant 0 : i32
          %dma_start3A_784 = arith.constant 0 : i32
          %dma_start3A_785 = tpu.memref_slice %arg11[%dma_start3A_781, %dma_start3A_783, %dma_start3A_784] : memref<4x64x128xf32, #tpu.memory_space<vmem>> -> memref<1x64x128xf32, #tpu.memory_space<vmem>>
          %dma_start3A_786 = tpu.memref_squeeze %dma_start3A_785 : memref<1x64x128xf32, #tpu.memory_space<vmem>> -> memref<64x128xf32, #tpu.memory_space<vmem>>
          %dma_start3A_787 = arith.constant 0 : i32
          %dma_start3A_788 = tpu.memref_slice %arg10[%dma_start3A_782, %dma_start3A_787] : memref<4x64xi32, #tpu.memory_space<vmem>> -> memref<1x64xi32, #tpu.memory_space<vmem>>
          %dma_start3A_789 = tpu.memref_squeeze %dma_start3A_788 : memref<1x64xi32, #tpu.memory_space<vmem>> -> memref<64xi32, #tpu.memory_space<vmem>>
          %dma_start3A_790 = arith.constant 0 : i32
          %dma_start3A_791 = arith.constant 0 : i32
          %dma_start3A_792 = tpu.memref_slice %arg13[%dma_start3A_790, %dma_start3A_791] : memref<10001x128xf32, #tpu.memory_space<vmem_shared>> -> memref<10001x128xf32, #tpu.memory_space<vmem_shared>>
          tpu.enqueue_indirect_dma source(%dma_start3A_786 : memref<64x128xf32, #tpu.memory_space<vmem>>) target(%dma_start3A_792 : memref<10001x128xf32, #tpu.memory_space<vmem_shared>>) offsets(%dma_start3A_789 : memref<64xi32, #tpu.memory_space<vmem>>) semaphore(%arg16 : memref<!tpu.dma_semaphore, #tpu.memory_space<semaphore_mem>>) {add = true}
          %add3A_793 = arith.constant 128 : i32
          %add3A_794 = arith.addi %mul3A_568, %add3A_793 : i32
          %dma_wait3A_795 = arith.constant 2 : i32
          %dma_wait3A_796 = arith.constant 0 : i32
          %dma_wait3A_797 = arith.constant 0 : i32
          %dma_wait3A_798 = tpu.memref_slice %arg11[%dma_wait3A_795, %dma_wait3A_796, %dma_wait3A_797] : memref<4x64x128xf32, #tpu.memory_space<vmem>> -> memref<1x64x128xf32, #tpu.memory_space<vmem>>
          %dma_wait3A_799 = tpu.memref_squeeze %dma_wait3A_798 : memref<1x64x128xf32, #tpu.memory_space<vmem>> -> memref<64x128xf32, #tpu.memory_space<vmem>>
          %dma_wait3A_800 = tpu.memref_slice %arg8[%add3A_794] : memref<1792xi32, #tpu.memory_space<vmem>> -> memref<64xi32, #tpu.memory_space<vmem>>
          %dma_wait3A_801 = arith.constant 0 : i32
          %dma_wait3A_802 = arith.constant 0 : i32
          %dma_wait3A_803 = tpu.memref_slice %arg2[%dma_wait3A_801, %dma_wait3A_802] : memref<160000x128xf32, #tpu.memory_space<hbm>> -> memref<160000x128xf32, #tpu.memory_space<hbm>>
          tpu.wait_indirect_dma semaphore(%arg15 : memref<!tpu.dma_semaphore, #tpu.memory_space<semaphore_mem>>) src(%dma_wait3A_803 : memref<160000x128xf32, #tpu.memory_space<hbm>>) dst(%dma_wait3A_799 : memref<64x128xf32, #tpu.memory_space<vmem>>)
          %dma_start3A_804 = arith.constant 2 : i32
          %dma_start3A_805 = arith.constant 2 : i32
          %dma_start3A_806 = arith.constant 0 : i32
          %dma_start3A_807 = arith.constant 0 : i32
          %dma_start3A_808 = tpu.memref_slice %arg11[%dma_start3A_804, %dma_start3A_806, %dma_start3A_807] : memref<4x64x128xf32, #tpu.memory_space<vmem>> -> memref<1x64x128xf32, #tpu.memory_space<vmem>>
          %dma_start3A_809 = tpu.memref_squeeze %dma_start3A_808 : memref<1x64x128xf32, #tpu.memory_space<vmem>> -> memref<64x128xf32, #tpu.memory_space<vmem>>
          %dma_start3A_810 = arith.constant 0 : i32
          %dma_start3A_811 = tpu.memref_slice %arg10[%dma_start3A_805, %dma_start3A_810] : memref<4x64xi32, #tpu.memory_space<vmem>> -> memref<1x64xi32, #tpu.memory_space<vmem>>
          %dma_start3A_812 = tpu.memref_squeeze %dma_start3A_811 : memref<1x64xi32, #tpu.memory_space<vmem>> -> memref<64xi32, #tpu.memory_space<vmem>>
          %dma_start3A_813 = arith.constant 0 : i32
          %dma_start3A_814 = arith.constant 0 : i32
          %dma_start3A_815 = tpu.memref_slice %arg13[%dma_start3A_813, %dma_start3A_814] : memref<10001x128xf32, #tpu.memory_space<vmem_shared>> -> memref<10001x128xf32, #tpu.memory_space<vmem_shared>>
          tpu.enqueue_indirect_dma source(%dma_start3A_809 : memref<64x128xf32, #tpu.memory_space<vmem>>) target(%dma_start3A_815 : memref<10001x128xf32, #tpu.memory_space<vmem_shared>>) offsets(%dma_start3A_812 : memref<64xi32, #tpu.memory_space<vmem>>) semaphore(%arg16 : memref<!tpu.dma_semaphore, #tpu.memory_space<semaphore_mem>>) {add = true}
          %add3A_816 = arith.constant 192 : i32
          %add3A_817 = arith.addi %mul3A_568, %add3A_816 : i32
          %dma_wait3A_818 = arith.constant 3 : i32
          %dma_wait3A_819 = arith.constant 0 : i32
          %dma_wait3A_820 = arith.constant 0 : i32
          %dma_wait3A_821 = tpu.memref_slice %arg11[%dma_wait3A_818, %dma_wait3A_819, %dma_wait3A_820] : memref<4x64x128xf32, #tpu.memory_space<vmem>> -> memref<1x64x128xf32, #tpu.memory_space<vmem>>
          %dma_wait3A_822 = tpu.memref_squeeze %dma_wait3A_821 : memref<1x64x128xf32, #tpu.memory_space<vmem>> -> memref<64x128xf32, #tpu.memory_space<vmem>>
          %dma_wait3A_823 = tpu.memref_slice %arg8[%add3A_817] : memref<1792xi32, #tpu.memory_space<vmem>> -> memref<64xi32, #tpu.memory_space<vmem>>
          %dma_wait3A_824 = arith.constant 0 : i32
          %dma_wait3A_825 = arith.constant 0 : i32
          %dma_wait3A_826 = tpu.memref_slice %arg2[%dma_wait3A_824, %dma_wait3A_825] : memref<160000x128xf32, #tpu.memory_space<hbm>> -> memref<160000x128xf32, #tpu.memory_space<hbm>>
          tpu.wait_indirect_dma semaphore(%arg15 : memref<!tpu.dma_semaphore, #tpu.memory_space<semaphore_mem>>) src(%dma_wait3A_826 : memref<160000x128xf32, #tpu.memory_space<hbm>>) dst(%dma_wait3A_822 : memref<64x128xf32, #tpu.memory_space<vmem>>)
          %dma_start3A_827 = arith.constant 3 : i32
          %dma_start3A_828 = arith.constant 3 : i32
          %dma_start3A_829 = arith.constant 0 : i32
          %dma_start3A_830 = arith.constant 0 : i32
          %dma_start3A_831 = tpu.memref_slice %arg11[%dma_start3A_827, %dma_start3A_829, %dma_start3A_830] : memref<4x64x128xf32, #tpu.memory_space<vmem>> -> memref<1x64x128xf32, #tpu.memory_space<vmem>>
          %dma_start3A_832 = tpu.memref_squeeze %dma_start3A_831 : memref<1x64x128xf32, #tpu.memory_space<vmem>> -> memref<64x128xf32, #tpu.memory_space<vmem>>
          %dma_start3A_833 = arith.constant 0 : i32
          %dma_start3A_834 = tpu.memref_slice %arg10[%dma_start3A_828, %dma_start3A_833] : memref<4x64xi32, #tpu.memory_space<vmem>> -> memref<1x64xi32, #tpu.memory_space<vmem>>
          %dma_start3A_835 = tpu.memref_squeeze %dma_start3A_834 : memref<1x64xi32, #tpu.memory_space<vmem>> -> memref<64xi32, #tpu.memory_space<vmem>>
          %dma_start3A_836 = arith.constant 0 : i32
          %dma_start3A_837 = arith.constant 0 : i32
          %dma_start3A_838 = tpu.memref_slice %arg13[%dma_start3A_836, %dma_start3A_837] : memref<10001x128xf32, #tpu.memory_space<vmem_shared>> -> memref<10001x128xf32, #tpu.memory_space<vmem_shared>>
          tpu.enqueue_indirect_dma source(%dma_start3A_832 : memref<64x128xf32, #tpu.memory_space<vmem>>) target(%dma_start3A_838 : memref<10001x128xf32, #tpu.memory_space<vmem_shared>>) offsets(%dma_start3A_835 : memref<64xi32, #tpu.memory_space<vmem>>) semaphore(%arg16 : memref<!tpu.dma_semaphore, #tpu.memory_space<semaphore_mem>>) {add = true}
          %dma_wait3A_839 = arith.constant 0 : i32
          %dma_wait3A_840 = arith.constant 0 : i32
          %dma_wait3A_841 = arith.constant 0 : i32
          %dma_wait3A_842 = arith.constant 0 : i32
          %dma_wait3A_843 = tpu.memref_slice %arg11[%dma_wait3A_839, %dma_wait3A_841, %dma_wait3A_842] : memref<4x64x128xf32, #tpu.memory_space<vmem>> -> memref<1x64x128xf32, #tpu.memory_space<vmem>>
          %dma_wait3A_844 = tpu.memref_squeeze %dma_wait3A_843 : memref<1x64x128xf32, #tpu.memory_space<vmem>> -> memref<64x128xf32, #tpu.memory_space<vmem>>
          %dma_wait3A_845 = arith.constant 0 : i32
          %dma_wait3A_846 = tpu.memref_slice %arg10[%dma_wait3A_840, %dma_wait3A_845] : memref<4x64xi32, #tpu.memory_space<vmem>> -> memref<1x64xi32, #tpu.memory_space<vmem>>
          %dma_wait3A_847 = tpu.memref_squeeze %dma_wait3A_846 : memref<1x64xi32, #tpu.memory_space<vmem>> -> memref<64xi32, #tpu.memory_space<vmem>>
          %dma_wait3A_848 = arith.constant 0 : i32
          %dma_wait3A_849 = arith.constant 0 : i32
          %dma_wait3A_850 = tpu.memref_slice %arg13[%dma_wait3A_848, %dma_wait3A_849] : memref<10001x128xf32, #tpu.memory_space<vmem_shared>> -> memref<10001x128xf32, #tpu.memory_space<vmem_shared>>
          tpu.wait_indirect_dma semaphore(%arg16 : memref<!tpu.dma_semaphore, #tpu.memory_space<semaphore_mem>>) src(%dma_wait3A_844 : memref<64x128xf32, #tpu.memory_space<vmem>>) dst(%dma_wait3A_850 : memref<10001x128xf32, #tpu.memory_space<vmem_shared>>)
          %dma_wait3A_851 = arith.constant 1 : i32
          %dma_wait3A_852 = arith.constant 1 : i32
          %dma_wait3A_853 = arith.constant 0 : i32
          %dma_wait3A_854 = arith.constant 0 : i32
          %dma_wait3A_855 = tpu.memref_slice %arg11[%dma_wait3A_851, %dma_wait3A_853, %dma_wait3A_854] : memref<4x64x128xf32, #tpu.memory_space<vmem>> -> memref<1x64x128xf32, #tpu.memory_space<vmem>>
          %dma_wait3A_856 = tpu.memref_squeeze %dma_wait3A_855 : memref<1x64x128xf32, #tpu.memory_space<vmem>> -> memref<64x128xf32, #tpu.memory_space<vmem>>
          %dma_wait3A_857 = arith.constant 0 : i32
          %dma_wait3A_858 = tpu.memref_slice %arg10[%dma_wait3A_852, %dma_wait3A_857] : memref<4x64xi32, #tpu.memory_space<vmem>> -> memref<1x64xi32, #tpu.memory_space<vmem>>
          %dma_wait3A_859 = tpu.memref_squeeze %dma_wait3A_858 : memref<1x64xi32, #tpu.memory_space<vmem>> -> memref<64xi32, #tpu.memory_space<vmem>>
          %dma_wait3A_860 = arith.constant 0 : i32
          %dma_wait3A_861 = arith.constant 0 : i32
          %dma_wait3A_862 = tpu.memref_slice %arg13[%dma_wait3A_860, %dma_wait3A_861] : memref<10001x128xf32, #tpu.memory_space<vmem_shared>> -> memref<10001x128xf32, #tpu.memory_space<vmem_shared>>
          tpu.wait_indirect_dma semaphore(%arg16 : memref<!tpu.dma_semaphore, #tpu.memory_space<semaphore_mem>>) src(%dma_wait3A_856 : memref<64x128xf32, #tpu.memory_space<vmem>>) dst(%dma_wait3A_862 : memref<10001x128xf32, #tpu.memory_space<vmem_shared>>)
          %dma_wait3A_863 = arith.constant 2 : i32
          %dma_wait3A_864 = arith.constant 2 : i32
          %dma_wait3A_865 = arith.constant 0 : i32
          %dma_wait3A_866 = arith.constant 0 : i32
          %dma_wait3A_867 = tpu.memref_slice %arg11[%dma_wait3A_863, %dma_wait3A_865, %dma_wait3A_866] : memref<4x64x128xf32, #tpu.memory_space<vmem>> -> memref<1x64x128xf32, #tpu.memory_space<vmem>>
          %dma_wait3A_868 = tpu.memref_squeeze %dma_wait3A_867 : memref<1x64x128xf32, #tpu.memory_space<vmem>> -> memref<64x128xf32, #tpu.memory_space<vmem>>
          %dma_wait3A_869 = arith.constant 0 : i32
          %dma_wait3A_870 = tpu.memref_slice %arg10[%dma_wait3A_864, %dma_wait3A_869] : memref<4x64xi32, #tpu.memory_space<vmem>> -> memref<1x64xi32, #tpu.memory_space<vmem>>
          %dma_wait3A_871 = tpu.memref_squeeze %dma_wait3A_870 : memref<1x64xi32, #tpu.memory_space<vmem>> -> memref<64xi32, #tpu.memory_space<vmem>>
          %dma_wait3A_872 = arith.constant 0 : i32
          %dma_wait3A_873 = arith.constant 0 : i32
          %dma_wait3A_874 = tpu.memref_slice %arg13[%dma_wait3A_872, %dma_wait3A_873] : memref<10001x128xf32, #tpu.memory_space<vmem_shared>> -> memref<10001x128xf32, #tpu.memory_space<vmem_shared>>
          tpu.wait_indirect_dma semaphore(%arg16 : memref<!tpu.dma_semaphore, #tpu.memory_space<semaphore_mem>>) src(%dma_wait3A_868 : memref<64x128xf32, #tpu.memory_space<vmem>>) dst(%dma_wait3A_874 : memref<10001x128xf32, #tpu.memory_space<vmem_shared>>)
          %dma_wait3A_875 = arith.constant 3 : i32
          %dma_wait3A_876 = arith.constant 3 : i32
          %dma_wait3A_877 = arith.constant 0 : i32
          %dma_wait3A_878 = arith.constant 0 : i32
          %dma_wait3A_879 = tpu.memref_slice %arg11[%dma_wait3A_875, %dma_wait3A_877, %dma_wait3A_878] : memref<4x64x128xf32, #tpu.memory_space<vmem>> -> memref<1x64x128xf32, #tpu.memory_space<vmem>>
          %dma_wait3A_880 = tpu.memref_squeeze %dma_wait3A_879 : memref<1x64x128xf32, #tpu.memory_space<vmem>> -> memref<64x128xf32, #tpu.memory_space<vmem>>
          %dma_wait3A_881 = arith.constant 0 : i32
          %dma_wait3A_882 = tpu.memref_slice %arg10[%dma_wait3A_876, %dma_wait3A_881] : memref<4x64xi32, #tpu.memory_space<vmem>> -> memref<1x64xi32, #tpu.memory_space<vmem>>
          %dma_wait3A_883 = tpu.memref_squeeze %dma_wait3A_882 : memref<1x64xi32, #tpu.memory_space<vmem>> -> memref<64xi32, #tpu.memory_space<vmem>>
          %dma_wait3A_884 = arith.constant 0 : i32
          %dma_wait3A_885 = arith.constant 0 : i32
          %dma_wait3A_886 = tpu.memref_slice %arg13[%dma_wait3A_884, %dma_wait3A_885] : memref<10001x128xf32, #tpu.memory_space<vmem_shared>> -> memref<10001x128xf32, #tpu.memory_space<vmem_shared>>
          tpu.wait_indirect_dma semaphore(%arg16 : memref<!tpu.dma_semaphore, #tpu.memory_space<semaphore_mem>>) src(%dma_wait3A_880 : memref<64x128xf32, #tpu.memory_space<vmem>>) dst(%dma_wait3A_886 : memref<10001x128xf32, #tpu.memory_space<vmem_shared>>)
        }
        %while3A_557 = arith.constant 1 : i32
        scf.for %while3A_566 = %while3A_555 to %while3A_551 step %while3A_557  : i32 {
          %mul3A_567 = arith.constant 256 : i32
          %mul3A_568 = arith.muli %while3A_566, %mul3A_567 : i32
          %add3A_569 = arith.constant 0 : i32
          %add3A_570 = arith.addi %mul3A_568, %add3A_569 : i32
          %add3A_571 = arith.constant 0 : i32
          %add3A_572 = arith.addi %add3A_570, %add3A_571 : i32
          %get3A = arith.index_cast %add3A_572 : i32 to index
          %get3A_573 = tpu.vector_load %arg9[%get3A] {strides = array<i32>} : memref<1792xi32, #tpu.memory_space<vmem>>, vector<16xi32>,
          %swap3A = arith.constant 0 : i32
          %swap3A_574 = arith.index_cast %swap3A : i32 to index
          %swap3A_575 = arith.constant 0 : index
          %swap3A_576 = tpu.vector_load %arg10[%swap3A_574, %swap3A_575] {strides = array<i32>} : memref<4x64xi32, #tpu.memory_space<vmem>>, vector<16xi32>,
          tpu.vector_store %arg10[%swap3A_574, %swap3A_575], %get3A_573 {strides = array<i32>} : memref<4x64xi32, #tpu.memory_space<vmem>>, vector<16xi32>,
          %add3A_577 = arith.constant 16 : i32
          %add3A_578 = arith.addi %add3A_570, %add3A_577 : i32
          %get3A_579 = arith.index_cast %add3A_578 : i32 to index
          %get3A_580 = tpu.vector_load %arg9[%get3A_579] {strides = array<i32>} : memref<1792xi32, #tpu.memory_space<vmem>>, vector<16xi32>,
          %swap3A_581 = arith.constant 0 : i32
          %swap3A_582 = arith.index_cast %swap3A_581 : i32 to index
          %swap3A_583 = arith.constant 16 : index
          %swap3A_584 = tpu.vector_load %arg10[%swap3A_582, %swap3A_583] {strides = array<i32>} : memref<4x64xi32, #tpu.memory_space<vmem>>, vector<16xi32>,
          tpu.vector_store %arg10[%swap3A_582, %swap3A_583], %get3A_580 {strides = array<i32>} : memref<4x64xi32, #tpu.memory_space<vmem>>, vector<16xi32>,
          %add3A_585 = arith.constant 32 : i32
          %add3A_586 = arith.addi %add3A_570, %add3A_585 : i32
          %get3A_587 = arith.index_cast %add3A_586 : i32 to index
          %get3A_588 = tpu.vector_load %arg9[%get3A_587] {strides = array<i32>} : memref<1792xi32, #tpu.memory_space<vmem>>, vector<16xi32>,
          %swap3A_589 = arith.constant 0 : i32
          %swap3A_590 = arith.index_cast %swap3A_589 : i32 to index
          %swap3A_591 = arith.constant 32 : index
          %swap3A_592 = tpu.vector_load %arg10[%swap3A_590, %swap3A_591] {strides = array<i32>} : memref<4x64xi32, #tpu.memory_space<vmem>>, vector<16xi32>,
          tpu.vector_store %arg10[%swap3A_590, %swap3A_591], %get3A_588 {strides = array<i32>} : memref<4x64xi32, #tpu.memory_space<vmem>>, vector<16xi32>,
          %add3A_593 = arith.constant 48 : i32
          %add3A_594 = arith.addi %add3A_570, %add3A_593 : i32
          %get3A_595 = arith.index_cast %add3A_594 : i32 to index
          %get3A_596 = tpu.vector_load %arg9[%get3A_595] {strides = array<i32>} : memref<1792xi32, #tpu.memory_space<vmem>>, vector<16xi32>,
          %swap3A_597 = arith.constant 0 : i32
          %swap3A_598 = arith.index_cast %swap3A_597 : i32 to index
          %swap3A_599 = arith.constant 48 : index
          %swap3A_600 = tpu.vector_load %arg10[%swap3A_598, %swap3A_599] {strides = array<i32>} : memref<4x64xi32, #tpu.memory_space<vmem>>, vector<16xi32>,
          tpu.vector_store %arg10[%swap3A_598, %swap3A_599], %get3A_596 {strides = array<i32>} : memref<4x64xi32, #tpu.memory_space<vmem>>, vector<16xi32>,
          %add3A_601 = arith.constant 0 : i32
          %add3A_602 = arith.addi %mul3A_568, %add3A_601 : i32
          %dma_start3A_603 = arith.constant 0 : i32
          %dma_start3A_604 = arith.constant 0 : i32
          %dma_start3A_605 = arith.constant 0 : i32
          %dma_start3A_606 = tpu.memref_slice %arg11[%dma_start3A_603, %dma_start3A_604, %dma_start3A_605] : memref<4x64x128xf32, #tpu.memory_space<vmem>> -> memref<1x64x128xf32, #tpu.memory_space<vmem>>
          %dma_start3A_607 = tpu.memref_squeeze %dma_start3A_606 : memref<1x64x128xf32, #tpu.memory_space<vmem>> -> memref<64x128xf32, #tpu.memory_space<vmem>>
          %dma_start3A_608 = tpu.memref_slice %arg8[%add3A_602] : memref<1792xi32, #tpu.memory_space<vmem>> -> memref<64xi32, #tpu.memory_space<vmem>>
          %dma_start3A_609 = arith.constant 0 : i32
          %dma_start3A_610 = arith.constant 0 : i32
          %dma_start3A_611 = tpu.memref_slice %arg2[%dma_start3A_609, %dma_start3A_610] : memref<160000x128xf32, #tpu.memory_space<hbm>> -> memref<160000x128xf32, #tpu.memory_space<hbm>>
          tpu.enqueue_indirect_dma source(%dma_start3A_611 : memref<160000x128xf32, #tpu.memory_space<hbm>>) target(%dma_start3A_607 : memref<64x128xf32, #tpu.memory_space<vmem>>) offsets(%dma_start3A_608 : memref<64xi32, #tpu.memory_space<vmem>>) semaphore(%arg15 : memref<!tpu.dma_semaphore, #tpu.memory_space<semaphore_mem>>)
          %add3A_612 = arith.constant 64 : i32
          %add3A_613 = arith.addi %mul3A_568, %add3A_612 : i32
          %add3A_614 = arith.constant 0 : i32
          %add3A_615 = arith.addi %add3A_613, %add3A_614 : i32
          %get3A_616 = arith.index_cast %add3A_615 : i32 to index
          %get3A_617 = tpu.vector_load %arg9[%get3A_616] {strides = array<i32>} : memref<1792xi32, #tpu.memory_space<vmem>>, vector<16xi32>,
          %swap3A_618 = arith.constant 1 : i32
          %swap3A_619 = arith.index_cast %swap3A_618 : i32 to index
          %swap3A_620 = arith.constant 0 : index
          %swap3A_621 = tpu.vector_load %arg10[%swap3A_619, %swap3A_620] {strides = array<i32>} : memref<4x64xi32, #tpu.memory_space<vmem>>, vector<16xi32>,
          tpu.vector_store %arg10[%swap3A_619, %swap3A_620], %get3A_617 {strides = array<i32>} : memref<4x64xi32, #tpu.memory_space<vmem>>, vector<16xi32>,
          %add3A_622 = arith.constant 16 : i32
          %add3A_623 = arith.addi %add3A_613, %add3A_622 : i32
          %get3A_624 = arith.index_cast %add3A_623 : i32 to index
          %get3A_625 = tpu.vector_load %arg9[%get3A_624] {strides = array<i32>} : memref<1792xi32, #tpu.memory_space<vmem>>, vector<16xi32>,
          %swap3A_626 = arith.constant 1 : i32
          %swap3A_627 = arith.index_cast %swap3A_626 : i32 to index
          %swap3A_628 = arith.constant 16 : index
          %swap3A_629 = tpu.vector_load %arg10[%swap3A_627, %swap3A_628] {strides = array<i32>} : memref<4x64xi32, #tpu.memory_space<vmem>>, vector<16xi32>,
          tpu.vector_store %arg10[%swap3A_627, %swap3A_628], %get3A_625 {strides = array<i32>} : memref<4x64xi32, #tpu.memory_space<vmem>>, vector<16xi32>,
          %add3A_630 = arith.constant 32 : i32
          %add3A_631 = arith.addi %add3A_613, %add3A_630 : i32
          %get3A_632 = arith.index_cast %add3A_631 : i32 to index
          %get3A_633 = tpu.vector_load %arg9[%get3A_632] {strides = array<i32>} : memref<1792xi32, #tpu.memory_space<vmem>>, vector<16xi32>,
          %swap3A_634 = arith.constant 1 : i32
          %swap3A_635 = arith.index_cast %swap3A_634 : i32 to index
          %swap3A_636 = arith.constant 32 : index
          %swap3A_637 = tpu.vector_load %arg10[%swap3A_635, %swap3A_636] {strides = array<i32>} : memref<4x64xi32, #tpu.memory_space<vmem>>, vector<16xi32>,
          tpu.vector_store %arg10[%swap3A_635, %swap3A_636], %get3A_633 {strides = array<i32>} : memref<4x64xi32, #tpu.memory_space<vmem>>, vector<16xi32>,
          %add3A_638 = arith.constant 48 : i32
          %add3A_639 = arith.addi %add3A_613, %add3A_638 : i32
          %get3A_640 = arith.index_cast %add3A_639 : i32 to index
          %get3A_641 = tpu.vector_load %arg9[%get3A_640] {strides = array<i32>} : memref<1792xi32, #tpu.memory_space<vmem>>, vector<16xi32>,
          %swap3A_642 = arith.constant 1 : i32
          %swap3A_643 = arith.index_cast %swap3A_642 : i32 to index
          %swap3A_644 = arith.constant 48 : index
          %swap3A_645 = tpu.vector_load %arg10[%swap3A_643, %swap3A_644] {strides = array<i32>} : memref<4x64xi32, #tpu.memory_space<vmem>>, vector<16xi32>,
          tpu.vector_store %arg10[%swap3A_643, %swap3A_644], %get3A_641 {strides = array<i32>} : memref<4x64xi32, #tpu.memory_space<vmem>>, vector<16xi32>,
          %add3A_646 = arith.constant 64 : i32
          %add3A_647 = arith.addi %mul3A_568, %add3A_646 : i32
          %dma_start3A_648 = arith.constant 1 : i32
          %dma_start3A_649 = arith.constant 0 : i32
          %dma_start3A_650 = arith.constant 0 : i32
          %dma_start3A_651 = tpu.memref_slice %arg11[%dma_start3A_648, %dma_start3A_649, %dma_start3A_650] : memref<4x64x128xf32, #tpu.memory_space<vmem>> -> memref<1x64x128xf32, #tpu.memory_space<vmem>>
          %dma_start3A_652 = tpu.memref_squeeze %dma_start3A_651 : memref<1x64x128xf32, #tpu.memory_space<vmem>> -> memref<64x128xf32, #tpu.memory_space<vmem>>
          %dma_start3A_653 = tpu.memref_slice %arg8[%add3A_647] : memref<1792xi32, #tpu.memory_space<vmem>> -> memref<64xi32, #tpu.memory_space<vmem>>
          %dma_start3A_654 = arith.constant 0 : i32
          %dma_start3A_655 = arith.constant 0 : i32
          %dma_start3A_656 = tpu.memref_slice %arg2[%dma_start3A_654, %dma_start3A_655] : memref<160000x128xf32, #tpu.memory_space<hbm>> -> memref<160000x128xf32, #tpu.memory_space<hbm>>
          tpu.enqueue_indirect_dma source(%dma_start3A_656 : memref<160000x128xf32, #tpu.memory_space<hbm>>) target(%dma_start3A_652 : memref<64x128xf32, #tpu.memory_space<vmem>>) offsets(%dma_start3A_653 : memref<64xi32, #tpu.memory_space<vmem>>) semaphore(%arg15 : memref<!tpu.dma_semaphore, #tpu.memory_space<semaphore_mem>>)
          %add3A_657 = arith.constant 128 : i32
          %add3A_658 = arith.addi %mul3A_568, %add3A_657 : i32
          %add3A_659 = arith.constant 0 : i32
          %add3A_660 = arith.addi %add3A_658, %add3A_659 : i32
          %get3A_661 = arith.index_cast %add3A_660 : i32 to index
          %get3A_662 = tpu.vector_load %arg9[%get3A_661] {strides = array<i32>} : memref<1792xi32, #tpu.memory_space<vmem>>, vector<16xi32>,
          %swap3A_663 = arith.constant 2 : i32
          %swap3A_664 = arith.index_cast %swap3A_663 : i32 to index
          %swap3A_665 = arith.constant 0 : index
          %swap3A_666 = tpu.vector_load %arg10[%swap3A_664, %swap3A_665] {strides = array<i32>} : memref<4x64xi32, #tpu.memory_space<vmem>>, vector<16xi32>,
          tpu.vector_store %arg10[%swap3A_664, %swap3A_665], %get3A_662 {strides = array<i32>} : memref<4x64xi32, #tpu.memory_space<vmem>>, vector<16xi32>,
          %add3A_667 = arith.constant 16 : i32
          %add3A_668 = arith.addi %add3A_658, %add3A_667 : i32
          %get3A_669 = arith.index_cast %add3A_668 : i32 to index
          %get3A_670 = tpu.vector_load %arg9[%get3A_669] {strides = array<i32>} : memref<1792xi32, #tpu.memory_space<vmem>>, vector<16xi32>,
          %swap3A_671 = arith.constant 2 : i32
          %swap3A_672 = arith.index_cast %swap3A_671 : i32 to index
          %swap3A_673 = arith.constant 16 : index
          %swap3A_674 = tpu.vector_load %arg10[%swap3A_672, %swap3A_673] {strides = array<i32>} : memref<4x64xi32, #tpu.memory_space<vmem>>, vector<16xi32>,
          tpu.vector_store %arg10[%swap3A_672, %swap3A_673], %get3A_670 {strides = array<i32>} : memref<4x64xi32, #tpu.memory_space<vmem>>, vector<16xi32>,
          %add3A_675 = arith.constant 32 : i32
          %add3A_676 = arith.addi %add3A_658, %add3A_675 : i32
          %get3A_677 = arith.index_cast %add3A_676 : i32 to index
          %get3A_678 = tpu.vector_load %arg9[%get3A_677] {strides = array<i32>} : memref<1792xi32, #tpu.memory_space<vmem>>, vector<16xi32>,
          %swap3A_679 = arith.constant 2 : i32
          %swap3A_680 = arith.index_cast %swap3A_679 : i32 to index
          %swap3A_681 = arith.constant 32 : index
          %swap3A_682 = tpu.vector_load %arg10[%swap3A_680, %swap3A_681] {strides = array<i32>} : memref<4x64xi32, #tpu.memory_space<vmem>>, vector<16xi32>,
          tpu.vector_store %arg10[%swap3A_680, %swap3A_681], %get3A_678 {strides = array<i32>} : memref<4x64xi32, #tpu.memory_space<vmem>>, vector<16xi32>,
          %add3A_683 = arith.constant 48 : i32
          %add3A_684 = arith.addi %add3A_658, %add3A_683 : i32
          %get3A_685 = arith.index_cast %add3A_684 : i32 to index
          %get3A_686 = tpu.vector_load %arg9[%get3A_685] {strides = array<i32>} : memref<1792xi32, #tpu.memory_space<vmem>>, vector<16xi32>,
          %swap3A_687 = arith.constant 2 : i32
          %swap3A_688 = arith.index_cast %swap3A_687 : i32 to index
          %swap3A_689 = arith.constant 48 : index
          %swap3A_690 = tpu.vector_load %arg10[%swap3A_688, %swap3A_689] {strides = array<i32>} : memref<4x64xi32, #tpu.memory_space<vmem>>, vector<16xi32>,
          tpu.vector_store %arg10[%swap3A_688, %swap3A_689], %get3A_686 {strides = array<i32>} : memref<4x64xi32, #tpu.memory_space<vmem>>, vector<16xi32>,
          %add3A_691 = arith.constant 128 : i32
          %add3A_692 = arith.addi %mul3A_568, %add3A_691 : i32
          %dma_start3A_693 = arith.constant 2 : i32
          %dma_start3A_694 = arith.constant 0 : i32
          %dma_start3A_695 = arith.constant 0 : i32
          %dma_start3A_696 = tpu.memref_slice %arg11[%dma_start3A_693, %dma_start3A_694, %dma_start3A_695] : memref<4x64x128xf32, #tpu.memory_space<vmem>> -> memref<1x64x128xf32, #tpu.memory_space<vmem>>
          %dma_start3A_697 = tpu.memref_squeeze %dma_start3A_696 : memref<1x64x128xf32, #tpu.memory_space<vmem>> -> memref<64x128xf32, #tpu.memory_space<vmem>>
          %dma_start3A_698 = tpu.memref_slice %arg8[%add3A_692] : memref<1792xi32, #tpu.memory_space<vmem>> -> memref<64xi32, #tpu.memory_space<vmem>>
          %dma_start3A_699 = arith.constant 0 : i32
          %dma_start3A_700 = arith.constant 0 : i32
          %dma_start3A_701 = tpu.memref_slice %arg2[%dma_start3A_699, %dma_start3A_700] : memref<160000x128xf32, #tpu.memory_space<hbm>> -> memref<160000x128xf32, #tpu.memory_space<hbm>>
          tpu.enqueue_indirect_dma source(%dma_start3A_701 : memref<160000x128xf32, #tpu.memory_space<hbm>>) target(%dma_start3A_697 : memref<64x128xf32, #tpu.memory_space<vmem>>) offsets(%dma_start3A_698 : memref<64xi32, #tpu.memory_space<vmem>>) semaphore(%arg15 : memref<!tpu.dma_semaphore, #tpu.memory_space<semaphore_mem>>)
          %add3A_702 = arith.constant 192 : i32
          %add3A_703 = arith.addi %mul3A_568, %add3A_702 : i32
          %add3A_704 = arith.constant 0 : i32
          %add3A_705 = arith.addi %add3A_703, %add3A_704 : i32
          %get3A_706 = arith.index_cast %add3A_705 : i32 to index
          %get3A_707 = tpu.vector_load %arg9[%get3A_706] {strides = array<i32>} : memref<1792xi32, #tpu.memory_space<vmem>>, vector<16xi32>,
          %swap3A_708 = arith.constant 3 : i32
          %swap3A_709 = arith.index_cast %swap3A_708 : i32 to index
          %swap3A_710 = arith.constant 0 : index
          %swap3A_711 = tpu.vector_load %arg10[%swap3A_709, %swap3A_710] {strides = array<i32>} : memref<4x64xi32, #tpu.memory_space<vmem>>, vector<16xi32>,
          tpu.vector_store %arg10[%swap3A_709, %swap3A_710], %get3A_707 {strides = array<i32>} : memref<4x64xi32, #tpu.memory_space<vmem>>, vector<16xi32>,
          %add3A_712 = arith.constant 16 : i32
          %add3A_713 = arith.addi %add3A_703, %add3A_712 : i32
          %get3A_714 = arith.index_cast %add3A_713 : i32 to index
          %get3A_715 = tpu.vector_load %arg9[%get3A_714] {strides = array<i32>} : memref<1792xi32, #tpu.memory_space<vmem>>, vector<16xi32>,
          %swap3A_716 = arith.constant 3 : i32
          %swap3A_717 = arith.index_cast %swap3A_716 : i32 to index
          %swap3A_718 = arith.constant 16 : index
          %swap3A_719 = tpu.vector_load %arg10[%swap3A_717, %swap3A_718] {strides = array<i32>} : memref<4x64xi32, #tpu.memory_space<vmem>>, vector<16xi32>,
          tpu.vector_store %arg10[%swap3A_717, %swap3A_718], %get3A_715 {strides = array<i32>} : memref<4x64xi32, #tpu.memory_space<vmem>>, vector<16xi32>,
          %add3A_720 = arith.constant 32 : i32
          %add3A_721 = arith.addi %add3A_703, %add3A_720 : i32
          %get3A_722 = arith.index_cast %add3A_721 : i32 to index
          %get3A_723 = tpu.vector_load %arg9[%get3A_722] {strides = array<i32>} : memref<1792xi32, #tpu.memory_space<vmem>>, vector<16xi32>,
          %swap3A_724 = arith.constant 3 : i32
          %swap3A_725 = arith.index_cast %swap3A_724 : i32 to index
          %swap3A_726 = arith.constant 32 : index
          %swap3A_727 = tpu.vector_load %arg10[%swap3A_725, %swap3A_726] {strides = array<i32>} : memref<4x64xi32, #tpu.memory_space<vmem>>, vector<16xi32>,
          tpu.vector_store %arg10[%swap3A_725, %swap3A_726], %get3A_723 {strides = array<i32>} : memref<4x64xi32, #tpu.memory_space<vmem>>, vector<16xi32>,
          %add3A_728 = arith.constant 48 : i32
          %add3A_729 = arith.addi %add3A_703, %add3A_728 : i32
          %get3A_730 = arith.index_cast %add3A_729 : i32 to index
          %get3A_731 = tpu.vector_load %arg9[%get3A_730] {strides = array<i32>} : memref<1792xi32, #tpu.memory_space<vmem>>, vector<16xi32>,
          %swap3A_732 = arith.constant 3 : i32
          %swap3A_733 = arith.index_cast %swap3A_732 : i32 to index
          %swap3A_734 = arith.constant 48 : index
          %swap3A_735 = tpu.vector_load %arg10[%swap3A_733, %swap3A_734] {strides = array<i32>} : memref<4x64xi32, #tpu.memory_space<vmem>>, vector<16xi32>,
          tpu.vector_store %arg10[%swap3A_733, %swap3A_734], %get3A_731 {strides = array<i32>} : memref<4x64xi32, #tpu.memory_space<vmem>>, vector<16xi32>,
          %add3A_736 = arith.constant 192 : i32
          %add3A_737 = arith.addi %mul3A_568, %add3A_736 : i32
          %dma_start3A_738 = arith.constant 3 : i32
          %dma_start3A_739 = arith.constant 0 : i32
          %dma_start3A_740 = arith.constant 0 : i32
          %dma_start3A_741 = tpu.memref_slice %arg11[%dma_start3A_738, %dma_start3A_739, %dma_start3A_740] : memref<4x64x128xf32, #tpu.memory_space<vmem>> -> memref<1x64x128xf32, #tpu.memory_space<vmem>>
          %dma_start3A_742 = tpu.memref_squeeze %dma_start3A_741 : memref<1x64x128xf32, #tpu.memory_space<vmem>> -> memref<64x128xf32, #tpu.memory_space<vmem>>
          %dma_start3A_743 = tpu.memref_slice %arg8[%add3A_737] : memref<1792xi32, #tpu.memory_space<vmem>> -> memref<64xi32, #tpu.memory_space<vmem>>
          %dma_start3A_744 = arith.constant 0 : i32
          %dma_start3A_745 = arith.constant 0 : i32
          %dma_start3A_746 = tpu.memref_slice %arg2[%dma_start3A_744, %dma_start3A_745] : memref<160000x128xf32, #tpu.memory_space<hbm>> -> memref<160000x128xf32, #tpu.memory_space<hbm>>
          tpu.enqueue_indirect_dma source(%dma_start3A_746 : memref<160000x128xf32, #tpu.memory_space<hbm>>) target(%dma_start3A_742 : memref<64x128xf32, #tpu.memory_space<vmem>>) offsets(%dma_start3A_743 : memref<64xi32, #tpu.memory_space<vmem>>) semaphore(%arg15 : memref<!tpu.dma_semaphore, #tpu.memory_space<semaphore_mem>>)
          %add3A_747 = arith.constant 0 : i32
          %add3A_748 = arith.addi %mul3A_568, %add3A_747 : i32
          %dma_wait3A_749 = arith.constant 0 : i32
          %dma_wait3A_750 = arith.constant 0 : i32
          %dma_wait3A_751 = arith.constant 0 : i32
          %dma_wait3A_752 = tpu.memref_slice %arg11[%dma_wait3A_749, %dma_wait3A_750, %dma_wait3A_751] : memref<4x64x128xf32, #tpu.memory_space<vmem>> -> memref<1x64x128xf32, #tpu.memory_space<vmem>>
          %dma_wait3A_753 = tpu.memref_squeeze %dma_wait3A_752 : memref<1x64x128xf32, #tpu.memory_space<vmem>> -> memref<64x128xf32, #tpu.memory_space<vmem>>
          %dma_wait3A_754 = tpu.memref_slice %arg8[%add3A_748] : memref<1792xi32, #tpu.memory_space<vmem>> -> memref<64xi32, #tpu.memory_space<vmem>>
          %dma_wait3A_755 = arith.constant 0 : i32
          %dma_wait3A_756 = arith.constant 0 : i32
          %dma_wait3A_757 = tpu.memref_slice %arg2[%dma_wait3A_755, %dma_wait3A_756] : memref<160000x128xf32, #tpu.memory_space<hbm>> -> memref<160000x128xf32, #tpu.memory_space<hbm>>
          tpu.wait_indirect_dma semaphore(%arg15 : memref<!tpu.dma_semaphore, #tpu.memory_space<semaphore_mem>>) src(%dma_wait3A_757 : memref<160000x128xf32, #tpu.memory_space<hbm>>) dst(%dma_wait3A_753 : memref<64x128xf32, #tpu.memory_space<vmem>>)
          %dma_start3A_758 = arith.constant 0 : i32
          %dma_start3A_759 = arith.constant 0 : i32
          %dma_start3A_760 = arith.constant 0 : i32
          %dma_start3A_761 = arith.constant 0 : i32
          %dma_start3A_762 = tpu.memref_slice %arg11[%dma_start3A_758, %dma_start3A_760, %dma_start3A_761] : memref<4x64x128xf32, #tpu.memory_space<vmem>> -> memref<1x64x128xf32, #tpu.memory_space<vmem>>
          %dma_start3A_763 = tpu.memref_squeeze %dma_start3A_762 : memref<1x64x128xf32, #tpu.memory_space<vmem>> -> memref<64x128xf32, #tpu.memory_space<vmem>>
          %dma_start3A_764 = arith.constant 0 : i32
          %dma_start3A_765 = tpu.memref_slice %arg10[%dma_start3A_759, %dma_start3A_764] : memref<4x64xi32, #tpu.memory_space<vmem>> -> memref<1x64xi32, #tpu.memory_space<vmem>>
          %dma_start3A_766 = tpu.memref_squeeze %dma_start3A_765 : memref<1x64xi32, #tpu.memory_space<vmem>> -> memref<64xi32, #tpu.memory_space<vmem>>
          %dma_start3A_767 = arith.constant 0 : i32
          %dma_start3A_768 = arith.constant 0 : i32
          %dma_start3A_769 = tpu.memref_slice %arg13[%dma_start3A_767, %dma_start3A_768] : memref<10001x128xf32, #tpu.memory_space<vmem_shared>> -> memref<10001x128xf32, #tpu.memory_space<vmem_shared>>
          tpu.enqueue_indirect_dma source(%dma_start3A_763 : memref<64x128xf32, #tpu.memory_space<vmem>>) target(%dma_start3A_769 : memref<10001x128xf32, #tpu.memory_space<vmem_shared>>) offsets(%dma_start3A_766 : memref<64xi32, #tpu.memory_space<vmem>>) semaphore(%arg16 : memref<!tpu.dma_semaphore, #tpu.memory_space<semaphore_mem>>) {add = true}
          %add3A_770 = arith.constant 64 : i32
          %add3A_771 = arith.addi %mul3A_568, %add3A_770 : i32
          %dma_wait3A_772 = arith.constant 1 : i32
          %dma_wait3A_773 = arith.constant 0 : i32
          %dma_wait3A_774 = arith.constant 0 : i32
          %dma_wait3A_775 = tpu.memref_slice %arg11[%dma_wait3A_772, %dma_wait3A_773, %dma_wait3A_774] : memref<4x64x128xf32, #tpu.memory_space<vmem>> -> memref<1x64x128xf32, #tpu.memory_space<vmem>>
          %dma_wait3A_776 = tpu.memref_squeeze %dma_wait3A_775 : memref<1x64x128xf32, #tpu.memory_space<vmem>> -> memref<64x128xf32, #tpu.memory_space<vmem>>
          %dma_wait3A_777 = tpu.memref_slice %arg8[%add3A_771] : memref<1792xi32, #tpu.memory_space<vmem>> -> memref<64xi32, #tpu.memory_space<vmem>>
          %dma_wait3A_778 = arith.constant 0 : i32
          %dma_wait3A_779 = arith.constant 0 : i32
          %dma_wait3A_780 = tpu.memref_slice %arg2[%dma_wait3A_778, %dma_wait3A_779] : memref<160000x128xf32, #tpu.memory_space<hbm>> -> memref<160000x128xf32, #tpu.memory_space<hbm>>
          tpu.wait_indirect_dma semaphore(%arg15 : memref<!tpu.dma_semaphore, #tpu.memory_space<semaphore_mem>>) src(%dma_wait3A_780 : memref<160000x128xf32, #tpu.memory_space<hbm>>) dst(%dma_wait3A_776 : memref<64x128xf32, #tpu.memory_space<vmem>>)
          %dma_start3A_781 = arith.constant 1 : i32
          %dma_start3A_782 = arith.constant 1 : i32
          %dma_start3A_783 = arith.constant 0 : i32
          %dma_start3A_784 = arith.constant 0 : i32
          %dma_start3A_785 = tpu.memref_slice %arg11[%dma_start3A_781, %dma_start3A_783, %dma_start3A_784] : memref<4x64x128xf32, #tpu.memory_space<vmem>> -> memref<1x64x128xf32, #tpu.memory_space<vmem>>
          %dma_start3A_786 = tpu.memref_squeeze %dma_start3A_785 : memref<1x64x128xf32, #tpu.memory_space<vmem>> -> memref<64x128xf32, #tpu.memory_space<vmem>>
          %dma_start3A_787 = arith.constant 0 : i32
          %dma_start3A_788 = tpu.memref_slice %arg10[%dma_start3A_782, %dma_start3A_787] : memref<4x64xi32, #tpu.memory_space<vmem>> -> memref<1x64xi32, #tpu.memory_space<vmem>>
          %dma_start3A_789 = tpu.memref_squeeze %dma_start3A_788 : memref<1x64xi32, #tpu.memory_space<vmem>> -> memref<64xi32, #tpu.memory_space<vmem>>
          %dma_start3A_790 = arith.constant 0 : i32
          %dma_start3A_791 = arith.constant 0 : i32
          %dma_start3A_792 = tpu.memref_slice %arg13[%dma_start3A_790, %dma_start3A_791] : memref<10001x128xf32, #tpu.memory_space<vmem_shared>> -> memref<10001x128xf32, #tpu.memory_space<vmem_shared>>
          tpu.enqueue_indirect_dma source(%dma_start3A_786 : memref<64x128xf32, #tpu.memory_space<vmem>>) target(%dma_start3A_792 : memref<10001x128xf32, #tpu.memory_space<vmem_shared>>) offsets(%dma_start3A_789 : memref<64xi32, #tpu.memory_space<vmem>>) semaphore(%arg16 : memref<!tpu.dma_semaphore, #tpu.memory_space<semaphore_mem>>) {add = true}
          %add3A_793 = arith.constant 128 : i32
          %add3A_794 = arith.addi %mul3A_568, %add3A_793 : i32
          %dma_wait3A_795 = arith.constant 2 : i32
          %dma_wait3A_796 = arith.constant 0 : i32
          %dma_wait3A_797 = arith.constant 0 : i32
          %dma_wait3A_798 = tpu.memref_slice %arg11[%dma_wait3A_795, %dma_wait3A_796, %dma_wait3A_797] : memref<4x64x128xf32, #tpu.memory_space<vmem>> -> memref<1x64x128xf32, #tpu.memory_space<vmem>>
          %dma_wait3A_799 = tpu.memref_squeeze %dma_wait3A_798 : memref<1x64x128xf32, #tpu.memory_space<vmem>> -> memref<64x128xf32, #tpu.memory_space<vmem>>
          %dma_wait3A_800 = tpu.memref_slice %arg8[%add3A_794] : memref<1792xi32, #tpu.memory_space<vmem>> -> memref<64xi32, #tpu.memory_space<vmem>>
          %dma_wait3A_801 = arith.constant 0 : i32
          %dma_wait3A_802 = arith.constant 0 : i32
          %dma_wait3A_803 = tpu.memref_slice %arg2[%dma_wait3A_801, %dma_wait3A_802] : memref<160000x128xf32, #tpu.memory_space<hbm>> -> memref<160000x128xf32, #tpu.memory_space<hbm>>
          tpu.wait_indirect_dma semaphore(%arg15 : memref<!tpu.dma_semaphore, #tpu.memory_space<semaphore_mem>>) src(%dma_wait3A_803 : memref<160000x128xf32, #tpu.memory_space<hbm>>) dst(%dma_wait3A_799 : memref<64x128xf32, #tpu.memory_space<vmem>>)
          %dma_start3A_804 = arith.constant 2 : i32
          %dma_start3A_805 = arith.constant 2 : i32
          %dma_start3A_806 = arith.constant 0 : i32
          %dma_start3A_807 = arith.constant 0 : i32
          %dma_start3A_808 = tpu.memref_slice %arg11[%dma_start3A_804, %dma_start3A_806, %dma_start3A_807] : memref<4x64x128xf32, #tpu.memory_space<vmem>> -> memref<1x64x128xf32, #tpu.memory_space<vmem>>
          %dma_start3A_809 = tpu.memref_squeeze %dma_start3A_808 : memref<1x64x128xf32, #tpu.memory_space<vmem>> -> memref<64x128xf32, #tpu.memory_space<vmem>>
          %dma_start3A_810 = arith.constant 0 : i32
          %dma_start3A_811 = tpu.memref_slice %arg10[%dma_start3A_805, %dma_start3A_810] : memref<4x64xi32, #tpu.memory_space<vmem>> -> memref<1x64xi32, #tpu.memory_space<vmem>>
          %dma_start3A_812 = tpu.memref_squeeze %dma_start3A_811 : memref<1x64xi32, #tpu.memory_space<vmem>> -> memref<64xi32, #tpu.memory_space<vmem>>
          %dma_start3A_813 = arith.constant 0 : i32
          %dma_start3A_814 = arith.constant 0 : i32
          %dma_start3A_815 = tpu.memref_slice %arg13[%dma_start3A_813, %dma_start3A_814] : memref<10001x128xf32, #tpu.memory_space<vmem_shared>> -> memref<10001x128xf32, #tpu.memory_space<vmem_shared>>
          tpu.enqueue_indirect_dma source(%dma_start3A_809 : memref<64x128xf32, #tpu.memory_space<vmem>>) target(%dma_start3A_815 : memref<10001x128xf32, #tpu.memory_space<vmem_shared>>) offsets(%dma_start3A_812 : memref<64xi32, #tpu.memory_space<vmem>>) semaphore(%arg16 : memref<!tpu.dma_semaphore, #tpu.memory_space<semaphore_mem>>) {add = true}
          %add3A_816 = arith.constant 192 : i32
          %add3A_817 = arith.addi %mul3A_568, %add3A_816 : i32
          %dma_wait3A_818 = arith.constant 3 : i32
          %dma_wait3A_819 = arith.constant 0 : i32
          %dma_wait3A_820 = arith.constant 0 : i32
          %dma_wait3A_821 = tpu.memref_slice %arg11[%dma_wait3A_818, %dma_wait3A_819, %dma_wait3A_820] : memref<4x64x128xf32, #tpu.memory_space<vmem>> -> memref<1x64x128xf32, #tpu.memory_space<vmem>>
          %dma_wait3A_822 = tpu.memref_squeeze %dma_wait3A_821 : memref<1x64x128xf32, #tpu.memory_space<vmem>> -> memref<64x128xf32, #tpu.memory_space<vmem>>
          %dma_wait3A_823 = tpu.memref_slice %arg8[%add3A_817] : memref<1792xi32, #tpu.memory_space<vmem>> -> memref<64xi32, #tpu.memory_space<vmem>>
          %dma_wait3A_824 = arith.constant 0 : i32
          %dma_wait3A_825 = arith.constant 0 : i32
          %dma_wait3A_826 = tpu.memref_slice %arg2[%dma_wait3A_824, %dma_wait3A_825] : memref<160000x128xf32, #tpu.memory_space<hbm>> -> memref<160000x128xf32, #tpu.memory_space<hbm>>
          tpu.wait_indirect_dma semaphore(%arg15 : memref<!tpu.dma_semaphore, #tpu.memory_space<semaphore_mem>>) src(%dma_wait3A_826 : memref<160000x128xf32, #tpu.memory_space<hbm>>) dst(%dma_wait3A_822 : memref<64x128xf32, #tpu.memory_space<vmem>>)
          %dma_start3A_827 = arith.constant 3 : i32
          %dma_start3A_828 = arith.constant 3 : i32
          %dma_start3A_829 = arith.constant 0 : i32
          %dma_start3A_830 = arith.constant 0 : i32
          %dma_start3A_831 = tpu.memref_slice %arg11[%dma_start3A_827, %dma_start3A_829, %dma_start3A_830] : memref<4x64x128xf32, #tpu.memory_space<vmem>> -> memref<1x64x128xf32, #tpu.memory_space<vmem>>
          %dma_start3A_832 = tpu.memref_squeeze %dma_start3A_831 : memref<1x64x128xf32, #tpu.memory_space<vmem>> -> memref<64x128xf32, #tpu.memory_space<vmem>>
          %dma_start3A_833 = arith.constant 0 : i32
          %dma_start3A_834 = tpu.memref_slice %arg10[%dma_start3A_828, %dma_start3A_833] : memref<4x64xi32, #tpu.memory_space<vmem>> -> memref<1x64xi32, #tpu.memory_space<vmem>>
          %dma_start3A_835 = tpu.memref_squeeze %dma_start3A_834 : memref<1x64xi32, #tpu.memory_space<vmem>> -> memref<64xi32, #tpu.memory_space<vmem>>
          %dma_start3A_836 = arith.constant 0 : i32
          %dma_start3A_837 = arith.constant 0 : i32
          %dma_start3A_838 = tpu.memref_slice %arg13[%dma_start3A_836, %dma_start3A_837] : memref<10001x128xf32, #tpu.memory_space<vmem_shared>> -> memref<10001x128xf32, #tpu.memory_space<vmem_shared>>
          tpu.enqueue_indirect_dma source(%dma_start3A_832 : memref<64x128xf32, #tpu.memory_space<vmem>>) target(%dma_start3A_838 : memref<10001x128xf32, #tpu.memory_space<vmem_shared>>) offsets(%dma_start3A_835 : memref<64xi32, #tpu.memory_space<vmem>>) semaphore(%arg16 : memref<!tpu.dma_semaphore, #tpu.memory_space<semaphore_mem>>) {add = true}
          %dma_wait3A_839 = arith.constant 0 : i32
          %dma_wait3A_840 = arith.constant 0 : i32
          %dma_wait3A_841 = arith.constant 0 : i32
          %dma_wait3A_842 = arith.constant 0 : i32
          %dma_wait3A_843 = tpu.memref_slice %arg11[%dma_wait3A_839, %dma_wait3A_841, %dma_wait3A_842] : memref<4x64x128xf32, #tpu.memory_space<vmem>> -> memref<1x64x128xf32, #tpu.memory_space<vmem>>
          %dma_wait3A_844 = tpu.memref_squeeze %dma_wait3A_843 : memref<1x64x128xf32, #tpu.memory_space<vmem>> -> memref<64x128xf32, #tpu.memory_space<vmem>>
          %dma_wait3A_845 = arith.constant 0 : i32
          %dma_wait3A_846 = tpu.memref_slice %arg10[%dma_wait3A_840, %dma_wait3A_845] : memref<4x64xi32, #tpu.memory_space<vmem>> -> memref<1x64xi32, #tpu.memory_space<vmem>>
          %dma_wait3A_847 = tpu.memref_squeeze %dma_wait3A_846 : memref<1x64xi32, #tpu.memory_space<vmem>> -> memref<64xi32, #tpu.memory_space<vmem>>
          %dma_wait3A_848 = arith.constant 0 : i32
          %dma_wait3A_849 = arith.constant 0 : i32
          %dma_wait3A_850 = tpu.memref_slice %arg13[%dma_wait3A_848, %dma_wait3A_849] : memref<10001x128xf32, #tpu.memory_space<vmem_shared>> -> memref<10001x128xf32, #tpu.memory_space<vmem_shared>>
          tpu.wait_indirect_dma semaphore(%arg16 : memref<!tpu.dma_semaphore, #tpu.memory_space<semaphore_mem>>) src(%dma_wait3A_844 : memref<64x128xf32, #tpu.memory_space<vmem>>) dst(%dma_wait3A_850 : memref<10001x128xf32, #tpu.memory_space<vmem_shared>>)
          %dma_wait3A_851 = arith.constant 1 : i32
          %dma_wait3A_852 = arith.constant 1 : i32
          %dma_wait3A_853 = arith.constant 0 : i32
          %dma_wait3A_854 = arith.constant 0 : i32
          %dma_wait3A_855 = tpu.memref_slice %arg11[%dma_wait3A_851, %dma_wait3A_853, %dma_wait3A_854] : memref<4x64x128xf32, #tpu.memory_space<vmem>> -> memref<1x64x128xf32, #tpu.memory_space<vmem>>
          %dma_wait3A_856 = tpu.memref_squeeze %dma_wait3A_855 : memref<1x64x128xf32, #tpu.memory_space<vmem>> -> memref<64x128xf32, #tpu.memory_space<vmem>>
          %dma_wait3A_857 = arith.constant 0 : i32
          %dma_wait3A_858 = tpu.memref_slice %arg10[%dma_wait3A_852, %dma_wait3A_857] : memref<4x64xi32, #tpu.memory_space<vmem>> -> memref<1x64xi32, #tpu.memory_space<vmem>>
          %dma_wait3A_859 = tpu.memref_squeeze %dma_wait3A_858 : memref<1x64xi32, #tpu.memory_space<vmem>> -> memref<64xi32, #tpu.memory_space<vmem>>
          %dma_wait3A_860 = arith.constant 0 : i32
          %dma_wait3A_861 = arith.constant 0 : i32
          %dma_wait3A_862 = tpu.memref_slice %arg13[%dma_wait3A_860, %dma_wait3A_861] : memref<10001x128xf32, #tpu.memory_space<vmem_shared>> -> memref<10001x128xf32, #tpu.memory_space<vmem_shared>>
          tpu.wait_indirect_dma semaphore(%arg16 : memref<!tpu.dma_semaphore, #tpu.memory_space<semaphore_mem>>) src(%dma_wait3A_856 : memref<64x128xf32, #tpu.memory_space<vmem>>) dst(%dma_wait3A_862 : memref<10001x128xf32, #tpu.memory_space<vmem_shared>>)
          %dma_wait3A_863 = arith.constant 2 : i32
          %dma_wait3A_864 = arith.constant 2 : i32
          %dma_wait3A_865 = arith.constant 0 : i32
          %dma_wait3A_866 = arith.constant 0 : i32
          %dma_wait3A_867 = tpu.memref_slice %arg11[%dma_wait3A_863, %dma_wait3A_865, %dma_wait3A_866] : memref<4x64x128xf32, #tpu.memory_space<vmem>> -> memref<1x64x128xf32, #tpu.memory_space<vmem>>
          %dma_wait3A_868 = tpu.memref_squeeze %dma_wait3A_867 : memref<1x64x128xf32, #tpu.memory_space<vmem>> -> memref<64x128xf32, #tpu.memory_space<vmem>>
          %dma_wait3A_869 = arith.constant 0 : i32
          %dma_wait3A_870 = tpu.memref_slice %arg10[%dma_wait3A_864, %dma_wait3A_869] : memref<4x64xi32, #tpu.memory_space<vmem>> -> memref<1x64xi32, #tpu.memory_space<vmem>>
          %dma_wait3A_871 = tpu.memref_squeeze %dma_wait3A_870 : memref<1x64xi32, #tpu.memory_space<vmem>> -> memref<64xi32, #tpu.memory_space<vmem>>
          %dma_wait3A_872 = arith.constant 0 : i32
          %dma_wait3A_873 = arith.constant 0 : i32
          %dma_wait3A_874 = tpu.memref_slice %arg13[%dma_wait3A_872, %dma_wait3A_873] : memref<10001x128xf32, #tpu.memory_space<vmem_shared>> -> memref<10001x128xf32, #tpu.memory_space<vmem_shared>>
          tpu.wait_indirect_dma semaphore(%arg16 : memref<!tpu.dma_semaphore, #tpu.memory_space<semaphore_mem>>) src(%dma_wait3A_868 : memref<64x128xf32, #tpu.memory_space<vmem>>) dst(%dma_wait3A_874 : memref<10001x128xf32, #tpu.memory_space<vmem_shared>>)
          %dma_wait3A_875 = arith.constant 3 : i32
          %dma_wait3A_876 = arith.constant 3 : i32
          %dma_wait3A_877 = arith.constant 0 : i32
          %dma_wait3A_878 = arith.constant 0 : i32
          %dma_wait3A_879 = tpu.memref_slice %arg11[%dma_wait3A_875, %dma_wait3A_877, %dma_wait3A_878] : memref<4x64x128xf32, #tpu.memory_space<vmem>> -> memref<1x64x128xf32, #tpu.memory_space<vmem>>
          %dma_wait3A_880 = tpu.memref_squeeze %dma_wait3A_879 : memref<1x64x128xf32, #tpu.memory_space<vmem>> -> memref<64x128xf32, #tpu.memory_space<vmem>>
          %dma_wait3A_881 = arith.constant 0 : i32
          %dma_wait3A_882 = tpu.memref_slice %arg10[%dma_wait3A_876, %dma_wait3A_881] : memref<4x64xi32, #tpu.memory_space<vmem>> -> memref<1x64xi32, #tpu.memory_space<vmem>>
          %dma_wait3A_883 = tpu.memref_squeeze %dma_wait3A_882 : memref<1x64xi32, #tpu.memory_space<vmem>> -> memref<64xi32, #tpu.memory_space<vmem>>
          %dma_wait3A_884 = arith.constant 0 : i32
          %dma_wait3A_885 = arith.constant 0 : i32
          %dma_wait3A_886 = tpu.memref_slice %arg13[%dma_wait3A_884, %dma_wait3A_885] : memref<10001x128xf32, #tpu.memory_space<vmem_shared>> -> memref<10001x128xf32, #tpu.memory_space<vmem_shared>>
          tpu.wait_indirect_dma semaphore(%arg16 : memref<!tpu.dma_semaphore, #tpu.memory_space<semaphore_mem>>) src(%dma_wait3A_880 : memref<64x128xf32, #tpu.memory_space<vmem>>) dst(%dma_wait3A_886 : memref<10001x128xf32, #tpu.memory_space<vmem_shared>>)
        }
        %gt3A_558 = arith.constant 0 : i32
        %gt3A_559 = arith.cmpi sgt, %select_n3A, %gt3A_558 : i32
        %convert_element_type3A_560 = arith.extui %gt3A_559 : i1 to i32
        %cond3A_561 = arith.constant 0 : i32
        %cond3A_562 = arith.cmpi ne, %convert_element_type3A_560, %cond3A_561 : i32
        scf.if %cond3A_562 {
          %mul3A_566 = arith.constant 256 : i32
          %mul3A_567 = arith.muli %select_n3A, %mul3A_566 : i32
          %add3A_568 = arith.constant 0 : i32
          %add3A_569 = arith.addi %mul3A_567, %add3A_568 : i32
          %get3A = arith.index_cast %add3A_569 : i32 to index
          %get3A_570 = tpu.vector_load %arg8[%get3A] {strides = array<i32>} : memref<1792xi32, #tpu.memory_space<vmem>>, vector<16xi32>,
          %add3A_571 = arith.constant 0 : i32
          %add3A_572 = arith.addi %mul3A_567, %add3A_571 : i32
          %get3A_573 = arith.index_cast %add3A_572 : i32 to index
          %get3A_574 = tpu.vector_load %arg9[%get3A_573] {strides = array<i32>} : memref<1792xi32, #tpu.memory_space<vmem>>, vector<16xi32>,
          %swap3A = arith.constant 0 : index
          %swap3A_575 = tpu.vector_load %arg8[%swap3A] {strides = array<i32>} : memref<1792xi32, #tpu.memory_space<vmem>>, vector<16xi32>,
          tpu.vector_store %arg8[%swap3A], %get3A_570 {strides = array<i32>} : memref<1792xi32, #tpu.memory_space<vmem>>, vector<16xi32>,
          %swap3A_576 = arith.constant 0 : index
          %swap3A_577 = tpu.vector_load %arg9[%swap3A_576] {strides = array<i32>} : memref<1792xi32, #tpu.memory_space<vmem>>, vector<16xi32>,
          tpu.vector_store %arg9[%swap3A_576], %get3A_574 {strides = array<i32>} : memref<1792xi32, #tpu.memory_space<vmem>>, vector<16xi32>,
          %add3A_578 = arith.constant 16 : i32
          %add3A_579 = arith.addi %mul3A_567, %add3A_578 : i32
          %get3A_580 = arith.index_cast %add3A_579 : i32 to index
          %get3A_581 = tpu.vector_load %arg8[%get3A_580] {strides = array<i32>} : memref<1792xi32, #tpu.memory_space<vmem>>, vector<16xi32>,
          %add3A_582 = arith.constant 16 : i32
          %add3A_583 = arith.addi %mul3A_567, %add3A_582 : i32
          %get3A_584 = arith.index_cast %add3A_583 : i32 to index
          %get3A_585 = tpu.vector_load %arg9[%get3A_584] {strides = array<i32>} : memref<1792xi32, #tpu.memory_space<vmem>>, vector<16xi32>,
          %swap3A_586 = arith.constant 16 : index
          %swap3A_587 = tpu.vector_load %arg8[%swap3A_586] {strides = array<i32>} : memref<1792xi32, #tpu.memory_space<vmem>>, vector<16xi32>,
          tpu.vector_store %arg8[%swap3A_586], %get3A_581 {strides = array<i32>} : memref<1792xi32, #tpu.memory_space<vmem>>, vector<16xi32>,
          %swap3A_588 = arith.constant 16 : index
          %swap3A_589 = tpu.vector_load %arg9[%swap3A_588] {strides = array<i32>} : memref<1792xi32, #tpu.memory_space<vmem>>, vector<16xi32>,
          tpu.vector_store %arg9[%swap3A_588], %get3A_585 {strides = array<i32>} : memref<1792xi32, #tpu.memory_space<vmem>>, vector<16xi32>,
          %add3A_590 = arith.constant 32 : i32
          %add3A_591 = arith.addi %mul3A_567, %add3A_590 : i32
          %get3A_592 = arith.index_cast %add3A_591 : i32 to index
          %get3A_593 = tpu.vector_load %arg8[%get3A_592] {strides = array<i32>} : memref<1792xi32, #tpu.memory_space<vmem>>, vector<16xi32>,
          %add3A_594 = arith.constant 32 : i32
          %add3A_595 = arith.addi %mul3A_567, %add3A_594 : i32
          %get3A_596 = arith.index_cast %add3A_595 : i32 to index
          %get3A_597 = tpu.vector_load %arg9[%get3A_596] {strides = array<i32>} : memref<1792xi32, #tpu.memory_space<vmem>>, vector<16xi32>,
          %swap3A_598 = arith.constant 32 : index
          %swap3A_599 = tpu.vector_load %arg8[%swap3A_598] {strides = array<i32>} : memref<1792xi32, #tpu.memory_space<vmem>>, vector<16xi32>,
          tpu.vector_store %arg8[%swap3A_598], %get3A_593 {strides = array<i32>} : memref<1792xi32, #tpu.memory_space<vmem>>, vector<16xi32>,
          %swap3A_600 = arith.constant 32 : index
          %swap3A_601 = tpu.vector_load %arg9[%swap3A_600] {strides = array<i32>} : memref<1792xi32, #tpu.memory_space<vmem>>, vector<16xi32>,
          tpu.vector_store %arg9[%swap3A_600], %get3A_597 {strides = array<i32>} : memref<1792xi32, #tpu.memory_space<vmem>>, vector<16xi32>,
          %add3A_602 = arith.constant 48 : i32
          %add3A_603 = arith.addi %mul3A_567, %add3A_602 : i32
          %get3A_604 = arith.index_cast %add3A_603 : i32 to index
          %get3A_605 = tpu.vector_load %arg8[%get3A_604] {strides = array<i32>} : memref<1792xi32, #tpu.memory_space<vmem>>, vector<16xi32>,
          %add3A_606 = arith.constant 48 : i32
          %add3A_607 = arith.addi %mul3A_567, %add3A_606 : i32
          %get3A_608 = arith.index_cast %add3A_607 : i32 to index
          %get3A_609 = tpu.vector_load %arg9[%get3A_608] {strides = array<i32>} : memref<1792xi32, #tpu.memory_space<vmem>>, vector<16xi32>,
          %swap3A_610 = arith.constant 48 : index
          %swap3A_611 = tpu.vector_load %arg8[%swap3A_610] {strides = array<i32>} : memref<1792xi32, #tpu.memory_space<vmem>>, vector<16xi32>,
          tpu.vector_store %arg8[%swap3A_610], %get3A_605 {strides = array<i32>} : memref<1792xi32, #tpu.memory_space<vmem>>, vector<16xi32>,
          %swap3A_612 = arith.constant 48 : index
          %swap3A_613 = tpu.vector_load %arg9[%swap3A_612] {strides = array<i32>} : memref<1792xi32, #tpu.memory_space<vmem>>, vector<16xi32>,
          tpu.vector_store %arg9[%swap3A_612], %get3A_609 {strides = array<i32>} : memref<1792xi32, #tpu.memory_space<vmem>>, vector<16xi32>,
          %add3A_614 = arith.constant 64 : i32
          %add3A_615 = arith.addi %mul3A_567, %add3A_614 : i32
          %get3A_616 = arith.index_cast %add3A_615 : i32 to index
          %get3A_617 = tpu.vector_load %arg8[%get3A_616] {strides = array<i32>} : memref<1792xi32, #tpu.memory_space<vmem>>, vector<16xi32>,
          %add3A_618 = arith.constant 64 : i32
          %add3A_619 = arith.addi %mul3A_567, %add3A_618 : i32
          %get3A_620 = arith.index_cast %add3A_619 : i32 to index
          %get3A_621 = tpu.vector_load %arg9[%get3A_620] {strides = array<i32>} : memref<1792xi32, #tpu.memory_space<vmem>>, vector<16xi32>,
          %swap3A_622 = arith.constant 64 : index
          %swap3A_623 = tpu.vector_load %arg8[%swap3A_622] {strides = array<i32>} : memref<1792xi32, #tpu.memory_space<vmem>>, vector<16xi32>,
          tpu.vector_store %arg8[%swap3A_622], %get3A_617 {strides = array<i32>} : memref<1792xi32, #tpu.memory_space<vmem>>, vector<16xi32>,
          %swap3A_624 = arith.constant 64 : index
          %swap3A_625 = tpu.vector_load %arg9[%swap3A_624] {strides = array<i32>} : memref<1792xi32, #tpu.memory_space<vmem>>, vector<16xi32>,
          tpu.vector_store %arg9[%swap3A_624], %get3A_621 {strides = array<i32>} : memref<1792xi32, #tpu.memory_space<vmem>>, vector<16xi32>,
          %add3A_626 = arith.constant 80 : i32
          %add3A_627 = arith.addi %mul3A_567, %add3A_626 : i32
          %get3A_628 = arith.index_cast %add3A_627 : i32 to index
          %get3A_629 = tpu.vector_load %arg8[%get3A_628] {strides = array<i32>} : memref<1792xi32, #tpu.memory_space<vmem>>, vector<16xi32>,
          %add3A_630 = arith.constant 80 : i32
          %add3A_631 = arith.addi %mul3A_567, %add3A_630 : i32
          %get3A_632 = arith.index_cast %add3A_631 : i32 to index
          %get3A_633 = tpu.vector_load %arg9[%get3A_632] {strides = array<i32>} : memref<1792xi32, #tpu.memory_space<vmem>>, vector<16xi32>,
          %swap3A_634 = arith.constant 80 : index
          %swap3A_635 = tpu.vector_load %arg8[%swap3A_634] {strides = array<i32>} : memref<1792xi32, #tpu.memory_space<vmem>>, vector<16xi32>,
          tpu.vector_store %arg8[%swap3A_634], %get3A_629 {strides = array<i32>} : memref<1792xi32, #tpu.memory_space<vmem>>, vector<16xi32>,
          %swap3A_636 = arith.constant 80 : index
          %swap3A_637 = tpu.vector_load %arg9[%swap3A_636] {strides = array<i32>} : memref<1792xi32, #tpu.memory_space<vmem>>, vector<16xi32>,
          tpu.vector_store %arg9[%swap3A_636], %get3A_633 {strides = array<i32>} : memref<1792xi32, #tpu.memory_space<vmem>>, vector<16xi32>,
          %add3A_638 = arith.constant 96 : i32
          %add3A_639 = arith.addi %mul3A_567, %add3A_638 : i32
          %get3A_640 = arith.index_cast %add3A_639 : i32 to index
          %get3A_641 = tpu.vector_load %arg8[%get3A_640] {strides = array<i32>} : memref<1792xi32, #tpu.memory_space<vmem>>, vector<16xi32>,
          %add3A_642 = arith.constant 96 : i32
          %add3A_643 = arith.addi %mul3A_567, %add3A_642 : i32
          %get3A_644 = arith.index_cast %add3A_643 : i32 to index
          %get3A_645 = tpu.vector_load %arg9[%get3A_644] {strides = array<i32>} : memref<1792xi32, #tpu.memory_space<vmem>>, vector<16xi32>,
          %swap3A_646 = arith.constant 96 : index
          %swap3A_647 = tpu.vector_load %arg8[%swap3A_646] {strides = array<i32>} : memref<1792xi32, #tpu.memory_space<vmem>>, vector<16xi32>,
          tpu.vector_store %arg8[%swap3A_646], %get3A_641 {strides = array<i32>} : memref<1792xi32, #tpu.memory_space<vmem>>, vector<16xi32>,
          %swap3A_648 = arith.constant 96 : index
          %swap3A_649 = tpu.vector_load %arg9[%swap3A_648] {strides = array<i32>} : memref<1792xi32, #tpu.memory_space<vmem>>, vector<16xi32>,
          tpu.vector_store %arg9[%swap3A_648], %get3A_645 {strides = array<i32>} : memref<1792xi32, #tpu.memory_space<vmem>>, vector<16xi32>,
          %add3A_650 = arith.constant 112 : i32
          %add3A_651 = arith.addi %mul3A_567, %add3A_650 : i32
          %get3A_652 = arith.index_cast %add3A_651 : i32 to index
          %get3A_653 = tpu.vector_load %arg8[%get3A_652] {strides = array<i32>} : memref<1792xi32, #tpu.memory_space<vmem>>, vector<16xi32>,
          %add3A_654 = arith.constant 112 : i32
          %add3A_655 = arith.addi %mul3A_567, %add3A_654 : i32
          %get3A_656 = arith.index_cast %add3A_655 : i32 to index
          %get3A_657 = tpu.vector_load %arg9[%get3A_656] {strides = array<i32>} : memref<1792xi32, #tpu.memory_space<vmem>>, vector<16xi32>,
          %swap3A_658 = arith.constant 112 : index
          %swap3A_659 = tpu.vector_load %arg8[%swap3A_658] {strides = array<i32>} : memref<1792xi32, #tpu.memory_space<vmem>>, vector<16xi32>,
          tpu.vector_store %arg8[%swap3A_658], %get3A_653 {strides = array<i32>} : memref<1792xi32, #tpu.memory_space<vmem>>, vector<16xi32>,
          %swap3A_660 = arith.constant 112 : index
          %swap3A_661 = tpu.vector_load %arg9[%swap3A_660] {strides = array<i32>} : memref<1792xi32, #tpu.memory_space<vmem>>, vector<16xi32>,
          tpu.vector_store %arg9[%swap3A_660], %get3A_657 {strides = array<i32>} : memref<1792xi32, #tpu.memory_space<vmem>>, vector<16xi32>,
          %add3A_662 = arith.constant 128 : i32
          %add3A_663 = arith.addi %mul3A_567, %add3A_662 : i32
          %get3A_664 = arith.index_cast %add3A_663 : i32 to index
          %get3A_665 = tpu.vector_load %arg8[%get3A_664] {strides = array<i32>} : memref<1792xi32, #tpu.memory_space<vmem>>, vector<16xi32>,
          %add3A_666 = arith.constant 128 : i32
          %add3A_667 = arith.addi %mul3A_567, %add3A_666 : i32
          %get3A_668 = arith.index_cast %add3A_667 : i32 to index
          %get3A_669 = tpu.vector_load %arg9[%get3A_668] {strides = array<i32>} : memref<1792xi32, #tpu.memory_space<vmem>>, vector<16xi32>,
          %swap3A_670 = arith.constant 128 : index
          %swap3A_671 = tpu.vector_load %arg8[%swap3A_670] {strides = array<i32>} : memref<1792xi32, #tpu.memory_space<vmem>>, vector<16xi32>,
          tpu.vector_store %arg8[%swap3A_670], %get3A_665 {strides = array<i32>} : memref<1792xi32, #tpu.memory_space<vmem>>, vector<16xi32>,
          %swap3A_672 = arith.constant 128 : index
          %swap3A_673 = tpu.vector_load %arg9[%swap3A_672] {strides = array<i32>} : memref<1792xi32, #tpu.memory_space<vmem>>, vector<16xi32>,
          tpu.vector_store %arg9[%swap3A_672], %get3A_669 {strides = array<i32>} : memref<1792xi32, #tpu.memory_space<vmem>>, vector<16xi32>,
          %add3A_674 = arith.constant 144 : i32
          %add3A_675 = arith.addi %mul3A_567, %add3A_674 : i32
          %get3A_676 = arith.index_cast %add3A_675 : i32 to index
          %get3A_677 = tpu.vector_load %arg8[%get3A_676] {strides = array<i32>} : memref<1792xi32, #tpu.memory_space<vmem>>, vector<16xi32>,
          %add3A_678 = arith.constant 144 : i32
          %add3A_679 = arith.addi %mul3A_567, %add3A_678 : i32
          %get3A_680 = arith.index_cast %add3A_679 : i32 to index
          %get3A_681 = tpu.vector_load %arg9[%get3A_680] {strides = array<i32>} : memref<1792xi32, #tpu.memory_space<vmem>>, vector<16xi32>,
          %swap3A_682 = arith.constant 144 : index
          %swap3A_683 = tpu.vector_load %arg8[%swap3A_682] {strides = array<i32>} : memref<1792xi32, #tpu.memory_space<vmem>>, vector<16xi32>,
          tpu.vector_store %arg8[%swap3A_682], %get3A_677 {strides = array<i32>} : memref<1792xi32, #tpu.memory_space<vmem>>, vector<16xi32>,
          %swap3A_684 = arith.constant 144 : index
          %swap3A_685 = tpu.vector_load %arg9[%swap3A_684] {strides = array<i32>} : memref<1792xi32, #tpu.memory_space<vmem>>, vector<16xi32>,
          tpu.vector_store %arg9[%swap3A_684], %get3A_681 {strides = array<i32>} : memref<1792xi32, #tpu.memory_space<vmem>>, vector<16xi32>,
          %add3A_686 = arith.constant 160 : i32
          %add3A_687 = arith.addi %mul3A_567, %add3A_686 : i32
          %get3A_688 = arith.index_cast %add3A_687 : i32 to index
          %get3A_689 = tpu.vector_load %arg8[%get3A_688] {strides = array<i32>} : memref<1792xi32, #tpu.memory_space<vmem>>, vector<16xi32>,
          %add3A_690 = arith.constant 160 : i32
          %add3A_691 = arith.addi %mul3A_567, %add3A_690 : i32
          %get3A_692 = arith.index_cast %add3A_691 : i32 to index
          %get3A_693 = tpu.vector_load %arg9[%get3A_692] {strides = array<i32>} : memref<1792xi32, #tpu.memory_space<vmem>>, vector<16xi32>,
          %swap3A_694 = arith.constant 160 : index
          %swap3A_695 = tpu.vector_load %arg8[%swap3A_694] {strides = array<i32>} : memref<1792xi32, #tpu.memory_space<vmem>>, vector<16xi32>,
          tpu.vector_store %arg8[%swap3A_694], %get3A_689 {strides = array<i32>} : memref<1792xi32, #tpu.memory_space<vmem>>, vector<16xi32>,
          %swap3A_696 = arith.constant 160 : index
          %swap3A_697 = tpu.vector_load %arg9[%swap3A_696] {strides = array<i32>} : memref<1792xi32, #tpu.memory_space<vmem>>, vector<16xi32>,
          tpu.vector_store %arg9[%swap3A_696], %get3A_693 {strides = array<i32>} : memref<1792xi32, #tpu.memory_space<vmem>>, vector<16xi32>,
          %add3A_698 = arith.constant 176 : i32
          %add3A_699 = arith.addi %mul3A_567, %add3A_698 : i32
          %get3A_700 = arith.index_cast %add3A_699 : i32 to index
          %get3A_701 = tpu.vector_load %arg8[%get3A_700] {strides = array<i32>} : memref<1792xi32, #tpu.memory_space<vmem>>, vector<16xi32>,
          %add3A_702 = arith.constant 176 : i32
          %add3A_703 = arith.addi %mul3A_567, %add3A_702 : i32
          %get3A_704 = arith.index_cast %add3A_703 : i32 to index
          %get3A_705 = tpu.vector_load %arg9[%get3A_704] {strides = array<i32>} : memref<1792xi32, #tpu.memory_space<vmem>>, vector<16xi32>,
          %swap3A_706 = arith.constant 176 : index
          %swap3A_707 = tpu.vector_load %arg8[%swap3A_706] {strides = array<i32>} : memref<1792xi32, #tpu.memory_space<vmem>>, vector<16xi32>,
          tpu.vector_store %arg8[%swap3A_706], %get3A_701 {strides = array<i32>} : memref<1792xi32, #tpu.memory_space<vmem>>, vector<16xi32>,
          %swap3A_708 = arith.constant 176 : index
          %swap3A_709 = tpu.vector_load %arg9[%swap3A_708] {strides = array<i32>} : memref<1792xi32, #tpu.memory_space<vmem>>, vector<16xi32>,
          tpu.vector_store %arg9[%swap3A_708], %get3A_705 {strides = array<i32>} : memref<1792xi32, #tpu.memory_space<vmem>>, vector<16xi32>,
          %add3A_710 = arith.constant 192 : i32
          %add3A_711 = arith.addi %mul3A_567, %add3A_710 : i32
          %get3A_712 = arith.index_cast %add3A_711 : i32 to index
          %get3A_713 = tpu.vector_load %arg8[%get3A_712] {strides = array<i32>} : memref<1792xi32, #tpu.memory_space<vmem>>, vector<16xi32>,
          %add3A_714 = arith.constant 192 : i32
          %add3A_715 = arith.addi %mul3A_567, %add3A_714 : i32
          %get3A_716 = arith.index_cast %add3A_715 : i32 to index
          %get3A_717 = tpu.vector_load %arg9[%get3A_716] {strides = array<i32>} : memref<1792xi32, #tpu.memory_space<vmem>>, vector<16xi32>,
          %swap3A_718 = arith.constant 192 : index
          %swap3A_719 = tpu.vector_load %arg8[%swap3A_718] {strides = array<i32>} : memref<1792xi32, #tpu.memory_space<vmem>>, vector<16xi32>,
          tpu.vector_store %arg8[%swap3A_718], %get3A_713 {strides = array<i32>} : memref<1792xi32, #tpu.memory_space<vmem>>, vector<16xi32>,
          %swap3A_720 = arith.constant 192 : index
          %swap3A_721 = tpu.vector_load %arg9[%swap3A_720] {strides = array<i32>} : memref<1792xi32, #tpu.memory_space<vmem>>, vector<16xi32>,
          tpu.vector_store %arg9[%swap3A_720], %get3A_717 {strides = array<i32>} : memref<1792xi32, #tpu.memory_space<vmem>>, vector<16xi32>,
          %add3A_722 = arith.constant 208 : i32
          %add3A_723 = arith.addi %mul3A_567, %add3A_722 : i32
          %get3A_724 = arith.index_cast %add3A_723 : i32 to index
          %get3A_725 = tpu.vector_load %arg8[%get3A_724] {strides = array<i32>} : memref<1792xi32, #tpu.memory_space<vmem>>, vector<16xi32>,
          %add3A_726 = arith.constant 208 : i32
          %add3A_727 = arith.addi %mul3A_567, %add3A_726 : i32
          %get3A_728 = arith.index_cast %add3A_727 : i32 to index
          %get3A_729 = tpu.vector_load %arg9[%get3A_728] {strides = array<i32>} : memref<1792xi32, #tpu.memory_space<vmem>>, vector<16xi32>,
          %swap3A_730 = arith.constant 208 : index
          %swap3A_731 = tpu.vector_load %arg8[%swap3A_730] {strides = array<i32>} : memref<1792xi32, #tpu.memory_space<vmem>>, vector<16xi32>,
          tpu.vector_store %arg8[%swap3A_730], %get3A_725 {strides = array<i32>} : memref<1792xi32, #tpu.memory_space<vmem>>, vector<16xi32>,
          %swap3A_732 = arith.constant 208 : index
          %swap3A_733 = tpu.vector_load %arg9[%swap3A_732] {strides = array<i32>} : memref<1792xi32, #tpu.memory_space<vmem>>, vector<16xi32>,
          tpu.vector_store %arg9[%swap3A_732], %get3A_729 {strides = array<i32>} : memref<1792xi32, #tpu.memory_space<vmem>>, vector<16xi32>,
          %add3A_734 = arith.constant 224 : i32
          %add3A_735 = arith.addi %mul3A_567, %add3A_734 : i32
          %get3A_736 = arith.index_cast %add3A_735 : i32 to index
          %get3A_737 = tpu.vector_load %arg8[%get3A_736] {strides = array<i32>} : memref<1792xi32, #tpu.memory_space<vmem>>, vector<16xi32>,
          %add3A_738 = arith.constant 224 : i32
          %add3A_739 = arith.addi %mul3A_567, %add3A_738 : i32
          %get3A_740 = arith.index_cast %add3A_739 : i32 to index
          %get3A_741 = tpu.vector_load %arg9[%get3A_740] {strides = array<i32>} : memref<1792xi32, #tpu.memory_space<vmem>>, vector<16xi32>,
          %swap3A_742 = arith.constant 224 : index
          %swap3A_743 = tpu.vector_load %arg8[%swap3A_742] {strides = array<i32>} : memref<1792xi32, #tpu.memory_space<vmem>>, vector<16xi32>,
          tpu.vector_store %arg8[%swap3A_742], %get3A_737 {strides = array<i32>} : memref<1792xi32, #tpu.memory_space<vmem>>, vector<16xi32>,
          %swap3A_744 = arith.constant 224 : index
          %swap3A_745 = tpu.vector_load %arg9[%swap3A_744] {strides = array<i32>} : memref<1792xi32, #tpu.memory_space<vmem>>, vector<16xi32>,
          tpu.vector_store %arg9[%swap3A_744], %get3A_741 {strides = array<i32>} : memref<1792xi32, #tpu.memory_space<vmem>>, vector<16xi32>,
          %add3A_746 = arith.constant 240 : i32
          %add3A_747 = arith.addi %mul3A_567, %add3A_746 : i32
          %get3A_748 = arith.index_cast %add3A_747 : i32 to index
          %get3A_749 = tpu.vector_load %arg8[%get3A_748] {strides = array<i32>} : memref<1792xi32, #tpu.memory_space<vmem>>, vector<16xi32>,
          %add3A_750 = arith.constant 240 : i32
          %add3A_751 = arith.addi %mul3A_567, %add3A_750 : i32
          %get3A_752 = arith.index_cast %add3A_751 : i32 to index
          %get3A_753 = tpu.vector_load %arg9[%get3A_752] {strides = array<i32>} : memref<1792xi32, #tpu.memory_space<vmem>>, vector<16xi32>,
          %swap3A_754 = arith.constant 240 : index
          %swap3A_755 = tpu.vector_load %arg8[%swap3A_754] {strides = array<i32>} : memref<1792xi32, #tpu.memory_space<vmem>>, vector<16xi32>,
          tpu.vector_store %arg8[%swap3A_754], %get3A_749 {strides = array<i32>} : memref<1792xi32, #tpu.memory_space<vmem>>, vector<16xi32>,
          %swap3A_756 = arith.constant 240 : index
          %swap3A_757 = tpu.vector_load %arg9[%swap3A_756] {strides = array<i32>} : memref<1792xi32, #tpu.memory_space<vmem>>, vector<16xi32>,
          tpu.vector_store %arg9[%swap3A_756], %get3A_753 {strides = array<i32>} : memref<1792xi32, #tpu.memory_space<vmem>>, vector<16xi32>,
        } else {
        }
        %mul3A_563 = arith.constant 256 : i32
        %mul3A_564 = arith.muli %select_n3A, %mul3A_563 : i32
        %sub3A_565 = arith.subi %scan3A_530, %mul3A_564 : i32
        scf.yield %sub3A_565 : i32
      }
      %scan3A_267 = arith.constant 125 : i32
      %gt3A = arith.constant 0 : i32
      %gt3A_268 = arith.cmpi sgt, %scan3A_266, %gt3A : i32
      %convert_element_type3A_269 = arith.extui %gt3A_268 : i1 to i32
      %cond3A_270 = arith.constant 0 : i32
      %cond3A_271 = arith.cmpi ne, %convert_element_type3A_269, %cond3A_270 : i32
      scf.if %cond3A_271 {
        %broadcast_in_dim3A_497 = arith.constant 0 : i32
        %broadcast_in_dim3A_498 = vector.broadcast %broadcast_in_dim3A_497 : i32 to vector<16xi32>
        %add3A_499 = arith.constant 0 : i32
        %add3A_500 = arith.addi %scan3A_266, %add3A_499 : i32
        %swap3A = arith.index_cast %add3A_500 : i32 to index
        %swap3A_501 = tpu.vector_load %arg8[%swap3A] {strides = array<i32>} : memref<1792xi32, #tpu.memory_space<vmem>>, vector<16xi32>,
        tpu.vector_store %arg8[%swap3A], %broadcast_in_dim3A_498 {strides = array<i32>} : memref<1792xi32, #tpu.memory_space<vmem>>, vector<16xi32>,
        %broadcast_in_dim3A_502 = arith.constant 10000 : i32
        %broadcast_in_dim3A_503 = vector.broadcast %broadcast_in_dim3A_502 : i32 to vector<16xi32>
        %add3A_504 = arith.constant 0 : i32
        %add3A_505 = arith.addi %scan3A_266, %add3A_504 : i32
        %swap3A_506 = arith.index_cast %add3A_505 : i32 to index
        %swap3A_507 = tpu.vector_load %arg9[%swap3A_506] {strides = array<i32>} : memref<1792xi32, #tpu.memory_space<vmem>>, vector<16xi32>,
        tpu.vector_store %arg9[%swap3A_506], %broadcast_in_dim3A_503 {strides = array<i32>} : memref<1792xi32, #tpu.memory_space<vmem>>, vector<16xi32>,
        %broadcast_in_dim3A_508 = arith.constant 0 : i32
        %broadcast_in_dim3A_509 = vector.broadcast %broadcast_in_dim3A_508 : i32 to vector<16xi32>
        %add3A_510 = arith.constant 16 : i32
        %add3A_511 = arith.addi %scan3A_266, %add3A_510 : i32
        %swap3A_512 = arith.index_cast %add3A_511 : i32 to index
        %swap3A_513 = tpu.vector_load %arg8[%swap3A_512] {strides = array<i32>} : memref<1792xi32, #tpu.memory_space<vmem>>, vector<16xi32>,
        tpu.vector_store %arg8[%swap3A_512], %broadcast_in_dim3A_509 {strides = array<i32>} : memref<1792xi32, #tpu.memory_space<vmem>>, vector<16xi32>,
        %broadcast_in_dim3A_514 = arith.constant 10000 : i32
        %broadcast_in_dim3A_515 = vector.broadcast %broadcast_in_dim3A_514 : i32 to vector<16xi32>
        %add3A_516 = arith.constant 16 : i32
        %add3A_517 = arith.addi %scan3A_266, %add3A_516 : i32
        %swap3A_518 = arith.index_cast %add3A_517 : i32 to index
        %swap3A_519 = tpu.vector_load %arg9[%swap3A_518] {strides = array<i32>} : memref<1792xi32, #tpu.memory_space<vmem>>, vector<16xi32>,
        tpu.vector_store %arg9[%swap3A_518], %broadcast_in_dim3A_515 {strides = array<i32>} : memref<1792xi32, #tpu.memory_space<vmem>>, vector<16xi32>,
        %broadcast_in_dim3A_520 = arith.constant 0 : i32
        %broadcast_in_dim3A_521 = vector.broadcast %broadcast_in_dim3A_520 : i32 to vector<16xi32>
        %add3A_522 = arith.constant 32 : i32
        %add3A_523 = arith.addi %scan3A_266, %add3A_522 : i32
        %swap3A_524 = arith.index_cast %add3A_523 : i32 to index
        %swap3A_525 = tpu.vector_load %arg8[%swap3A_524] {strides = array<i32>} : memref<1792xi32, #tpu.memory_space<vmem>>, vector<16xi32>,
        tpu.vector_store %arg8[%swap3A_524], %broadcast_in_dim3A_521 {strides = array<i32>} : memref<1792xi32, #tpu.memory_space<vmem>>, vector<16xi32>,
        %broadcast_in_dim3A_526 = arith.constant 10000 : i32
        %broadcast_in_dim3A_527 = vector.broadcast %broadcast_in_dim3A_526 : i32 to vector<16xi32>
        %add3A_528 = arith.constant 32 : i32
        %add3A_529 = arith.addi %scan3A_266, %add3A_528 : i32
        %swap3A_530 = arith.index_cast %add3A_529 : i32 to index
        %swap3A_531 = tpu.vector_load %arg9[%swap3A_530] {strides = array<i32>} : memref<1792xi32, #tpu.memory_space<vmem>>, vector<16xi32>,
        tpu.vector_store %arg9[%swap3A_530], %broadcast_in_dim3A_527 {strides = array<i32>} : memref<1792xi32, #tpu.memory_space<vmem>>, vector<16xi32>,
        %broadcast_in_dim3A_532 = arith.constant 0 : i32
        %broadcast_in_dim3A_533 = vector.broadcast %broadcast_in_dim3A_532 : i32 to vector<16xi32>
        %add3A_534 = arith.constant 48 : i32
        %add3A_535 = arith.addi %scan3A_266, %add3A_534 : i32
        %swap3A_536 = arith.index_cast %add3A_535 : i32 to index
        %swap3A_537 = tpu.vector_load %arg8[%swap3A_536] {strides = array<i32>} : memref<1792xi32, #tpu.memory_space<vmem>>, vector<16xi32>,
        tpu.vector_store %arg8[%swap3A_536], %broadcast_in_dim3A_533 {strides = array<i32>} : memref<1792xi32, #tpu.memory_space<vmem>>, vector<16xi32>,
        %broadcast_in_dim3A_538 = arith.constant 10000 : i32
        %broadcast_in_dim3A_539 = vector.broadcast %broadcast_in_dim3A_538 : i32 to vector<16xi32>
        %add3A_540 = arith.constant 48 : i32
        %add3A_541 = arith.addi %scan3A_266, %add3A_540 : i32
        %swap3A_542 = arith.index_cast %add3A_541 : i32 to index
        %swap3A_543 = tpu.vector_load %arg9[%swap3A_542] {strides = array<i32>} : memref<1792xi32, #tpu.memory_space<vmem>>, vector<16xi32>,
        tpu.vector_store %arg9[%swap3A_542], %broadcast_in_dim3A_539 {strides = array<i32>} : memref<1792xi32, #tpu.memory_space<vmem>>, vector<16xi32>,
        %add3A_544 = arith.constant 64 : i32
        %add3A_545 = arith.addi %scan3A_266, %add3A_544 : i32
        %sub3A = arith.constant 1 : i32
        %sub3A_546 = arith.subi %add3A_545, %sub3A : i32
        %jit3A = arith.constant 64 : i32
        %div3A = arith.divsi %sub3A_546, %jit3A : i32
        %sign3A = arith.constant 0 : i32
        %sign3A_547 = arith.cmpi sgt, %sub3A_546, %sign3A : i32
        %sign3A_548 = arith.extui %sign3A_547 : i1 to i32
        %sign3A_549 = arith.constant 0 : i32
        %sign3A_550 = arith.cmpi slt, %sub3A_546, %sign3A_549 : i32
        %sign3A_551 = arith.extui %sign3A_550 : i1 to i32
        %sign3A_552 = arith.subi %sign3A_548, %sign3A_551 : i32
        %sign3A_553 = arith.constant 0 : i32
        %sign3A_554 = arith.cmpi sgt, %jit3A, %sign3A_553 : i32
        %sign3A_555 = arith.extui %sign3A_554 : i1 to i32
        %sign3A_556 = arith.constant 0 : i32
        %sign3A_557 = arith.cmpi slt, %jit3A, %sign3A_556 : i32
        %sign3A_558 = arith.extui %sign3A_557 : i1 to i32
        %sign3A_559 = arith.subi %sign3A_555, %sign3A_558 : i32
        %ne3A = arith.cmpi ne, %sign3A_552, %sign3A_559 : i32
        %rem3A = arith.remsi %sub3A_546, %jit3A : i32
        %ne3A_560 = arith.constant 0 : i32
        %ne3A_561 = arith.cmpi ne, %rem3A, %ne3A_560 : i32
        %and3A = arith.andi %ne3A, %ne3A_561 : i1
        %sub3A_562 = arith.constant 1 : i32
        %sub3A_563 = arith.subi %div3A, %sub3A_562 : i32
        %select_n3A = arith.select %and3A, %sub3A_563, %div3A : i32
        %while3A = arith.constant 0 : i32
        %while3A_564 = arith.constant 0 : i32
        %while3A_565 = arith.subi %select_n3A, %while3A_564 : i32
        %while3A_566 = arith.addi %while3A_564, %while3A_565 : i32
        %while3A_567 = arith.constant 1 : i32
        %while3A_568 = arith.divsi %while3A_565, %while3A_567 : i32
        %while3A_569 = arith.muli %while3A_568, %while3A_567 : i32
        %while3A_570 = arith.addi %while3A_564, %while3A_569 : i32
        %while3A_571 = arith.constant 1 : i32
        scf.for %while3A_573 = %while3A_564 to %while3A_570 step %while3A_571  : i32 {
          %mul3A_574 = arith.constant 64 : i32
          %mul3A_575 = arith.muli %while3A_573, %mul3A_574 : i32
          %add3A_576 = arith.constant 0 : i32
          %add3A_577 = arith.addi %mul3A_575, %add3A_576 : i32
          %get3A = arith.index_cast %add3A_577 : i32 to index
          %get3A_578 = tpu.vector_load %arg9[%get3A] {strides = array<i32>} : memref<1792xi32, #tpu.memory_space<vmem>>, vector<16xi32>,
          %swap3A_579 = arith.constant 0 : i32
          %swap3A_580 = arith.index_cast %swap3A_579 : i32 to index
          %swap3A_581 = arith.constant 0 : index
          %swap3A_582 = tpu.vector_load %arg10[%swap3A_580, %swap3A_581] {strides = array<i32>} : memref<4x64xi32, #tpu.memory_space<vmem>>, vector<16xi32>,
          tpu.vector_store %arg10[%swap3A_580, %swap3A_581], %get3A_578 {strides = array<i32>} : memref<4x64xi32, #tpu.memory_space<vmem>>, vector<16xi32>,
          %add3A_583 = arith.constant 16 : i32
          %add3A_584 = arith.addi %mul3A_575, %add3A_583 : i32
          %get3A_585 = arith.index_cast %add3A_584 : i32 to index
          %get3A_586 = tpu.vector_load %arg9[%get3A_585] {strides = array<i32>} : memref<1792xi32, #tpu.memory_space<vmem>>, vector<16xi32>,
          %swap3A_587 = arith.constant 0 : i32
          %swap3A_588 = arith.index_cast %swap3A_587 : i32 to index
          %swap3A_589 = arith.constant 16 : index
          %swap3A_590 = tpu.vector_load %arg10[%swap3A_588, %swap3A_589] {strides = array<i32>} : memref<4x64xi32, #tpu.memory_space<vmem>>, vector<16xi32>,
          tpu.vector_store %arg10[%swap3A_588, %swap3A_589], %get3A_586 {strides = array<i32>} : memref<4x64xi32, #tpu.memory_space<vmem>>, vector<16xi32>,
          %add3A_591 = arith.constant 32 : i32
          %add3A_592 = arith.addi %mul3A_575, %add3A_591 : i32
          %get3A_593 = arith.index_cast %add3A_592 : i32 to index
          %get3A_594 = tpu.vector_load %arg9[%get3A_593] {strides = array<i32>} : memref<1792xi32, #tpu.memory_space<vmem>>, vector<16xi32>,
          %swap3A_595 = arith.constant 0 : i32
          %swap3A_596 = arith.index_cast %swap3A_595 : i32 to index
          %swap3A_597 = arith.constant 32 : index
          %swap3A_598 = tpu.vector_load %arg10[%swap3A_596, %swap3A_597] {strides = array<i32>} : memref<4x64xi32, #tpu.memory_space<vmem>>, vector<16xi32>,
          tpu.vector_store %arg10[%swap3A_596, %swap3A_597], %get3A_594 {strides = array<i32>} : memref<4x64xi32, #tpu.memory_space<vmem>>, vector<16xi32>,
          %add3A_599 = arith.constant 48 : i32
          %add3A_600 = arith.addi %mul3A_575, %add3A_599 : i32
          %get3A_601 = arith.index_cast %add3A_600 : i32 to index
          %get3A_602 = tpu.vector_load %arg9[%get3A_601] {strides = array<i32>} : memref<1792xi32, #tpu.memory_space<vmem>>, vector<16xi32>,
          %swap3A_603 = arith.constant 0 : i32
          %swap3A_604 = arith.index_cast %swap3A_603 : i32 to index
          %swap3A_605 = arith.constant 48 : index
          %swap3A_606 = tpu.vector_load %arg10[%swap3A_604, %swap3A_605] {strides = array<i32>} : memref<4x64xi32, #tpu.memory_space<vmem>>, vector<16xi32>,
          tpu.vector_store %arg10[%swap3A_604, %swap3A_605], %get3A_602 {strides = array<i32>} : memref<4x64xi32, #tpu.memory_space<vmem>>, vector<16xi32>,
          %dma_start3A_607 = arith.constant 0 : i32
          %dma_start3A_608 = arith.constant 0 : i32
          %dma_start3A_609 = arith.constant 0 : i32
          %dma_start3A_610 = tpu.memref_slice %arg11[%dma_start3A_607, %dma_start3A_608, %dma_start3A_609] : memref<4x64x128xf32, #tpu.memory_space<vmem>> -> memref<1x64x128xf32, #tpu.memory_space<vmem>>
          %dma_start3A_611 = tpu.memref_squeeze %dma_start3A_610 : memref<1x64x128xf32, #tpu.memory_space<vmem>> -> memref<64x128xf32, #tpu.memory_space<vmem>>
          %dma_start3A_612 = tpu.memref_slice %arg8[%mul3A_575] : memref<1792xi32, #tpu.memory_space<vmem>> -> memref<64xi32, #tpu.memory_space<vmem>>
          %dma_start3A_613 = arith.constant 0 : i32
          %dma_start3A_614 = arith.constant 0 : i32
          %dma_start3A_615 = tpu.memref_slice %arg2[%dma_start3A_613, %dma_start3A_614] : memref<160000x128xf32, #tpu.memory_space<hbm>> -> memref<160000x128xf32, #tpu.memory_space<hbm>>
          tpu.enqueue_indirect_dma source(%dma_start3A_615 : memref<160000x128xf32, #tpu.memory_space<hbm>>) target(%dma_start3A_611 : memref<64x128xf32, #tpu.memory_space<vmem>>) offsets(%dma_start3A_612 : memref<64xi32, #tpu.memory_space<vmem>>) semaphore(%arg15 : memref<!tpu.dma_semaphore, #tpu.memory_space<semaphore_mem>>)
          %dma_wait3A = arith.constant 0 : i32
          %dma_wait3A_616 = arith.constant 0 : i32
          %dma_wait3A_617 = arith.constant 0 : i32
          %dma_wait3A_618 = tpu.memref_slice %arg11[%dma_wait3A, %dma_wait3A_616, %dma_wait3A_617] : memref<4x64x128xf32, #tpu.memory_space<vmem>> -> memref<1x64x128xf32, #tpu.memory_space<vmem>>
          %dma_wait3A_619 = tpu.memref_squeeze %dma_wait3A_618 : memref<1x64x128xf32, #tpu.memory_space<vmem>> -> memref<64x128xf32, #tpu.memory_space<vmem>>
          %dma_wait3A_620 = tpu.memref_slice %arg8[%mul3A_575] : memref<1792xi32, #tpu.memory_space<vmem>> -> memref<64xi32, #tpu.memory_space<vmem>>
          %dma_wait3A_621 = arith.constant 0 : i32
          %dma_wait3A_622 = arith.constant 0 : i32
          %dma_wait3A_623 = tpu.memref_slice %arg2[%dma_wait3A_621, %dma_wait3A_622] : memref<160000x128xf32, #tpu.memory_space<hbm>> -> memref<160000x128xf32, #tpu.memory_space<hbm>>
          tpu.wait_indirect_dma semaphore(%arg15 : memref<!tpu.dma_semaphore, #tpu.memory_space<semaphore_mem>>) src(%dma_wait3A_623 : memref<160000x128xf32, #tpu.memory_space<hbm>>) dst(%dma_wait3A_619 : memref<64x128xf32, #tpu.memory_space<vmem>>)
          %run_scoped3A = arith.constant 0 : i32
          %run_scoped3A_624 = arith.constant 0 : i32
          "tpu.region"() ({
            %run_scoped3A_625 = tpu.sem_alloc : memref<!tpu.dma_semaphore, #tpu.memory_space<semaphore_mem>>
            %dma_start3A_626 = arith.constant 0 : i32
            %dma_start3A_627 = arith.constant 0 : i32
            %dma_start3A_628 = tpu.memref_slice %arg11[%run_scoped3A, %dma_start3A_626, %dma_start3A_627] : memref<4x64x128xf32, #tpu.memory_space<vmem>> -> memref<1x64x128xf32, #tpu.memory_space<vmem>>
            %dma_start3A_629 = tpu.memref_squeeze %dma_start3A_628 : memref<1x64x128xf32, #tpu.memory_space<vmem>> -> memref<64x128xf32, #tpu.memory_space<vmem>>
            %dma_start3A_630 = arith.constant 0 : i32
            %dma_start3A_631 = tpu.memref_slice %arg10[%run_scoped3A_624, %dma_start3A_630] : memref<4x64xi32, #tpu.memory_space<vmem>> -> memref<1x64xi32, #tpu.memory_space<vmem>>
            %dma_start3A_632 = tpu.memref_squeeze %dma_start3A_631 : memref<1x64xi32, #tpu.memory_space<vmem>> -> memref<64xi32, #tpu.memory_space<vmem>>
            %dma_start3A_633 = arith.constant 0 : i32
            %dma_start3A_634 = arith.constant 0 : i32
            %dma_start3A_635 = tpu.memref_slice %arg13[%dma_start3A_633, %dma_start3A_634] : memref<10001x128xf32, #tpu.memory_space<vmem_shared>> -> memref<10001x128xf32, #tpu.memory_space<vmem_shared>>
            tpu.enqueue_indirect_dma source(%dma_start3A_629 : memref<64x128xf32, #tpu.memory_space<vmem>>) target(%dma_start3A_635 : memref<10001x128xf32, #tpu.memory_space<vmem_shared>>) offsets(%dma_start3A_632 : memref<64xi32, #tpu.memory_space<vmem>>) semaphore(%run_scoped3A_625 : memref<!tpu.dma_semaphore, #tpu.memory_space<semaphore_mem>>) {add = true}
            %dma_wait3A_636 = arith.constant 0 : i32
            %dma_wait3A_637 = arith.constant 0 : i32
            %dma_wait3A_638 = tpu.memref_slice %arg11[%run_scoped3A, %dma_wait3A_636, %dma_wait3A_637] : memref<4x64x128xf32, #tpu.memory_space<vmem>> -> memref<1x64x128xf32, #tpu.memory_space<vmem>>
            %dma_wait3A_639 = tpu.memref_squeeze %dma_wait3A_638 : memref<1x64x128xf32, #tpu.memory_space<vmem>> -> memref<64x128xf32, #tpu.memory_space<vmem>>
            %dma_wait3A_640 = arith.constant 0 : i32
            %dma_wait3A_641 = tpu.memref_slice %arg10[%run_scoped3A_624, %dma_wait3A_640] : memref<4x64xi32, #tpu.memory_space<vmem>> -> memref<1x64xi32, #tpu.memory_space<vmem>>
            %dma_wait3A_642 = tpu.memref_squeeze %dma_wait3A_641 : memref<1x64xi32, #tpu.memory_space<vmem>> -> memref<64xi32, #tpu.memory_space<vmem>>
            %dma_wait3A_643 = arith.constant 0 : i32
            %dma_wait3A_644 = arith.constant 0 : i32
            %dma_wait3A_645 = tpu.memref_slice %arg13[%dma_wait3A_643, %dma_wait3A_644] : memref<10001x128xf32, #tpu.memory_space<vmem_shared>> -> memref<10001x128xf32, #tpu.memory_space<vmem_shared>>
            tpu.wait_indirect_dma semaphore(%run_scoped3A_625 : memref<!tpu.dma_semaphore, #tpu.memory_space<semaphore_mem>>) src(%dma_wait3A_639 : memref<64x128xf32, #tpu.memory_space<vmem>>) dst(%dma_wait3A_645 : memref<10001x128xf32, #tpu.memory_space<vmem_shared>>)
            tpu.yield
          }) : () -> ()
        }
        %while3A_572 = arith.constant 1 : i32
        scf.for %while3A_573 = %while3A_570 to %while3A_566 step %while3A_572  : i32 {
          %mul3A_574 = arith.constant 64 : i32
          %mul3A_575 = arith.muli %while3A_573, %mul3A_574 : i32
          %add3A_576 = arith.constant 0 : i32
          %add3A_577 = arith.addi %mul3A_575, %add3A_576 : i32
          %get3A = arith.index_cast %add3A_577 : i32 to index
          %get3A_578 = tpu.vector_load %arg9[%get3A] {strides = array<i32>} : memref<1792xi32, #tpu.memory_space<vmem>>, vector<16xi32>,
          %swap3A_579 = arith.constant 0 : i32
          %swap3A_580 = arith.index_cast %swap3A_579 : i32 to index
          %swap3A_581 = arith.constant 0 : index
          %swap3A_582 = tpu.vector_load %arg10[%swap3A_580, %swap3A_581] {strides = array<i32>} : memref<4x64xi32, #tpu.memory_space<vmem>>, vector<16xi32>,
          tpu.vector_store %arg10[%swap3A_580, %swap3A_581], %get3A_578 {strides = array<i32>} : memref<4x64xi32, #tpu.memory_space<vmem>>, vector<16xi32>,
          %add3A_583 = arith.constant 16 : i32
          %add3A_584 = arith.addi %mul3A_575, %add3A_583 : i32
          %get3A_585 = arith.index_cast %add3A_584 : i32 to index
          %get3A_586 = tpu.vector_load %arg9[%get3A_585] {strides = array<i32>} : memref<1792xi32, #tpu.memory_space<vmem>>, vector<16xi32>,
          %swap3A_587 = arith.constant 0 : i32
          %swap3A_588 = arith.index_cast %swap3A_587 : i32 to index
          %swap3A_589 = arith.constant 16 : index
          %swap3A_590 = tpu.vector_load %arg10[%swap3A_588, %swap3A_589] {strides = array<i32>} : memref<4x64xi32, #tpu.memory_space<vmem>>, vector<16xi32>,
          tpu.vector_store %arg10[%swap3A_588, %swap3A_589], %get3A_586 {strides = array<i32>} : memref<4x64xi32, #tpu.memory_space<vmem>>, vector<16xi32>,
          %add3A_591 = arith.constant 32 : i32
          %add3A_592 = arith.addi %mul3A_575, %add3A_591 : i32
          %get3A_593 = arith.index_cast %add3A_592 : i32 to index
          %get3A_594 = tpu.vector_load %arg9[%get3A_593] {strides = array<i32>} : memref<1792xi32, #tpu.memory_space<vmem>>, vector<16xi32>,
          %swap3A_595 = arith.constant 0 : i32
          %swap3A_596 = arith.index_cast %swap3A_595 : i32 to index
          %swap3A_597 = arith.constant 32 : index
          %swap3A_598 = tpu.vector_load %arg10[%swap3A_596, %swap3A_597] {strides = array<i32>} : memref<4x64xi32, #tpu.memory_space<vmem>>, vector<16xi32>,
          tpu.vector_store %arg10[%swap3A_596, %swap3A_597], %get3A_594 {strides = array<i32>} : memref<4x64xi32, #tpu.memory_space<vmem>>, vector<16xi32>,
          %add3A_599 = arith.constant 48 : i32
          %add3A_600 = arith.addi %mul3A_575, %add3A_599 : i32
          %get3A_601 = arith.index_cast %add3A_600 : i32 to index
          %get3A_602 = tpu.vector_load %arg9[%get3A_601] {strides = array<i32>} : memref<1792xi32, #tpu.memory_space<vmem>>, vector<16xi32>,
          %swap3A_603 = arith.constant 0 : i32
          %swap3A_604 = arith.index_cast %swap3A_603 : i32 to index
          %swap3A_605 = arith.constant 48 : index
          %swap3A_606 = tpu.vector_load %arg10[%swap3A_604, %swap3A_605] {strides = array<i32>} : memref<4x64xi32, #tpu.memory_space<vmem>>, vector<16xi32>,
          tpu.vector_store %arg10[%swap3A_604, %swap3A_605], %get3A_602 {strides = array<i32>} : memref<4x64xi32, #tpu.memory_space<vmem>>, vector<16xi32>,
          %dma_start3A_607 = arith.constant 0 : i32
          %dma_start3A_608 = arith.constant 0 : i32
          %dma_start3A_609 = arith.constant 0 : i32
          %dma_start3A_610 = tpu.memref_slice %arg11[%dma_start3A_607, %dma_start3A_608, %dma_start3A_609] : memref<4x64x128xf32, #tpu.memory_space<vmem>> -> memref<1x64x128xf32, #tpu.memory_space<vmem>>
          %dma_start3A_611 = tpu.memref_squeeze %dma_start3A_610 : memref<1x64x128xf32, #tpu.memory_space<vmem>> -> memref<64x128xf32, #tpu.memory_space<vmem>>
          %dma_start3A_612 = tpu.memref_slice %arg8[%mul3A_575] : memref<1792xi32, #tpu.memory_space<vmem>> -> memref<64xi32, #tpu.memory_space<vmem>>
          %dma_start3A_613 = arith.constant 0 : i32
          %dma_start3A_614 = arith.constant 0 : i32
          %dma_start3A_615 = tpu.memref_slice %arg2[%dma_start3A_613, %dma_start3A_614] : memref<160000x128xf32, #tpu.memory_space<hbm>> -> memref<160000x128xf32, #tpu.memory_space<hbm>>
          tpu.enqueue_indirect_dma source(%dma_start3A_615 : memref<160000x128xf32, #tpu.memory_space<hbm>>) target(%dma_start3A_611 : memref<64x128xf32, #tpu.memory_space<vmem>>) offsets(%dma_start3A_612 : memref<64xi32, #tpu.memory_space<vmem>>) semaphore(%arg15 : memref<!tpu.dma_semaphore, #tpu.memory_space<semaphore_mem>>)
          %dma_wait3A = arith.constant 0 : i32
          %dma_wait3A_616 = arith.constant 0 : i32
          %dma_wait3A_617 = arith.constant 0 : i32
          %dma_wait3A_618 = tpu.memref_slice %arg11[%dma_wait3A, %dma_wait3A_616, %dma_wait3A_617] : memref<4x64x128xf32, #tpu.memory_space<vmem>> -> memref<1x64x128xf32, #tpu.memory_space<vmem>>
          %dma_wait3A_619 = tpu.memref_squeeze %dma_wait3A_618 : memref<1x64x128xf32, #tpu.memory_space<vmem>> -> memref<64x128xf32, #tpu.memory_space<vmem>>
          %dma_wait3A_620 = tpu.memref_slice %arg8[%mul3A_575] : memref<1792xi32, #tpu.memory_space<vmem>> -> memref<64xi32, #tpu.memory_space<vmem>>
          %dma_wait3A_621 = arith.constant 0 : i32
          %dma_wait3A_622 = arith.constant 0 : i32
          %dma_wait3A_623 = tpu.memref_slice %arg2[%dma_wait3A_621, %dma_wait3A_622] : memref<160000x128xf32, #tpu.memory_space<hbm>> -> memref<160000x128xf32, #tpu.memory_space<hbm>>
          tpu.wait_indirect_dma semaphore(%arg15 : memref<!tpu.dma_semaphore, #tpu.memory_space<semaphore_mem>>) src(%dma_wait3A_623 : memref<160000x128xf32, #tpu.memory_space<hbm>>) dst(%dma_wait3A_619 : memref<64x128xf32, #tpu.memory_space<vmem>>)
          %run_scoped3A = arith.constant 0 : i32
          %run_scoped3A_624 = arith.constant 0 : i32
          "tpu.region"() ({
            %run_scoped3A_625 = tpu.sem_alloc : memref<!tpu.dma_semaphore, #tpu.memory_space<semaphore_mem>>
            %dma_start3A_626 = arith.constant 0 : i32
            %dma_start3A_627 = arith.constant 0 : i32
            %dma_start3A_628 = tpu.memref_slice %arg11[%run_scoped3A, %dma_start3A_626, %dma_start3A_627] : memref<4x64x128xf32, #tpu.memory_space<vmem>> -> memref<1x64x128xf32, #tpu.memory_space<vmem>>
            %dma_start3A_629 = tpu.memref_squeeze %dma_start3A_628 : memref<1x64x128xf32, #tpu.memory_space<vmem>> -> memref<64x128xf32, #tpu.memory_space<vmem>>
            %dma_start3A_630 = arith.constant 0 : i32
            %dma_start3A_631 = tpu.memref_slice %arg10[%run_scoped3A_624, %dma_start3A_630] : memref<4x64xi32, #tpu.memory_space<vmem>> -> memref<1x64xi32, #tpu.memory_space<vmem>>
            %dma_start3A_632 = tpu.memref_squeeze %dma_start3A_631 : memref<1x64xi32, #tpu.memory_space<vmem>> -> memref<64xi32, #tpu.memory_space<vmem>>
            %dma_start3A_633 = arith.constant 0 : i32
            %dma_start3A_634 = arith.constant 0 : i32
            %dma_start3A_635 = tpu.memref_slice %arg13[%dma_start3A_633, %dma_start3A_634] : memref<10001x128xf32, #tpu.memory_space<vmem_shared>> -> memref<10001x128xf32, #tpu.memory_space<vmem_shared>>
            tpu.enqueue_indirect_dma source(%dma_start3A_629 : memref<64x128xf32, #tpu.memory_space<vmem>>) target(%dma_start3A_635 : memref<10001x128xf32, #tpu.memory_space<vmem_shared>>) offsets(%dma_start3A_632 : memref<64xi32, #tpu.memory_space<vmem>>) semaphore(%run_scoped3A_625 : memref<!tpu.dma_semaphore, #tpu.memory_space<semaphore_mem>>) {add = true}
            %dma_wait3A_636 = arith.constant 0 : i32
            %dma_wait3A_637 = arith.constant 0 : i32
            %dma_wait3A_638 = tpu.memref_slice %arg11[%run_scoped3A, %dma_wait3A_636, %dma_wait3A_637] : memref<4x64x128xf32, #tpu.memory_space<vmem>> -> memref<1x64x128xf32, #tpu.memory_space<vmem>>
            %dma_wait3A_639 = tpu.memref_squeeze %dma_wait3A_638 : memref<1x64x128xf32, #tpu.memory_space<vmem>> -> memref<64x128xf32, #tpu.memory_space<vmem>>
            %dma_wait3A_640 = arith.constant 0 : i32
            %dma_wait3A_641 = tpu.memref_slice %arg10[%run_scoped3A_624, %dma_wait3A_640] : memref<4x64xi32, #tpu.memory_space<vmem>> -> memref<1x64xi32, #tpu.memory_space<vmem>>
            %dma_wait3A_642 = tpu.memref_squeeze %dma_wait3A_641 : memref<1x64xi32, #tpu.memory_space<vmem>> -> memref<64xi32, #tpu.memory_space<vmem>>
            %dma_wait3A_643 = arith.constant 0 : i32
            %dma_wait3A_644 = arith.constant 0 : i32
            %dma_wait3A_645 = tpu.memref_slice %arg13[%dma_wait3A_643, %dma_wait3A_644] : memref<10001x128xf32, #tpu.memory_space<vmem_shared>> -> memref<10001x128xf32, #tpu.memory_space<vmem_shared>>
            tpu.wait_indirect_dma semaphore(%run_scoped3A_625 : memref<!tpu.dma_semaphore, #tpu.memory_space<semaphore_mem>>) src(%dma_wait3A_639 : memref<64x128xf32, #tpu.memory_space<vmem>>) dst(%dma_wait3A_645 : memref<10001x128xf32, #tpu.memory_space<vmem_shared>>)
            tpu.yield
          }) : () -> ()
        }
      } else {
      }
      %barrier3A_272 = arith.constant 0 : index
      tpu.barrier barrier_id(%barrier3A_272)
      %add3A_273 = arith.constant 0 : i32
      %add3A_274 = arith.addi %arg1, %add3A_273 : i32
      %lt3A_275 = arith.constant 250 : i32
      %lt3A_276 = arith.cmpi slt, %add3A_274, %lt3A_275 : i32
      %convert_element_type3A_277 = arith.extui %lt3A_276 : i1 to i32
      %cond3A_278 = arith.constant 0 : i32
      %cond3A_279 = arith.cmpi ne, %convert_element_type3A_277, %cond3A_278 : i32
      scf.if %cond3A_279 {
        %mul3A_497 = arith.constant 40 : i32
        %mul3A_498 = arith.muli %add3A_274, %mul3A_497 : i32
        %add3A_499 = arith.addi %mul3A_17, %mul3A_498 : i32
        %dma_start3A_500 = arith.constant 0 : i32
        %dma_start3A_501 = tpu.memref_slice %arg5[%add3A_499, %dma_start3A_500] : memref<160000x128xf32, #tpu.memory_space<hbm>> -> memref<40x128xf32, #tpu.memory_space<hbm>>
        %dma_start3A_502 = arith.constant 0 : i32
        %dma_start3A_503 = tpu.memref_slice %arg13[%mul3A_498, %dma_start3A_502] : memref<10001x128xf32, #tpu.memory_space<vmem_shared>> -> memref<40x128xf32, #tpu.memory_space<vmem_shared>>
        tpu.enqueue_dma source(%dma_start3A_503 : memref<40x128xf32, #tpu.memory_space<vmem_shared>>) target(%dma_start3A_501 : memref<40x128xf32, #tpu.memory_space<hbm>>) target_semaphore(%arg14 : memref<!tpu.dma_semaphore, #tpu.memory_space<semaphore_mem>>)
      } else {
      }
      %add3A_280 = arith.constant 16 : i32
      %add3A_281 = arith.addi %arg1, %add3A_280 : i32
      %lt3A_282 = arith.constant 250 : i32
      %lt3A_283 = arith.cmpi slt, %add3A_281, %lt3A_282 : i32
      %convert_element_type3A_284 = arith.extui %lt3A_283 : i1 to i32
      %cond3A_285 = arith.constant 0 : i32
      %cond3A_286 = arith.cmpi ne, %convert_element_type3A_284, %cond3A_285 : i32
      scf.if %cond3A_286 {
        %mul3A_497 = arith.constant 40 : i32
        %mul3A_498 = arith.muli %add3A_281, %mul3A_497 : i32
        %add3A_499 = arith.addi %mul3A_17, %mul3A_498 : i32
        %dma_start3A_500 = arith.constant 0 : i32
        %dma_start3A_501 = tpu.memref_slice %arg5[%add3A_499, %dma_start3A_500] : memref<160000x128xf32, #tpu.memory_space<hbm>> -> memref<40x128xf32, #tpu.memory_space<hbm>>
        %dma_start3A_502 = arith.constant 0 : i32
        %dma_start3A_503 = tpu.memref_slice %arg13[%mul3A_498, %dma_start3A_502] : memref<10001x128xf32, #tpu.memory_space<vmem_shared>> -> memref<40x128xf32, #tpu.memory_space<vmem_shared>>
        tpu.enqueue_dma source(%dma_start3A_503 : memref<40x128xf32, #tpu.memory_space<vmem_shared>>) target(%dma_start3A_501 : memref<40x128xf32, #tpu.memory_space<hbm>>) target_semaphore(%arg14 : memref<!tpu.dma_semaphore, #tpu.memory_space<semaphore_mem>>)
      } else {
      }
      %add3A_287 = arith.constant 32 : i32
      %add3A_288 = arith.addi %arg1, %add3A_287 : i32
      %lt3A_289 = arith.constant 250 : i32
      %lt3A_290 = arith.cmpi slt, %add3A_288, %lt3A_289 : i32
      %convert_element_type3A_291 = arith.extui %lt3A_290 : i1 to i32
      %cond3A_292 = arith.constant 0 : i32
      %cond3A_293 = arith.cmpi ne, %convert_element_type3A_291, %cond3A_292 : i32
      scf.if %cond3A_293 {
        %mul3A_497 = arith.constant 40 : i32
        %mul3A_498 = arith.muli %add3A_288, %mul3A_497 : i32
        %add3A_499 = arith.addi %mul3A_17, %mul3A_498 : i32
        %dma_start3A_500 = arith.constant 0 : i32
        %dma_start3A_501 = tpu.memref_slice %arg5[%add3A_499, %dma_start3A_500] : memref<160000x128xf32, #tpu.memory_space<hbm>> -> memref<40x128xf32, #tpu.memory_space<hbm>>
        %dma_start3A_502 = arith.constant 0 : i32
        %dma_start3A_503 = tpu.memref_slice %arg13[%mul3A_498, %dma_start3A_502] : memref<10001x128xf32, #tpu.memory_space<vmem_shared>> -> memref<40x128xf32, #tpu.memory_space<vmem_shared>>
        tpu.enqueue_dma source(%dma_start3A_503 : memref<40x128xf32, #tpu.memory_space<vmem_shared>>) target(%dma_start3A_501 : memref<40x128xf32, #tpu.memory_space<hbm>>) target_semaphore(%arg14 : memref<!tpu.dma_semaphore, #tpu.memory_space<semaphore_mem>>)
      } else {
      }
      %add3A_294 = arith.constant 48 : i32
      %add3A_295 = arith.addi %arg1, %add3A_294 : i32
      %lt3A_296 = arith.constant 250 : i32
      %lt3A_297 = arith.cmpi slt, %add3A_295, %lt3A_296 : i32
      %convert_element_type3A_298 = arith.extui %lt3A_297 : i1 to i32
      %cond3A_299 = arith.constant 0 : i32
      %cond3A_300 = arith.cmpi ne, %convert_element_type3A_298, %cond3A_299 : i32
      scf.if %cond3A_300 {
        %mul3A_497 = arith.constant 40 : i32
        %mul3A_498 = arith.muli %add3A_295, %mul3A_497 : i32
        %add3A_499 = arith.addi %mul3A_17, %mul3A_498 : i32
        %dma_start3A_500 = arith.constant 0 : i32
        %dma_start3A_501 = tpu.memref_slice %arg5[%add3A_499, %dma_start3A_500] : memref<160000x128xf32, #tpu.memory_space<hbm>> -> memref<40x128xf32, #tpu.memory_space<hbm>>
        %dma_start3A_502 = arith.constant 0 : i32
        %dma_start3A_503 = tpu.memref_slice %arg13[%mul3A_498, %dma_start3A_502] : memref<10001x128xf32, #tpu.memory_space<vmem_shared>> -> memref<40x128xf32, #tpu.memory_space<vmem_shared>>
        tpu.enqueue_dma source(%dma_start3A_503 : memref<40x128xf32, #tpu.memory_space<vmem_shared>>) target(%dma_start3A_501 : memref<40x128xf32, #tpu.memory_space<hbm>>) target_semaphore(%arg14 : memref<!tpu.dma_semaphore, #tpu.memory_space<semaphore_mem>>)
      } else {
      }
      %add3A_301 = arith.constant 64 : i32
      %add3A_302 = arith.addi %arg1, %add3A_301 : i32
      %lt3A_303 = arith.constant 250 : i32
      %lt3A_304 = arith.cmpi slt, %add3A_302, %lt3A_303 : i32
      %convert_element_type3A_305 = arith.extui %lt3A_304 : i1 to i32
      %cond3A_306 = arith.constant 0 : i32
      %cond3A_307 = arith.cmpi ne, %convert_element_type3A_305, %cond3A_306 : i32
      scf.if %cond3A_307 {
        %mul3A_497 = arith.constant 40 : i32
        %mul3A_498 = arith.muli %add3A_302, %mul3A_497 : i32
        %add3A_499 = arith.addi %mul3A_17, %mul3A_498 : i32
        %dma_start3A_500 = arith.constant 0 : i32
        %dma_start3A_501 = tpu.memref_slice %arg5[%add3A_499, %dma_start3A_500] : memref<160000x128xf32, #tpu.memory_space<hbm>> -> memref<40x128xf32, #tpu.memory_space<hbm>>
        %dma_start3A_502 = arith.constant 0 : i32
        %dma_start3A_503 = tpu.memref_slice %arg13[%mul3A_498, %dma_start3A_502] : memref<10001x128xf32, #tpu.memory_space<vmem_shared>> -> memref<40x128xf32, #tpu.memory_space<vmem_shared>>
        tpu.enqueue_dma source(%dma_start3A_503 : memref<40x128xf32, #tpu.memory_space<vmem_shared>>) target(%dma_start3A_501 : memref<40x128xf32, #tpu.memory_space<hbm>>) target_semaphore(%arg14 : memref<!tpu.dma_semaphore, #tpu.memory_space<semaphore_mem>>)
      } else {
      }
      %add3A_308 = arith.constant 80 : i32
      %add3A_309 = arith.addi %arg1, %add3A_308 : i32
      %lt3A_310 = arith.constant 250 : i32
      %lt3A_311 = arith.cmpi slt, %add3A_309, %lt3A_310 : i32
      %convert_element_type3A_312 = arith.extui %lt3A_311 : i1 to i32
      %cond3A_313 = arith.constant 0 : i32
      %cond3A_314 = arith.cmpi ne, %convert_element_type3A_312, %cond3A_313 : i32
      scf.if %cond3A_314 {
        %mul3A_497 = arith.constant 40 : i32
        %mul3A_498 = arith.muli %add3A_309, %mul3A_497 : i32
        %add3A_499 = arith.addi %mul3A_17, %mul3A_498 : i32
        %dma_start3A_500 = arith.constant 0 : i32
        %dma_start3A_501 = tpu.memref_slice %arg5[%add3A_499, %dma_start3A_500] : memref<160000x128xf32, #tpu.memory_space<hbm>> -> memref<40x128xf32, #tpu.memory_space<hbm>>
        %dma_start3A_502 = arith.constant 0 : i32
        %dma_start3A_503 = tpu.memref_slice %arg13[%mul3A_498, %dma_start3A_502] : memref<10001x128xf32, #tpu.memory_space<vmem_shared>> -> memref<40x128xf32, #tpu.memory_space<vmem_shared>>
        tpu.enqueue_dma source(%dma_start3A_503 : memref<40x128xf32, #tpu.memory_space<vmem_shared>>) target(%dma_start3A_501 : memref<40x128xf32, #tpu.memory_space<hbm>>) target_semaphore(%arg14 : memref<!tpu.dma_semaphore, #tpu.memory_space<semaphore_mem>>)
      } else {
      }
      %add3A_315 = arith.constant 96 : i32
      %add3A_316 = arith.addi %arg1, %add3A_315 : i32
      %lt3A_317 = arith.constant 250 : i32
      %lt3A_318 = arith.cmpi slt, %add3A_316, %lt3A_317 : i32
      %convert_element_type3A_319 = arith.extui %lt3A_318 : i1 to i32
      %cond3A_320 = arith.constant 0 : i32
      %cond3A_321 = arith.cmpi ne, %convert_element_type3A_319, %cond3A_320 : i32
      scf.if %cond3A_321 {
        %mul3A_497 = arith.constant 40 : i32
        %mul3A_498 = arith.muli %add3A_316, %mul3A_497 : i32
        %add3A_499 = arith.addi %mul3A_17, %mul3A_498 : i32
        %dma_start3A_500 = arith.constant 0 : i32
        %dma_start3A_501 = tpu.memref_slice %arg5[%add3A_499, %dma_start3A_500] : memref<160000x128xf32, #tpu.memory_space<hbm>> -> memref<40x128xf32, #tpu.memory_space<hbm>>
        %dma_start3A_502 = arith.constant 0 : i32
        %dma_start3A_503 = tpu.memref_slice %arg13[%mul3A_498, %dma_start3A_502] : memref<10001x128xf32, #tpu.memory_space<vmem_shared>> -> memref<40x128xf32, #tpu.memory_space<vmem_shared>>
        tpu.enqueue_dma source(%dma_start3A_503 : memref<40x128xf32, #tpu.memory_space<vmem_shared>>) target(%dma_start3A_501 : memref<40x128xf32, #tpu.memory_space<hbm>>) target_semaphore(%arg14 : memref<!tpu.dma_semaphore, #tpu.memory_space<semaphore_mem>>)
      } else {
      }
      %add3A_322 = arith.constant 112 : i32
      %add3A_323 = arith.addi %arg1, %add3A_322 : i32
      %lt3A_324 = arith.constant 250 : i32
      %lt3A_325 = arith.cmpi slt, %add3A_323, %lt3A_324 : i32
      %convert_element_type3A_326 = arith.extui %lt3A_325 : i1 to i32
      %cond3A_327 = arith.constant 0 : i32
      %cond3A_328 = arith.cmpi ne, %convert_element_type3A_326, %cond3A_327 : i32
      scf.if %cond3A_328 {
        %mul3A_497 = arith.constant 40 : i32
        %mul3A_498 = arith.muli %add3A_323, %mul3A_497 : i32
        %add3A_499 = arith.addi %mul3A_17, %mul3A_498 : i32
        %dma_start3A_500 = arith.constant 0 : i32
        %dma_start3A_501 = tpu.memref_slice %arg5[%add3A_499, %dma_start3A_500] : memref<160000x128xf32, #tpu.memory_space<hbm>> -> memref<40x128xf32, #tpu.memory_space<hbm>>
        %dma_start3A_502 = arith.constant 0 : i32
        %dma_start3A_503 = tpu.memref_slice %arg13[%mul3A_498, %dma_start3A_502] : memref<10001x128xf32, #tpu.memory_space<vmem_shared>> -> memref<40x128xf32, #tpu.memory_space<vmem_shared>>
        tpu.enqueue_dma source(%dma_start3A_503 : memref<40x128xf32, #tpu.memory_space<vmem_shared>>) target(%dma_start3A_501 : memref<40x128xf32, #tpu.memory_space<hbm>>) target_semaphore(%arg14 : memref<!tpu.dma_semaphore, #tpu.memory_space<semaphore_mem>>)
      } else {
      }
      %add3A_329 = arith.constant 128 : i32
      %add3A_330 = arith.addi %arg1, %add3A_329 : i32
      %lt3A_331 = arith.constant 250 : i32
      %lt3A_332 = arith.cmpi slt, %add3A_330, %lt3A_331 : i32
      %convert_element_type3A_333 = arith.extui %lt3A_332 : i1 to i32
      %cond3A_334 = arith.constant 0 : i32
      %cond3A_335 = arith.cmpi ne, %convert_element_type3A_333, %cond3A_334 : i32
      scf.if %cond3A_335 {
        %mul3A_497 = arith.constant 40 : i32
        %mul3A_498 = arith.muli %add3A_330, %mul3A_497 : i32
        %add3A_499 = arith.addi %mul3A_17, %mul3A_498 : i32
        %dma_start3A_500 = arith.constant 0 : i32
        %dma_start3A_501 = tpu.memref_slice %arg5[%add3A_499, %dma_start3A_500] : memref<160000x128xf32, #tpu.memory_space<hbm>> -> memref<40x128xf32, #tpu.memory_space<hbm>>
        %dma_start3A_502 = arith.constant 0 : i32
        %dma_start3A_503 = tpu.memref_slice %arg13[%mul3A_498, %dma_start3A_502] : memref<10001x128xf32, #tpu.memory_space<vmem_shared>> -> memref<40x128xf32, #tpu.memory_space<vmem_shared>>
        tpu.enqueue_dma source(%dma_start3A_503 : memref<40x128xf32, #tpu.memory_space<vmem_shared>>) target(%dma_start3A_501 : memref<40x128xf32, #tpu.memory_space<hbm>>) target_semaphore(%arg14 : memref<!tpu.dma_semaphore, #tpu.memory_space<semaphore_mem>>)
      } else {
      }
      %add3A_336 = arith.constant 144 : i32
      %add3A_337 = arith.addi %arg1, %add3A_336 : i32
      %lt3A_338 = arith.constant 250 : i32
      %lt3A_339 = arith.cmpi slt, %add3A_337, %lt3A_338 : i32
      %convert_element_type3A_340 = arith.extui %lt3A_339 : i1 to i32
      %cond3A_341 = arith.constant 0 : i32
      %cond3A_342 = arith.cmpi ne, %convert_element_type3A_340, %cond3A_341 : i32
      scf.if %cond3A_342 {
        %mul3A_497 = arith.constant 40 : i32
        %mul3A_498 = arith.muli %add3A_337, %mul3A_497 : i32
        %add3A_499 = arith.addi %mul3A_17, %mul3A_498 : i32
        %dma_start3A_500 = arith.constant 0 : i32
        %dma_start3A_501 = tpu.memref_slice %arg5[%add3A_499, %dma_start3A_500] : memref<160000x128xf32, #tpu.memory_space<hbm>> -> memref<40x128xf32, #tpu.memory_space<hbm>>
        %dma_start3A_502 = arith.constant 0 : i32
        %dma_start3A_503 = tpu.memref_slice %arg13[%mul3A_498, %dma_start3A_502] : memref<10001x128xf32, #tpu.memory_space<vmem_shared>> -> memref<40x128xf32, #tpu.memory_space<vmem_shared>>
        tpu.enqueue_dma source(%dma_start3A_503 : memref<40x128xf32, #tpu.memory_space<vmem_shared>>) target(%dma_start3A_501 : memref<40x128xf32, #tpu.memory_space<hbm>>) target_semaphore(%arg14 : memref<!tpu.dma_semaphore, #tpu.memory_space<semaphore_mem>>)
      } else {
      }
      %add3A_343 = arith.constant 160 : i32
      %add3A_344 = arith.addi %arg1, %add3A_343 : i32
      %lt3A_345 = arith.constant 250 : i32
      %lt3A_346 = arith.cmpi slt, %add3A_344, %lt3A_345 : i32
      %convert_element_type3A_347 = arith.extui %lt3A_346 : i1 to i32
      %cond3A_348 = arith.constant 0 : i32
      %cond3A_349 = arith.cmpi ne, %convert_element_type3A_347, %cond3A_348 : i32
      scf.if %cond3A_349 {
        %mul3A_497 = arith.constant 40 : i32
        %mul3A_498 = arith.muli %add3A_344, %mul3A_497 : i32
        %add3A_499 = arith.addi %mul3A_17, %mul3A_498 : i32
        %dma_start3A_500 = arith.constant 0 : i32
        %dma_start3A_501 = tpu.memref_slice %arg5[%add3A_499, %dma_start3A_500] : memref<160000x128xf32, #tpu.memory_space<hbm>> -> memref<40x128xf32, #tpu.memory_space<hbm>>
        %dma_start3A_502 = arith.constant 0 : i32
        %dma_start3A_503 = tpu.memref_slice %arg13[%mul3A_498, %dma_start3A_502] : memref<10001x128xf32, #tpu.memory_space<vmem_shared>> -> memref<40x128xf32, #tpu.memory_space<vmem_shared>>
        tpu.enqueue_dma source(%dma_start3A_503 : memref<40x128xf32, #tpu.memory_space<vmem_shared>>) target(%dma_start3A_501 : memref<40x128xf32, #tpu.memory_space<hbm>>) target_semaphore(%arg14 : memref<!tpu.dma_semaphore, #tpu.memory_space<semaphore_mem>>)
      } else {
      }
      %add3A_350 = arith.constant 176 : i32
      %add3A_351 = arith.addi %arg1, %add3A_350 : i32
      %lt3A_352 = arith.constant 250 : i32
      %lt3A_353 = arith.cmpi slt, %add3A_351, %lt3A_352 : i32
      %convert_element_type3A_354 = arith.extui %lt3A_353 : i1 to i32
      %cond3A_355 = arith.constant 0 : i32
      %cond3A_356 = arith.cmpi ne, %convert_element_type3A_354, %cond3A_355 : i32
      scf.if %cond3A_356 {
        %mul3A_497 = arith.constant 40 : i32
        %mul3A_498 = arith.muli %add3A_351, %mul3A_497 : i32
        %add3A_499 = arith.addi %mul3A_17, %mul3A_498 : i32
        %dma_start3A_500 = arith.constant 0 : i32
        %dma_start3A_501 = tpu.memref_slice %arg5[%add3A_499, %dma_start3A_500] : memref<160000x128xf32, #tpu.memory_space<hbm>> -> memref<40x128xf32, #tpu.memory_space<hbm>>
        %dma_start3A_502 = arith.constant 0 : i32
        %dma_start3A_503 = tpu.memref_slice %arg13[%mul3A_498, %dma_start3A_502] : memref<10001x128xf32, #tpu.memory_space<vmem_shared>> -> memref<40x128xf32, #tpu.memory_space<vmem_shared>>
        tpu.enqueue_dma source(%dma_start3A_503 : memref<40x128xf32, #tpu.memory_space<vmem_shared>>) target(%dma_start3A_501 : memref<40x128xf32, #tpu.memory_space<hbm>>) target_semaphore(%arg14 : memref<!tpu.dma_semaphore, #tpu.memory_space<semaphore_mem>>)
      } else {
      }
      %add3A_357 = arith.constant 192 : i32
      %add3A_358 = arith.addi %arg1, %add3A_357 : i32
      %lt3A_359 = arith.constant 250 : i32
      %lt3A_360 = arith.cmpi slt, %add3A_358, %lt3A_359 : i32
      %convert_element_type3A_361 = arith.extui %lt3A_360 : i1 to i32
      %cond3A_362 = arith.constant 0 : i32
      %cond3A_363 = arith.cmpi ne, %convert_element_type3A_361, %cond3A_362 : i32
      scf.if %cond3A_363 {
        %mul3A_497 = arith.constant 40 : i32
        %mul3A_498 = arith.muli %add3A_358, %mul3A_497 : i32
        %add3A_499 = arith.addi %mul3A_17, %mul3A_498 : i32
        %dma_start3A_500 = arith.constant 0 : i32
        %dma_start3A_501 = tpu.memref_slice %arg5[%add3A_499, %dma_start3A_500] : memref<160000x128xf32, #tpu.memory_space<hbm>> -> memref<40x128xf32, #tpu.memory_space<hbm>>
        %dma_start3A_502 = arith.constant 0 : i32
        %dma_start3A_503 = tpu.memref_slice %arg13[%mul3A_498, %dma_start3A_502] : memref<10001x128xf32, #tpu.memory_space<vmem_shared>> -> memref<40x128xf32, #tpu.memory_space<vmem_shared>>
        tpu.enqueue_dma source(%dma_start3A_503 : memref<40x128xf32, #tpu.memory_space<vmem_shared>>) target(%dma_start3A_501 : memref<40x128xf32, #tpu.memory_space<hbm>>) target_semaphore(%arg14 : memref<!tpu.dma_semaphore, #tpu.memory_space<semaphore_mem>>)
      } else {
      }
      %add3A_364 = arith.constant 208 : i32
      %add3A_365 = arith.addi %arg1, %add3A_364 : i32
      %lt3A_366 = arith.constant 250 : i32
      %lt3A_367 = arith.cmpi slt, %add3A_365, %lt3A_366 : i32
      %convert_element_type3A_368 = arith.extui %lt3A_367 : i1 to i32
      %cond3A_369 = arith.constant 0 : i32
      %cond3A_370 = arith.cmpi ne, %convert_element_type3A_368, %cond3A_369 : i32
      scf.if %cond3A_370 {
        %mul3A_497 = arith.constant 40 : i32
        %mul3A_498 = arith.muli %add3A_365, %mul3A_497 : i32
        %add3A_499 = arith.addi %mul3A_17, %mul3A_498 : i32
        %dma_start3A_500 = arith.constant 0 : i32
        %dma_start3A_501 = tpu.memref_slice %arg5[%add3A_499, %dma_start3A_500] : memref<160000x128xf32, #tpu.memory_space<hbm>> -> memref<40x128xf32, #tpu.memory_space<hbm>>
        %dma_start3A_502 = arith.constant 0 : i32
        %dma_start3A_503 = tpu.memref_slice %arg13[%mul3A_498, %dma_start3A_502] : memref<10001x128xf32, #tpu.memory_space<vmem_shared>> -> memref<40x128xf32, #tpu.memory_space<vmem_shared>>
        tpu.enqueue_dma source(%dma_start3A_503 : memref<40x128xf32, #tpu.memory_space<vmem_shared>>) target(%dma_start3A_501 : memref<40x128xf32, #tpu.memory_space<hbm>>) target_semaphore(%arg14 : memref<!tpu.dma_semaphore, #tpu.memory_space<semaphore_mem>>)
      } else {
      }
      %add3A_371 = arith.constant 224 : i32
      %add3A_372 = arith.addi %arg1, %add3A_371 : i32
      %lt3A_373 = arith.constant 250 : i32
      %lt3A_374 = arith.cmpi slt, %add3A_372, %lt3A_373 : i32
      %convert_element_type3A_375 = arith.extui %lt3A_374 : i1 to i32
      %cond3A_376 = arith.constant 0 : i32
      %cond3A_377 = arith.cmpi ne, %convert_element_type3A_375, %cond3A_376 : i32
      scf.if %cond3A_377 {
        %mul3A_497 = arith.constant 40 : i32
        %mul3A_498 = arith.muli %add3A_372, %mul3A_497 : i32
        %add3A_499 = arith.addi %mul3A_17, %mul3A_498 : i32
        %dma_start3A_500 = arith.constant 0 : i32
        %dma_start3A_501 = tpu.memref_slice %arg5[%add3A_499, %dma_start3A_500] : memref<160000x128xf32, #tpu.memory_space<hbm>> -> memref<40x128xf32, #tpu.memory_space<hbm>>
        %dma_start3A_502 = arith.constant 0 : i32
        %dma_start3A_503 = tpu.memref_slice %arg13[%mul3A_498, %dma_start3A_502] : memref<10001x128xf32, #tpu.memory_space<vmem_shared>> -> memref<40x128xf32, #tpu.memory_space<vmem_shared>>
        tpu.enqueue_dma source(%dma_start3A_503 : memref<40x128xf32, #tpu.memory_space<vmem_shared>>) target(%dma_start3A_501 : memref<40x128xf32, #tpu.memory_space<hbm>>) target_semaphore(%arg14 : memref<!tpu.dma_semaphore, #tpu.memory_space<semaphore_mem>>)
      } else {
      }
      %add3A_378 = arith.constant 240 : i32
      %add3A_379 = arith.addi %arg1, %add3A_378 : i32
      %lt3A_380 = arith.constant 250 : i32
      %lt3A_381 = arith.cmpi slt, %add3A_379, %lt3A_380 : i32
      %convert_element_type3A_382 = arith.extui %lt3A_381 : i1 to i32
      %cond3A_383 = arith.constant 0 : i32
      %cond3A_384 = arith.cmpi ne, %convert_element_type3A_382, %cond3A_383 : i32
      scf.if %cond3A_384 {
        %mul3A_497 = arith.constant 40 : i32
        %mul3A_498 = arith.muli %add3A_379, %mul3A_497 : i32
        %add3A_499 = arith.addi %mul3A_17, %mul3A_498 : i32
        %dma_start3A_500 = arith.constant 0 : i32
        %dma_start3A_501 = tpu.memref_slice %arg5[%add3A_499, %dma_start3A_500] : memref<160000x128xf32, #tpu.memory_space<hbm>> -> memref<40x128xf32, #tpu.memory_space<hbm>>
        %dma_start3A_502 = arith.constant 0 : i32
        %dma_start3A_503 = tpu.memref_slice %arg13[%mul3A_498, %dma_start3A_502] : memref<10001x128xf32, #tpu.memory_space<vmem_shared>> -> memref<40x128xf32, #tpu.memory_space<vmem_shared>>
        tpu.enqueue_dma source(%dma_start3A_503 : memref<40x128xf32, #tpu.memory_space<vmem_shared>>) target(%dma_start3A_501 : memref<40x128xf32, #tpu.memory_space<hbm>>) target_semaphore(%arg14 : memref<!tpu.dma_semaphore, #tpu.memory_space<semaphore_mem>>)
      } else {
      }
      %add3A_385 = arith.constant 0 : i32
      %add3A_386 = arith.addi %arg1, %add3A_385 : i32
      %lt3A_387 = arith.constant 250 : i32
      %lt3A_388 = arith.cmpi slt, %add3A_386, %lt3A_387 : i32
      %convert_element_type3A_389 = arith.extui %lt3A_388 : i1 to i32
      %cond3A_390 = arith.constant 0 : i32
      %cond3A_391 = arith.cmpi ne, %convert_element_type3A_389, %cond3A_390 : i32
      scf.if %cond3A_391 {
        %mul3A_497 = arith.constant 40 : i32
        %mul3A_498 = arith.muli %add3A_386, %mul3A_497 : i32
        %add3A_499 = arith.addi %mul3A_17, %mul3A_498 : i32
        %dma_wait3A = arith.constant 0 : i32
        %dma_wait3A_500 = tpu.memref_slice %arg5[%add3A_499, %dma_wait3A] : memref<160000x128xf32, #tpu.memory_space<hbm>> -> memref<40x128xf32, #tpu.memory_space<hbm>>
        %dma_wait3A_501 = arith.constant 0 : i32
        %dma_wait3A_502 = tpu.memref_slice %arg13[%mul3A_498, %dma_wait3A_501] : memref<10001x128xf32, #tpu.memory_space<vmem_shared>> -> memref<40x128xf32, #tpu.memory_space<vmem_shared>>
        tpu.wait_dma2 semaphore(%arg14 : memref<!tpu.dma_semaphore, #tpu.memory_space<semaphore_mem>>) src(%dma_wait3A_502 : memref<40x128xf32, #tpu.memory_space<vmem_shared>>) dst(%dma_wait3A_500 : memref<40x128xf32, #tpu.memory_space<hbm>>)
      } else {
      }
      %add3A_392 = arith.constant 16 : i32
      %add3A_393 = arith.addi %arg1, %add3A_392 : i32
      %lt3A_394 = arith.constant 250 : i32
      %lt3A_395 = arith.cmpi slt, %add3A_393, %lt3A_394 : i32
      %convert_element_type3A_396 = arith.extui %lt3A_395 : i1 to i32
      %cond3A_397 = arith.constant 0 : i32
      %cond3A_398 = arith.cmpi ne, %convert_element_type3A_396, %cond3A_397 : i32
      scf.if %cond3A_398 {
        %mul3A_497 = arith.constant 40 : i32
        %mul3A_498 = arith.muli %add3A_393, %mul3A_497 : i32
        %add3A_499 = arith.addi %mul3A_17, %mul3A_498 : i32
        %dma_wait3A = arith.constant 0 : i32
        %dma_wait3A_500 = tpu.memref_slice %arg5[%add3A_499, %dma_wait3A] : memref<160000x128xf32, #tpu.memory_space<hbm>> -> memref<40x128xf32, #tpu.memory_space<hbm>>
        %dma_wait3A_501 = arith.constant 0 : i32
        %dma_wait3A_502 = tpu.memref_slice %arg13[%mul3A_498, %dma_wait3A_501] : memref<10001x128xf32, #tpu.memory_space<vmem_shared>> -> memref<40x128xf32, #tpu.memory_space<vmem_shared>>
        tpu.wait_dma2 semaphore(%arg14 : memref<!tpu.dma_semaphore, #tpu.memory_space<semaphore_mem>>) src(%dma_wait3A_502 : memref<40x128xf32, #tpu.memory_space<vmem_shared>>) dst(%dma_wait3A_500 : memref<40x128xf32, #tpu.memory_space<hbm>>)
      } else {
      }
      %add3A_399 = arith.constant 32 : i32
      %add3A_400 = arith.addi %arg1, %add3A_399 : i32
      %lt3A_401 = arith.constant 250 : i32
      %lt3A_402 = arith.cmpi slt, %add3A_400, %lt3A_401 : i32
      %convert_element_type3A_403 = arith.extui %lt3A_402 : i1 to i32
      %cond3A_404 = arith.constant 0 : i32
      %cond3A_405 = arith.cmpi ne, %convert_element_type3A_403, %cond3A_404 : i32
      scf.if %cond3A_405 {
        %mul3A_497 = arith.constant 40 : i32
        %mul3A_498 = arith.muli %add3A_400, %mul3A_497 : i32
        %add3A_499 = arith.addi %mul3A_17, %mul3A_498 : i32
        %dma_wait3A = arith.constant 0 : i32
        %dma_wait3A_500 = tpu.memref_slice %arg5[%add3A_499, %dma_wait3A] : memref<160000x128xf32, #tpu.memory_space<hbm>> -> memref<40x128xf32, #tpu.memory_space<hbm>>
        %dma_wait3A_501 = arith.constant 0 : i32
        %dma_wait3A_502 = tpu.memref_slice %arg13[%mul3A_498, %dma_wait3A_501] : memref<10001x128xf32, #tpu.memory_space<vmem_shared>> -> memref<40x128xf32, #tpu.memory_space<vmem_shared>>
        tpu.wait_dma2 semaphore(%arg14 : memref<!tpu.dma_semaphore, #tpu.memory_space<semaphore_mem>>) src(%dma_wait3A_502 : memref<40x128xf32, #tpu.memory_space<vmem_shared>>) dst(%dma_wait3A_500 : memref<40x128xf32, #tpu.memory_space<hbm>>)
      } else {
      }
      %add3A_406 = arith.constant 48 : i32
      %add3A_407 = arith.addi %arg1, %add3A_406 : i32
      %lt3A_408 = arith.constant 250 : i32
      %lt3A_409 = arith.cmpi slt, %add3A_407, %lt3A_408 : i32
      %convert_element_type3A_410 = arith.extui %lt3A_409 : i1 to i32
      %cond3A_411 = arith.constant 0 : i32
      %cond3A_412 = arith.cmpi ne, %convert_element_type3A_410, %cond3A_411 : i32
      scf.if %cond3A_412 {
        %mul3A_497 = arith.constant 40 : i32
        %mul3A_498 = arith.muli %add3A_407, %mul3A_497 : i32
        %add3A_499 = arith.addi %mul3A_17, %mul3A_498 : i32
        %dma_wait3A = arith.constant 0 : i32
        %dma_wait3A_500 = tpu.memref_slice %arg5[%add3A_499, %dma_wait3A] : memref<160000x128xf32, #tpu.memory_space<hbm>> -> memref<40x128xf32, #tpu.memory_space<hbm>>
        %dma_wait3A_501 = arith.constant 0 : i32
        %dma_wait3A_502 = tpu.memref_slice %arg13[%mul3A_498, %dma_wait3A_501] : memref<10001x128xf32, #tpu.memory_space<vmem_shared>> -> memref<40x128xf32, #tpu.memory_space<vmem_shared>>
        tpu.wait_dma2 semaphore(%arg14 : memref<!tpu.dma_semaphore, #tpu.memory_space<semaphore_mem>>) src(%dma_wait3A_502 : memref<40x128xf32, #tpu.memory_space<vmem_shared>>) dst(%dma_wait3A_500 : memref<40x128xf32, #tpu.memory_space<hbm>>)
      } else {
      }
      %add3A_413 = arith.constant 64 : i32
      %add3A_414 = arith.addi %arg1, %add3A_413 : i32
      %lt3A_415 = arith.constant 250 : i32
      %lt3A_416 = arith.cmpi slt, %add3A_414, %lt3A_415 : i32
      %convert_element_type3A_417 = arith.extui %lt3A_416 : i1 to i32
      %cond3A_418 = arith.constant 0 : i32
      %cond3A_419 = arith.cmpi ne, %convert_element_type3A_417, %cond3A_418 : i32
      scf.if %cond3A_419 {
        %mul3A_497 = arith.constant 40 : i32
        %mul3A_498 = arith.muli %add3A_414, %mul3A_497 : i32
        %add3A_499 = arith.addi %mul3A_17, %mul3A_498 : i32
        %dma_wait3A = arith.constant 0 : i32
        %dma_wait3A_500 = tpu.memref_slice %arg5[%add3A_499, %dma_wait3A] : memref<160000x128xf32, #tpu.memory_space<hbm>> -> memref<40x128xf32, #tpu.memory_space<hbm>>
        %dma_wait3A_501 = arith.constant 0 : i32
        %dma_wait3A_502 = tpu.memref_slice %arg13[%mul3A_498, %dma_wait3A_501] : memref<10001x128xf32, #tpu.memory_space<vmem_shared>> -> memref<40x128xf32, #tpu.memory_space<vmem_shared>>
        tpu.wait_dma2 semaphore(%arg14 : memref<!tpu.dma_semaphore, #tpu.memory_space<semaphore_mem>>) src(%dma_wait3A_502 : memref<40x128xf32, #tpu.memory_space<vmem_shared>>) dst(%dma_wait3A_500 : memref<40x128xf32, #tpu.memory_space<hbm>>)
      } else {
      }
      %add3A_420 = arith.constant 80 : i32
      %add3A_421 = arith.addi %arg1, %add3A_420 : i32
      %lt3A_422 = arith.constant 250 : i32
      %lt3A_423 = arith.cmpi slt, %add3A_421, %lt3A_422 : i32
      %convert_element_type3A_424 = arith.extui %lt3A_423 : i1 to i32
      %cond3A_425 = arith.constant 0 : i32
      %cond3A_426 = arith.cmpi ne, %convert_element_type3A_424, %cond3A_425 : i32
      scf.if %cond3A_426 {
        %mul3A_497 = arith.constant 40 : i32
        %mul3A_498 = arith.muli %add3A_421, %mul3A_497 : i32
        %add3A_499 = arith.addi %mul3A_17, %mul3A_498 : i32
        %dma_wait3A = arith.constant 0 : i32
        %dma_wait3A_500 = tpu.memref_slice %arg5[%add3A_499, %dma_wait3A] : memref<160000x128xf32, #tpu.memory_space<hbm>> -> memref<40x128xf32, #tpu.memory_space<hbm>>
        %dma_wait3A_501 = arith.constant 0 : i32
        %dma_wait3A_502 = tpu.memref_slice %arg13[%mul3A_498, %dma_wait3A_501] : memref<10001x128xf32, #tpu.memory_space<vmem_shared>> -> memref<40x128xf32, #tpu.memory_space<vmem_shared>>
        tpu.wait_dma2 semaphore(%arg14 : memref<!tpu.dma_semaphore, #tpu.memory_space<semaphore_mem>>) src(%dma_wait3A_502 : memref<40x128xf32, #tpu.memory_space<vmem_shared>>) dst(%dma_wait3A_500 : memref<40x128xf32, #tpu.memory_space<hbm>>)
      } else {
      }
      %add3A_427 = arith.constant 96 : i32
      %add3A_428 = arith.addi %arg1, %add3A_427 : i32
      %lt3A_429 = arith.constant 250 : i32
      %lt3A_430 = arith.cmpi slt, %add3A_428, %lt3A_429 : i32
      %convert_element_type3A_431 = arith.extui %lt3A_430 : i1 to i32
      %cond3A_432 = arith.constant 0 : i32
      %cond3A_433 = arith.cmpi ne, %convert_element_type3A_431, %cond3A_432 : i32
      scf.if %cond3A_433 {
        %mul3A_497 = arith.constant 40 : i32
        %mul3A_498 = arith.muli %add3A_428, %mul3A_497 : i32
        %add3A_499 = arith.addi %mul3A_17, %mul3A_498 : i32
        %dma_wait3A = arith.constant 0 : i32
        %dma_wait3A_500 = tpu.memref_slice %arg5[%add3A_499, %dma_wait3A] : memref<160000x128xf32, #tpu.memory_space<hbm>> -> memref<40x128xf32, #tpu.memory_space<hbm>>
        %dma_wait3A_501 = arith.constant 0 : i32
        %dma_wait3A_502 = tpu.memref_slice %arg13[%mul3A_498, %dma_wait3A_501] : memref<10001x128xf32, #tpu.memory_space<vmem_shared>> -> memref<40x128xf32, #tpu.memory_space<vmem_shared>>
        tpu.wait_dma2 semaphore(%arg14 : memref<!tpu.dma_semaphore, #tpu.memory_space<semaphore_mem>>) src(%dma_wait3A_502 : memref<40x128xf32, #tpu.memory_space<vmem_shared>>) dst(%dma_wait3A_500 : memref<40x128xf32, #tpu.memory_space<hbm>>)
      } else {
      }
      %add3A_434 = arith.constant 112 : i32
      %add3A_435 = arith.addi %arg1, %add3A_434 : i32
      %lt3A_436 = arith.constant 250 : i32
      %lt3A_437 = arith.cmpi slt, %add3A_435, %lt3A_436 : i32
      %convert_element_type3A_438 = arith.extui %lt3A_437 : i1 to i32
      %cond3A_439 = arith.constant 0 : i32
      %cond3A_440 = arith.cmpi ne, %convert_element_type3A_438, %cond3A_439 : i32
      scf.if %cond3A_440 {
        %mul3A_497 = arith.constant 40 : i32
        %mul3A_498 = arith.muli %add3A_435, %mul3A_497 : i32
        %add3A_499 = arith.addi %mul3A_17, %mul3A_498 : i32
        %dma_wait3A = arith.constant 0 : i32
        %dma_wait3A_500 = tpu.memref_slice %arg5[%add3A_499, %dma_wait3A] : memref<160000x128xf32, #tpu.memory_space<hbm>> -> memref<40x128xf32, #tpu.memory_space<hbm>>
        %dma_wait3A_501 = arith.constant 0 : i32
        %dma_wait3A_502 = tpu.memref_slice %arg13[%mul3A_498, %dma_wait3A_501] : memref<10001x128xf32, #tpu.memory_space<vmem_shared>> -> memref<40x128xf32, #tpu.memory_space<vmem_shared>>
        tpu.wait_dma2 semaphore(%arg14 : memref<!tpu.dma_semaphore, #tpu.memory_space<semaphore_mem>>) src(%dma_wait3A_502 : memref<40x128xf32, #tpu.memory_space<vmem_shared>>) dst(%dma_wait3A_500 : memref<40x128xf32, #tpu.memory_space<hbm>>)
      } else {
      }
      %add3A_441 = arith.constant 128 : i32
      %add3A_442 = arith.addi %arg1, %add3A_441 : i32
      %lt3A_443 = arith.constant 250 : i32
      %lt3A_444 = arith.cmpi slt, %add3A_442, %lt3A_443 : i32
      %convert_element_type3A_445 = arith.extui %lt3A_444 : i1 to i32
      %cond3A_446 = arith.constant 0 : i32
      %cond3A_447 = arith.cmpi ne, %convert_element_type3A_445, %cond3A_446 : i32
      scf.if %cond3A_447 {
        %mul3A_497 = arith.constant 40 : i32
        %mul3A_498 = arith.muli %add3A_442, %mul3A_497 : i32
        %add3A_499 = arith.addi %mul3A_17, %mul3A_498 : i32
        %dma_wait3A = arith.constant 0 : i32
        %dma_wait3A_500 = tpu.memref_slice %arg5[%add3A_499, %dma_wait3A] : memref<160000x128xf32, #tpu.memory_space<hbm>> -> memref<40x128xf32, #tpu.memory_space<hbm>>
        %dma_wait3A_501 = arith.constant 0 : i32
        %dma_wait3A_502 = tpu.memref_slice %arg13[%mul3A_498, %dma_wait3A_501] : memref<10001x128xf32, #tpu.memory_space<vmem_shared>> -> memref<40x128xf32, #tpu.memory_space<vmem_shared>>
        tpu.wait_dma2 semaphore(%arg14 : memref<!tpu.dma_semaphore, #tpu.memory_space<semaphore_mem>>) src(%dma_wait3A_502 : memref<40x128xf32, #tpu.memory_space<vmem_shared>>) dst(%dma_wait3A_500 : memref<40x128xf32, #tpu.memory_space<hbm>>)
      } else {
      }
      %add3A_448 = arith.constant 144 : i32
      %add3A_449 = arith.addi %arg1, %add3A_448 : i32
      %lt3A_450 = arith.constant 250 : i32
      %lt3A_451 = arith.cmpi slt, %add3A_449, %lt3A_450 : i32
      %convert_element_type3A_452 = arith.extui %lt3A_451 : i1 to i32
      %cond3A_453 = arith.constant 0 : i32
      %cond3A_454 = arith.cmpi ne, %convert_element_type3A_452, %cond3A_453 : i32
      scf.if %cond3A_454 {
        %mul3A_497 = arith.constant 40 : i32
        %mul3A_498 = arith.muli %add3A_449, %mul3A_497 : i32
        %add3A_499 = arith.addi %mul3A_17, %mul3A_498 : i32
        %dma_wait3A = arith.constant 0 : i32
        %dma_wait3A_500 = tpu.memref_slice %arg5[%add3A_499, %dma_wait3A] : memref<160000x128xf32, #tpu.memory_space<hbm>> -> memref<40x128xf32, #tpu.memory_space<hbm>>
        %dma_wait3A_501 = arith.constant 0 : i32
        %dma_wait3A_502 = tpu.memref_slice %arg13[%mul3A_498, %dma_wait3A_501] : memref<10001x128xf32, #tpu.memory_space<vmem_shared>> -> memref<40x128xf32, #tpu.memory_space<vmem_shared>>
        tpu.wait_dma2 semaphore(%arg14 : memref<!tpu.dma_semaphore, #tpu.memory_space<semaphore_mem>>) src(%dma_wait3A_502 : memref<40x128xf32, #tpu.memory_space<vmem_shared>>) dst(%dma_wait3A_500 : memref<40x128xf32, #tpu.memory_space<hbm>>)
      } else {
      }
      %add3A_455 = arith.constant 160 : i32
      %add3A_456 = arith.addi %arg1, %add3A_455 : i32
      %lt3A_457 = arith.constant 250 : i32
      %lt3A_458 = arith.cmpi slt, %add3A_456, %lt3A_457 : i32
      %convert_element_type3A_459 = arith.extui %lt3A_458 : i1 to i32
      %cond3A_460 = arith.constant 0 : i32
      %cond3A_461 = arith.cmpi ne, %convert_element_type3A_459, %cond3A_460 : i32
      scf.if %cond3A_461 {
        %mul3A_497 = arith.constant 40 : i32
        %mul3A_498 = arith.muli %add3A_456, %mul3A_497 : i32
        %add3A_499 = arith.addi %mul3A_17, %mul3A_498 : i32
        %dma_wait3A = arith.constant 0 : i32
        %dma_wait3A_500 = tpu.memref_slice %arg5[%add3A_499, %dma_wait3A] : memref<160000x128xf32, #tpu.memory_space<hbm>> -> memref<40x128xf32, #tpu.memory_space<hbm>>
        %dma_wait3A_501 = arith.constant 0 : i32
        %dma_wait3A_502 = tpu.memref_slice %arg13[%mul3A_498, %dma_wait3A_501] : memref<10001x128xf32, #tpu.memory_space<vmem_shared>> -> memref<40x128xf32, #tpu.memory_space<vmem_shared>>
        tpu.wait_dma2 semaphore(%arg14 : memref<!tpu.dma_semaphore, #tpu.memory_space<semaphore_mem>>) src(%dma_wait3A_502 : memref<40x128xf32, #tpu.memory_space<vmem_shared>>) dst(%dma_wait3A_500 : memref<40x128xf32, #tpu.memory_space<hbm>>)
      } else {
      }
      %add3A_462 = arith.constant 176 : i32
      %add3A_463 = arith.addi %arg1, %add3A_462 : i32
      %lt3A_464 = arith.constant 250 : i32
      %lt3A_465 = arith.cmpi slt, %add3A_463, %lt3A_464 : i32
      %convert_element_type3A_466 = arith.extui %lt3A_465 : i1 to i32
      %cond3A_467 = arith.constant 0 : i32
      %cond3A_468 = arith.cmpi ne, %convert_element_type3A_466, %cond3A_467 : i32
      scf.if %cond3A_468 {
        %mul3A_497 = arith.constant 40 : i32
        %mul3A_498 = arith.muli %add3A_463, %mul3A_497 : i32
        %add3A_499 = arith.addi %mul3A_17, %mul3A_498 : i32
        %dma_wait3A = arith.constant 0 : i32
        %dma_wait3A_500 = tpu.memref_slice %arg5[%add3A_499, %dma_wait3A] : memref<160000x128xf32, #tpu.memory_space<hbm>> -> memref<40x128xf32, #tpu.memory_space<hbm>>
        %dma_wait3A_501 = arith.constant 0 : i32
        %dma_wait3A_502 = tpu.memref_slice %arg13[%mul3A_498, %dma_wait3A_501] : memref<10001x128xf32, #tpu.memory_space<vmem_shared>> -> memref<40x128xf32, #tpu.memory_space<vmem_shared>>
        tpu.wait_dma2 semaphore(%arg14 : memref<!tpu.dma_semaphore, #tpu.memory_space<semaphore_mem>>) src(%dma_wait3A_502 : memref<40x128xf32, #tpu.memory_space<vmem_shared>>) dst(%dma_wait3A_500 : memref<40x128xf32, #tpu.memory_space<hbm>>)
      } else {
      }
      %add3A_469 = arith.constant 192 : i32
      %add3A_470 = arith.addi %arg1, %add3A_469 : i32
      %lt3A_471 = arith.constant 250 : i32
      %lt3A_472 = arith.cmpi slt, %add3A_470, %lt3A_471 : i32
      %convert_element_type3A_473 = arith.extui %lt3A_472 : i1 to i32
      %cond3A_474 = arith.constant 0 : i32
      %cond3A_475 = arith.cmpi ne, %convert_element_type3A_473, %cond3A_474 : i32
      scf.if %cond3A_475 {
        %mul3A_497 = arith.constant 40 : i32
        %mul3A_498 = arith.muli %add3A_470, %mul3A_497 : i32
        %add3A_499 = arith.addi %mul3A_17, %mul3A_498 : i32
        %dma_wait3A = arith.constant 0 : i32
        %dma_wait3A_500 = tpu.memref_slice %arg5[%add3A_499, %dma_wait3A] : memref<160000x128xf32, #tpu.memory_space<hbm>> -> memref<40x128xf32, #tpu.memory_space<hbm>>
        %dma_wait3A_501 = arith.constant 0 : i32
        %dma_wait3A_502 = tpu.memref_slice %arg13[%mul3A_498, %dma_wait3A_501] : memref<10001x128xf32, #tpu.memory_space<vmem_shared>> -> memref<40x128xf32, #tpu.memory_space<vmem_shared>>
        tpu.wait_dma2 semaphore(%arg14 : memref<!tpu.dma_semaphore, #tpu.memory_space<semaphore_mem>>) src(%dma_wait3A_502 : memref<40x128xf32, #tpu.memory_space<vmem_shared>>) dst(%dma_wait3A_500 : memref<40x128xf32, #tpu.memory_space<hbm>>)
      } else {
      }
      %add3A_476 = arith.constant 208 : i32
      %add3A_477 = arith.addi %arg1, %add3A_476 : i32
      %lt3A_478 = arith.constant 250 : i32
      %lt3A_479 = arith.cmpi slt, %add3A_477, %lt3A_478 : i32
      %convert_element_type3A_480 = arith.extui %lt3A_479 : i1 to i32
      %cond3A_481 = arith.constant 0 : i32
      %cond3A_482 = arith.cmpi ne, %convert_element_type3A_480, %cond3A_481 : i32
      scf.if %cond3A_482 {
        %mul3A_497 = arith.constant 40 : i32
        %mul3A_498 = arith.muli %add3A_477, %mul3A_497 : i32
        %add3A_499 = arith.addi %mul3A_17, %mul3A_498 : i32
        %dma_wait3A = arith.constant 0 : i32
        %dma_wait3A_500 = tpu.memref_slice %arg5[%add3A_499, %dma_wait3A] : memref<160000x128xf32, #tpu.memory_space<hbm>> -> memref<40x128xf32, #tpu.memory_space<hbm>>
        %dma_wait3A_501 = arith.constant 0 : i32
        %dma_wait3A_502 = tpu.memref_slice %arg13[%mul3A_498, %dma_wait3A_501] : memref<10001x128xf32, #tpu.memory_space<vmem_shared>> -> memref<40x128xf32, #tpu.memory_space<vmem_shared>>
        tpu.wait_dma2 semaphore(%arg14 : memref<!tpu.dma_semaphore, #tpu.memory_space<semaphore_mem>>) src(%dma_wait3A_502 : memref<40x128xf32, #tpu.memory_space<vmem_shared>>) dst(%dma_wait3A_500 : memref<40x128xf32, #tpu.memory_space<hbm>>)
      } else {
      }
      %add3A_483 = arith.constant 224 : i32
      %add3A_484 = arith.addi %arg1, %add3A_483 : i32
      %lt3A_485 = arith.constant 250 : i32
      %lt3A_486 = arith.cmpi slt, %add3A_484, %lt3A_485 : i32
      %convert_element_type3A_487 = arith.extui %lt3A_486 : i1 to i32
      %cond3A_488 = arith.constant 0 : i32
      %cond3A_489 = arith.cmpi ne, %convert_element_type3A_487, %cond3A_488 : i32
      scf.if %cond3A_489 {
        %mul3A_497 = arith.constant 40 : i32
        %mul3A_498 = arith.muli %add3A_484, %mul3A_497 : i32
        %add3A_499 = arith.addi %mul3A_17, %mul3A_498 : i32
        %dma_wait3A = arith.constant 0 : i32
        %dma_wait3A_500 = tpu.memref_slice %arg5[%add3A_499, %dma_wait3A] : memref<160000x128xf32, #tpu.memory_space<hbm>> -> memref<40x128xf32, #tpu.memory_space<hbm>>
        %dma_wait3A_501 = arith.constant 0 : i32
        %dma_wait3A_502 = tpu.memref_slice %arg13[%mul3A_498, %dma_wait3A_501] : memref<10001x128xf32, #tpu.memory_space<vmem_shared>> -> memref<40x128xf32, #tpu.memory_space<vmem_shared>>
        tpu.wait_dma2 semaphore(%arg14 : memref<!tpu.dma_semaphore, #tpu.memory_space<semaphore_mem>>) src(%dma_wait3A_502 : memref<40x128xf32, #tpu.memory_space<vmem_shared>>) dst(%dma_wait3A_500 : memref<40x128xf32, #tpu.memory_space<hbm>>)
      } else {
      }
      %add3A_490 = arith.constant 240 : i32
      %add3A_491 = arith.addi %arg1, %add3A_490 : i32
      %lt3A_492 = arith.constant 250 : i32
      %lt3A_493 = arith.cmpi slt, %add3A_491, %lt3A_492 : i32
      %convert_element_type3A_494 = arith.extui %lt3A_493 : i1 to i32
      %cond3A_495 = arith.constant 0 : i32
      %cond3A_496 = arith.cmpi ne, %convert_element_type3A_494, %cond3A_495 : i32
      scf.if %cond3A_496 {
        %mul3A_497 = arith.constant 40 : i32
        %mul3A_498 = arith.muli %add3A_491, %mul3A_497 : i32
        %add3A_499 = arith.addi %mul3A_17, %mul3A_498 : i32
        %dma_wait3A = arith.constant 0 : i32
        %dma_wait3A_500 = tpu.memref_slice %arg5[%add3A_499, %dma_wait3A] : memref<160000x128xf32, #tpu.memory_space<hbm>> -> memref<40x128xf32, #tpu.memory_space<hbm>>
        %dma_wait3A_501 = arith.constant 0 : i32
        %dma_wait3A_502 = tpu.memref_slice %arg13[%mul3A_498, %dma_wait3A_501] : memref<10001x128xf32, #tpu.memory_space<vmem_shared>> -> memref<40x128xf32, #tpu.memory_space<vmem_shared>>
        tpu.wait_dma2 semaphore(%arg14 : memref<!tpu.dma_semaphore, #tpu.memory_space<semaphore_mem>>) src(%dma_wait3A_502 : memref<40x128xf32, #tpu.memory_space<vmem_shared>>) dst(%dma_wait3A_500 : memref<40x128xf32, #tpu.memory_space<hbm>>)
      } else {
      }
    }
    %scan3A_12 = arith.constant 8 : i32
    return
  }
}

module attributes {stable_mosaic.version = 14 : i64} {
  func.func @body(%arg0: i32, %arg1: memref<640x128xf32, #tpu.memory_space<vmem>>, %arg2: memref<128x128xf32, #tpu.memory_space<vmem>>, %arg3: memref<128xf32, #tpu.memory_space<vmem>>, %arg4: memref<640x128xf32, #tpu.memory_space<vmem>>) attributes {dimension_semantics = [#tpu.dimension_semantics<arbitrary>], iteration_bounds = array<i64: 250>, scalar_prefetch = 0 : i64, scratch_operands = 0 : i64, tpu.core_type = #tpu.core_type<tc>, window_params = [{transform_indices = @transform_0, window_bounds = array<i64: 640, 128>}, {pipeline_mode = #tpu.pipeline_mode<synchronous>, transform_indices = @transform_1, window_bounds = array<i64: 128, 128>}, {pipeline_mode = #tpu.pipeline_mode<synchronous>, transform_indices = @transform_2, window_bounds = array<i64: 128>}, {transform_indices = @transform_3, window_bounds = array<i64: 640, 128>}]} {
    %get3A = arith.constant 0 : index
    %get3A_0 = arith.constant 0 : index
    %get3A_1 = vector.load %arg1[%get3A, %get3A_0] : memref<640x128xf32, #tpu.memory_space<vmem>>, vector<640x128xf32>
    %get3A_2 = arith.constant 0 : index
    %get3A_3 = arith.constant 0 : index
    %get3A_4 = vector.load %arg2[%get3A_2, %get3A_3] : memref<128x128xf32, #tpu.memory_space<vmem>>, vector<128x128xf32>
    %dot_general3A = arith.constant dense<0.000000e+00> : vector<640x128xf32>
    %dot_general3A_5 = tpu.matmul %get3A_1, %get3A_4, %dot_general3A {dimension_numbers = #tpu.dot_dimension_numbers<[1], [0], [0], [1], [0, 0, 1, 1], [], []>, transpose_lhs_hint = false} : vector<640x128xf32>, vector<128x128xf32>, vector<640x128xf32> -> vector<640x128xf32>
    %get3A_6 = arith.constant 0 : index
    %get3A_7 = vector.load %arg3[%get3A_6] : memref<128xf32, #tpu.memory_space<vmem>>, vector<128xf32>
    %broadcast_in_dim3A = vector.shape_cast %get3A_7 : vector<128xf32> to vector<1x128xf32>
    %add3A = vector.broadcast %broadcast_in_dim3A : vector<1x128xf32> to vector<640x128xf32>
    %add3A_8 = arith.addf %dot_general3A_5, %add3A : vector<640x128xf32>
    %swap3A = arith.constant 0 : index
    %swap3A_9 = arith.constant 0 : index
    %swap3A_10 = vector.load %arg4[%swap3A, %swap3A_9] : memref<640x128xf32, #tpu.memory_space<vmem>>, vector<640x128xf32>
    tpu.vector_store %arg4[%swap3A, %swap3A_9], %add3A_8 {strides = array<i32>} : memref<640x128xf32, #tpu.memory_space<vmem>>, vector<640x128xf32>,
    return
  }
  func.func @transform_0(%arg0: i32) -> (i32, i32) {
    %c0_i32 = arith.constant 0 : i32
    %c0_i32_0 = arith.constant 0 : i32
    return %arg0, %c0_i32 : i32, i32
  }
  func.func @transform_1(%arg0: i32) -> (i32, i32) {
    %c0_i32 = arith.constant 0 : i32
    %c0_i32_0 = arith.constant 0 : i32
    %c0_i32_1 = arith.constant 0 : i32
    return %c0_i32, %c0_i32_0 : i32, i32
  }
  func.func @transform_2(%arg0: i32) -> i32 {
    %c0_i32 = arith.constant 0 : i32
    %c0_i32_0 = arith.constant 0 : i32
    return %c0_i32 : i32
  }
  func.func @transform_3(%arg0: i32) -> (i32, i32) {
    %c0_i32 = arith.constant 0 : i32
    %c0_i32_0 = arith.constant 0 : i32
    return %arg0, %c0_i32 : i32, i32
  }
}

</mosaic_0001>

<sc_bundles>
// kernel: kernel.4.cloned.1.call-start
scs
__scs_entry_jumppad:
0x0: {  	(pc) =	sbr.rel $0x88, $3  }
0x1: {  	(tag) =	ssettag $0x0;
	lr =	simm.s32 $0x1  }
0x2: {  	[smem:$0x3F9C] =	sst lr;
	_ =	strace $0xD0000000  }
0x3: {  	_ = 	snop  }
0x4: {  	_ = 	snop  }
0x5: {  	_ = 	snop  }
0x6: {  	_ = 	snop  }
0x7: {  	_ = 	snop  }
__scs_overlays_trampoline_lowered:
0x8: {  	[smem:$0x3FAB] =	sst s0  }
0x9: {  	[smem:$0x3FAC] =	sst s1  }
0xa: {  	[smem:$0x3FAD] =	sst s2  }
0xb: {  	[smem:$0x3FAE] =	sst s3  }
0xc: {  	[smem:$0x3FAF] =	sst s4  }
0xd: {  	[smem:$0x3FB0] =	sst s5  }
0xe: {  	[smem:$0x3FB1] =	sst s6  }
0xf: {  	[smem:$0x3FB2] =	sst s7  }
0x10: {  	[smem:$0x3FB3] =	sst s8  }
0x11: {  	[smem:$0x3FB4] =	sst s9;
	s0 =	simm.s32 @!p0 $0x0  }
0x12: {  	s1 =	sld [smem:$0x3F9A];
	s0 =	simm.s32 @p0 $0x1  }
0x13: {  	[smem:$0x3FB5] =	sst s0;
	s0 =	simm.s32 @!p1 $0x0  }
0x14: {  	s2 =	sld [smem:$0x3F99];
	s0 =	simm.s32 @p1 $0x1  }
0x15: {  	[smem:$0x3FB6] =	sst s0;
	s0 =	simm.s32 @!p2 $0x0  }
0x16: {  	s3 =	sld [smem:$0x3FDB];
	s0 =	simm.s32 @p2 $0x1  }
0x17: {  	s4 =	simm.s32 $0x1BF5;
	[smem:$0x3FB8] =	sst s0  }
0x18: {  	s0 =	sld [smem:$0x3F9B];
	_ =	swait.ge [sflag:s4], $0x0  }
0x19: {  	s7 =	sld [smem:$0x3F9C]  }
0x1a: {  	s8 =	sadd.s32 $0xFFFFE003, lr  }
0x1b: {  	s9 =	sadd.s32 $0xFFFFFEF7, lr;
	s5 =	simm.s32 $0xFFFFFFFF;
	p2 =	slt.u32 s8, $0xFFFFF086  }
0x1c: {  	p1 =	slt.u32 s9, $0xF7A;
	s5 =	simm.s32 @!p2 $0x0  }
0x1d: {  	s5 =	simm.s32 @p1 $0x1;
	p0 =	seq.s32 s7, s2  }
0x1e: {  	s7 =	smul.u32 @!p0 $0xF7A, s2;
	p2 =	seq.s32 @!p0 s5, $0x0  }
0x1f: {  	s9 =	smul.u32 $0xF7A, s1;
	s8 =	simm.s32 @!p0 $0x1BF5;
	p2 =	por !p2, p0  }
0x20: {  	[sflag:s8] =	ssyncset.s32 @!p0 $0xFFFFF086;
	s6 =	sadd.s32 @!p0 s3, s7;
	s7 =	simm.s32 @!p0 $0x108  }
0x21: {  	s3 =	sadd.s32 s3, s9;
	s6 =	sadd.s32 @!p0 $0x88, s6;
	s7 =	simm.s32 @p2 $0x1082  }
0x22: {  	[simem:s7], [sflag:s8] =	dma.local @!p0 [hbm:s6], $0xF7A  }
0x23: {  	s9 =	sor.u32 $0xD0000000, s2;
	s6 =	simm.s32 $0x108;
	_ =	swait.ge @!p0 [sflag:s8], $0x0  }
0x24: {  	s3 =	sadd.s32 $0x88, s3;
	s6 =	simm.s32 @!p1 $0x1082;
	[sflag:s4] =	ssyncset.s32 $0xFFFFF086  }
0x25: {  	[simem:s6], [sflag:s4] =	dma.local [hbm:s3], $0xF7A  }
0x26: {  	[smem:$0x3F9C] =	sst s1;
	(tag) =	ssettag s2;
	_ =	strace s9  }
0x27: {  	s1 =	sld [smem:$0x3FAC]  }
0x28: {  	s2 =	sld [smem:$0x3FAD]  }
0x29: {  	s4 =	sld [smem:$0x3FAF]  }
0x2a: {  	p0 =	seq.s32 s5, $0x0;
	s5 =	sld [smem:$0x3FB0]  }
0x2b: {  	s6 =	sld [smem:$0x3FB1]  }
0x2c: {  	s7 =	sld [smem:$0x3FB2]  }
0x2d: {  	s3 =	simm.s32 $0x108;
	s8 =	sld [smem:$0x3FB3]  }
0x2e: {  	s3 =	simm.s32 @!p0 $0x1082;
	s9 =	sld [smem:$0x3FB4]  }
0x2f: {  	lr =	sadd.s32 s0, s3;
	s0 =	sld [smem:$0x3FAB]  }
0x30: {  	s3 =	sld [smem:$0x3FAE]  }
0x31: {  	[smem:$0x3FB7] =	sst s10  }
0x32: {  	s10 =	sld [smem:$0x3FB5];
	_ =	sdelay $0x3  }
0x33: {  	p0 =	seq.s32 s10, $0x1;
	s10 =	sld [smem:$0x3FB7];
	_ =	sdelay $0x3  }
0x34: {  	[smem:$0x3FB7] =	sst s10  }
0x35: {  	s10 =	sld [smem:$0x3FB6];
	_ =	sdelay $0x3  }
0x36: {  	p1 =	seq.s32 s10, $0x1;
	s10 =	sld [smem:$0x3FB7];
	_ =	sdelay $0x3  }
0x37: {  	[smem:$0x3FB7] =	sst s10  }
0x38: {  	s10 =	sld [smem:$0x3FB8]  }
0x39: {  	_ = 	snop;
	(pc) =	sbr.ind lr, $3  }
0x3a: {  	_ = 	snop  }
0x3b: {  	_ = 	snop  }
0x3c: {  	p2 =	seq.s32 s10, $0x1;
	s10 =	sld [smem:$0x3FB7]  }
0x3d: {  	_ =	shalt  }
0x3e: {  	_ =	shalt  }
0x3f: {  	_ =	shalt  }
0x40: {  	_ =	shalt  }
0x41: {  	_ =	shalt  }
0x42: {  	_ =	shalt  }
0x43: {  	_ =	shalt  }
0x44: {  	_ =	shalt  }
0x45: {  	_ =	shalt  }
0x46: {  	_ =	shalt  }
0x47: {  	_ =	shalt  }
0x48: {  	_ =	shalt  }
0x49: {  	_ =	shalt  }
0x4a: {  	_ =	shalt  }
0x4b: {  	_ =	shalt  }
0x4c: {  	_ =	shalt  }
0x4d: {  	_ =	shalt  }
0x4e: {  	_ =	shalt  }
0x4f: {  	_ =	shalt  }
0x50: {  	_ =	shalt  }
0x51: {  	_ =	shalt  }
0x52: {  	_ =	shalt  }
0x53: {  	_ =	shalt  }
0x54: {  	_ =	shalt  }
0x55: {  	_ =	shalt  }
0x56: {  	_ =	shalt  }
0x57: {  	_ =	shalt  }
0x58: {  	_ =	shalt  }
0x59: {  	_ =	shalt  }
0x5a: {  	_ =	shalt  }
0x5b: {  	_ =	shalt  }
0x5c: {  	_ =	shalt  }
0x5d: {  	_ =	shalt  }
0x5e: {  	_ =	shalt  }
0x5f: {  	_ =	shalt  }
0x60: {  	_ =	shalt  }
0x61: {  	_ =	shalt  }
0x62: {  	_ =	shalt  }
0x63: {  	_ =	shalt  }
0x64: {  	_ =	shalt  }
0x65: {  	_ =	shalt  }
0x66: {  	_ =	shalt  }
0x67: {  	_ =	shalt  }
0x68: {  	_ =	shalt  }
0x69: {  	_ =	shalt  }
0x6a: {  	_ =	shalt  }
0x6b: {  	_ =	shalt  }
0x6c: {  	_ =	shalt  }
0x6d: {  	_ =	shalt  }
0x6e: {  	_ =	shalt  }
0x6f: {  	_ =	shalt  }
0x70: {  	_ =	shalt  }
0x71: {  	_ =	shalt  }
0x72: {  	_ =	shalt  }
0x73: {  	_ =	shalt  }
0x74: {  	_ =	shalt  }
0x75: {  	_ =	shalt  }
0x76: {  	_ =	shalt  }
0x77: {  	_ =	shalt  }
0x78: {  	_ =	shalt  }
0x79: {  	_ =	shalt  }
0x7a: {  	_ =	shalt  }
0x7b: {  	_ =	shalt  }
0x7c: {  	_ =	shalt  }
0x7d: {  	_ =	shalt  }
0x7e: {  	_ =	shalt  }
0x7f: {  	_ =	shalt  }
0x80: {  	_ =	shalt  }
0x81: {  	_ =	shalt  }
0x82: {  	_ =	shalt  }
0x83: {  	_ =	shalt  }
0x84: {  	_ =	shalt  }
0x85: {  	_ =	shalt  }
0x86: {  	_ =	shalt  }
0x87: {  	_ =	shalt  }
.Lfunc_end0:
.L_simem_size_0:
called_computation_lowered:
.L_overlay_start_0:
0x88: {  	s2 =	sld [smem:$0x3FD9]  }
0x89: {  	s3 =	sld [smem:$0x3FFE];
	_ =	sdelay $0x1  }
0x8a: {  	s1 =	srdreg.scid  }
0x8b: {  	s0 =	sand.u32 $0x1, s1  }
0x8c: {  	s17 =	sshll.u32 s0, $0xA;
	s2 =	sadd.s32 s3, s2  }
0x8d: {  	s2 =	sadd.s32 s2, s17  }
0x8e: {  	[smem:$0x3FC3] =	sst s2  }
0x8f: {  	_ = 	snop  }
0x90: {  	s2 =	sld [smem:$0x3FC8]  }
0x91: {  	s18 =	sld [smem:$0x3FC7]  }
0x92: {  	s4 =	sld [smem:$0x3FD0];
	(tm) =	ssettm $0x1  }
0x93: {  	s5 =	sld [smem:$0x3FFB];
	_ =	sdelay $0x3  }
0x94: {  	_ =	strace s5  }
0x95: {  	s5 =	sld [smem:$0x3FFC];
	_ =	sdelay $0x3  }
0x96: {  	_ =	strace s5  }
0x97: {  	s5 =	sld [smem:$0x3FFD];
	_ =	sdelay $0x3  }
0x98: {  	_ =	strace s5  }
0x99: {  	_ =	strace $0x8FFFFFFF  }
0x9a: {  	s19 =	sld [smem:$0x3FDB];
	_ =	sdelay $0x1  }
0x9b: {  	s6 =	simm.s32 $_scs_section_size  }
0x9c: {  	s7 =	simm.s32 $_size__tile_overlayer_lowered;
	s8 =	simm.s32 $_tile_overlayer_lowered  }
0x9d: {  	s22 =	simm.s32 $0x1BFF;
	s21 =	sshll.u32 s8, $0x1;
	s5 =	sadd.s32 s6, s19  }
0x9e: {  	s9 =	simm.s32 $0x0;
	s20 =	sshll.u32 s7, $0x1;
	s7 =	sadd.s32 s21, s5  }
0x9f: {  	[timem:s9], [sflag:s22] =	dma.local [hbm:s7], s20  }
0xa0: {  	_ =	swait.ge [sflag:s22], s20  }
0xa1: {  	s6 =	ssub.s32 $0x0, s20;
	[sflag:s22] =	ssyncset.done $0x0  }
0xa2: {  	[sflag:s22] =	ssyncadd.s32 s6;
	_ =	sdelay $0x1  }
0xa3: {  	s23 =	simm.s32 $0x1B8B  }
0xa4: {  	_ =	swait.ge [sflag:s23], $0x1  }
0xa5: {  	[sflag:s23] =	ssyncset.done $0x0  }
0xa6: {  	s25 =	simm.s32 $0x1B8E;
	s24 =	sld [smem:$0x3FFE];
	[sflag:s23] =	ssyncadd.s32 $0xFFFFFFFF  }
0xa7: {  	s26 =	simm.s32 $execute0_lowered;
	[smem:$0x3FD2] =	sst s25  }
0xa8: {  	s7 =	sshll.u32 s26, $0x1;
	_ =	strace $0x80000046;
	[dreg:$0x1] =	wrdreg $0xFFFFFFFF  }
0xa9: {  	s28 =	simm.s32 $_size_execute0_lowered;
	s5 =	sadd.s32 s5, s7;
	[dreg:$0x0] =	wrdreg $0x0  }
0xaa: {  	s7 =	sshll.u32 s28, $0x1;
	[dreg:$0x2] =	wrdreg s5  }
0xab: {  	[dreg:$0x3] =	wrdreg s7  }
0xac: {  	[dreg:$0x4] =	wrdreg $0xC0  }
0xad: {  	_ =	task [dreg:s9], $0x5FFFF  }
0xae: {  	[dreg:$0x1] =	wrdreg $0xFFFFFFFF  }
0xaf: {  	[dreg:$0x0] =	wrdreg $0x60  }
0xb0: {  	[dreg:$0x2] =	wrdreg s24  }
0xb1: {  	[dreg:$0x3] =	wrdreg s2  }
0xb2: {  	[dreg:$0x4] =	wrdreg s18  }
0xb3: {  	[dreg:$0x5] =	wrdreg s4  }
0xb4: {  	[dreg:$0x6] =	wrdreg $0xB8000  }
0xb5: {  	[dreg:$0x7] =	wrdreg $0x9  }
0xb6: {  	_ =	task.clear_ibuf [dreg:s9], $0x8FFFF;
	_ =	strace $0x90000046  }
0xb7: {  	s29 =	simm.s32 $0x9;
	_ =	strace $0x80000048  }
0xb8: {  	_ =	swait.ge [sflag:s29], $0x1  }
0xb9: {  	[sflag:s29] =	ssyncadd.s32 $0xFFFFFFFF  }
0xba: {  	_ =	strace $0x90000048  }
0xbb: {  	_ =	sfence  }
0xbc: {  	s30 =	sld [smem:$0x0];
	_ =	sdelay $0x2  }
0xbd: {  	s31 =	sshll.u32 s1, $0xD;
	s1 =	sshrl.u32 s1, $0x2  }
0xbe: {  	s3 =	sand.u32 $0x4000, s31;
	s1 =	sadd.s32 s1, s30  }
0xbf: {  	s0 =	sor.u32 s3, s0;
	s1 =	sshll.u32 s1, $0x11  }
0xc0: {  	s0 =	sor.u32 s1, s0  }
0xc1: {  	s0 =	sadd.s32 $0x8F2B, s0  }
0xc2: {  	[sflag:s0] =	ssyncadd.remote.s32 $0x1  }
0xc3: {  	_ =	sfence.sel $0xFFFF  }
0xc4: {  	[dreg:$0x0] =	wrdreg $0xFFFFFFFF;
	(pc) =	sbr.abs _section_cstart, $3  }
0xc5: {  	[dreg:$0x1] =	wrdreg $0xFFFFFFFF  }
0xc6: {  	_ =	task.clear_ibuf [dreg:s9], $0x2FFFF;
	_ =	strace $0x9FFFFFFF  }
0xc7: {  	(tm) =	ssettm $0x7FFFFFFF  }
tec
execute0_lowered:
.L_overlay_start_1:
0x0: {  	(tag) =	ssettag $0x1  }
0x1: {  	s20 =	stileid.u32  }
0x2: {  	s1 =	smul.u32 $0x5000, s20;
	s2 =	sor.u32 $0x10, s20  }
0x3: {  	s4 =	sor.u32 $0x20, s20;
	s3 =	smul.u32 $0x5000, s2  }
0x4: {  	s0 =	rddreg [dreg:$0x0];
	s8 =	sor.u32 $0x30, s20;
	s7 =	smul.u32 $0x5000, s4  }
0x5: {  	s21 =	rddreg [dreg:$0x1];
	s11 =	sor.u32 $0x40, s20;
	s10 =	smul.u32 $0x5000, s8  }
0x6: {  	s22 =	rddreg [dreg:$0x2];
	s13 =	sor.u32 $0x50, s20;
	s12 =	smul.u32 $0x5000, s11  }
0x7: {  	s5 =	rddreg [dreg:$0x4];
	s15 =	sor.u32 $0x60, s20;
	s14 =	smul.u32 $0x5000, s13  }
0x8: {  	s6 =	simm.s32 $0x0;
	s17 =	sor.u32 $0x70, s20;
	s16 =	smul.u32 $0x5000, s15  }
0x9: {  	s9 =	srdreg.scid;
	s28 =	simm.s32 $0x3;
	s18 =	smul.u32 $0x5000, s17  }
0xa: {  	s30 =	simm.s32 $0x4;
	[smem:$0x7FF] =	sst s6;
	s2 =	smul.u32 $0x28, s2  }
0xb: {  	s9 =	sand.u32 $0x1, s9;
	_ =	strace $0x80000047;
	s23 =	smul.u32 $0x28, s4  }
0xc: {  	[dreg:$0x6] =	wrdreg s9;
	s19 =	ssub.s32 $0x2, s9;
	s24 =	smul.u32 $0x28, s8  }
0xd: {  	s9 =	sadd.s32 $0x800, s0;
	s26 =	smul.u32 $0x28, s11;
	[dreg:$0x7] =	wrdreg s2  }
0xe: {  	s31 =	smul.u32 $0x28, s13;
	s6 =	sshrl.u32 s19, $0x1;
	[dreg:$0x8] =	wrdreg s23  }
0xf: {  	s1 =	sshrl.u32 s1, $0x2;
	s0 =	ssub.s32 s19, s6;
	[dreg:$0x9] =	wrdreg s24  }
0x10: {  	s23 =	sadd.s32 s1, s5;
	s25 =	sshrl.u32 s3, $0x2;
	[dreg:$0xb] =	wrdreg s26  }
0x11: {  	s29 =	sshrl.u32 s7, $0x2;
	[dreg:$0xd] =	wrdreg s31;
	s2 =	sshrl.u32 s10, $0x2  }
0x12: {  	s6 =	smul.u32 $0x28, s15;
	s7 =	sshrl.u32 s12, $0x2;
	s10 =	sor.u32 $0x80, s20  }
0x13: {  	s12 =	smul.u32 $0x28, s17;
	s14 =	sshrl.u32 s14, $0x2;
	s15 =	sor.u32 $0x90, s20  }
0x14: {  	s17 =	sshrl.u32 s16, $0x2;
	s24 =	sshrl.u32 s18, $0x2;
	s31 =	sor.u32 $0xB0, s20  }
0x15: {  	s8 =	sadd.s32 s25, s5;
	s11 =	sadd.s32 s29, s5;
	[dreg:$0xf] =	wrdreg s6  }
0x16: {  	s1 =	sadd.s32 s2, s5;
	s13 =	smul.u32 $0x5000, s10;
	[dreg:$0x10] =	wrdreg s12  }
0x17: {  	s3 =	smul.u32 $0x28, s10;
	s2 =	sadd.s32 s14, s5;
	[dreg:$0x1c] =	wrdreg s1  }
0x18: {  	s19 =	smul.u32 $0x5000, s15;
	s26 =	sadd.s32 s24, s5;
	[smem:$0x7F5] =	sst s2  }
0x19: {  	s25 =	sor.u32 $0xA0, s20;
	s0 =	smax.u32 s0, $0x1;
	[smem:$0x7F7] =	sst s26  }
0x1a: {  	s24 =	sor.u32 $0xD0, s20;
	s29 =	smul.u32 $0x5000, s25;
	[smem:$0x7FC] =	sst s0  }
0x1b: {  	s12 =	sadd.s32 s7, s5;
	s7 =	smul.u32 $0x5000, s31;
	[dreg:$0xc] =	wrdreg s8  }
0x1c: {  	s2 =	sadd.s32 s17, s5;
	s17 =	smul.u32 $0x27100, s20;
	[dreg:$0xe] =	wrdreg s11  }
0x1d: {  	s26 =	sor.u32 $0xE0, s20;
	[dreg:$0x11] =	wrdreg s3;
	s3 =	smul.u32 $0x28, s15  }
0x1e: {  	[smem:$0x7F6] =	sst s2;
	s1 =	sshrl.u32 s13, $0x2;
	s13 =	sor.u32 $0xC0, s20  }
0x1f: {  	s6 =	sshrl.u32 s19, $0x2;
	s1 =	sadd.s32 s1, s5;
	s18 =	smul.u32 $0x5000, s13  }
0x20: {  	s2 =	sshrl.u32 s29, $0x2;
	s29 =	smul.u32 $0x5000, s26;
	[dreg:$0x1a] =	wrdreg s17  }
0x21: {  	s14 =	sadd.s32 s6, s5;
	[dreg:$0x12] =	wrdreg s3;
	s3 =	smul.u32 $0x28, s25  }
0x22: {  	s19 =	sshrl.u32 s7, $0x2;
	[smem:$0x7F8] =	sst s1;
	s25 =	smul.u32 $0x5000, s24  }
0x23: {  	s10 =	sadd.s32 s2, s5;
	s2 =	sadd.s32 s19, s5;
	s19 =	smul.u32 $0x28, s24  }
0x24: {  	s24 =	smul.u32 $0x28, s26;
	[dreg:$0x17] =	wrdreg s2;
	s1 =	sshrl.u32 s18, $0x2  }
0x25: {  	s16 =	sshrl.u32 s29, $0x2;
	s6 =	smov.u32 s10;
	[dreg:$0x13] =	wrdreg s3  }
0x26: {  	s10 =	smov.u32 s23;
	s3 =	smul.u32 $0x28, s31;
	[dreg:$0x1d] =	wrdreg s19  }
0x27: {  	s31 =	sor.u32 $0xF0, s20;
	s1 =	sadd.s32 s1, s5;
	[dreg:$0x1f] =	wrdreg s24  }
0x28: {  	s19 =	simm.s32 $0x2;
	[dreg:$0xa] =	wrdreg s10;
	s15 =	smul.u32 $0x5000, s31  }
0x29: {  	s24 =	simm.s32 $0x2300;
	[dreg:$0x15] =	wrdreg s6;
	s26 =	smul.u32 $0x28, s31  }
0x2a: {  	[dreg:$0x18] =	wrdreg s1;
	p0 =	sgt.u32 s31, $0xF9;
	s31 =	smul.u32 $0x28, s20  }
0x2b: {  	s20 =	simm.s32 $0x2200;
	[dreg:$0x14] =	wrdreg s3;
	s3 =	smul.u32 $0x28, s13  }
0x2c: {  	s13 =	sshrl.u32 s25, $0x2;
	s25 =	sshrl.u32 s17, $0x3;
	s17 =	simm.s32 $0x1B00  }
0x2d: {  	s1 =	sadd.s32 s13, s5;
	s18 =	sshrl.u32 s15, $0x2;
	[smem:$0x7F9] =	sst s26  }
0x2e: {  	s29 =	sadd.s32 s21, s25;
	s21 =	smov.u32 s12;
	[smem:$0x7FD] =	sst s31  }
0x2f: {  	s13 =	simm.s32 $0x1400;
	s26 =	simm.s32 $0x2400;
	[dreg:$0x16] =	wrdreg s3  }
0x30: {  	s12 =	simm.s32 $0x4400;
	[dreg:$0x19] =	wrdreg s1;
	s1 =	sadd.s32 s16, s5  }
.Ltmp0:
0x31: {  	s3 =	smov.u32 s14;
	[smem:$0x7FA] =	sst s29;
	(pc) =	sbr.rel .LBB2_1-.Ltmp0, $4  }
0x32: {  	s14 =	simm.s32 $0x6400;
	[dreg:$0x1b] =	wrdreg s1;
	s1 =	sadd.s32 s18, s5  }
0x33: {  	s16 =	simm.s32 $0x8400;
	s4 =	smov.u32 s1;
	s1 =	sadd.s32 s22, s25  }
0x34: {  	s18 =	simm.s32 $0x40;
	s22 =	simm.s32 $0x2280;
	[smem:$0x7FB] =	sst s1  }
0x35: {  	v0 =	vimm.f32 $0.0e+00;
	v1 =	vimm.s32 $0x0;
	s25 =	simm.s32 $0x2380;
	s1 =	simm.s32 $0x0;
	[dreg:$0x1e] =	wrdreg s4  }
.LBB2_19:
0x36: {  	s1 =	sld [smem:$0x7F4]  }
0x37: {  	s0 =	sld [smem:$0x7FC];
	_ =	sdelay $0x1  }
0x38: {  	s1 =	sadd.s32 $0x1, s1  }
0x39: {  	p1 =	sne.s32 s1, s0  }
.Ltmp1:
0x3a: {  	_ = 	snop;
	(pc) =	sbr.rel @!p1 .LBB2_20-.Ltmp1, $1  }
0x3b: {  	_ =	sdelay $0x3  }
.LBB2_1:
0x3c: {  	[smem:$0x7F4] =	sst s1;
	s0 =	simm.s32 $0x0;
	s1 =	simm.s32 $0x200  }
.LBB2_2:
0x3d: {  	p1 =	sne.s32 s1, $0x4E00;
	[tilespmem:s0+$0xA470] =	vst v0  }
0x3e: {  	[tilespmem:s0+$0xA400] =	vst v0  }
0x3f: {  	[tilespmem:s0+$0xA410] =	vst v0  }
.Ltmp2:
0x40: {  	[tilespmem:s0+$0xA420] =	vst v0;
	(pc) =	sbr.rel @p1 .LBB2_2-.Ltmp2, $4  }
0x41: {  	[tilespmem:s0+$0xA430] =	vst v0  }
0x42: {  	[tilespmem:s0+$0xA440] =	vst v0  }
0x43: {  	[tilespmem:s0+$0xA450] =	vst v0  }
0x44: {  	[tilespmem:s0+$0xA460] =	vst v0;
	s0 =	sshra.s32 s1, $0x2;
	s1 =	sadd.s32 $0x200, s1  }
0x45: {  	[tilespmem:s0+$0xA470] =	vst v0  }
0x46: {  	[tilespmem:s0+$0xA400] =	vst v0  }
0x47: {  	[tilespmem:s0+$0xA410] =	vst v0  }
.Ltmp3:
0x48: {  	[tilespmem:s0+$0xA420] =	vst v0;
	(pc) =	sbr.rel .LBB2_4-.Ltmp3, $4  }
0x49: {  	[tilespmem:s0+$0xA430] =	vst v0;
	s7 =	rddreg [dreg:$0x17]  }
0x4a: {  	[tilespmem:s0+$0xA440] =	vst v0;
	s15 =	rddreg [dreg:$0x18]  }
0x4b: {  	[tilespmem:s0+$0xA450] =	vst v0;
	s31 =	rddreg [dreg:$0x19]  }
0x4c: {  	[tilespmem:s0+$0xA460] =	vst v0;
	s1 =	simm.s32 $0x0;
	s29 =	rddreg [dreg:$0x1b];
	s2 =	simm.s32 $0x1  }
.LBB2_17:
0x4d: {  	[sflag:s30] =	ssyncadd.s32 $0xFFFFE000  }
.LBB2_18:
0x4e: {  	s0 =	sld [smem:$0x7FD]  }
0x4f: {  	s23 =	sld [smem:$0x7F3];
	_ =	sdelay $0x2  }
0x50: {  	[bflag:$0x0] =	sbarrier.arrive $0xFFFF;
	s1 =	stileid.u32;
	s0 =	sadd.s32 s0, s23  }
0x51: {  	s1 =	sshll.u32 s1, $0x6;
	s4 =	rddreg [dreg:$0x3];
	s0 =	sshll.u32 s0, $0x4  }
0x52: {  	s2 =	sshrl.u32 s10, $0x3;
	s1 =	sor.u32 $0x1C01, s1;
	s0 =	sadd.s32 s4, s0  }
0x53: {  	[hbm:s0], [sflag:s1] =	dma.local [spmem:s2], $0x280  }
0x54: {  	s0 =	rddreg [dreg:$0x7]  }
0x55: {  	s0 =	sadd.s32 s0, s23  }
0x56: {  	s0 =	sshll.u32 s0, $0x4  }
0x57: {  	s7 =	sshrl.u32 s8, $0x3;
	s0 =	sadd.s32 s4, s0  }
0x58: {  	[hbm:s0], [sflag:s1] =	dma.local [spmem:s7], $0x280  }
0x59: {  	s0 =	rddreg [dreg:$0x8]  }
0x5a: {  	s0 =	sadd.s32 s0, s23  }
0x5b: {  	s0 =	sshll.u32 s0, $0x4  }
0x5c: {  	s15 =	sshrl.u32 s11, $0x3;
	s0 =	sadd.s32 s4, s0  }
0x5d: {  	[hbm:s0], [sflag:s1] =	dma.local [spmem:s15], $0x280  }
0x5e: {  	s0 =	rddreg [dreg:$0x9]  }
0x5f: {  	s0 =	sadd.s32 s0, s23  }
0x60: {  	s2 =	rddreg [dreg:$0x1c];
	s0 =	sshll.u32 s0, $0x4  }
0x61: {  	s2 =	sshrl.u32 s2, $0x3;
	s0 =	sadd.s32 s4, s0  }
0x62: {  	[hbm:s0], [sflag:s1] =	dma.local [spmem:s2], $0x280  }
0x63: {  	s0 =	rddreg [dreg:$0xb]  }
0x64: {  	s0 =	sadd.s32 s0, s23  }
0x65: {  	s0 =	sshll.u32 s0, $0x4  }
0x66: {  	s7 =	sshrl.u32 s21, $0x3;
	s0 =	sadd.s32 s4, s0  }
0x67: {  	[hbm:s0], [sflag:s1] =	dma.local [spmem:s7], $0x280  }
0x68: {  	s0 =	rddreg [dreg:$0xd]  }
0x69: {  	s2 =	sld [smem:$0x7F5]  }
0x6a: {  	s0 =	sadd.s32 s0, s23  }
0x6b: {  	s0 =	sshll.u32 s0, $0x4  }
0x6c: {  	s0 =	sadd.s32 s4, s0;
	s2 =	sshrl.u32 s2, $0x3  }
0x6d: {  	[hbm:s0], [sflag:s1] =	dma.local [spmem:s2], $0x280  }
0x6e: {  	s0 =	rddreg [dreg:$0xf]  }
0x6f: {  	s2 =	sld [smem:$0x7F6]  }
0x70: {  	s0 =	sadd.s32 s0, s23  }
0x71: {  	s0 =	sshll.u32 s0, $0x4  }
0x72: {  	s0 =	sadd.s32 s4, s0;
	s2 =	sshrl.u32 s2, $0x3  }
0x73: {  	[hbm:s0], [sflag:s1] =	dma.local [spmem:s2], $0x280  }
0x74: {  	s0 =	rddreg [dreg:$0x10]  }
0x75: {  	s2 =	sld [smem:$0x7F7]  }
0x76: {  	s0 =	sadd.s32 s0, s23  }
0x77: {  	s0 =	sshll.u32 s0, $0x4  }
0x78: {  	s0 =	sadd.s32 s4, s0;
	s2 =	sshrl.u32 s2, $0x3  }
0x79: {  	[hbm:s0], [sflag:s1] =	dma.local [spmem:s2], $0x280  }
0x7a: {  	s0 =	rddreg [dreg:$0x11]  }
0x7b: {  	s2 =	sld [smem:$0x7F8]  }
0x7c: {  	s0 =	sadd.s32 s0, s23  }
0x7d: {  	s0 =	sshll.u32 s0, $0x4  }
0x7e: {  	s0 =	sadd.s32 s4, s0;
	s2 =	sshrl.u32 s2, $0x3  }
0x7f: {  	[hbm:s0], [sflag:s1] =	dma.local [spmem:s2], $0x280  }
0x80: {  	s0 =	rddreg [dreg:$0x12]  }
0x81: {  	s0 =	sadd.s32 s0, s23  }
0x82: {  	s0 =	sshll.u32 s0, $0x4  }
0x83: {  	s15 =	sshrl.u32 s3, $0x3;
	s0 =	sadd.s32 s4, s0  }
0x84: {  	[hbm:s0], [sflag:s1] =	dma.local [spmem:s15], $0x280  }
0x85: {  	s0 =	rddreg [dreg:$0x13]  }
0x86: {  	s0 =	sadd.s32 s0, s23  }
0x87: {  	s0 =	sshll.u32 s0, $0x4  }
0x88: {  	s7 =	sshrl.u32 s6, $0x3;
	s0 =	sadd.s32 s4, s0  }
0x89: {  	[hbm:s0], [sflag:s1] =	dma.local [spmem:s7], $0x280  }
0x8a: {  	s0 =	rddreg [dreg:$0x14]  }
0x8b: {  	s0 =	sadd.s32 s0, s23  }
0x8c: {  	s7 =	rddreg [dreg:$0x17];
	s0 =	sshll.u32 s0, $0x4  }
0x8d: {  	s15 =	sshrl.u32 s7, $0x3;
	s0 =	sadd.s32 s4, s0  }
0x8e: {  	[hbm:s0], [sflag:s1] =	dma.local [spmem:s15], $0x280  }
0x8f: {  	s0 =	rddreg [dreg:$0x16]  }
0x90: {  	s0 =	sadd.s32 s0, s23  }
0x91: {  	s15 =	rddreg [dreg:$0x18];
	s0 =	sshll.u32 s0, $0x4  }
0x92: {  	s2 =	sshrl.u32 s15, $0x3;
	s0 =	sadd.s32 s4, s0  }
0x93: {  	[hbm:s0], [sflag:s1] =	dma.local [spmem:s2], $0x280  }
0x94: {  	s0 =	rddreg [dreg:$0x1d]  }
0x95: {  	s0 =	sadd.s32 s0, s23  }
0x96: {  	s31 =	rddreg [dreg:$0x19];
	s0 =	sshll.u32 s0, $0x4  }
0x97: {  	s2 =	sshrl.u32 s31, $0x3;
	s0 =	sadd.s32 s4, s0  }
0x98: {  	[hbm:s0], [sflag:s1] =	dma.local [spmem:s2], $0x280  }
0x99: {  	s0 =	rddreg [dreg:$0x1f]  }
0x9a: {  	s0 =	sadd.s32 s0, s23  }
0x9b: {  	s29 =	rddreg [dreg:$0x1b];
	s0 =	sshll.u32 s0, $0x4  }
0x9c: {  	s2 =	sshrl.u32 s29, $0x3;
	s0 =	sadd.s32 s4, s0  }
0x9d: {  	[hbm:s0], [sflag:s1] =	dma.local [spmem:s2], $0x280  }
0x9e: {  	s0 =	sld [smem:$0x7F9];
	_ =	sdelay $0x2  }
0x9f: {  	s0 =	sadd.s32 @!p0 s0, s23  }
0xa0: {  	s0 =	sshll.u32 @!p0 s0, $0x4  }
0xa1: {  	s0 =	sadd.s32 @!p0 s4, s0;
	s4 =	rddreg [dreg:$0x1e]  }
0xa2: {  	s2 =	sshrl.u32 @!p0 s4, $0x3  }
0xa3: {  	[hbm:s0], [sflag:s1] =	dma.local @!p0 [spmem:s2], $0x280  }
0xa4: {  	s2 =	simm.s32 $0x1  }
0xa5: {  	_ =	swait.ge [sflag:s2], $0x280  }
0xa6: {  	[sflag:s2] =	ssyncset.done $0x0  }
0xa7: {  	[sflag:s2] =	ssyncadd.s32 $0xFFFFFD80  }
0xa8: {  	_ =	swait.ge [sflag:s2], $0x280  }
0xa9: {  	[sflag:s2] =	ssyncset.done $0x0  }
0xaa: {  	[sflag:s2] =	ssyncadd.s32 $0xFFFFFD80  }
0xab: {  	_ =	swait.ge [sflag:s2], $0x280  }
0xac: {  	[sflag:s2] =	ssyncset.done $0x0  }
0xad: {  	[sflag:s2] =	ssyncadd.s32 $0xFFFFFD80  }
0xae: {  	_ =	swait.ge [sflag:s2], $0x280  }
0xaf: {  	[sflag:s2] =	ssyncset.done $0x0  }
0xb0: {  	[sflag:s2] =	ssyncadd.s32 $0xFFFFFD80  }
0xb1: {  	_ =	swait.ge [sflag:s2], $0x280  }
0xb2: {  	[sflag:s2] =	ssyncset.done $0x0  }
0xb3: {  	[sflag:s2] =	ssyncadd.s32 $0xFFFFFD80  }
0xb4: {  	_ =	swait.ge [sflag:s2], $0x280  }
0xb5: {  	[sflag:s2] =	ssyncset.done $0x0  }
0xb6: {  	[sflag:s2] =	ssyncadd.s32 $0xFFFFFD80  }
0xb7: {  	_ =	swait.ge [sflag:s2], $0x280  }
0xb8: {  	[sflag:s2] =	ssyncset.done $0x0  }
0xb9: {  	[sflag:s2] =	ssyncadd.s32 $0xFFFFFD80  }
0xba: {  	_ =	swait.ge [sflag:s2], $0x280  }
0xbb: {  	[sflag:s2] =	ssyncset.done $0x0  }
0xbc: {  	[sflag:s2] =	ssyncadd.s32 $0xFFFFFD80  }
0xbd: {  	_ =	swait.ge [sflag:s2], $0x280  }
0xbe: {  	[sflag:s2] =	ssyncset.done $0x0  }
0xbf: {  	[sflag:s2] =	ssyncadd.s32 $0xFFFFFD80  }
0xc0: {  	_ =	swait.ge [sflag:s2], $0x280  }
0xc1: {  	[sflag:s2] =	ssyncset.done $0x0  }
0xc2: {  	[sflag:s2] =	ssyncadd.s32 $0xFFFFFD80  }
0xc3: {  	_ =	swait.ge [sflag:s2], $0x280  }
0xc4: {  	[sflag:s2] =	ssyncset.done $0x0  }
0xc5: {  	[sflag:s2] =	ssyncadd.s32 $0xFFFFFD80  }
0xc6: {  	_ =	swait.ge [sflag:s2], $0x280  }
0xc7: {  	[sflag:s2] =	ssyncset.done $0x0  }
0xc8: {  	[sflag:s2] =	ssyncadd.s32 $0xFFFFFD80  }
0xc9: {  	_ =	swait.ge [sflag:s2], $0x280  }
0xca: {  	[sflag:s2] =	ssyncset.done $0x0  }
0xcb: {  	[sflag:s2] =	ssyncadd.s32 $0xFFFFFD80  }
0xcc: {  	_ =	swait.ge [sflag:s2], $0x280  }
0xcd: {  	[sflag:s2] =	ssyncset.done $0x0  }
0xce: {  	[sflag:s2] =	ssyncadd.s32 $0xFFFFFD80  }
0xcf: {  	_ =	swait.ge [sflag:s2], $0x280  }
0xd0: {  	[sflag:s2] =	ssyncset.done $0x0  }
0xd1: {  	s0 =	simm.s32 @!p0 $0x1;
	[sflag:s2] =	ssyncadd.s32 $0xFFFFFD80  }
0xd2: {  	_ =	swait.ge @!p0 [sflag:s0], $0x280  }
0xd3: {  	s23 =	sld [smem:$0x7F2];
	_ =	sdelay $0x2  }
0xd4: {  	s1 =	sadd.s32 $0x1, s23  }
0xd5: {  	p1 =	sne.s32 s1, $0x8  }
.Ltmp4:
0xd6: {  	_ = 	snop;
	(pc) =	sbr.rel @!p1 .LBB2_19-.Ltmp4, $3  }
0xd7: {  	_ =	sdelay $0x1  }
0xd8: {  	[sflag:s0] =	ssyncset.done @!p0 $0x0  }
0xd9: {  	[sflag:s0] =	ssyncadd.s32 @!p0 $0xFFFFFD80  }
.LBB2_4:
0xda: {  	s23 =	smov.u32 s1;
	s1 =	simm.s32 $0xA400  }
0xdb: {  	[spmem:s10] =	stream.linear.scatter [tilespmem:s1], [sflag:$0x1], $0x1400, $0x38;
	[tilespmem:$0x1F088] =	vst v63  }
0xdc: {  	_ = 	snop  }
0xdd: {  	[spmem:s8] =	stream.linear.scatter [tilespmem:s1], [sflag:$0x1], $0x1400, $0x38;
	[tilespmem:$0x1F088] =	vst v63  }
0xde: {  	_ = 	snop  }
0xdf: {  	[spmem:s11] =	stream.linear.scatter [tilespmem:s1], [sflag:$0x1], $0x1400, $0x38;
	[tilespmem:$0x1F088] =	vst v63  }
0xe0: {  	s0 =	rddreg [dreg:$0x1c]  }
0xe1: {  	[spmem:s0] =	stream.linear.scatter [tilespmem:s1], [sflag:$0x1], $0x1400, $0x38;
	[tilespmem:$0x1F088] =	vst v63  }
0xe2: {  	s11 =	sld [smem:$0x7F5]  }
0xe3: {  	[spmem:s21] =	stream.linear.scatter [tilespmem:s1], [sflag:$0x1], $0x1400, $0x38;
	[tilespmem:$0x1F088] =	vst v63  }
0xe4: {  	s8 =	sld [smem:$0x7F6]  }
0xe5: {  	[spmem:s11] =	stream.linear.scatter [tilespmem:s1], [sflag:$0x1], $0x1400, $0x38;
	[tilespmem:$0x1F088] =	vst v63  }
0xe6: {  	s10 =	sld [smem:$0x7F7]  }
0xe7: {  	[spmem:s8] =	stream.linear.scatter [tilespmem:s1], [sflag:$0x1], $0x1400, $0x38;
	[tilespmem:$0x1F088] =	vst v63  }
0xe8: {  	s11 =	sld [smem:$0x7F8]  }
0xe9: {  	[spmem:s10] =	stream.linear.scatter [tilespmem:s1], [sflag:$0x1], $0x1400, $0x38;
	[tilespmem:$0x1F088] =	vst v63  }
0xea: {  	_ = 	snop  }
0xeb: {  	[spmem:s11] =	stream.linear.scatter [tilespmem:s1], [sflag:$0x1], $0x1400, $0x38;
	[tilespmem:$0x1F088] =	vst v63  }
0xec: {  	_ = 	snop  }
0xed: {  	[spmem:s3] =	stream.linear.scatter [tilespmem:s1], [sflag:$0x1], $0x1400, $0x38;
	[tilespmem:$0x1F088] =	vst v63  }
0xee: {  	_ = 	snop  }
0xef: {  	[spmem:s6] =	stream.linear.scatter [tilespmem:s1], [sflag:$0x1], $0x1400, $0x38;
	[tilespmem:$0x1F088] =	vst v63  }
0xf0: {  	_ = 	snop  }
0xf1: {  	[spmem:s7] =	stream.linear.scatter [tilespmem:s1], [sflag:$0x1], $0x1400, $0x38;
	[tilespmem:$0x1F088] =	vst v63  }
0xf2: {  	_ = 	snop  }
0xf3: {  	[spmem:s15] =	stream.linear.scatter [tilespmem:s1], [sflag:$0x1], $0x1400, $0x38;
	[tilespmem:$0x1F088] =	vst v63  }
0xf4: {  	_ = 	snop  }
0xf5: {  	[spmem:s31] =	stream.linear.scatter [tilespmem:s1], [sflag:$0x1], $0x1400, $0x38;
	[tilespmem:$0x1F088] =	vst v63  }
0xf6: {  	_ = 	snop  }
0xf7: {  	[spmem:s29] =	stream.linear.scatter [tilespmem:s1], [sflag:$0x1], $0x1400, $0x38;
	[tilespmem:$0x1F088] =	vst v63  }
0xf8: {  	s1 =	simm.s32 @!p0 $0xA400  }
0xf9: {  	[spmem:s4] =	stream.linear.scatter @!p0 [tilespmem:s1], [sflag:$0x1], $0x1400, $0x38;
	[tilespmem:$0x1F088] =	vst v63  }
0xfa: {  	_ =	swait.ge [sflag:s2], $0x1400  }
0xfb: {  	[sflag:s2] =	ssyncset.done $0x0  }
0xfc: {  	[sflag:s2] =	ssyncadd.s32 $0xFFFFEC00  }
0xfd: {  	_ =	swait.ge [sflag:s2], $0x1400  }
0xfe: {  	[sflag:s2] =	ssyncset.done $0x0  }
0xff: {  	[sflag:s2] =	ssyncadd.s32 $0xFFFFEC00  }
0x100: {  	_ =	swait.ge [sflag:s2], $0x1400  }
0x101: {  	[sflag:s2] =	ssyncset.done $0x0  }
0x102: {  	[sflag:s2] =	ssyncadd.s32 $0xFFFFEC00  }
0x103: {  	_ =	swait.ge [sflag:s2], $0x1400  }
0x104: {  	[sflag:s2] =	ssyncset.done $0x0  }
0x105: {  	[sflag:s2] =	ssyncadd.s32 $0xFFFFEC00  }
0x106: {  	_ =	swait.ge [sflag:s2], $0x1400  }
0x107: {  	[sflag:s2] =	ssyncset.done $0x0  }
0x108: {  	[sflag:s2] =	ssyncadd.s32 $0xFFFFEC00  }
0x109: {  	_ =	swait.ge [sflag:s2], $0x1400  }
0x10a: {  	[sflag:s2] =	ssyncset.done $0x0  }
0x10b: {  	[sflag:s2] =	ssyncadd.s32 $0xFFFFEC00  }
0x10c: {  	_ =	swait.ge [sflag:s2], $0x1400  }
0x10d: {  	[sflag:s2] =	ssyncset.done $0x0  }
0x10e: {  	[sflag:s2] =	ssyncadd.s32 $0xFFFFEC00  }
0x10f: {  	_ =	swait.ge [sflag:s2], $0x1400  }
0x110: {  	[sflag:s2] =	ssyncset.done $0x0  }
0x111: {  	[sflag:s2] =	ssyncadd.s32 $0xFFFFEC00  }
0x112: {  	_ =	swait.ge [sflag:s2], $0x1400  }
0x113: {  	[sflag:s2] =	ssyncset.done $0x0  }
0x114: {  	[sflag:s2] =	ssyncadd.s32 $0xFFFFEC00  }
0x115: {  	_ =	swait.ge [sflag:s2], $0x1400  }
0x116: {  	[sflag:s2] =	ssyncset.done $0x0  }
0x117: {  	[sflag:s2] =	ssyncadd.s32 $0xFFFFEC00  }
0x118: {  	_ =	swait.ge [sflag:s2], $0x1400  }
0x119: {  	[sflag:s2] =	ssyncset.done $0x0  }
0x11a: {  	[sflag:s2] =	ssyncadd.s32 $0xFFFFEC00  }
0x11b: {  	_ =	swait.ge [sflag:s2], $0x1400  }
0x11c: {  	[sflag:s2] =	ssyncset.done $0x0  }
0x11d: {  	[sflag:s2] =	ssyncadd.s32 $0xFFFFEC00  }
0x11e: {  	_ =	swait.ge [sflag:s2], $0x1400  }
0x11f: {  	[sflag:s2] =	ssyncset.done $0x0  }
0x120: {  	[sflag:s2] =	ssyncadd.s32 $0xFFFFEC00  }
0x121: {  	_ =	swait.ge [sflag:s2], $0x1400  }
0x122: {  	[sflag:s2] =	ssyncset.done $0x0  }
0x123: {  	[sflag:s2] =	ssyncadd.s32 $0xFFFFEC00  }
0x124: {  	_ =	swait.ge [sflag:s2], $0x1400  }
0x125: {  	[sflag:s2] =	ssyncset.done $0x0  }
0x126: {  	s1 =	simm.s32 @!p0 $0x1;
	[sflag:s2] =	ssyncadd.s32 $0xFFFFEC00  }
0x127: {  	_ =	swait.ge @!p0 [sflag:s1], $0x1400  }
0x128: {  	[sflag:s1] =	ssyncset.done @!p0 $0x0  }
0x129: {  	[sflag:s1] =	ssyncadd.s32 @!p0 $0xFFFFEC00  }
0x12a: {  	[bflag:$0x0] =	sbarrier.arrive $0xFFFF  }
0x12b: {  	s0 =	sld [smem:$0x7FA];
	_ =	sdelay $0x1  }
0x12c: {  	s8 =	simm.s32 $0x0  }
0x12d: {  	[tilespmem:s8], [sflag:$0x1] =	stream.linear.gather [hbm4b:s0+s8], $0x80, $0x38;
	[tilespmem:$0x1F088] =	vst v63  }
0x12e: {  	s31 =	simm.s32 $0x100;
	s29 =	sadd.s32 $0x10, s0  }
0x12f: {  	[tilespmem:s31], [sflag:$0x1] =	stream.linear.gather [hbm4b:s29+s8], $0x80, $0x38;
	[tilespmem:$0x1F088] =	vst v63  }
0x130: {  	s4 =	simm.s32 $0x200;
	s2 =	sadd.s32 $0x20, s0  }
0x131: {  	[tilespmem:s4], [sflag:$0x1] =	stream.linear.gather [hbm4b:s2+s8], $0x80, $0x38;
	[tilespmem:$0x1F088] =	vst v63  }
0x132: {  	s10 =	simm.s32 $0x300;
	s7 =	sadd.s32 $0x30, s0  }
0x133: {  	[tilespmem:s10], [sflag:$0x1] =	stream.linear.gather [hbm4b:s7+s8], $0x80, $0x38;
	[tilespmem:$0x1F088] =	vst v63  }
0x134: {  	s15 =	simm.s32 $0x400;
	s11 =	sadd.s32 $0x40, s0  }
0x135: {  	[tilespmem:s15], [sflag:$0x1] =	stream.linear.gather [hbm4b:s11+s8], $0x80, $0x38;
	[tilespmem:$0x1F088] =	vst v63  }
0x136: {  	s29 =	sadd.s32 $0x50, s0;
	s31 =	simm.s32 $0x500  }
0x137: {  	[tilespmem:s31], [sflag:$0x1] =	stream.linear.gather [hbm4b:s29+s8], $0x80, $0x38;
	[tilespmem:$0x1F088] =	vst v63  }
0x138: {  	s2 =	sadd.s32 $0x60, s0;
	s4 =	simm.s32 $0x600  }
0x139: {  	[tilespmem:s4], [sflag:$0x1] =	stream.linear.gather [hbm4b:s2+s8], $0x80, $0x38;
	[tilespmem:$0x1F088] =	vst v63  }
0x13a: {  	s7 =	sadd.s32 $0x70, s0;
	s10 =	simm.s32 $0x700  }
0x13b: {  	[tilespmem:s10], [sflag:$0x1] =	stream.linear.gather [hbm4b:s7+s8], $0x80, $0x38;
	[tilespmem:$0x1F088] =	vst v63  }
0x13c: {  	s11 =	sadd.s32 $0x80, s0;
	s15 =	simm.s32 $0x800  }
0x13d: {  	[tilespmem:s15], [sflag:$0x1] =	stream.linear.gather [hbm4b:s11+s8], $0x80, $0x38;
	[tilespmem:$0x1F088] =	vst v63  }
0x13e: {  	s29 =	sadd.s32 $0x90, s0;
	s31 =	simm.s32 $0x900;
	s4 =	sld [smem:$0x7FB]  }
0x13f: {  	[tilespmem:s31], [sflag:$0x1] =	stream.linear.gather [hbm4b:s29+s8], $0x80, $0x38;
	[tilespmem:$0x1F088] =	vst v63  }
0x140: {  	s2 =	simm.s32 $0xA00  }
0x141: {  	[tilespmem:s2], [sflag:$0x1] =	stream.linear.gather [hbm4b:s4+s8], $0x80, $0x38;
	[tilespmem:$0x1F088] =	vst v63  }
0x142: {  	s10 =	simm.s32 $0xB00;
	s7 =	sadd.s32 $0x10, s4  }
0x143: {  	[tilespmem:s10], [sflag:$0x1] =	stream.linear.gather [hbm4b:s7+s8], $0x80, $0x38;
	[tilespmem:$0x1F088] =	vst v63  }
0x144: {  	s11 =	sadd.s32 $0x20, s4;
	s15 =	simm.s32 $0xC00  }
0x145: {  	[tilespmem:s15], [sflag:$0x1] =	stream.linear.gather [hbm4b:s11+s8], $0x80, $0x38;
	[tilespmem:$0x1F088] =	vst v63  }
0x146: {  	[smem:$0x7F2] =	sst s23;
	s29 =	sadd.s32 $0x30, s4;
	s31 =	simm.s32 $0xD00  }
0x147: {  	[tilespmem:s31], [sflag:$0x1] =	stream.linear.gather [hbm4b:s29+s8], $0x80, $0x38;
	[tilespmem:$0x1F088] =	vst v63  }
0x148: {  	s0 =	sadd.s32 $0x70, s4;
	s2 =	sadd.s32 $0x40, s4;
	s7 =	simm.s32 $0xE00  }
0x149: {  	[tilespmem:s7], [sflag:$0x1] =	stream.linear.gather [hbm4b:s2+s8], $0x80, $0x38;
	[tilespmem:$0x1F088] =	vst v63  }
0x14a: {  	s10 =	sadd.s32 $0x50, s4;
	s11 =	simm.s32 $0xF00;
	s15 =	sadd.s32 $0x60, s4  }
0x14b: {  	[tilespmem:s11], [sflag:$0x1] =	stream.linear.gather [hbm4b:s10+s8], $0x80, $0x38;
	[tilespmem:$0x1F088] =	vst v63  }
0x14c: {  	s29 =	simm.s32 $0x1000;
	s31 =	sshll.u32 s23, $0x1;
	s10 =	rddreg [dreg:$0x6]  }
0x14d: {  	[tilespmem:s29], [sflag:$0x1] =	stream.linear.gather [hbm4b:s15+s8], $0x80, $0x38;
	[tilespmem:$0x1F088] =	vst v63  }
0x14e: {  	s7 =	simm.s32 $0x1100;
	s11 =	sadd.s32 $0x80, s4;
	s1 =	sor.u32 s10, s31  }
0x14f: {  	[tilespmem:s7], [sflag:$0x1] =	stream.linear.gather [hbm4b:s0+s8], $0x80, $0x38;
	[tilespmem:$0x1F088] =	vst v63  }
.Ltmp5:
0x150: {  	s31 =	simm.s32 $0x1300;
	s15 =	simm.s32 $0x1200;
	(pc) =	sbr.rel .LBB2_5-.Ltmp5, $4  }
0x151: {  	[tilespmem:s15], [sflag:$0x1] =	stream.linear.gather [hbm4b:s11+s8], $0x80, $0x38;
	[tilespmem:$0x1F088] =	vst v63  }
0x152: {  	s23 =	smul.u32 $0x2710, s1;
	s29 =	sadd.s32 $0x90, s4;
	s1 =	simm.s32 $0x0  }
0x153: {  	[tilespmem:s31], [sflag:$0x1] =	stream.linear.gather [hbm4b:s29+s8], $0x80, $0x38;
	[tilespmem:$0x1F088] =	vst v63  }
0x154: {  	s4 =	simm.s32 $0x0;
	[smem:$0x7F3] =	sst s23;
	v2 =	vmov s23;
	s8 =	simm.s32 $0x1  }
.LBB2_21:
0x155: {  	s1 =	sshll.u32 s15, $0x8  }
.LBB2_13:
0x156: {  	p1 =	sne.s32 s23, $0x7D  }
.Ltmp6:
0x157: {  	_ = 	snop;
	(pc) =	sbr.rel @!p1 .LBB2_14-.Ltmp6, $2  }
0x158: {  	_ =	sdelay $0x2  }
0x159: {  	s1 =	ssub.s32 s11, s1;
	s4 =	smov.u32 s23  }
.LBB2_5:
0x15a: {  	_ =	swait.ge [sflag:s8], $0x500;
	p1 =	seq.s32 s4, $0x7C  }
.Ltmp7:
0x15b: {  	[sflag:s8] =	ssyncset.done $0x0;
	(pc) =	sbr.rel @p1 .LBB2_7-.Ltmp7, $4  }
0x15c: {  	[sflag:s8] =	ssyncadd.s32 $0xFFFFFB00  }
0x15d: {  	_ =	swait.ge [sflag:s8], $0x500  }
0x15e: {  	[sflag:s8] =	ssyncset.done $0x0  }
0x15f: {  	s23 =	sadd.s32 $0x1, s4;
	s2 =	simm.s32 $0x0;
	[sflag:s8] =	ssyncadd.s32 $0xFFFFFB00  }
0x160: {  	s2 =	smul.u32 $0x500, s23  }
0x161: {  	s0 =	rddreg [dreg:$0x1a]  }
0x162: {  	s4 =	sshll.u32 s4, $0x7;
	s11 =	sadd.s32 s0, s2  }
0x163: {  	s31 =	rddreg [dreg:$0x1];
	s2 =	sand.u32 $0x80, s4;
	s4 =	sshrl.u32 s11, $0x3  }
0x164: {  	s8 =	simm.s32 $0x0;
	s11 =	sxor.u32 $0x80, s2;
	s15 =	sadd.s32 s31, s4  }
0x165: {  	[tilespmem:s11], [sflag:$0x1] =	stream.linear.gather [hbm4b:s15+s8], $0x80, $0x38;
	[tilespmem:$0x1F088] =	vst v63  }
0x166: {  	s6 =	sor.u32 $0x100, s11;
	s29 =	sadd.s32 $0x10, s15  }
0x167: {  	[tilespmem:s6], [sflag:$0x1] =	stream.linear.gather [hbm4b:s29+s8], $0x80, $0x38;
	[tilespmem:$0x1F088] =	vst v63  }
0x168: {  	s10 =	sor.u32 $0x200, s11;
	s7 =	sadd.s32 $0x20, s15  }
0x169: {  	[tilespmem:s10], [sflag:$0x1] =	stream.linear.gather [hbm4b:s7+s8], $0x80, $0x38;
	[tilespmem:$0x1F088] =	vst v63  }
0x16a: {  	s31 =	sadd.s32 $0x30, s15;
	s6 =	sor.u32 $0x300, s11  }
0x16b: {  	[tilespmem:s6], [sflag:$0x1] =	stream.linear.gather [hbm4b:s31+s8], $0x80, $0x38;
	[tilespmem:$0x1F088] =	vst v63  }
0x16c: {  	s7 =	sadd.s32 $0x40, s15;
	s10 =	sor.u32 $0x400, s11  }
0x16d: {  	[tilespmem:s10], [sflag:$0x1] =	stream.linear.gather [hbm4b:s7+s8], $0x80, $0x38;
	[tilespmem:$0x1F088] =	vst v63  }
0x16e: {  	s31 =	sadd.s32 $0x50, s15;
	s6 =	sor.u32 $0x500, s11  }
0x16f: {  	[tilespmem:s6], [sflag:$0x1] =	stream.linear.gather [hbm4b:s31+s8], $0x80, $0x38;
	[tilespmem:$0x1F088] =	vst v63  }
0x170: {  	s7 =	sadd.s32 $0x60, s15;
	s10 =	sor.u32 $0x600, s11  }
0x171: {  	[tilespmem:s10], [sflag:$0x1] =	stream.linear.gather [hbm4b:s7+s8], $0x80, $0x38;
	[tilespmem:$0x1F088] =	vst v63  }
0x172: {  	s31 =	sadd.s32 $0x70, s15;
	s6 =	sor.u32 $0x700, s11  }
0x173: {  	[tilespmem:s6], [sflag:$0x1] =	stream.linear.gather [hbm4b:s31+s8], $0x80, $0x38;
	[tilespmem:$0x1F088] =	vst v63  }
0x174: {  	s7 =	sadd.s32 $0x80, s15;
	s10 =	sor.u32 $0x800, s11  }
0x175: {  	[tilespmem:s10], [sflag:$0x1] =	stream.linear.gather [hbm4b:s7+s8], $0x80, $0x38;
	[tilespmem:$0x1F088] =	vst v63  }
0x176: {  	s29 =	sadd.s32 $0x90, s15;
	s31 =	sor.u32 $0x900, s11;
	s10 =	rddreg [dreg:$0x2]  }
0x177: {  	[tilespmem:s31], [sflag:$0x1] =	stream.linear.gather [hbm4b:s29+s8], $0x80, $0x38;
	[tilespmem:$0x1F088] =	vst v63  }
0x178: {  	s7 =	sor.u32 $0xA00, s11;
	s4 =	sadd.s32 s10, s4  }
0x179: {  	[tilespmem:s7], [sflag:$0x1] =	stream.linear.gather [hbm4b:s4+s8], $0x80, $0x38;
	[tilespmem:$0x1F088] =	vst v63  }
0x17a: {  	s29 =	sadd.s32 $0x10, s4;
	s31 =	sor.u32 $0xB00, s11  }
0x17b: {  	[tilespmem:s31], [sflag:$0x1] =	stream.linear.gather [hbm4b:s29+s8], $0x80, $0x38;
	[tilespmem:$0x1F088] =	vst v63  }
0x17c: {  	s10 =	sor.u32 $0xC00, s11;
	s7 =	sadd.s32 $0x20, s4  }
0x17d: {  	[tilespmem:s10], [sflag:$0x1] =	stream.linear.gather [hbm4b:s7+s8], $0x80, $0x38;
	[tilespmem:$0x1F088] =	vst v63  }
0x17e: {  	s29 =	sadd.s32 $0x30, s4;
	s31 =	sor.u32 $0xD00, s11  }
0x17f: {  	[tilespmem:s31], [sflag:$0x1] =	stream.linear.gather [hbm4b:s29+s8], $0x80, $0x38;
	[tilespmem:$0x1F088] =	vst v63  }
0x180: {  	s7 =	sadd.s32 $0x40, s4;
	s10 =	sor.u32 $0xE00, s11  }
0x181: {  	[tilespmem:s10], [sflag:$0x1] =	stream.linear.gather [hbm4b:s7+s8], $0x80, $0x38;
	[tilespmem:$0x1F088] =	vst v63  }
0x182: {  	s29 =	sadd.s32 $0x50, s4;
	s31 =	sor.u32 $0xF00, s11  }
0x183: {  	[tilespmem:s31], [sflag:$0x1] =	stream.linear.gather [hbm4b:s29+s8], $0x80, $0x38;
	[tilespmem:$0x1F088] =	vst v63  }
0x184: {  	s7 =	sadd.s32 $0x60, s4;
	s10 =	sor.u32 $0x1000, s11  }
0x185: {  	[tilespmem:s10], [sflag:$0x1] =	stream.linear.gather [hbm4b:s7+s8], $0x80, $0x38;
	[tilespmem:$0x1F088] =	vst v63  }
0x186: {  	s29 =	sadd.s32 $0x70, s4;
	s31 =	sor.u32 $0x1100, s11  }
0x187: {  	[tilespmem:s31], [sflag:$0x1] =	stream.linear.gather [hbm4b:s29+s8], $0x80, $0x38;
	[tilespmem:$0x1F088] =	vst v63  }
0x188: {  	s7 =	sadd.s32 $0x80, s4;
	s10 =	sor.u32 $0x1200, s11  }
0x189: {  	[tilespmem:s10], [sflag:$0x1] =	stream.linear.gather [hbm4b:s7+s8], $0x80, $0x38;
	[tilespmem:$0x1F088] =	vst v63  }
0x18a: {  	s29 =	sadd.s32 $0x90, s4;
	s31 =	sor.u32 $0x1300, s11  }
0x18b: {  	[tilespmem:s31], [sflag:$0x1] =	stream.linear.gather [hbm4b:s29+s8], $0x80, $0x38;
	[tilespmem:$0x1F088] =	vst v63  }
0x18c: {  	s6 =	rddreg [dreg:$0x15];
	s8 =	simm.s32 $0x1  }
.LBB2_7:
0x18d: {  	s0 =	sadd.s32 $0xA40, s2  }
0x18e: {  	v4 =	vmov s0;
	_ =	sdelay $0x3  }
0x18f: {  	s4 =	simm.s32 $0x0  }
0x190: {  	v3 =	vld.idx.msk [tilespmem:v4+s4+$0xFFFFFFC0 ss:$0x1], $0xffff;
	_ =	sdelay $0x1  }
0x191: {  	v5 =	vld.idx.msk [tilespmem:v4+s4+$0xFFFFFFD0 ss:$0x1], $0xffff;
	_ =	sdelay $0x1  }
0x192: {  	v6 =	vld.idx.msk [tilespmem:v4+s4+$0xFFFFFFE0 ss:$0x1], $0xffff  }
0x193: {  	v7 =	vsub.s32 v3, v2;
	v3 =	vld.idx.msk [tilespmem:v4+s4+$0xFFFFFFF0 ss:$0x1], $0xffff  }
0x194: {  	vm4 =	vlt.u32 v7, $0x2710  }
0x195: {  	v9 =	vld.idx.msk [tilespmem:v4+s4+$0x0 ss:$0x1], $0xffff;
	v8 =	vsub.s32 v5, v2;
	v5 =	vsel vm4, $0x1, v1  }
0x196: {  	vm1 =	vlt.u32 v8, $0x2710;
	(xrf0) =	vadd.scan.msk.s32 $0xffff, v5  }
0x197: {  	v10 =	vsub.s32 v6, v2;
	v5 =	vsel vm1, $0x1, v1  }
0x198: {  	v6 =	vld.idx.msk [tilespmem:v4+s4+$0x10 ss:$0x1], $0xffff;
	vm2 =	vlt.u32 v10, $0x2710;
	(xrf0) =	vadd.scan.msk.s32 $0xffff, v5;
	v11 =	vsub.s32 v3, v2  }
0x199: {  	v3 =	vsel vm2, $0x1, v1;
	vm3 =	vlt.u32 v11, $0x2710  }
0x19a: {  	v9 =	vsub.s32 v9, v2;
	(xrf0) =	vadd.scan.msk.s32 $0xffff, v3;
	v3 =	vsel vm3, $0x1, v1  }
0x19b: {  	vm5 =	vlt.u32 v9, $0x2710;
	(xrf0) =	vadd.scan.msk.s32 $0xffff, v3;
	v3 =	vld.idx.msk [tilespmem:v4+s4+$0x20 ss:$0x1], $0xffff  }
0x19c: {  	v5 =	vsel vm5, $0x1, v1;
	v12, _, _ =	vpop (xrf0)  }
0x19d: {  	v13 =	vsub.s32 v6, v2;
	v6 =	vld.idx.msk [tilespmem:v4+s4+$0x30 ss:$0x1], $0xffff;
	(xrf0) =	vadd.scan.msk.s32 $0xffff, v5;
	(v2sf) =	vpush v12, $0xF  }
0x19e: {  	vm6 =	vlt.u32 v13, $0x2710;
	v14, _, _ =	vpop (xrf0)  }
0x19f: {  	v5 =	vsel vm6, $0x1, v1;
	(v2sf) =	vpush v14, $0xF  }
0x1a0: {  	(xrf0) =	vadd.scan.msk.s32 $0xffff, v5;
	v15, _, _ =	vpop (xrf0);
	v16 =	vsub.s32 v3, v2  }
0x1a1: {  	(v2sf) =	vpush v15, $0xF;
	vm7 =	vlt.u32 v16, $0x2710  }
0x1a2: {  	v5 =	vsub.s32 v6, v2;
	v17, _, _ =	vpop (xrf0);
	v6 =	vsel vm7, $0x1, v1  }
0x1a3: {  	(v2sf) =	vpush v17, $0xF;
	v18, _, _ =	vpop (xrf0);
	(xrf0) =	vadd.scan.msk.s32 $0xffff, v6  }
0x1a4: {  	s11 =	sadd.s32 $0x70, s2;
	vm0 =	vlt.u32 v5, $0x2710  }
0x1a5: {  	v19 =	vsel vm0, $0x1, v1;
	v3 =	vmov s11;
	(v2sf) =	vpush v18, $0xF  }
0x1a6: {  	v61, _, _ =	vpop (xrf0);
	(xrf0) =	vadd.scan.msk.s32 $0xffff, v19  }
0x1a7: {  	(v2sf) =	vpush v61, $0xF;
	_ =	sdelay $0x1  }
0x1a8: {  	v21, _, _ =	vpop (xrf0)  }
0x1a9: {  	v6 =	vld.idx.msk [tilespmem:v3+s4+$0x0 ss:$0x1], $0xffff;
	(v2sf) =	vpush v21, $0xF  }
0x1aa: {  	s15 =	sadd.s32 $0xFFFFFFFF, s1;
	v20 =	vld.idx.msk [tilespmem:v3+s4+$0xFFFFFFF0 ss:$0x1], $0xffff  }
0x1ab: {  	v12 =	vadd.s32 s15, v12;
	v22 =	vld.idx.msk [tilespmem:v3+s4+$0xFFFFFF90 ss:$0x1], $0xffff;
	v23, _, _ =	vpop (xrf0);
	s29 =	spop (v2sf)  }
0x1ac: {  	v24 =	vld.idx.msk [tilespmem:v3+s4+$0xFFFFFFE0 ss:$0x1], $0xffff;
	(v2sf) =	vpush v23, $0xF;
	s0 =	sadd.s32 s15, s29  }
0x1ad: {  	v25 =	vld.idx.msk [tilespmem:v3+s4+$0xFFFFFFA0 ss:$0x1], $0xffff;
	s31 =	spop (v2sf);
	v14 =	vadd.s32 s0, v14  }
0x1ae: {  	v26 =	vld.idx.msk [tilespmem:v3+s4+$0xFFFFFFD0 ss:$0x1], $0xffff;
	s0 =	sadd.s32 s31, s0  }
0x1af: {  	v27 =	vld.idx.msk [tilespmem:v3+s4+$0xFFFFFFB0 ss:$0x1], $0xffff;
	s2 =	spop (v2sf);
	v15 =	vadd.s32 s0, v15  }
0x1b0: {  	v28 =	vld.idx.msk [tilespmem:v3+s4+$0xFFFFFFC0 ss:$0x1], $0xffff;
	[tilespmem:v12+s13+$0x0] =	vst.idx.msk vm4, v22;
	s0 =	sadd.s32 s2, s0  }
0x1b1: {  	[tilespmem:v12+s17+$0x0] =	vst.idx.msk vm4, v7;
	s7 =	spop (v2sf);
	v7 =	vadd.s32 s0, v17  }
0x1b2: {  	s0 =	sadd.s32 s7, s0;
	[tilespmem:v14+s13+$0x0] =	vst.idx.msk vm1, v25  }
0x1b3: {  	s10 =	spop (v2sf);
	v62 =	vadd.s32 s0, v18;
	[tilespmem:v14+s17+$0x0] =	vst.idx.msk vm1, v8  }
0x1b4: {  	s0 =	sadd.s32 s10, s0;
	[tilespmem:v15+s13+$0x0] =	vst.idx.msk vm2, v27  }
0x1b5: {  	s11 =	spop (v2sf);
	v8 =	vadd.s32 s0, v61;
	[tilespmem:v15+s17+$0x0] =	vst.idx.msk vm2, v10  }
0x1b6: {  	s0 =	sadd.s32 s11, s0;
	[tilespmem:v7+s13+$0x0] =	vst.idx.msk vm3, v28  }
0x1b7: {  	v63 =	vadd.s32 s0, v21;
	[tilespmem:v7+s17+$0x0] =	vst.idx.msk vm3, v11  }
0x1b8: {  	[tilespmem:v62+s13+$0x0] =	vst.idx.msk vm5, v26;
	s15 =	spop (v2sf)  }
0x1b9: {  	[tilespmem:v62+s17+$0x0] =	vst.idx.msk vm5, v9;
	s0 =	sadd.s32 s15, s0  }
0x1ba: {  	[tilespmem:v8+s13+$0x0] =	vst.idx.msk vm6, v24;
	v7 =	vadd.s32 s0, v23  }
0x1bb: {  	s29 =	spop (v2sf);
	[tilespmem:v8+s17+$0x0] =	vst.idx.msk vm6, v13  }
0x1bc: {  	s31 =	sadd.s32 s0, s29;
	[tilespmem:v63+s13+$0x0] =	vst.idx.msk vm7, v20  }
0x1bd: {  	s1 =	simm.s32 $0x400;
	s2 =	simm.s32 $0x800;
	s4 =	sadd.s32 $0x1, s31;
	[tilespmem:v63+s17+$0x0] =	vst.idx.msk vm7, v16  }
.LBB2_8:
0x1be: {  	p1 =	sne.s32 s2, $0x2400  }
0x1bf: {  	s11 =	sshra.s32 s1, $0x2;
	[tilespmem:v7+s13+$0x0] =	vst.idx.msk vm0, v6;
	s1 =	smov.u32 s2;
	s2 =	sadd.s32 $0x400, s2  }
0x1c0: {  	[tilespmem:v7+s17+$0x0] =	vst.idx.msk vm0, v5  }
0x1c1: {  	v5 =	vld.idx.msk [tilespmem:v4+s11+$0xFFFFFFC0 ss:$0x1], $0xffff  }
0x1c2: {  	v6 =	vld.idx.msk [tilespmem:v4+s11+$0xFFFFFFD0 ss:$0x1], $0xffff  }
0x1c3: {  	v7 =	vld.idx.msk [tilespmem:v4+s11+$0xFFFFFFE0 ss:$0x1], $0xffff  }
0x1c4: {  	v8 =	vld.idx.msk [tilespmem:v4+s11+$0xFFFFFFF0 ss:$0x1], $0xffff  }
0x1c5: {  	v9 =	vld.idx.msk [tilespmem:v4+s11+$0x0 ss:$0x1], $0xffff  }
0x1c6: {  	v10 =	vld.idx.msk [tilespmem:v4+s11+$0x10 ss:$0x1], $0xffff  }
0x1c7: {  	v12 =	vsub.s32 v5, v2;
	v11 =	vld.idx.msk [tilespmem:v4+s11+$0x20 ss:$0x1], $0xffff  }
0x1c8: {  	v13 =	vsub.s32 v6, v2;
	vm7 =	vlt.u32 v12, $0x2710;
	v5 =	vld.idx.msk [tilespmem:v4+s11+$0x30 ss:$0x1], $0xffff  }
0x1c9: {  	v7 =	vsub.s32 v7, v2;
	vm6 =	vlt.u32 v13, $0x2710;
	v6 =	vsel vm7, $0x1, v1  }
0x1ca: {  	v8 =	vsub.s32 v8, v2;
	vm1 =	vlt.u32 v7, $0x2710;
	v14 =	vsel vm6, $0x1, v1;
	(xrf0) =	vadd.scan.msk.s32 $0xffff, v6  }
0x1cb: {  	v9 =	vsub.s32 v9, v2;
	vm2 =	vlt.u32 v8, $0x2710;
	v6 =	vsel vm1, $0x1, v1;
	(xrf0) =	vadd.scan.msk.s32 $0xffff, v14  }
0x1cc: {  	v10 =	vsub.s32 v10, v2;
	vm3 =	vlt.u32 v9, $0x2710;
	v14 =	vsel vm2, $0x1, v1;
	(xrf0) =	vadd.scan.msk.s32 $0xffff, v6  }
0x1cd: {  	v11 =	vsub.s32 v11, v2;
	vm4 =	vlt.u32 v10, $0x2710;
	v6 =	vsel vm3, $0x1, v1;
	(xrf0) =	vadd.scan.msk.s32 $0xffff, v14  }
0x1ce: {  	v5 =	vsub.s32 v5, v2;
	vm5 =	vlt.u32 v11, $0x2710;
	v14 =	vsel vm4, $0x1, v1;
	(xrf0) =	vadd.scan.msk.s32 $0xffff, v6  }
0x1cf: {  	vm0 =	vlt.u32 v5, $0x2710;
	v6 =	vsel vm5, $0x1, v1;
	(xrf0) =	vadd.scan.msk.s32 $0xffff, v14  }
0x1d0: {  	s0 =	sadd.s32 $0xFFFFFFFF, s4;
	v18 =	vsel vm0, $0x1, v1;
	v15, _, _ =	vpop (xrf0);
	(xrf0) =	vadd.scan.msk.s32 $0xffff, v6  }
0x1d1: {  	v16 =	vadd.s32 s0, v15;
	v17, _, _ =	vpop (xrf0);
	(xrf0) =	vadd.scan.msk.s32 $0xffff, v18;
	(v2sf) =	vpush v15, $0xF  }
0x1d2: {  	v14, _, _ =	vpop (xrf0);
	(v2sf) =	vpush v17, $0xF  }
0x1d3: {  	v15, _, _ =	vpop (xrf0);
	(v2sf) =	vpush v14, $0xF  }
0x1d4: {  	v18, _, _ =	vpop (xrf0);
	(v2sf) =	vpush v15, $0xF  }
0x1d5: {  	v19, _, _ =	vpop (xrf0);
	(v2sf) =	vpush v18, $0xF  }
0x1d6: {  	v20, _, _ =	vpop (xrf0);
	(v2sf) =	vpush v19, $0xF  }
0x1d7: {  	v21, _, _ =	vpop (xrf0);
	(v2sf) =	vpush v20, $0xF  }
0x1d8: {  	(v2sf) =	vpush v21, $0xF;
	_ =	sdelay $0x3  }
0x1d9: {  	v6 =	vld.idx.msk [tilespmem:v3+s11+$0x0 ss:$0x1], $0xffff  }
0x1da: {  	v22 =	vld.idx.msk [tilespmem:v3+s11+$0xFFFFFFF0 ss:$0x1], $0xffff  }
0x1db: {  	v23 =	vld.idx.msk [tilespmem:v3+s11+$0xFFFFFF90 ss:$0x1], $0xffff  }
0x1dc: {  	v24 =	vld.idx.msk [tilespmem:v3+s11+$0xFFFFFFE0 ss:$0x1], $0xffff  }
0x1dd: {  	v25 =	vld.idx.msk [tilespmem:v3+s11+$0xFFFFFFA0 ss:$0x1], $0xffff;
	s4 =	spop (v2sf)  }
0x1de: {  	v26 =	vld.idx.msk [tilespmem:v3+s11+$0xFFFFFFD0 ss:$0x1], $0xffff;
	s0 =	sadd.s32 s0, s4;
	s4 =	spop (v2sf)  }
0x1df: {  	v27 =	vld.idx.msk [tilespmem:v3+s11+$0xFFFFFFB0 ss:$0x1], $0xffff;
	v17 =	vadd.s32 s0, v17;
	s0 =	sadd.s32 s4, s0;
	s4 =	spop (v2sf)  }
0x1e0: {  	v28 =	vld.idx.msk [tilespmem:v3+s11+$0xFFFFFFC0 ss:$0x1], $0xffff;
	v14 =	vadd.s32 s0, v14;
	s0 =	sadd.s32 s4, s0;
	s4 =	spop (v2sf)  }
0x1e1: {  	[tilespmem:v16+s13+$0x0] =	vst.idx.msk vm7, v23;
	s4 =	sadd.s32 s4, s0;
	s11 =	spop (v2sf)  }
0x1e2: {  	[tilespmem:v16+s17+$0x0] =	vst.idx.msk vm7, v12;
	v12 =	vadd.s32 s0, v15;
	s0 =	sadd.s32 s11, s4;
	s11 =	spop (v2sf)  }
0x1e3: {  	s11 =	sadd.s32 s11, s0;
	s15 =	spop (v2sf)  }
0x1e4: {  	v15 =	vadd.s32 s4, v18;
	[tilespmem:v17+s13+$0x0] =	vst.idx.msk vm6, v25;
	s15 =	sadd.s32 s15, s11;
	s4 =	spop (v2sf)  }
0x1e5: {  	[tilespmem:v17+s17+$0x0] =	vst.idx.msk vm6, v13;
	s4 =	sadd.s32 s15, s4  }
0x1e6: {  	v13 =	vadd.s32 s0, v19;
	[tilespmem:v14+s13+$0x0] =	vst.idx.msk vm1, v27;
	s4 =	sadd.s32 $0x1, s4  }
0x1e7: {  	[tilespmem:v14+s17+$0x0] =	vst.idx.msk vm1, v7  }
0x1e8: {  	v14 =	vadd.s32 s11, v20;
	[tilespmem:v12+s13+$0x0] =	vst.idx.msk vm2, v28  }
0x1e9: {  	[tilespmem:v12+s17+$0x0] =	vst.idx.msk vm2, v8  }
0x1ea: {  	v7 =	vadd.s32 s15, v21;
	[tilespmem:v15+s13+$0x0] =	vst.idx.msk vm3, v26  }
.Ltmp8:
0x1eb: {  	[tilespmem:v15+s17+$0x0] =	vst.idx.msk vm3, v9;
	(pc) =	sbr.rel @p1 .LBB2_8-.Ltmp8, $4  }
0x1ec: {  	[tilespmem:v13+s13+$0x0] =	vst.idx.msk vm4, v24  }
0x1ed: {  	[tilespmem:v13+s17+$0x0] =	vst.idx.msk vm4, v10  }
0x1ee: {  	[tilespmem:v14+s13+$0x0] =	vst.idx.msk vm5, v22  }
0x1ef: {  	[tilespmem:v14+s17+$0x0] =	vst.idx.msk vm5, v11  }
0x1f0: {  	_ =	sdelay $0x4  }
0x1f1: {  	[tilespmem:v7+s13+$0x0] =	vst.idx.msk vm0, v6  }
0x1f2: {  	s1 =	sshra.s32 s1, $0x2;
	[tilespmem:v7+s17+$0x0] =	vst.idx.msk vm0, v5  }
0x1f3: {  	v5 =	vld.idx.msk [tilespmem:v4+s1+$0xFFFFFFC0 ss:$0x1], $0xffff;
	_ =	sdelay $0x1  }
0x1f4: {  	v6 =	vld.idx.msk [tilespmem:v4+s1+$0xFFFFFFD0 ss:$0x1], $0xffff;
	_ =	sdelay $0x1  }
0x1f5: {  	v7 =	vld.idx.msk [tilespmem:v4+s1+$0xFFFFFFE0 ss:$0x1], $0xffff  }
0x1f6: {  	v8 =	vld.idx.msk [tilespmem:v4+s1+$0xFFFFFFF0 ss:$0x1], $0xffff;
	v5 =	vsub.s32 v5, v2  }
0x1f7: {  	v9 =	vld.idx.msk [tilespmem:v4+s1+$0x0 ss:$0x1], $0xffff;
	vm7 =	vlt.u32 v5, $0x2710  }
0x1f8: {  	v10 =	vld.idx.msk [tilespmem:v4+s1+$0x10 ss:$0x1], $0xffff;
	v6 =	vsub.s32 v6, v2;
	v11 =	vsel vm7, $0x1, v1  }
0x1f9: {  	v12 =	vld.idx.msk [tilespmem:v4+s1+$0x20 ss:$0x1], $0xffff;
	vm6 =	vlt.u32 v6, $0x2710;
	(xrf0) =	vadd.scan.msk.s32 $0xffff, v11  }
0x1fa: {  	v51 =	vld.idx.msk [tilespmem:v4+s1+$0x30 ss:$0x1], $0xffff;
	v7 =	vsub.s32 v7, v2;
	v52 =	vsel vm6, $0x1, v1  }
0x1fb: {  	v8 =	vsub.s32 v8, v2;
	vm4 =	vlt.u32 v7, $0x2710;
	(xrf0) =	vadd.scan.msk.s32 $0xffff, v52  }
0x1fc: {  	v9 =	vsub.s32 v9, v2;
	vm5 =	vlt.u32 v8, $0x2710;
	v53 =	vsel vm4, $0x1, v1  }
0x1fd: {  	v10 =	vsub.s32 v10, v2;
	vm3 =	vlt.u32 v9, $0x2710;
	v54 =	vsel vm5, $0x1, v1;
	(xrf0) =	vadd.scan.msk.s32 $0xffff, v53  }
0x1fe: {  	v12 =	vsub.s32 v12, v2;
	vm2 =	vlt.u32 v10, $0x2710;
	v13 =	vsel vm3, $0x1, v1;
	(xrf0) =	vadd.scan.msk.s32 $0xffff, v54  }
0x1ff: {  	v4 =	vsub.s32 v51, v2;
	vm15 =	vlt.u32 v12, $0x2710;
	v14 =	vsel vm2, $0x1, v1;
	v55, _, _ =	vpop (xrf0);
	(xrf0) =	vadd.scan.msk.s32 $0xffff, v13  }
0x200: {  	vm1 =	vlt.u32 v4, $0x2710;
	v56 =	vsel vm15, $0x1, v1;
	(xrf0) =	vadd.scan.msk.s32 $0xffff, v14  }
0x201: {  	v15 =	vsel vm1, $0x1, v1;
	v57, _, _ =	vpop (xrf0);
	(xrf0) =	vadd.scan.msk.s32 $0xffff, v56  }
0x202: {  	(v2sf) =	vpush v55, $0xF;
	(xrf0) =	vadd.scan.msk.s32 $0xffff, v15  }
0x203: {  	(v2sf) =	vpush v57, $0xF;
	v58, _, _ =	vpop (xrf0)  }
0x204: {  	(v2sf) =	vpush v58, $0xF;
	v59, _, _ =	vpop (xrf0)  }
0x205: {  	(v2sf) =	vpush v59, $0xF;
	v16, _, _ =	vpop (xrf0)  }
0x206: {  	v17, _, _ =	vpop (xrf0);
	(v2sf) =	vpush v16, $0xF  }
0x207: {  	v18, _, _ =	vpop (xrf0);
	(v2sf) =	vpush v17, $0xF  }
0x208: {  	v19, _, _ =	vpop (xrf0);
	(v2sf) =	vpush v18, $0xF  }
0x209: {  	(v2sf) =	vpush v19, $0xF;
	_ =	sdelay $0x5  }
0x20a: {  	v20 =	vld.idx.msk [tilespmem:v3+s1+$0x0 ss:$0x1], $0xffff  }
0x20b: {  	v21 =	vld.idx.msk [tilespmem:v3+s1+$0xFFFFFFF0 ss:$0x1], $0xffff  }
0x20c: {  	s0 =	sadd.s32 $0xFFFFFFFF, s4;
	v22 =	vld.idx.msk [tilespmem:v3+s1+$0xFFFFFF90 ss:$0x1], $0xffff;
	s2 =	spop (v2sf)  }
0x20d: {  	v23 =	vld.idx.msk [tilespmem:v3+s1+$0xFFFFFFE0 ss:$0x1], $0xffff;
	v11 =	vadd.s32 s0, v55;
	s0 =	sadd.s32 s0, s2;
	s15 =	spop (v2sf)  }
0x20e: {  	v24 =	vld.idx.msk [tilespmem:v3+s1+$0xFFFFFFA0 ss:$0x1], $0xffff;
	v14 =	vadd.s32 s0, v57;
	s0 =	sadd.s32 s15, s0;
	s29 =	spop (v2sf)  }
0x20f: {  	v25 =	vld.idx.msk [tilespmem:v3+s1+$0xFFFFFFD0 ss:$0x1], $0xffff;
	v13 =	vadd.s32 s0, v58;
	s0 =	sadd.s32 s29, s0;
	s31 =	spop (v2sf)  }
0x210: {  	v26 =	vld.idx.msk [tilespmem:v3+s1+$0xFFFFFFB0 ss:$0x1], $0xffff;
	v60 =	vadd.s32 s0, v59;
	s0 =	sadd.s32 s31, s0;
	s2 =	spop (v2sf)  }
0x211: {  	v3 =	vld.idx.msk [tilespmem:v3+s1+$0xFFFFFFC0 ss:$0x1], $0xffff;
	s1 =	sadd.s32 s2, s0;
	s4 =	spop (v2sf)  }
0x212: {  	[tilespmem:v11+s13+$0x0] =	vst.idx.msk vm7, v22;
	s7 =	sadd.s32 s4, s1;
	s10 =	spop (v2sf)  }
0x213: {  	[tilespmem:v11+s17+$0x0] =	vst.idx.msk vm7, v5;
	s2 =	sadd.s32 s10, s7;
	s11 =	spop (v2sf)  }
0x214: {  	[tilespmem:v14+s13+$0x0] =	vst.idx.msk vm6, v24;
	s15 =	sadd.s32 s2, s11  }
0x215: {  	v61 =	vadd.s32 s0, v16;
	[tilespmem:v14+s17+$0x0] =	vst.idx.msk vm6, v6;
	s11 =	sadd.s32 $0x1, s15  }
0x216: {  	[tilespmem:v13+s13+$0x0] =	vst.idx.msk vm4, v26;
	s29 =	sand.u32 $0xFF, s11  }
0x217: {  	v62 =	vadd.s32 s1, v17;
	[tilespmem:v13+s17+$0x0] =	vst.idx.msk vm4, v7;
	s1 =	sshra.s32 s11, $0x1F;
	p1 =	slt.s32 s11, $0x1;
	p2 =	sne.s32 s29, $0x0  }
0x218: {  	[tilespmem:v60+s13+$0x0] =	vst.idx.msk vm5, v3;
	s31 =	sshrl.u32 s1, $0x18;
	p1 =	por !p1, !p2  }
0x219: {  	v3 =	vadd.s32 s7, v18;
	[tilespmem:v60+s17+$0x0] =	vst.idx.msk vm5, v8;
	s1 =	simm.s32 $0x1;
	s0 =	sadd.s32 s31, s11;
	p1 =	por !p1, !p1  }
0x21a: {  	[tilespmem:v61+s13+$0x0] =	vst.idx.msk vm3, v25;
	s0 =	sshra.s32 s0, $0x8;
	s1 =	simm.s32 @!p1 $0x0  }
0x21b: {  	v63 =	vadd.s32 s2, v19;
	[tilespmem:v61+s17+$0x0] =	vst.idx.msk vm3, v9;
	s15 =	ssub.s32 s0, s1  }
0x21c: {  	[tilespmem:v62+s13+$0x0] =	vst.idx.msk vm2, v23;
	p1 =	slt.s32 s15, $0x1  }
.Ltmp9:
0x21d: {  	[tilespmem:v62+s17+$0x0] =	vst.idx.msk vm2, v10;
	(pc) =	sbr.rel @p1 .LBB2_21-.Ltmp9, $4  }
0x21e: {  	[tilespmem:v3+s13+$0x0] =	vst.idx.msk vm15, v21  }
0x21f: {  	[tilespmem:v3+s17+$0x0] =	vst.idx.msk vm15, v12  }
0x220: {  	[tilespmem:v63+s13+$0x0] =	vst.idx.msk vm1, v20  }
0x221: {  	[tilespmem:v63+s17+$0x0] =	vst.idx.msk vm1, v4  }
0x222: {  	s1 =	simm.s32 $0x1B80  }
0x223: {  	v3 =	vld [tilespmem:s1+$0xFFFFFF80];
	_ =	sdelay $0x4  }
0x224: {  	[tilespmem:$0x2200] =	vst v3  }
0x225: {  	v3 =	vld [tilespmem:s1+$0xFFFFFF90];
	_ =	sdelay $0x4  }
0x226: {  	[tilespmem:$0x2210] =	vst v3  }
0x227: {  	v3 =	vld [tilespmem:s1+$0xFFFFFFA0];
	_ =	sdelay $0x4  }
0x228: {  	[tilespmem:$0x2220] =	vst v3  }
0x229: {  	v3 =	vld [tilespmem:s1+$0xFFFFFFB0];
	_ =	sdelay $0x4  }
0x22a: {  	s2 =	simm.s32 $0x1400;
	[tilespmem:$0x2230] =	vst v3  }
0x22b: {  	[tilespmem:s26], [sflag:$0x2] =	stream.indirect.gather [hbm4b:s9+s18], $0x80, s2, s18, $0xb8;
	[tilespmem:$0x1F088] =	vst v63  }
0x22c: {  	v3 =	vld [tilespmem:s1+$0xFFFFFFC0];
	_ =	sdelay $0x4  }
0x22d: {  	[tilespmem:$0x2280] =	vst v3  }
0x22e: {  	v3 =	vld [tilespmem:s1+$0xFFFFFFD0];
	_ =	sdelay $0x4  }
0x22f: {  	[tilespmem:$0x2290] =	vst v3  }
0x230: {  	v3 =	vld [tilespmem:s1+$0xFFFFFFE0];
	_ =	sdelay $0x4  }
0x231: {  	[tilespmem:$0x22A0] =	vst v3  }
0x232: {  	v3 =	vld [tilespmem:s1+$0xFFFFFFF0];
	_ =	sdelay $0x4  }
0x233: {  	s0 =	simm.s32 $0x1440;
	[tilespmem:$0x22B0] =	vst v3  }
0x234: {  	[tilespmem:s12], [sflag:$0x2] =	stream.indirect.gather [hbm4b:s9+s18], $0x80, s0, s18, $0xb8;
	[tilespmem:$0x1F088] =	vst v63  }
0x235: {  	v3 =	vld [tilespmem:s1+$0x0];
	_ =	sdelay $0x4  }
0x236: {  	[tilespmem:$0x2300] =	vst v3  }
0x237: {  	v3 =	vld [tilespmem:s1+$0x10];
	_ =	sdelay $0x4  }
0x238: {  	[tilespmem:$0x2310] =	vst v3  }
0x239: {  	v3 =	vld [tilespmem:s1+$0x20];
	_ =	sdelay $0x4  }
0x23a: {  	[tilespmem:$0x2320] =	vst v3  }
0x23b: {  	v3 =	vld [tilespmem:s1+$0x30];
	_ =	sdelay $0x4  }
0x23c: {  	s29 =	simm.s32 $0x1480;
	[tilespmem:$0x2330] =	vst v3  }
0x23d: {  	[tilespmem:s14], [sflag:$0x2] =	stream.indirect.gather [hbm4b:s9+s18], $0x80, s29, s18, $0xb8;
	[tilespmem:$0x1F088] =	vst v63  }
0x23e: {  	v3 =	vld [tilespmem:s1+$0x40];
	_ =	sdelay $0x4  }
0x23f: {  	[tilespmem:$0x2380] =	vst v3  }
0x240: {  	v3 =	vld [tilespmem:s1+$0x50];
	_ =	sdelay $0x4  }
0x241: {  	[tilespmem:$0x2390] =	vst v3  }
0x242: {  	v3 =	vld [tilespmem:s1+$0x60];
	_ =	sdelay $0x4  }
0x243: {  	[tilespmem:$0x23A0] =	vst v3  }
0x244: {  	v3 =	vld [tilespmem:s1+$0x70];
	_ =	sdelay $0x4  }
0x245: {  	s31 =	simm.s32 $0x14C0;
	[tilespmem:$0x23B0] =	vst v3  }
0x246: {  	[tilespmem:s16], [sflag:$0x2] =	stream.indirect.gather [hbm4b:s9+s18], $0x80, s31, s18, $0xb8;
	[tilespmem:$0x1F088] =	vst v63  }
0x247: {  	_ =	swait.ge [sflag:s19], $0x2000  }
0x248: {  	[sflag:s19] =	ssyncset.done $0x0  }
0x249: {  	[sflag:s19] =	ssyncadd.s32 $0xFFFFE000  }
0x24a: {  	[spmem:s5] =	stream.indirect.scatter.add.f32 [tilespmem:s26], [sflag:$0x3], $0x80, s20, s18, $0xb8;
	[tilespmem:$0x1F088] =	vst v63  }
0x24b: {  	_ =	swait.ge [sflag:s19], $0x2000  }
0x24c: {  	[sflag:s19] =	ssyncset.done $0x0  }
0x24d: {  	[sflag:s19] =	ssyncadd.s32 $0xFFFFE000  }
0x24e: {  	[spmem:s5] =	stream.indirect.scatter.add.f32 [tilespmem:s12], [sflag:$0x3], $0x80, s22, s18, $0xb8;
	[tilespmem:$0x1F088] =	vst v63  }
0x24f: {  	_ =	swait.ge [sflag:s19], $0x2000  }
0x250: {  	[sflag:s19] =	ssyncset.done $0x0  }
0x251: {  	[sflag:s19] =	ssyncadd.s32 $0xFFFFE000  }
0x252: {  	[spmem:s5] =	stream.indirect.scatter.add.f32 [tilespmem:s14], [sflag:$0x3], $0x80, s24, s18, $0xb8;
	[tilespmem:$0x1F088] =	vst v63  }
0x253: {  	_ =	swait.ge [sflag:s19], $0x2000  }
0x254: {  	[sflag:s19] =	ssyncset.done $0x0  }
0x255: {  	[sflag:s19] =	ssyncadd.s32 $0xFFFFE000  }
0x256: {  	[spmem:s5] =	stream.indirect.scatter.add.f32 [tilespmem:s16], [sflag:$0x3], $0x80, s25, s18, $0xb8;
	[tilespmem:$0x1F088] =	vst v63  }
0x257: {  	_ =	swait.ge [sflag:s28], $0x2000  }
0x258: {  	[sflag:s28] =	ssyncset.done $0x0  }
0x259: {  	[sflag:s28] =	ssyncadd.s32 $0xFFFFE000  }
0x25a: {  	_ =	swait.ge [sflag:s28], $0x2000  }
0x25b: {  	[sflag:s28] =	ssyncset.done $0x0  }
0x25c: {  	p1 =	seq.s32 s15, $0x1;
	[sflag:s28] =	ssyncadd.s32 $0xFFFFE000  }
.Ltmp10:
0x25d: {  	_ =	swait.ge [sflag:s28], $0x2000;
	(pc) =	sbr.rel @p1 .LBB2_12-.Ltmp10, $4  }
0x25e: {  	[sflag:s28] =	ssyncset.done $0x0  }
0x25f: {  	[sflag:s28] =	ssyncadd.s32 $0xFFFFE000  }
0x260: {  	_ =	swait.ge [sflag:s28], $0x2000  }
0x261: {  	s4 =	sadd.s32 $0xFFFFFFFF, s15;
	[sflag:s28] =	ssyncset.done $0x0  }
.LBB2_11:
0x262: {  	[sflag:s28] =	ssyncadd.s32 $0xFFFFE000;
	s2 =	sadd.s32 $0x100, s2;
	s1 =	sadd.s32 $0x100, s1  }
0x263: {  	p1 =	seq.s32 s4, $0x1;
	s4 =	sadd.s32 $0xFFFFFFFF, s4;
	v3 =	vld [tilespmem:s1+$0xFFFFFF80];
	_ =	sdelay $0x4  }
0x264: {  	[tilespmem:$0x2200] =	vst v3  }
0x265: {  	v3 =	vld [tilespmem:s1+$0xFFFFFF90];
	_ =	sdelay $0x4  }
0x266: {  	[tilespmem:$0x2210] =	vst v3  }
0x267: {  	v3 =	vld [tilespmem:s1+$0xFFFFFFA0];
	_ =	sdelay $0x4  }
0x268: {  	[tilespmem:$0x2220] =	vst v3  }
0x269: {  	v3 =	vld [tilespmem:s1+$0xFFFFFFB0];
	_ =	sdelay $0x4  }
0x26a: {  	[tilespmem:$0x2230] =	vst v3  }
0x26b: {  	[tilespmem:s26], [sflag:$0x2] =	stream.indirect.gather [hbm4b:s9+s18], $0x80, s2, s18, $0xb8;
	[tilespmem:$0x1F088] =	vst v63  }
0x26c: {  	v3 =	vld [tilespmem:s1+$0xFFFFFFC0];
	_ =	sdelay $0x4  }
0x26d: {  	[tilespmem:$0x2280] =	vst v3  }
0x26e: {  	v3 =	vld [tilespmem:s1+$0xFFFFFFD0];
	_ =	sdelay $0x4  }
0x26f: {  	[tilespmem:$0x2290] =	vst v3  }
0x270: {  	v3 =	vld [tilespmem:s1+$0xFFFFFFE0];
	_ =	sdelay $0x4  }
0x271: {  	[tilespmem:$0x22A0] =	vst v3  }
0x272: {  	v3 =	vld [tilespmem:s1+$0xFFFFFFF0];
	_ =	sdelay $0x4  }
0x273: {  	s0 =	sadd.s32 $0x40, s2;
	[tilespmem:$0x22B0] =	vst v3  }
0x274: {  	[tilespmem:s12], [sflag:$0x2] =	stream.indirect.gather [hbm4b:s9+s18], $0x80, s0, s18, $0xb8;
	[tilespmem:$0x1F088] =	vst v63  }
0x275: {  	v3 =	vld [tilespmem:s1+$0x0];
	_ =	sdelay $0x4  }
0x276: {  	[tilespmem:$0x2300] =	vst v3  }
0x277: {  	v3 =	vld [tilespmem:s1+$0x10];
	_ =	sdelay $0x4  }
0x278: {  	[tilespmem:$0x2310] =	vst v3  }
0x279: {  	v3 =	vld [tilespmem:s1+$0x20];
	_ =	sdelay $0x4  }
0x27a: {  	[tilespmem:$0x2320] =	vst v3  }
0x27b: {  	v3 =	vld [tilespmem:s1+$0x30];
	_ =	sdelay $0x4  }
0x27c: {  	s0 =	sadd.s32 $0x80, s2;
	[tilespmem:$0x2330] =	vst v3  }
0x27d: {  	[tilespmem:s14], [sflag:$0x2] =	stream.indirect.gather [hbm4b:s9+s18], $0x80, s0, s18, $0xb8;
	[tilespmem:$0x1F088] =	vst v63  }
0x27e: {  	v3 =	vld [tilespmem:s1+$0x40];
	_ =	sdelay $0x4  }
0x27f: {  	[tilespmem:$0x2380] =	vst v3  }
0x280: {  	v3 =	vld [tilespmem:s1+$0x50];
	_ =	sdelay $0x4  }
0x281: {  	[tilespmem:$0x2390] =	vst v3  }
0x282: {  	v3 =	vld [tilespmem:s1+$0x60];
	_ =	sdelay $0x4  }
0x283: {  	[tilespmem:$0x23A0] =	vst v3  }
0x284: {  	v3 =	vld [tilespmem:s1+$0x70];
	_ =	sdelay $0x4  }
0x285: {  	s0 =	sadd.s32 $0xC0, s2;
	[tilespmem:$0x23B0] =	vst v3  }
0x286: {  	[tilespmem:s16], [sflag:$0x2] =	stream.indirect.gather [hbm4b:s9+s18], $0x80, s0, s18, $0xb8;
	[tilespmem:$0x1F088] =	vst v63  }
0x287: {  	_ =	swait.ge [sflag:s19], $0x2000  }
0x288: {  	[sflag:s19] =	ssyncset.done $0x0  }
0x289: {  	[sflag:s19] =	ssyncadd.s32 $0xFFFFE000  }
0x28a: {  	[spmem:s5] =	stream.indirect.scatter.add.f32 [tilespmem:s26], [sflag:$0x3], $0x80, s20, s18, $0xb8;
	[tilespmem:$0x1F088] =	vst v63  }
0x28b: {  	_ =	swait.ge [sflag:s19], $0x2000  }
0x28c: {  	[sflag:s19] =	ssyncset.done $0x0  }
0x28d: {  	[sflag:s19] =	ssyncadd.s32 $0xFFFFE000  }
0x28e: {  	[spmem:s5] =	stream.indirect.scatter.add.f32 [tilespmem:s12], [sflag:$0x3], $0x80, s22, s18, $0xb8;
	[tilespmem:$0x1F088] =	vst v63  }
0x28f: {  	_ =	swait.ge [sflag:s19], $0x2000  }
0x290: {  	[sflag:s19] =	ssyncset.done $0x0  }
0x291: {  	[sflag:s19] =	ssyncadd.s32 $0xFFFFE000  }
0x292: {  	[spmem:s5] =	stream.indirect.scatter.add.f32 [tilespmem:s14], [sflag:$0x3], $0x80, s24, s18, $0xb8;
	[tilespmem:$0x1F088] =	vst v63  }
0x293: {  	_ =	swait.ge [sflag:s19], $0x2000  }
0x294: {  	[sflag:s19] =	ssyncset.done $0x0  }
0x295: {  	[sflag:s19] =	ssyncadd.s32 $0xFFFFE000  }
0x296: {  	[spmem:s5] =	stream.indirect.scatter.add.f32 [tilespmem:s16], [sflag:$0x3], $0x80, s25, s18, $0xb8;
	[tilespmem:$0x1F088] =	vst v63  }
0x297: {  	_ =	swait.ge [sflag:s28], $0x2000  }
0x298: {  	[sflag:s28] =	ssyncset.done $0x0  }
0x299: {  	[sflag:s28] =	ssyncadd.s32 $0xFFFFE000  }
0x29a: {  	_ =	swait.ge [sflag:s28], $0x2000  }
0x29b: {  	[sflag:s28] =	ssyncset.done $0x0  }
0x29c: {  	[sflag:s28] =	ssyncadd.s32 $0xFFFFE000  }
.Ltmp11:
0x29d: {  	_ =	swait.ge [sflag:s28], $0x2000;
	(pc) =	sbr.rel @!p1 .LBB2_11-.Ltmp11, $4  }
0x29e: {  	[sflag:s28] =	ssyncset.done $0x0  }
0x29f: {  	[sflag:s28] =	ssyncadd.s32 $0xFFFFE000  }
0x2a0: {  	_ =	swait.ge [sflag:s28], $0x2000  }
0x2a1: {  	[sflag:s28] =	ssyncset.done $0x0  }
.LBB2_12:
0x2a2: {  	[sflag:s28] =	ssyncadd.s32 $0xFFFFE000;
	s1 =	sshll.u32 s15, $0x8  }
0x2a3: {  	v3 =	vld [tilespmem:s1+$0x1B00]  }
0x2a4: {  	v4 =	vld [tilespmem:s1+$0x1400];
	_ =	sdelay $0x3  }
0x2a5: {  	[tilespmem:$0x1B00] =	vst v3  }
0x2a6: {  	[tilespmem:$0x1400] =	vst v4;
	v3 =	vld [tilespmem:s1+$0x1410]  }
0x2a7: {  	v4 =	vld [tilespmem:s1+$0x1B10];
	_ =	sdelay $0x3  }
0x2a8: {  	[tilespmem:$0x1410] =	vst v3  }
0x2a9: {  	[tilespmem:$0x1B10] =	vst v4;
	v3 =	vld [tilespmem:s1+$0x1B20]  }
0x2aa: {  	v4 =	vld [tilespmem:s1+$0x1420];
	_ =	sdelay $0x3  }
0x2ab: {  	[tilespmem:$0x1B20] =	vst v3  }
0x2ac: {  	[tilespmem:$0x1420] =	vst v4;
	v3 =	vld [tilespmem:s1+$0x1430]  }
0x2ad: {  	v4 =	vld [tilespmem:s1+$0x1B30];
	_ =	sdelay $0x3  }
0x2ae: {  	[tilespmem:$0x1430] =	vst v3  }
0x2af: {  	[tilespmem:$0x1B30] =	vst v4;
	v3 =	vld [tilespmem:s1+$0x1B40]  }
0x2b0: {  	v4 =	vld [tilespmem:s1+$0x1440];
	_ =	sdelay $0x3  }
0x2b1: {  	[tilespmem:$0x1B40] =	vst v3  }
0x2b2: {  	[tilespmem:$0x1440] =	vst v4;
	v3 =	vld [tilespmem:s1+$0x1450]  }
0x2b3: {  	v4 =	vld [tilespmem:s1+$0x1B50];
	_ =	sdelay $0x3  }
0x2b4: {  	[tilespmem:$0x1450] =	vst v3  }
0x2b5: {  	[tilespmem:$0x1B50] =	vst v4;
	v3 =	vld [tilespmem:s1+$0x1B60]  }
0x2b6: {  	v4 =	vld [tilespmem:s1+$0x1460];
	_ =	sdelay $0x3  }
0x2b7: {  	[tilespmem:$0x1B60] =	vst v3  }
0x2b8: {  	[tilespmem:$0x1460] =	vst v4;
	v3 =	vld [tilespmem:s1+$0x1470]  }
0x2b9: {  	v4 =	vld [tilespmem:s1+$0x1B70];
	_ =	sdelay $0x3  }
0x2ba: {  	[tilespmem:$0x1470] =	vst v3  }
0x2bb: {  	[tilespmem:$0x1B70] =	vst v4;
	v3 =	vld [tilespmem:s1+$0x1B80]  }
0x2bc: {  	v4 =	vld [tilespmem:s1+$0x1480];
	_ =	sdelay $0x3  }
0x2bd: {  	[tilespmem:$0x1B80] =	vst v3  }
0x2be: {  	[tilespmem:$0x1480] =	vst v4;
	v3 =	vld [tilespmem:s1+$0x1490]  }
0x2bf: {  	v4 =	vld [tilespmem:s1+$0x1B90];
	_ =	sdelay $0x3  }
0x2c0: {  	[tilespmem:$0x1490] =	vst v3  }
0x2c1: {  	[tilespmem:$0x1B90] =	vst v4;
	v3 =	vld [tilespmem:s1+$0x1BA0]  }
0x2c2: {  	v4 =	vld [tilespmem:s1+$0x14A0];
	_ =	sdelay $0x3  }
0x2c3: {  	[tilespmem:$0x1BA0] =	vst v3  }
0x2c4: {  	[tilespmem:$0x14A0] =	vst v4;
	v3 =	vld [tilespmem:s1+$0x14B0]  }
0x2c5: {  	v4 =	vld [tilespmem:s1+$0x1BB0];
	_ =	sdelay $0x3  }
0x2c6: {  	[tilespmem:$0x14B0] =	vst v3  }
0x2c7: {  	[tilespmem:$0x1BB0] =	vst v4;
	v3 =	vld [tilespmem:s1+$0x1BC0]  }
0x2c8: {  	v4 =	vld [tilespmem:s1+$0x14C0];
	_ =	sdelay $0x3  }
0x2c9: {  	[tilespmem:$0x1BC0] =	vst v3  }
0x2ca: {  	[tilespmem:$0x14C0] =	vst v4;
	v3 =	vld [tilespmem:s1+$0x14D0]  }
0x2cb: {  	v4 =	vld [tilespmem:s1+$0x1BD0];
	_ =	sdelay $0x3  }
0x2cc: {  	[tilespmem:$0x14D0] =	vst v3  }
0x2cd: {  	[tilespmem:$0x1BD0] =	vst v4;
	v3 =	vld [tilespmem:s1+$0x1BE0]  }
0x2ce: {  	v4 =	vld [tilespmem:s1+$0x14E0];
	_ =	sdelay $0x3  }
0x2cf: {  	[tilespmem:$0x1BE0] =	vst v3  }
0x2d0: {  	[tilespmem:$0x14E0] =	vst v4;
	v3 =	vld [tilespmem:s1+$0x14F0]  }
0x2d1: {  	v4 =	vld [tilespmem:s1+$0x1BF0]  }
.Ltmp12:
0x2d2: {  	_ = 	snop;
	(pc) =	sbr.rel .LBB2_13-.Ltmp12, $3  }
0x2d3: {  	_ =	sdelay $0x1  }
0x2d4: {  	[tilespmem:$0x14F0] =	vst v3  }
0x2d5: {  	[tilespmem:$0x1BF0] =	vst v4  }
.LBB2_14:
0x2d6: {  	p1 =	slt.s32 s1, $0x1  }
0x2d7: {  	s0 =	sadd.s32 @!p1 $0x3F, s1  }
0x2d8: {  	s2 =	sand.u32 @!p1 $0x3F, s0  }
0x2d9: {  	p2 =	slt.s32 @!p1 s0, $0x0;
	p3 =	sne.s32 @!p1 s2, $0x0  }
0x2da: {  	s2 =	sshra.s32 @!p1 s0, $0x1F;
	p2 =	por @!p1 !p2, !p3  }
0x2db: {  	s2 =	sshrl.u32 @!p1 s2, $0x1A;
	p2 =	por @!p1 !p2, !p2  }
0x2dc: {  	s0 =	sadd.s32 @!p1 s2, s0;
	s2 =	simm.s32 @!p1 $0x1;
	p2 =	por !p2, p1  }
0x2dd: {  	v2 =	vimm.s32 @!p1 $0x0;
	s0 =	sshra.s32 @!p1 s0, $0x6;
	s2 =	simm.s32 @p2 $0x0  }
0x2de: {  	v3 =	vimm.s32 @!p1 $0x2710;
	[tilespmem:s1+$0x1400] =	vst @!p1 v2;
	s4 =	ssub.s32 @!p1 s0, s2  }
0x2df: {  	[tilespmem:s1+$0x1B00] =	vst @!p1 v3;
	p2 =	slt.s32 @!p1 s4, $0x1  }
0x2e0: {  	[tilespmem:s1+$0x1410] =	vst @!p1 v2;
	p2 =	por p1, p2  }
.Ltmp13:
0x2e1: {  	[tilespmem:s1+$0x1B10] =	vst @!p1 v3;
	(pc) =	sbr.rel @p2 .LBB2_18-.Ltmp13, $4  }
0x2e2: {  	[tilespmem:s1+$0x1420] =	vst @!p1 v2  }
0x2e3: {  	s10 =	rddreg [dreg:$0xa];
	[tilespmem:s1+$0x1B20] =	vst @!p1 v3  }
0x2e4: {  	s8 =	rddreg [dreg:$0xc];
	[tilespmem:s1+$0x1430] =	vst @!p1 v2  }
0x2e5: {  	s11 =	rddreg [dreg:$0xe];
	[tilespmem:s1+$0x1B30] =	vst @!p1 v3  }
0x2e6: {  	s1 =	simm.s32 @!p1 $0x1B20  }
0x2e7: {  	v2 =	vld [tilespmem:s1+$0xFFFFFFE0];
	_ =	sdelay $0x4  }
0x2e8: {  	[tilespmem:$0x2200] =	vst v2  }
0x2e9: {  	v2 =	vld [tilespmem:s1+$0xFFFFFFF0];
	_ =	sdelay $0x4  }
0x2ea: {  	[tilespmem:$0x2210] =	vst v2  }
0x2eb: {  	v2 =	vld [tilespmem:s1+$0x0];
	_ =	sdelay $0x4  }
0x2ec: {  	[tilespmem:$0x2220] =	vst v2  }
0x2ed: {  	v2 =	vld [tilespmem:s1+$0x10];
	_ =	sdelay $0x4  }
0x2ee: {  	s2 =	simm.s32 @!p1 $0x1400;
	[tilespmem:$0x2230] =	vst v2  }
0x2ef: {  	[tilespmem:s26], [sflag:$0x2] =	stream.indirect.gather [hbm4b:s9+s18], $0x80, s2, s18, $0xb8;
	[tilespmem:$0x1F088] =	vst v63  }
0x2f0: {  	p1 =	sne.s32 s4, $0x1;
	_ =	swait.ge [sflag:s19], $0x2000  }
.Ltmp14:
0x2f1: {  	[sflag:s19] =	ssyncset.done $0x0;
	(pc) =	sbr.rel @!p1 .LBB2_17-.Ltmp14, $4  }
0x2f2: {  	[sflag:s19] =	ssyncadd.s32 $0xFFFFE000  }
0x2f3: {  	[spmem:s5] =	stream.indirect.scatter.add.f32 [tilespmem:s26], [sflag:$0x4], $0x80, s20, s18, $0xb8;
	[tilespmem:$0x1F088] =	vst v63  }
0x2f4: {  	_ =	swait.ge [sflag:s30], $0x2000  }
0x2f5: {  	s4 =	sadd.s32 $0xFFFFFFFF, s4;
	[sflag:s30] =	ssyncset.done $0x0  }
.LBB2_16:
0x2f6: {  	[sflag:s30] =	ssyncadd.s32 $0xFFFFE000;
	s1 =	sadd.s32 $0x40, s1;
	s2 =	sadd.s32 $0x40, s2  }
0x2f7: {  	p1 =	sne.s32 s4, $0x1;
	s4 =	sadd.s32 $0xFFFFFFFF, s4;
	v2 =	vld [tilespmem:s1+$0xFFFFFFE0];
	_ =	sdelay $0x4  }
0x2f8: {  	[tilespmem:$0x2200] =	vst v2  }
0x2f9: {  	v2 =	vld [tilespmem:s1+$0xFFFFFFF0];
	_ =	sdelay $0x4  }
0x2fa: {  	[tilespmem:$0x2210] =	vst v2  }
0x2fb: {  	v2 =	vld [tilespmem:s1+$0x0];
	_ =	sdelay $0x4  }
0x2fc: {  	[tilespmem:$0x2220] =	vst v2  }
0x2fd: {  	v2 =	vld [tilespmem:s1+$0x10];
	_ =	sdelay $0x4  }
0x2fe: {  	[tilespmem:$0x2230] =	vst v2  }
0x2ff: {  	[tilespmem:s26], [sflag:$0x2] =	stream.indirect.gather [hbm4b:s9+s18], $0x80, s2, s18, $0xb8;
	[tilespmem:$0x1F088] =	vst v63  }
0x300: {  	_ =	swait.ge [sflag:s19], $0x2000  }
.Ltmp15:
0x301: {  	[sflag:s19] =	ssyncset.done $0x0;
	(pc) =	sbr.rel @p1 .LBB2_16-.Ltmp15, $4  }
0x302: {  	[sflag:s19] =	ssyncadd.s32 $0xFFFFE000  }
0x303: {  	[spmem:s5] =	stream.indirect.scatter.add.f32 [tilespmem:s26], [sflag:$0x4], $0x80, s20, s18, $0xb8;
	[tilespmem:$0x1F088] =	vst v63  }
0x304: {  	_ =	swait.ge [sflag:s30], $0x2000  }
0x305: {  	[sflag:s30] =	ssyncset.done $0x0  }
.Ltmp16:
0x306: {  	_ = 	snop;
	(pc) =	sbr.rel .LBB2_17-.Ltmp16, $1  }
0x307: {  	_ =	sdelay $0x3  }
.LBB2_20:
0x308: {  	_ =	sfence.sel $0x180000  }
0x309: {  	[bflag:$0x0] =	sbarrier.arrive $0xFFFF  }
0x30a: {  	_ =	strace $0x90000047  }
0x30b: {  	s0 =	stileid.u32;
	[bflag:$0x2] =	sbarrier.arrive $0xFFFF  }
0x30c: {  	p0 =	sne.s32 s0, $0x0;
	s0 =	rddreg [dreg:$0x5]  }
0x30d: {  	s0 =	sadd.s32 @!p0 $0x100000, s0  }
0x30e: {  	[sflag:s0] =	ssyncadd.tile.s32 @!p0 $0x1;
	_ =	shalt  }
.Lfunc_end2:
_tile_overlayer_lowered:
.L_overlay_start_2:
0x30f: {  	(tag) =	ssettag $0x2  }
0x310: {  	s0 =	rddreg [dreg:$0x0];
	s2 =	stileid.u32  }
0x311: {  	s1 =	rddreg [dreg:$0x1];
	p0 =	sne.s32 s2, $0x0  }
0x312: {  	s3 =	rddreg [dreg:$0x2];
	[bflag:$0x3] =	sbarrier.arrive $0xFFFF;
	s2 =	simm.s32 @!p0 $0x1C04  }
0x313: {  	[timem:s3], [sflag:s2] =	dma.local @!p0 [hbm:s0], s1  }
0x314: {  	s0 =	simm.s32 @!p0 $0x4  }
0x315: {  	_ =	swait.ge @!p0 [sflag:s0], s1  }
0x316: {  	s1 =	ssub.s32 @!p0 $0x0, s1;
	[sflag:s0] =	ssyncset.done @!p0 $0x0  }
0x317: {  	[sflag:s0] =	ssyncadd.s32 @!p0 s1  }
0x318: {  	[bflag:$0x3] =	sbarrier.arrive $0xFFFF  }
0x319: {  	_ =	shalt  }

</sc_bundles>
